<compile_context>
chip_gen: v7x
topology: tpu7x:2x2x1
jax: 0.10.2.dev20260603
libtpu: 0.0.44.dev20260713+nightly
codegen_flags: <defaults>
</compile_context>

<pallas_src>
import functools

import jax
import jax.numpy as jnp
from jax import lax
from jax.experimental import pallas as pl
from jax.experimental.pallas import tpu as pltpu
from jax.experimental.pallas import tpu_sc as plsc

NC = 2
NS = 16
L = 16
NW = NC * NS

C = 128
NSEG = 4
NBUF = 4
NACC = 2


def _deg_kernel_fn(hist_bins, sb):
  spc = NSEG // 2

  @functools.partial(
      pl.kernel,
      out_type=jax.ShapeDtypeStruct((NW, hist_bins), jnp.int32),
      mesh=plsc.VectorSubcoreMesh(
          core_axis_name="c", subcore_axis_name="s", num_cores=NC,
          num_subcores=NS),
      scratch_types=[
          pltpu.VMEM((sb, C), jnp.int32),
          pltpu.VMEM((hist_bins,), jnp.int32),
      ],
      compiler_params=pltpu.CompilerParams(needs_layout_passes=False),
  )
  def deg_kernel(colp_hbm, out_hbm, col_v, hist_v):
    cid = lax.axis_index("c")
    sid = lax.axis_index("s")
    wid = sid * NC + cid

    zero16 = jnp.zeros((L,), jnp.int32)
    ones16 = jnp.ones((L,), jnp.int32)

    def zh(i, _):
      hist_v[pl.ds(i * L, L)] = zero16
      return ()

    lax.fori_loop(0, hist_bins // L, zh, (), unroll=8)

    for k in range(spc):
      pltpu.sync_copy(colp_hbm.at[sid, cid * spc + k], col_v)

      def body(jk, _):
        j = jk // (C // L)
        kk = jk % (C // L)
        cv = col_v[j, pl.ds(kk * L, L)]
        plsc.addupdate_scatter(hist_v, [cv], ones16)
        return ()

      lax.fori_loop(0, sb * (C // L), body, (), unroll=8)

    pltpu.sync_copy(hist_v, out_hbm.at[wid])

  return deg_kernel


def _scatter_kernel_fn(n, dh, nr, cpt):
  assert cpt % NSEG == 0
  sb = cpt // NSEG
  assert sb % NBUF == 0
  rows_per_tile = nr // NS
  zr = 128

  @functools.partial(
      pl.kernel,
      out_type=jax.ShapeDtypeStruct((NC, nr, dh), jnp.bfloat16),
      mesh=plsc.VectorSubcoreMesh(
          core_axis_name="c", subcore_axis_name="s", num_cores=NC,
          num_subcores=NS),
      scratch_types=[
          pltpu.VMEM((sb, C), jnp.int32),
          pltpu.VMEM((sb, C), jnp.int32),
          pltpu.VMEM((NBUF, C, dh), jnp.bfloat16),
          [pltpu.VMEM_SHARED((nr, dh), jnp.bfloat16)] * NACC,
          pltpu.VMEM_SHARED((nr, dh), jnp.bfloat16),
          [pltpu.SemaphoreType.DMA] * NBUF,
      ],
      compiler_params=pltpu.CompilerParams(
          needs_layout_passes=False, use_tc_tiling_on_sc=False),
  )
  def scatter_kernel(xs_hbm, row_hbm, col_hbm, out_hbm, row_v, col_v, buf_v,
                     aggs_sh, xs_sh, gsems):
    aggs_sh = tuple(aggs_sh)
    cid = lax.axis_index("c")
    sid = lax.axis_index("s")

    zero32 = jnp.zeros((2 * L,), jnp.bfloat16)

    base = sid * rows_per_tile
    pltpu.sync_copy(xs_hbm.at[cid, pl.ds(base, rows_per_tile)],
                    xs_sh.at[pl.ds(base, rows_per_tile)])

    def zrow(i, _):
      def zcol(k, _):
        buf_v[0, i, pl.ds(k * 2 * L, 2 * L)] = zero32
        return ()

      lax.fori_loop(0, dh // (2 * L), zcol, (), unroll=4)
      return ()

    lax.fori_loop(0, zr, zrow, ())

    full, rem = divmod(rows_per_tile, zr)
    for acc in aggs_sh:
      for r in range(full):
        pltpu.sync_copy(buf_v.at[0], acc.at[pl.ds(base + r * zr, zr)])
      if rem:
        pltpu.sync_copy(buf_v.at[0, pl.ds(0, rem)],
                        acc.at[pl.ds(base + full * zr, rem)])

    plsc.subcore_barrier()

    def fire(j, b):
      pltpu.async_copy(xs_sh.at[row_v.at[j]], buf_v.at[b], gsems[b])

    def wait(j, b):
      pltpu.make_async_copy(xs_sh.at[row_v.at[j]], buf_v.at[b],
                            gsems[b]).wait()

    def scat(j, b):
      pltpu.sync_copy(buf_v.at[b], aggs_sh[b % NACC].at[col_v.at[j]],
                      add=True)

    for seg in range(NSEG):
      pltpu.sync_copy(row_hbm.at[sid, seg], row_v)
      pltpu.sync_copy(col_hbm.at[sid, seg], col_v)

      for p in range(NBUF - 1):
        fire(p, p)

      def body(jj, _):
        for u in range(NBUF):
          j = jj * NBUF + u
          wait(j, u)
          scat(j, u)
          jn = j + NBUF - 1

          @pl.when(jn < sb)
          def _():
            fire(jn, (u + NBUF - 1) % NBUF)

        return ()

      lax.fori_loop(0, sb // NBUF, body, ())

    plsc.subcore_barrier()

    def merge_chunk(off, rows):
      for s, src_sh in enumerate(aggs_sh + (xs_sh,)):
        pltpu.sync_copy(src_sh.at[pl.ds(base + off, rows)],
                        buf_v.at[s, pl.ds(0, rows)])

      def addrow(i, _):
        def addcol(k, _):
          s = (buf_v[0, i, pl.ds(k * 2 * L, 2 * L)]
               + buf_v[1, i, pl.ds(k * 2 * L, 2 * L)]
               + buf_v[2, i, pl.ds(k * 2 * L, 2 * L)])
          buf_v[0, i, pl.ds(k * 2 * L, 2 * L)] = s
          return ()

        lax.fori_loop(0, dh // (2 * L), addcol, (), unroll=2)
        return ()

      lax.fori_loop(0, rows, addrow, ())
      pltpu.sync_copy(buf_v.at[0, pl.ds(0, rows)],
                      out_hbm.at[cid, pl.ds(base + off, rows)])

    for r in range(full):
      merge_chunk(r * zr, zr)
    if rem:
      merge_chunk(full * zr, rem)

  return scatter_kernel


def _scale_body(deg_ref, x_ref, xs_ref):
  n = x_ref.shape[0]
  d = jnp.sum(deg_ref[...], axis=1, keepdims=True).astype(jnp.float32) + 1.0
  dinv = lax.rsqrt(d)
  dh = x_ref.shape[1] // 2
  xs_ref[0, :n] = (x_ref[:, :dh] * dinv).astype(xs_ref.dtype)
  xs_ref[1, :n] = (x_ref[:, dh:] * dinv).astype(xs_ref.dtype)


def _final_body(t_ref, deg_ref, w1_ref, b1_ref, w2_ref, b2_ref, out_ref):
  n = out_ref.shape[0]
  d = jnp.sum(deg_ref[...], axis=1, keepdims=True).astype(jnp.float32) + 1.0
  dinv = lax.rsqrt(d)
  t = jnp.concatenate(
      [t_ref[0][:n].astype(jnp.float32), t_ref[1][:n].astype(jnp.float32)],
      axis=1) * dinv
  u = jnp.dot(t, w1_ref[...], preferred_element_type=jnp.float32) + b1_ref[...]
  out_ref[...] = (
      jnp.dot(u, w2_ref[...], preferred_element_type=jnp.float32) + b2_ref[...])


@jax.jit
def kernel(x, edge_index, W1, b1, W2, b2):
  n, d = x.shape
  e = edge_index.shape[1]
  h = W1.shape[1]
  o = W2.shape[1]
  dh = d // 2

  ept = -(-e // NS)
  cpt = -(-ept // C)
  cpt = -(-cpt // (NSEG * NBUF)) * (NSEG * NBUF)
  ep = NS * cpt * C
  pad = ep - e
  assert ep % (NW * C) == 0

  nr = -(-(n + 1) // (NS * 8)) * (NS * 8)
  hist_bins = -(-(n + 1) // (L * NS)) * (L * NS)

  row = edge_index[0]
  col = edge_index[1]
  if pad:
    row = jnp.concatenate([row, jnp.zeros((pad,), row.dtype)])
    col = jnp.concatenate([col, jnp.full((pad,), n, col.dtype)])
  sb = cpt // NSEG
  rowp = row.reshape(NS, NSEG, sb, C)
  colp = col.reshape(NS, NSEG, sb, C)

  degp = _deg_kernel_fn(hist_bins, sb)(colp)
  deg3 = jnp.transpose(degp)[:n, :]

  xs = pl.pallas_call(
      _scale_body,
      out_shape=jax.ShapeDtypeStruct((NC, nr, dh), jnp.bfloat16),
  )(deg3, x)

  tp = _scatter_kernel_fn(n, dh, nr, cpt)(xs, rowp, colp)

  out = pl.pallas_call(
      _final_body,
      out_shape=jax.ShapeDtypeStruct((n, o), jnp.float32),
  )(tp, deg3, W1, b1.reshape(1, h), W2, b2.reshape(1, o))
  return out

# --- scband reference (transcript-rebuilt; emitter-appended) ---
"""Pipeline reference for scband-conv-gnn-85392539779308 (READ-ONLY COPY).

The authoritative reference and input builder live on the scoring server;
editing this copy changes nothing except your own understanding.
"""

import jax, jax.numpy as jnp
import numpy as np

N = 10000
D = 128
H = 128
O = 128
E = 320000

def setup_inputs(seed: int = 0) -> dict:
    key = jax.random.key(seed)
    k1, k2, k3, k4, k5, k6 = jax.random.split(key, 6)
    x = jax.random.normal(k1, (N, D), dtype=jnp.float32)
    edge_index = jax.random.randint(k2, (2, E), 0, N, dtype=jnp.int32)
    # GCNConv parameters (in=D, out=H)
    W1 = jax.random.normal(k3, (D, H), dtype=jnp.float32) / np.sqrt(D)
    b1 = jnp.zeros((H,), dtype=jnp.float32)
    # Linear parameters (in=H, out=O)
    W2 = jax.random.normal(k4, (H, O), dtype=jnp.float32) / np.sqrt(H)
    b2 = jnp.zeros((O,), dtype=jnp.float32)
    return {"x": x, "edge_index": edge_index, "W1": W1, "b1": b1, "W2": W2, "b2": b2}


def reference(x, edge_index, W1, b1, W2, b2):
    # GCNConv with self-loops and symmetric normalization, then Linear.
    n = x.shape[0]
    loop = jnp.arange(n, dtype=edge_index.dtype)
    ei = jnp.concatenate([edge_index, jnp.stack([loop, loop], axis=0)], axis=1)
    row, col = ei[0], ei[1]  # row = source, col = target
    deg = jnp.zeros((n,), dtype=x.dtype).at[col].add(1.0)
    deg_inv_sqrt = jnp.where(deg > 0, 1.0 / jnp.sqrt(deg), 0.0)
    norm = deg_inv_sqrt[row] * deg_inv_sqrt[col]
    h = x @ W1
    msg = h[row] * norm[:, None]
    agg = jnp.zeros((n, h.shape[1]), dtype=x.dtype).at[col].add(msg)
    agg = agg + b1
    out = agg @ W2 + b2
    return out

if __name__ == "__main__":
    import jax
    _d = setup_inputs()
    print(jax.jit(kernel)(*tuple(_d.values())))

</pallas_src>

<mosaic_0001>
#map = affine_map<(d0, d1) -> (0, 0, 0, 0)>
#map1 = affine_map<(d0, d1) -> (0, 0)>
module attributes {stable_mosaic.version = 14 : i64} {
  func.func @deg_kernel(%arg0: i32, %arg1: i32, %arg2: memref<16x4x40x128xi32, #tpu.memory_space<hbm>>, %arg3: memref<32x10240xi32, #tpu.memory_space<hbm>>, %arg4: memref<40x128xi32, #tpu.memory_space<vmem>>, %arg5: memref<10240xi32, #tpu.memory_space<vmem>>) attributes {dimension_semantics = [#tpu.dimension_semantics<core_parallel>, #tpu.dimension_semantics<subcore_parallel>], iteration_bounds = array<i64: 2, 16>, scalar_prefetch = 0 : i64, scratch_operands = 2 : i64, tpu.core_type = #tpu.core_type<sc_vector_subcore>, window_params = [{transform_indices = #map}, {transform_indices = #map1}]} {
    %mul3A = arith.constant 2 : i32
    %mul3A_0 = arith.muli %arg1, %mul3A : i32
    %add3A = arith.addi %mul3A_0, %arg0 : i32
    %broadcast_in_dim3A = arith.constant 0 : i32
    %broadcast_in_dim3A_1 = vector.broadcast %broadcast_in_dim3A : i32 to vector<16xi32>
    %broadcast_in_dim3A_2 = arith.constant 1 : i32
    %broadcast_in_dim3A_3 = vector.broadcast %broadcast_in_dim3A_2 : i32 to vector<16xi32>
    %scan3A = arith.constant 0 : i32
    %scan3A_4 = arith.constant 640 : i32
    %scan3A_5 = arith.addi %scan3A, %scan3A_4 : i32
    %scan3A_6 = arith.constant 8 : i32
    scf.for %scan3A_26 = %scan3A to %scan3A_5 step %scan3A_6  : i32 {
      %mul3A_27 = arith.constant 16 : i32
      %mul3A_28 = arith.muli %scan3A_26, %mul3A_27 : i32
      %swap3A = arith.index_cast %mul3A_28 : i32 to index
      %swap3A_29 = tpu.vector_load %arg5[%swap3A] {strides = array<i32>} : memref<10240xi32, #tpu.memory_space<vmem>>, vector<16xi32>,
      tpu.vector_store %arg5[%swap3A], %broadcast_in_dim3A_1 {strides = array<i32>} : memref<10240xi32, #tpu.memory_space<vmem>>, vector<16xi32>,
      %scan3A_30 = arith.constant 1 : i32
      %scan3A_31 = arith.addi %scan3A_26, %scan3A_30 : i32
      %mul3A_32 = arith.constant 16 : i32
      %mul3A_33 = arith.muli %scan3A_31, %mul3A_32 : i32
      %swap3A_34 = arith.index_cast %mul3A_33 : i32 to index
      %swap3A_35 = tpu.vector_load %arg5[%swap3A_34] {strides = array<i32>} : memref<10240xi32, #tpu.memory_space<vmem>>, vector<16xi32>,
      tpu.vector_store %arg5[%swap3A_34], %broadcast_in_dim3A_1 {strides = array<i32>} : memref<10240xi32, #tpu.memory_space<vmem>>, vector<16xi32>,
      %scan3A_36 = arith.constant 2 : i32
      %scan3A_37 = arith.addi %scan3A_26, %scan3A_36 : i32
      %mul3A_38 = arith.constant 16 : i32
      %mul3A_39 = arith.muli %scan3A_37, %mul3A_38 : i32
      %swap3A_40 = arith.index_cast %mul3A_39 : i32 to index
      %swap3A_41 = tpu.vector_load %arg5[%swap3A_40] {strides = array<i32>} : memref<10240xi32, #tpu.memory_space<vmem>>, vector<16xi32>,
      tpu.vector_store %arg5[%swap3A_40], %broadcast_in_dim3A_1 {strides = array<i32>} : memref<10240xi32, #tpu.memory_space<vmem>>, vector<16xi32>,
      %scan3A_42 = arith.constant 3 : i32
      %scan3A_43 = arith.addi %scan3A_26, %scan3A_42 : i32
      %mul3A_44 = arith.constant 16 : i32
      %mul3A_45 = arith.muli %scan3A_43, %mul3A_44 : i32
      %swap3A_46 = arith.index_cast %mul3A_45 : i32 to index
      %swap3A_47 = tpu.vector_load %arg5[%swap3A_46] {strides = array<i32>} : memref<10240xi32, #tpu.memory_space<vmem>>, vector<16xi32>,
      tpu.vector_store %arg5[%swap3A_46], %broadcast_in_dim3A_1 {strides = array<i32>} : memref<10240xi32, #tpu.memory_space<vmem>>, vector<16xi32>,
      %scan3A_48 = arith.constant 4 : i32
      %scan3A_49 = arith.addi %scan3A_26, %scan3A_48 : i32
      %mul3A_50 = arith.constant 16 : i32
      %mul3A_51 = arith.muli %scan3A_49, %mul3A_50 : i32
      %swap3A_52 = arith.index_cast %mul3A_51 : i32 to index
      %swap3A_53 = tpu.vector_load %arg5[%swap3A_52] {strides = array<i32>} : memref<10240xi32, #tpu.memory_space<vmem>>, vector<16xi32>,
      tpu.vector_store %arg5[%swap3A_52], %broadcast_in_dim3A_1 {strides = array<i32>} : memref<10240xi32, #tpu.memory_space<vmem>>, vector<16xi32>,
      %scan3A_54 = arith.constant 5 : i32
      %scan3A_55 = arith.addi %scan3A_26, %scan3A_54 : i32
      %mul3A_56 = arith.constant 16 : i32
      %mul3A_57 = arith.muli %scan3A_55, %mul3A_56 : i32
      %swap3A_58 = arith.index_cast %mul3A_57 : i32 to index
      %swap3A_59 = tpu.vector_load %arg5[%swap3A_58] {strides = array<i32>} : memref<10240xi32, #tpu.memory_space<vmem>>, vector<16xi32>,
      tpu.vector_store %arg5[%swap3A_58], %broadcast_in_dim3A_1 {strides = array<i32>} : memref<10240xi32, #tpu.memory_space<vmem>>, vector<16xi32>,
      %scan3A_60 = arith.constant 6 : i32
      %scan3A_61 = arith.addi %scan3A_26, %scan3A_60 : i32
      %mul3A_62 = arith.constant 16 : i32
      %mul3A_63 = arith.muli %scan3A_61, %mul3A_62 : i32
      %swap3A_64 = arith.index_cast %mul3A_63 : i32 to index
      %swap3A_65 = tpu.vector_load %arg5[%swap3A_64] {strides = array<i32>} : memref<10240xi32, #tpu.memory_space<vmem>>, vector<16xi32>,
      tpu.vector_store %arg5[%swap3A_64], %broadcast_in_dim3A_1 {strides = array<i32>} : memref<10240xi32, #tpu.memory_space<vmem>>, vector<16xi32>,
      %scan3A_66 = arith.constant 7 : i32
      %scan3A_67 = arith.addi %scan3A_26, %scan3A_66 : i32
      %mul3A_68 = arith.constant 16 : i32
      %mul3A_69 = arith.muli %scan3A_67, %mul3A_68 : i32
      %swap3A_70 = arith.index_cast %mul3A_69 : i32 to index
      %swap3A_71 = tpu.vector_load %arg5[%swap3A_70] {strides = array<i32>} : memref<10240xi32, #tpu.memory_space<vmem>>, vector<16xi32>,
      tpu.vector_store %arg5[%swap3A_70], %broadcast_in_dim3A_1 {strides = array<i32>} : memref<10240xi32, #tpu.memory_space<vmem>>, vector<16xi32>,
    }
    %scan3A_7 = arith.constant 640 : i32
    %mul3A_8 = arith.constant 2 : i32
    %mul3A_9 = arith.muli %arg0, %mul3A_8 : i32
    %add3A_10 = arith.constant 0 : i32
    %add3A_11 = arith.addi %mul3A_9, %add3A_10 : i32
    "tpu.region"() ({
      %run_scoped3A = tpu.sem_alloc : memref<!tpu.dma_semaphore, #tpu.memory_space<semaphore_mem>>
      %dma_start3A = arith.constant 0 : i32
      %dma_start3A_26 = arith.constant 0 : i32
      %dma_start3A_27 = tpu.memref_slice %arg2[%arg1, %add3A_11, %dma_start3A, %dma_start3A_26] : memref<16x4x40x128xi32, #tpu.memory_space<hbm>> -> memref<1x1x40x128xi32, #tpu.memory_space<hbm>>
      %dma_start3A_28 = tpu.memref_squeeze %dma_start3A_27 : memref<1x1x40x128xi32, #tpu.memory_space<hbm>> -> memref<40x128xi32, #tpu.memory_space<hbm>>
      %dma_start3A_29 = arith.constant 0 : i32
      %dma_start3A_30 = arith.constant 0 : i32
      %dma_start3A_31 = tpu.memref_slice %arg2[%arg1, %add3A_11, %dma_start3A_29, %dma_start3A_30] : memref<16x4x40x128xi32, #tpu.memory_space<hbm>> -> memref<1x1x40x128xi32, #tpu.memory_space<hbm>>
      %dma_start3A_32 = tpu.memref_squeeze %dma_start3A_31 : memref<1x1x40x128xi32, #tpu.memory_space<hbm>> -> memref<40x128xi32, #tpu.memory_space<hbm>>
      tpu.enqueue_dma source(%dma_start3A_32 : memref<40x128xi32, #tpu.memory_space<hbm>>) target(%arg4 : memref<40x128xi32, #tpu.memory_space<vmem>>) target_semaphore(%run_scoped3A : memref<!tpu.dma_semaphore, #tpu.memory_space<semaphore_mem>>)
      %dma_wait3A = arith.constant 0 : i32
      %dma_wait3A_33 = arith.constant 0 : i32
      %dma_wait3A_34 = tpu.memref_slice %arg2[%arg1, %add3A_11, %dma_wait3A, %dma_wait3A_33] : memref<16x4x40x128xi32, #tpu.memory_space<hbm>> -> memref<1x1x40x128xi32, #tpu.memory_space<hbm>>
      %dma_wait3A_35 = tpu.memref_squeeze %dma_wait3A_34 : memref<1x1x40x128xi32, #tpu.memory_space<hbm>> -> memref<40x128xi32, #tpu.memory_space<hbm>>
      %dma_wait3A_36 = arith.constant 0 : i32
      %dma_wait3A_37 = arith.constant 0 : i32
      %dma_wait3A_38 = tpu.memref_slice %arg2[%arg1, %add3A_11, %dma_wait3A_36, %dma_wait3A_37] : memref<16x4x40x128xi32, #tpu.memory_space<hbm>> -> memref<1x1x40x128xi32, #tpu.memory_space<hbm>>
      %dma_wait3A_39 = tpu.memref_squeeze %dma_wait3A_38 : memref<1x1x40x128xi32, #tpu.memory_space<hbm>> -> memref<40x128xi32, #tpu.memory_space<hbm>>
      tpu.wait_dma2 semaphore(%run_scoped3A : memref<!tpu.dma_semaphore, #tpu.memory_space<semaphore_mem>>) src(%dma_wait3A_39 : memref<40x128xi32, #tpu.memory_space<hbm>>) dst(%arg4 : memref<40x128xi32, #tpu.memory_space<vmem>>)
      tpu.yield
    }) : () -> ()
    %scan3A_12 = arith.constant 0 : i32
    %scan3A_13 = arith.constant 320 : i32
    %scan3A_14 = arith.addi %scan3A_12, %scan3A_13 : i32
    %scan3A_15 = arith.constant 8 : i32
    scf.for %scan3A_26 = %scan3A_12 to %scan3A_14 step %scan3A_15  : i32 {
      %jit3A = arith.constant 8 : i32
      %div3A = arith.divsi %scan3A_26, %jit3A : i32
      %sign3A = arith.constant 0 : i32
      %sign3A_27 = arith.cmpi sgt, %scan3A_26, %sign3A : i32
      %sign3A_28 = arith.extui %sign3A_27 : i1 to i32
      %sign3A_29 = arith.constant 0 : i32
      %sign3A_30 = arith.cmpi slt, %scan3A_26, %sign3A_29 : i32
      %sign3A_31 = arith.extui %sign3A_30 : i1 to i32
      %sign3A_32 = arith.subi %sign3A_28, %sign3A_31 : i32
      %sign3A_33 = arith.constant 0 : i32
      %sign3A_34 = arith.cmpi sgt, %jit3A, %sign3A_33 : i32
      %sign3A_35 = arith.extui %sign3A_34 : i1 to i32
      %sign3A_36 = arith.constant 0 : i32
      %sign3A_37 = arith.cmpi slt, %jit3A, %sign3A_36 : i32
      %sign3A_38 = arith.extui %sign3A_37 : i1 to i32
      %sign3A_39 = arith.subi %sign3A_35, %sign3A_38 : i32
      %ne3A = arith.cmpi ne, %sign3A_32, %sign3A_39 : i32
      %rem3A = arith.remsi %scan3A_26, %jit3A : i32
      %ne3A_40 = arith.constant 0 : i32
      %ne3A_41 = arith.cmpi ne, %rem3A, %ne3A_40 : i32
      %and3A = arith.andi %ne3A, %ne3A_41 : i1
      %sub3A = arith.constant 1 : i32
      %sub3A_42 = arith.subi %div3A, %sub3A : i32
      %select_n3A = arith.select %and3A, %sub3A_42, %div3A : i32
      %jit3A_43 = arith.constant 8 : i32
      %eq3A = arith.constant 0 : i32
      %eq3A_44 = arith.cmpi eq, %jit3A_43, %eq3A : i32
      %jit3A_45 = arith.constant 1 : i32
      %select_n3A_46 = arith.select %eq3A_44, %jit3A_45, %jit3A_43 : i32
      %rem3A_47 = arith.remsi %scan3A_26, %select_n3A_46 : i32
      %ne3A_48 = arith.constant 0 : i32
      %ne3A_49 = arith.cmpi ne, %rem3A_47, %ne3A_48 : i32
      %lt3A = arith.constant 0 : i32
      %lt3A_50 = arith.cmpi slt, %rem3A_47, %lt3A : i32
      %lt3A_51 = arith.constant 0 : i32
      %lt3A_52 = arith.cmpi slt, %select_n3A_46, %lt3A_51 : i32
      %ne3A_53 = arith.xori %lt3A_50, %lt3A_52 : i1
      %and3A_54 = arith.andi %ne3A_53, %ne3A_49 : i1
      %add3A_55 = arith.addi %rem3A_47, %select_n3A_46 : i32
      %select_n3A_56 = arith.select %and3A_54, %add3A_55, %rem3A_47 : i32
      %mul3A_57 = arith.constant 16 : i32
      %mul3A_58 = arith.muli %select_n3A_56, %mul3A_57 : i32
      %get3A = arith.index_cast %select_n3A : i32 to index
      %get3A_59 = arith.index_cast %mul3A_58 : i32 to index
      %get3A_60 = tpu.vector_load %arg4[%get3A, %get3A_59] {strides = array<i32>} : memref<40x128xi32, #tpu.memory_space<vmem>>, vector<16xi32>,
      tpu.vector_store_idx %arg5[%get3A_60], %broadcast_in_dim3A_3 {add = true} : memref<10240xi32, #tpu.memory_space<vmem>>[vector<16xi32>], vector<16xi32>,
      %scan3A_61 = arith.constant 1 : i32
      %scan3A_62 = arith.addi %scan3A_26, %scan3A_61 : i32
      %jit3A_63 = arith.constant 8 : i32
      %div3A_64 = arith.divsi %scan3A_62, %jit3A_63 : i32
      %sign3A_65 = arith.constant 0 : i32
      %sign3A_66 = arith.cmpi sgt, %scan3A_62, %sign3A_65 : i32
      %sign3A_67 = arith.extui %sign3A_66 : i1 to i32
      %sign3A_68 = arith.constant 0 : i32
      %sign3A_69 = arith.cmpi slt, %scan3A_62, %sign3A_68 : i32
      %sign3A_70 = arith.extui %sign3A_69 : i1 to i32
      %sign3A_71 = arith.subi %sign3A_67, %sign3A_70 : i32
      %sign3A_72 = arith.constant 0 : i32
      %sign3A_73 = arith.cmpi sgt, %jit3A_63, %sign3A_72 : i32
      %sign3A_74 = arith.extui %sign3A_73 : i1 to i32
      %sign3A_75 = arith.constant 0 : i32
      %sign3A_76 = arith.cmpi slt, %jit3A_63, %sign3A_75 : i32
      %sign3A_77 = arith.extui %sign3A_76 : i1 to i32
      %sign3A_78 = arith.subi %sign3A_74, %sign3A_77 : i32
      %ne3A_79 = arith.cmpi ne, %sign3A_71, %sign3A_78 : i32
      %rem3A_80 = arith.remsi %scan3A_62, %jit3A_63 : i32
      %ne3A_81 = arith.constant 0 : i32
      %ne3A_82 = arith.cmpi ne, %rem3A_80, %ne3A_81 : i32
      %and3A_83 = arith.andi %ne3A_79, %ne3A_82 : i1
      %sub3A_84 = arith.constant 1 : i32
      %sub3A_85 = arith.subi %div3A_64, %sub3A_84 : i32
      %select_n3A_86 = arith.select %and3A_83, %sub3A_85, %div3A_64 : i32
      %jit3A_87 = arith.constant 8 : i32
      %eq3A_88 = arith.constant 0 : i32
      %eq3A_89 = arith.cmpi eq, %jit3A_87, %eq3A_88 : i32
      %jit3A_90 = arith.constant 1 : i32
      %select_n3A_91 = arith.select %eq3A_89, %jit3A_90, %jit3A_87 : i32
      %rem3A_92 = arith.remsi %scan3A_62, %select_n3A_91 : i32
      %ne3A_93 = arith.constant 0 : i32
      %ne3A_94 = arith.cmpi ne, %rem3A_92, %ne3A_93 : i32
      %lt3A_95 = arith.constant 0 : i32
      %lt3A_96 = arith.cmpi slt, %rem3A_92, %lt3A_95 : i32
      %lt3A_97 = arith.constant 0 : i32
      %lt3A_98 = arith.cmpi slt, %select_n3A_91, %lt3A_97 : i32
      %ne3A_99 = arith.xori %lt3A_96, %lt3A_98 : i1
      %and3A_100 = arith.andi %ne3A_99, %ne3A_94 : i1
      %add3A_101 = arith.addi %rem3A_92, %select_n3A_91 : i32
      %select_n3A_102 = arith.select %and3A_100, %add3A_101, %rem3A_92 : i32
      %mul3A_103 = arith.constant 16 : i32
      %mul3A_104 = arith.muli %select_n3A_102, %mul3A_103 : i32
      %get3A_105 = arith.index_cast %select_n3A_86 : i32 to index
      %get3A_106 = arith.index_cast %mul3A_104 : i32 to index
      %get3A_107 = tpu.vector_load %arg4[%get3A_105, %get3A_106] {strides = array<i32>} : memref<40x128xi32, #tpu.memory_space<vmem>>, vector<16xi32>,
      tpu.vector_store_idx %arg5[%get3A_107], %broadcast_in_dim3A_3 {add = true} : memref<10240xi32, #tpu.memory_space<vmem>>[vector<16xi32>], vector<16xi32>,
      %scan3A_108 = arith.constant 2 : i32
      %scan3A_109 = arith.addi %scan3A_26, %scan3A_108 : i32
      %jit3A_110 = arith.constant 8 : i32
      %div3A_111 = arith.divsi %scan3A_109, %jit3A_110 : i32
      %sign3A_112 = arith.constant 0 : i32
      %sign3A_113 = arith.cmpi sgt, %scan3A_109, %sign3A_112 : i32
      %sign3A_114 = arith.extui %sign3A_113 : i1 to i32
      %sign3A_115 = arith.constant 0 : i32
      %sign3A_116 = arith.cmpi slt, %scan3A_109, %sign3A_115 : i32
      %sign3A_117 = arith.extui %sign3A_116 : i1 to i32
      %sign3A_118 = arith.subi %sign3A_114, %sign3A_117 : i32
      %sign3A_119 = arith.constant 0 : i32
      %sign3A_120 = arith.cmpi sgt, %jit3A_110, %sign3A_119 : i32
      %sign3A_121 = arith.extui %sign3A_120 : i1 to i32
      %sign3A_122 = arith.constant 0 : i32
      %sign3A_123 = arith.cmpi slt, %jit3A_110, %sign3A_122 : i32
      %sign3A_124 = arith.extui %sign3A_123 : i1 to i32
      %sign3A_125 = arith.subi %sign3A_121, %sign3A_124 : i32
      %ne3A_126 = arith.cmpi ne, %sign3A_118, %sign3A_125 : i32
      %rem3A_127 = arith.remsi %scan3A_109, %jit3A_110 : i32
      %ne3A_128 = arith.constant 0 : i32
      %ne3A_129 = arith.cmpi ne, %rem3A_127, %ne3A_128 : i32
      %and3A_130 = arith.andi %ne3A_126, %ne3A_129 : i1
      %sub3A_131 = arith.constant 1 : i32
      %sub3A_132 = arith.subi %div3A_111, %sub3A_131 : i32
      %select_n3A_133 = arith.select %and3A_130, %sub3A_132, %div3A_111 : i32
      %jit3A_134 = arith.constant 8 : i32
      %eq3A_135 = arith.constant 0 : i32
      %eq3A_136 = arith.cmpi eq, %jit3A_134, %eq3A_135 : i32
      %jit3A_137 = arith.constant 1 : i32
      %select_n3A_138 = arith.select %eq3A_136, %jit3A_137, %jit3A_134 : i32
      %rem3A_139 = arith.remsi %scan3A_109, %select_n3A_138 : i32
      %ne3A_140 = arith.constant 0 : i32
      %ne3A_141 = arith.cmpi ne, %rem3A_139, %ne3A_140 : i32
      %lt3A_142 = arith.constant 0 : i32
      %lt3A_143 = arith.cmpi slt, %rem3A_139, %lt3A_142 : i32
      %lt3A_144 = arith.constant 0 : i32
      %lt3A_145 = arith.cmpi slt, %select_n3A_138, %lt3A_144 : i32
      %ne3A_146 = arith.xori %lt3A_143, %lt3A_145 : i1
      %and3A_147 = arith.andi %ne3A_146, %ne3A_141 : i1
      %add3A_148 = arith.addi %rem3A_139, %select_n3A_138 : i32
      %select_n3A_149 = arith.select %and3A_147, %add3A_148, %rem3A_139 : i32
      %mul3A_150 = arith.constant 16 : i32
      %mul3A_151 = arith.muli %select_n3A_149, %mul3A_150 : i32
      %get3A_152 = arith.index_cast %select_n3A_133 : i32 to index
      %get3A_153 = arith.index_cast %mul3A_151 : i32 to index
      %get3A_154 = tpu.vector_load %arg4[%get3A_152, %get3A_153] {strides = array<i32>} : memref<40x128xi32, #tpu.memory_space<vmem>>, vector<16xi32>,
      tpu.vector_store_idx %arg5[%get3A_154], %broadcast_in_dim3A_3 {add = true} : memref<10240xi32, #tpu.memory_space<vmem>>[vector<16xi32>], vector<16xi32>,
      %scan3A_155 = arith.constant 3 : i32
      %scan3A_156 = arith.addi %scan3A_26, %scan3A_155 : i32
      %jit3A_157 = arith.constant 8 : i32
      %div3A_158 = arith.divsi %scan3A_156, %jit3A_157 : i32
      %sign3A_159 = arith.constant 0 : i32
      %sign3A_160 = arith.cmpi sgt, %scan3A_156, %sign3A_159 : i32
      %sign3A_161 = arith.extui %sign3A_160 : i1 to i32
      %sign3A_162 = arith.constant 0 : i32
      %sign3A_163 = arith.cmpi slt, %scan3A_156, %sign3A_162 : i32
      %sign3A_164 = arith.extui %sign3A_163 : i1 to i32
      %sign3A_165 = arith.subi %sign3A_161, %sign3A_164 : i32
      %sign3A_166 = arith.constant 0 : i32
      %sign3A_167 = arith.cmpi sgt, %jit3A_157, %sign3A_166 : i32
      %sign3A_168 = arith.extui %sign3A_167 : i1 to i32
      %sign3A_169 = arith.constant 0 : i32
      %sign3A_170 = arith.cmpi slt, %jit3A_157, %sign3A_169 : i32
      %sign3A_171 = arith.extui %sign3A_170 : i1 to i32
      %sign3A_172 = arith.subi %sign3A_168, %sign3A_171 : i32
      %ne3A_173 = arith.cmpi ne, %sign3A_165, %sign3A_172 : i32
      %rem3A_174 = arith.remsi %scan3A_156, %jit3A_157 : i32
      %ne3A_175 = arith.constant 0 : i32
      %ne3A_176 = arith.cmpi ne, %rem3A_174, %ne3A_175 : i32
      %and3A_177 = arith.andi %ne3A_173, %ne3A_176 : i1
      %sub3A_178 = arith.constant 1 : i32
      %sub3A_179 = arith.subi %div3A_158, %sub3A_178 : i32
      %select_n3A_180 = arith.select %and3A_177, %sub3A_179, %div3A_158 : i32
      %jit3A_181 = arith.constant 8 : i32
      %eq3A_182 = arith.constant 0 : i32
      %eq3A_183 = arith.cmpi eq, %jit3A_181, %eq3A_182 : i32
      %jit3A_184 = arith.constant 1 : i32
      %select_n3A_185 = arith.select %eq3A_183, %jit3A_184, %jit3A_181 : i32
      %rem3A_186 = arith.remsi %scan3A_156, %select_n3A_185 : i32
      %ne3A_187 = arith.constant 0 : i32
      %ne3A_188 = arith.cmpi ne, %rem3A_186, %ne3A_187 : i32
      %lt3A_189 = arith.constant 0 : i32
      %lt3A_190 = arith.cmpi slt, %rem3A_186, %lt3A_189 : i32
      %lt3A_191 = arith.constant 0 : i32
      %lt3A_192 = arith.cmpi slt, %select_n3A_185, %lt3A_191 : i32
      %ne3A_193 = arith.xori %lt3A_190, %lt3A_192 : i1
      %and3A_194 = arith.andi %ne3A_193, %ne3A_188 : i1
      %add3A_195 = arith.addi %rem3A_186, %select_n3A_185 : i32
      %select_n3A_196 = arith.select %and3A_194, %add3A_195, %rem3A_186 : i32
      %mul3A_197 = arith.constant 16 : i32
      %mul3A_198 = arith.muli %select_n3A_196, %mul3A_197 : i32
      %get3A_199 = arith.index_cast %select_n3A_180 : i32 to index
      %get3A_200 = arith.index_cast %mul3A_198 : i32 to index
      %get3A_201 = tpu.vector_load %arg4[%get3A_199, %get3A_200] {strides = array<i32>} : memref<40x128xi32, #tpu.memory_space<vmem>>, vector<16xi32>,
      tpu.vector_store_idx %arg5[%get3A_201], %broadcast_in_dim3A_3 {add = true} : memref<10240xi32, #tpu.memory_space<vmem>>[vector<16xi32>], vector<16xi32>,
      %scan3A_202 = arith.constant 4 : i32
      %scan3A_203 = arith.addi %scan3A_26, %scan3A_202 : i32
      %jit3A_204 = arith.constant 8 : i32
      %div3A_205 = arith.divsi %scan3A_203, %jit3A_204 : i32
      %sign3A_206 = arith.constant 0 : i32
      %sign3A_207 = arith.cmpi sgt, %scan3A_203, %sign3A_206 : i32
      %sign3A_208 = arith.extui %sign3A_207 : i1 to i32
      %sign3A_209 = arith.constant 0 : i32
      %sign3A_210 = arith.cmpi slt, %scan3A_203, %sign3A_209 : i32
      %sign3A_211 = arith.extui %sign3A_210 : i1 to i32
      %sign3A_212 = arith.subi %sign3A_208, %sign3A_211 : i32
      %sign3A_213 = arith.constant 0 : i32
      %sign3A_214 = arith.cmpi sgt, %jit3A_204, %sign3A_213 : i32
      %sign3A_215 = arith.extui %sign3A_214 : i1 to i32
      %sign3A_216 = arith.constant 0 : i32
      %sign3A_217 = arith.cmpi slt, %jit3A_204, %sign3A_216 : i32
      %sign3A_218 = arith.extui %sign3A_217 : i1 to i32
      %sign3A_219 = arith.subi %sign3A_215, %sign3A_218 : i32
      %ne3A_220 = arith.cmpi ne, %sign3A_212, %sign3A_219 : i32
      %rem3A_221 = arith.remsi %scan3A_203, %jit3A_204 : i32
      %ne3A_222 = arith.constant 0 : i32
      %ne3A_223 = arith.cmpi ne, %rem3A_221, %ne3A_222 : i32
      %and3A_224 = arith.andi %ne3A_220, %ne3A_223 : i1
      %sub3A_225 = arith.constant 1 : i32
      %sub3A_226 = arith.subi %div3A_205, %sub3A_225 : i32
      %select_n3A_227 = arith.select %and3A_224, %sub3A_226, %div3A_205 : i32
      %jit3A_228 = arith.constant 8 : i32
      %eq3A_229 = arith.constant 0 : i32
      %eq3A_230 = arith.cmpi eq, %jit3A_228, %eq3A_229 : i32
      %jit3A_231 = arith.constant 1 : i32
      %select_n3A_232 = arith.select %eq3A_230, %jit3A_231, %jit3A_228 : i32
      %rem3A_233 = arith.remsi %scan3A_203, %select_n3A_232 : i32
      %ne3A_234 = arith.constant 0 : i32
      %ne3A_235 = arith.cmpi ne, %rem3A_233, %ne3A_234 : i32
      %lt3A_236 = arith.constant 0 : i32
      %lt3A_237 = arith.cmpi slt, %rem3A_233, %lt3A_236 : i32
      %lt3A_238 = arith.constant 0 : i32
      %lt3A_239 = arith.cmpi slt, %select_n3A_232, %lt3A_238 : i32
      %ne3A_240 = arith.xori %lt3A_237, %lt3A_239 : i1
      %and3A_241 = arith.andi %ne3A_240, %ne3A_235 : i1
      %add3A_242 = arith.addi %rem3A_233, %select_n3A_232 : i32
      %select_n3A_243 = arith.select %and3A_241, %add3A_242, %rem3A_233 : i32
      %mul3A_244 = arith.constant 16 : i32
      %mul3A_245 = arith.muli %select_n3A_243, %mul3A_244 : i32
      %get3A_246 = arith.index_cast %select_n3A_227 : i32 to index
      %get3A_247 = arith.index_cast %mul3A_245 : i32 to index
      %get3A_248 = tpu.vector_load %arg4[%get3A_246, %get3A_247] {strides = array<i32>} : memref<40x128xi32, #tpu.memory_space<vmem>>, vector<16xi32>,
      tpu.vector_store_idx %arg5[%get3A_248], %broadcast_in_dim3A_3 {add = true} : memref<10240xi32, #tpu.memory_space<vmem>>[vector<16xi32>], vector<16xi32>,
      %scan3A_249 = arith.constant 5 : i32
      %scan3A_250 = arith.addi %scan3A_26, %scan3A_249 : i32
      %jit3A_251 = arith.constant 8 : i32
      %div3A_252 = arith.divsi %scan3A_250, %jit3A_251 : i32
      %sign3A_253 = arith.constant 0 : i32
      %sign3A_254 = arith.cmpi sgt, %scan3A_250, %sign3A_253 : i32
      %sign3A_255 = arith.extui %sign3A_254 : i1 to i32
      %sign3A_256 = arith.constant 0 : i32
      %sign3A_257 = arith.cmpi slt, %scan3A_250, %sign3A_256 : i32
      %sign3A_258 = arith.extui %sign3A_257 : i1 to i32
      %sign3A_259 = arith.subi %sign3A_255, %sign3A_258 : i32
      %sign3A_260 = arith.constant 0 : i32
      %sign3A_261 = arith.cmpi sgt, %jit3A_251, %sign3A_260 : i32
      %sign3A_262 = arith.extui %sign3A_261 : i1 to i32
      %sign3A_263 = arith.constant 0 : i32
      %sign3A_264 = arith.cmpi slt, %jit3A_251, %sign3A_263 : i32
      %sign3A_265 = arith.extui %sign3A_264 : i1 to i32
      %sign3A_266 = arith.subi %sign3A_262, %sign3A_265 : i32
      %ne3A_267 = arith.cmpi ne, %sign3A_259, %sign3A_266 : i32
      %rem3A_268 = arith.remsi %scan3A_250, %jit3A_251 : i32
      %ne3A_269 = arith.constant 0 : i32
      %ne3A_270 = arith.cmpi ne, %rem3A_268, %ne3A_269 : i32
      %and3A_271 = arith.andi %ne3A_267, %ne3A_270 : i1
      %sub3A_272 = arith.constant 1 : i32
      %sub3A_273 = arith.subi %div3A_252, %sub3A_272 : i32
      %select_n3A_274 = arith.select %and3A_271, %sub3A_273, %div3A_252 : i32
      %jit3A_275 = arith.constant 8 : i32
      %eq3A_276 = arith.constant 0 : i32
      %eq3A_277 = arith.cmpi eq, %jit3A_275, %eq3A_276 : i32
      %jit3A_278 = arith.constant 1 : i32
      %select_n3A_279 = arith.select %eq3A_277, %jit3A_278, %jit3A_275 : i32
      %rem3A_280 = arith.remsi %scan3A_250, %select_n3A_279 : i32
      %ne3A_281 = arith.constant 0 : i32
      %ne3A_282 = arith.cmpi ne, %rem3A_280, %ne3A_281 : i32
      %lt3A_283 = arith.constant 0 : i32
      %lt3A_284 = arith.cmpi slt, %rem3A_280, %lt3A_283 : i32
      %lt3A_285 = arith.constant 0 : i32
      %lt3A_286 = arith.cmpi slt, %select_n3A_279, %lt3A_285 : i32
      %ne3A_287 = arith.xori %lt3A_284, %lt3A_286 : i1
      %and3A_288 = arith.andi %ne3A_287, %ne3A_282 : i1
      %add3A_289 = arith.addi %rem3A_280, %select_n3A_279 : i32
      %select_n3A_290 = arith.select %and3A_288, %add3A_289, %rem3A_280 : i32
      %mul3A_291 = arith.constant 16 : i32
      %mul3A_292 = arith.muli %select_n3A_290, %mul3A_291 : i32
      %get3A_293 = arith.index_cast %select_n3A_274 : i32 to index
      %get3A_294 = arith.index_cast %mul3A_292 : i32 to index
      %get3A_295 = tpu.vector_load %arg4[%get3A_293, %get3A_294] {strides = array<i32>} : memref<40x128xi32, #tpu.memory_space<vmem>>, vector<16xi32>,
      tpu.vector_store_idx %arg5[%get3A_295], %broadcast_in_dim3A_3 {add = true} : memref<10240xi32, #tpu.memory_space<vmem>>[vector<16xi32>], vector<16xi32>,
      %scan3A_296 = arith.constant 6 : i32
      %scan3A_297 = arith.addi %scan3A_26, %scan3A_296 : i32
      %jit3A_298 = arith.constant 8 : i32
      %div3A_299 = arith.divsi %scan3A_297, %jit3A_298 : i32
      %sign3A_300 = arith.constant 0 : i32
      %sign3A_301 = arith.cmpi sgt, %scan3A_297, %sign3A_300 : i32
      %sign3A_302 = arith.extui %sign3A_301 : i1 to i32
      %sign3A_303 = arith.constant 0 : i32
      %sign3A_304 = arith.cmpi slt, %scan3A_297, %sign3A_303 : i32
      %sign3A_305 = arith.extui %sign3A_304 : i1 to i32
      %sign3A_306 = arith.subi %sign3A_302, %sign3A_305 : i32
      %sign3A_307 = arith.constant 0 : i32
      %sign3A_308 = arith.cmpi sgt, %jit3A_298, %sign3A_307 : i32
      %sign3A_309 = arith.extui %sign3A_308 : i1 to i32
      %sign3A_310 = arith.constant 0 : i32
      %sign3A_311 = arith.cmpi slt, %jit3A_298, %sign3A_310 : i32
      %sign3A_312 = arith.extui %sign3A_311 : i1 to i32
      %sign3A_313 = arith.subi %sign3A_309, %sign3A_312 : i32
      %ne3A_314 = arith.cmpi ne, %sign3A_306, %sign3A_313 : i32
      %rem3A_315 = arith.remsi %scan3A_297, %jit3A_298 : i32
      %ne3A_316 = arith.constant 0 : i32
      %ne3A_317 = arith.cmpi ne, %rem3A_315, %ne3A_316 : i32
      %and3A_318 = arith.andi %ne3A_314, %ne3A_317 : i1
      %sub3A_319 = arith.constant 1 : i32
      %sub3A_320 = arith.subi %div3A_299, %sub3A_319 : i32
      %select_n3A_321 = arith.select %and3A_318, %sub3A_320, %div3A_299 : i32
      %jit3A_322 = arith.constant 8 : i32
      %eq3A_323 = arith.constant 0 : i32
      %eq3A_324 = arith.cmpi eq, %jit3A_322, %eq3A_323 : i32
      %jit3A_325 = arith.constant 1 : i32
      %select_n3A_326 = arith.select %eq3A_324, %jit3A_325, %jit3A_322 : i32
      %rem3A_327 = arith.remsi %scan3A_297, %select_n3A_326 : i32
      %ne3A_328 = arith.constant 0 : i32
      %ne3A_329 = arith.cmpi ne, %rem3A_327, %ne3A_328 : i32
      %lt3A_330 = arith.constant 0 : i32
      %lt3A_331 = arith.cmpi slt, %rem3A_327, %lt3A_330 : i32
      %lt3A_332 = arith.constant 0 : i32
      %lt3A_333 = arith.cmpi slt, %select_n3A_326, %lt3A_332 : i32
      %ne3A_334 = arith.xori %lt3A_331, %lt3A_333 : i1
      %and3A_335 = arith.andi %ne3A_334, %ne3A_329 : i1
      %add3A_336 = arith.addi %rem3A_327, %select_n3A_326 : i32
      %select_n3A_337 = arith.select %and3A_335, %add3A_336, %rem3A_327 : i32
      %mul3A_338 = arith.constant 16 : i32
      %mul3A_339 = arith.muli %select_n3A_337, %mul3A_338 : i32
      %get3A_340 = arith.index_cast %select_n3A_321 : i32 to index
      %get3A_341 = arith.index_cast %mul3A_339 : i32 to index
      %get3A_342 = tpu.vector_load %arg4[%get3A_340, %get3A_341] {strides = array<i32>} : memref<40x128xi32, #tpu.memory_space<vmem>>, vector<16xi32>,
      tpu.vector_store_idx %arg5[%get3A_342], %broadcast_in_dim3A_3 {add = true} : memref<10240xi32, #tpu.memory_space<vmem>>[vector<16xi32>], vector<16xi32>,
      %scan3A_343 = arith.constant 7 : i32
      %scan3A_344 = arith.addi %scan3A_26, %scan3A_343 : i32
      %jit3A_345 = arith.constant 8 : i32
      %div3A_346 = arith.divsi %scan3A_344, %jit3A_345 : i32
      %sign3A_347 = arith.constant 0 : i32
      %sign3A_348 = arith.cmpi sgt, %scan3A_344, %sign3A_347 : i32
      %sign3A_349 = arith.extui %sign3A_348 : i1 to i32
      %sign3A_350 = arith.constant 0 : i32
      %sign3A_351 = arith.cmpi slt, %scan3A_344, %sign3A_350 : i32
      %sign3A_352 = arith.extui %sign3A_351 : i1 to i32
      %sign3A_353 = arith.subi %sign3A_349, %sign3A_352 : i32
      %sign3A_354 = arith.constant 0 : i32
      %sign3A_355 = arith.cmpi sgt, %jit3A_345, %sign3A_354 : i32
      %sign3A_356 = arith.extui %sign3A_355 : i1 to i32
      %sign3A_357 = arith.constant 0 : i32
      %sign3A_358 = arith.cmpi slt, %jit3A_345, %sign3A_357 : i32
      %sign3A_359 = arith.extui %sign3A_358 : i1 to i32
      %sign3A_360 = arith.subi %sign3A_356, %sign3A_359 : i32
      %ne3A_361 = arith.cmpi ne, %sign3A_353, %sign3A_360 : i32
      %rem3A_362 = arith.remsi %scan3A_344, %jit3A_345 : i32
      %ne3A_363 = arith.constant 0 : i32
      %ne3A_364 = arith.cmpi ne, %rem3A_362, %ne3A_363 : i32
      %and3A_365 = arith.andi %ne3A_361, %ne3A_364 : i1
      %sub3A_366 = arith.constant 1 : i32
      %sub3A_367 = arith.subi %div3A_346, %sub3A_366 : i32
      %select_n3A_368 = arith.select %and3A_365, %sub3A_367, %div3A_346 : i32
      %jit3A_369 = arith.constant 8 : i32
      %eq3A_370 = arith.constant 0 : i32
      %eq3A_371 = arith.cmpi eq, %jit3A_369, %eq3A_370 : i32
      %jit3A_372 = arith.constant 1 : i32
      %select_n3A_373 = arith.select %eq3A_371, %jit3A_372, %jit3A_369 : i32
      %rem3A_374 = arith.remsi %scan3A_344, %select_n3A_373 : i32
      %ne3A_375 = arith.constant 0 : i32
      %ne3A_376 = arith.cmpi ne, %rem3A_374, %ne3A_375 : i32
      %lt3A_377 = arith.constant 0 : i32
      %lt3A_378 = arith.cmpi slt, %rem3A_374, %lt3A_377 : i32
      %lt3A_379 = arith.constant 0 : i32
      %lt3A_380 = arith.cmpi slt, %select_n3A_373, %lt3A_379 : i32
      %ne3A_381 = arith.xori %lt3A_378, %lt3A_380 : i1
      %and3A_382 = arith.andi %ne3A_381, %ne3A_376 : i1
      %add3A_383 = arith.addi %rem3A_374, %select_n3A_373 : i32
      %select_n3A_384 = arith.select %and3A_382, %add3A_383, %rem3A_374 : i32
      %mul3A_385 = arith.constant 16 : i32
      %mul3A_386 = arith.muli %select_n3A_384, %mul3A_385 : i32
      %get3A_387 = arith.index_cast %select_n3A_368 : i32 to index
      %get3A_388 = arith.index_cast %mul3A_386 : i32 to index
      %get3A_389 = tpu.vector_load %arg4[%get3A_387, %get3A_388] {strides = array<i32>} : memref<40x128xi32, #tpu.memory_space<vmem>>, vector<16xi32>,
      tpu.vector_store_idx %arg5[%get3A_389], %broadcast_in_dim3A_3 {add = true} : memref<10240xi32, #tpu.memory_space<vmem>>[vector<16xi32>], vector<16xi32>,
    }
    %scan3A_16 = arith.constant 320 : i32
    %mul3A_17 = arith.constant 2 : i32
    %mul3A_18 = arith.muli %arg0, %mul3A_17 : i32
    %add3A_19 = arith.constant 1 : i32
    %add3A_20 = arith.addi %mul3A_18, %add3A_19 : i32
    "tpu.region"() ({
      %run_scoped3A = tpu.sem_alloc : memref<!tpu.dma_semaphore, #tpu.memory_space<semaphore_mem>>
      %dma_start3A = arith.constant 0 : i32
      %dma_start3A_26 = arith.constant 0 : i32
      %dma_start3A_27 = tpu.memref_slice %arg2[%arg1, %add3A_20, %dma_start3A, %dma_start3A_26] : memref<16x4x40x128xi32, #tpu.memory_space<hbm>> -> memref<1x1x40x128xi32, #tpu.memory_space<hbm>>
      %dma_start3A_28 = tpu.memref_squeeze %dma_start3A_27 : memref<1x1x40x128xi32, #tpu.memory_space<hbm>> -> memref<40x128xi32, #tpu.memory_space<hbm>>
      %dma_start3A_29 = arith.constant 0 : i32
      %dma_start3A_30 = arith.constant 0 : i32
      %dma_start3A_31 = tpu.memref_slice %arg2[%arg1, %add3A_20, %dma_start3A_29, %dma_start3A_30] : memref<16x4x40x128xi32, #tpu.memory_space<hbm>> -> memref<1x1x40x128xi32, #tpu.memory_space<hbm>>
      %dma_start3A_32 = tpu.memref_squeeze %dma_start3A_31 : memref<1x1x40x128xi32, #tpu.memory_space<hbm>> -> memref<40x128xi32, #tpu.memory_space<hbm>>
      tpu.enqueue_dma source(%dma_start3A_32 : memref<40x128xi32, #tpu.memory_space<hbm>>) target(%arg4 : memref<40x128xi32, #tpu.memory_space<vmem>>) target_semaphore(%run_scoped3A : memref<!tpu.dma_semaphore, #tpu.memory_space<semaphore_mem>>)
      %dma_wait3A = arith.constant 0 : i32
      %dma_wait3A_33 = arith.constant 0 : i32
      %dma_wait3A_34 = tpu.memref_slice %arg2[%arg1, %add3A_20, %dma_wait3A, %dma_wait3A_33] : memref<16x4x40x128xi32, #tpu.memory_space<hbm>> -> memref<1x1x40x128xi32, #tpu.memory_space<hbm>>
      %dma_wait3A_35 = tpu.memref_squeeze %dma_wait3A_34 : memref<1x1x40x128xi32, #tpu.memory_space<hbm>> -> memref<40x128xi32, #tpu.memory_space<hbm>>
      %dma_wait3A_36 = arith.constant 0 : i32
      %dma_wait3A_37 = arith.constant 0 : i32
      %dma_wait3A_38 = tpu.memref_slice %arg2[%arg1, %add3A_20, %dma_wait3A_36, %dma_wait3A_37] : memref<16x4x40x128xi32, #tpu.memory_space<hbm>> -> memref<1x1x40x128xi32, #tpu.memory_space<hbm>>
      %dma_wait3A_39 = tpu.memref_squeeze %dma_wait3A_38 : memref<1x1x40x128xi32, #tpu.memory_space<hbm>> -> memref<40x128xi32, #tpu.memory_space<hbm>>
      tpu.wait_dma2 semaphore(%run_scoped3A : memref<!tpu.dma_semaphore, #tpu.memory_space<semaphore_mem>>) src(%dma_wait3A_39 : memref<40x128xi32, #tpu.memory_space<hbm>>) dst(%arg4 : memref<40x128xi32, #tpu.memory_space<vmem>>)
      tpu.yield
    }) : () -> ()
    %scan3A_21 = arith.constant 0 : i32
    %scan3A_22 = arith.constant 320 : i32
    %scan3A_23 = arith.addi %scan3A_21, %scan3A_22 : i32
    %scan3A_24 = arith.constant 8 : i32
    scf.for %scan3A_26 = %scan3A_21 to %scan3A_23 step %scan3A_24  : i32 {
      %jit3A = arith.constant 8 : i32
      %div3A = arith.divsi %scan3A_26, %jit3A : i32
      %sign3A = arith.constant 0 : i32
      %sign3A_27 = arith.cmpi sgt, %scan3A_26, %sign3A : i32
      %sign3A_28 = arith.extui %sign3A_27 : i1 to i32
      %sign3A_29 = arith.constant 0 : i32
      %sign3A_30 = arith.cmpi slt, %scan3A_26, %sign3A_29 : i32
      %sign3A_31 = arith.extui %sign3A_30 : i1 to i32
      %sign3A_32 = arith.subi %sign3A_28, %sign3A_31 : i32
      %sign3A_33 = arith.constant 0 : i32
      %sign3A_34 = arith.cmpi sgt, %jit3A, %sign3A_33 : i32
      %sign3A_35 = arith.extui %sign3A_34 : i1 to i32
      %sign3A_36 = arith.constant 0 : i32
      %sign3A_37 = arith.cmpi slt, %jit3A, %sign3A_36 : i32
      %sign3A_38 = arith.extui %sign3A_37 : i1 to i32
      %sign3A_39 = arith.subi %sign3A_35, %sign3A_38 : i32
      %ne3A = arith.cmpi ne, %sign3A_32, %sign3A_39 : i32
      %rem3A = arith.remsi %scan3A_26, %jit3A : i32
      %ne3A_40 = arith.constant 0 : i32
      %ne3A_41 = arith.cmpi ne, %rem3A, %ne3A_40 : i32
      %and3A = arith.andi %ne3A, %ne3A_41 : i1
      %sub3A = arith.constant 1 : i32
      %sub3A_42 = arith.subi %div3A, %sub3A : i32
      %select_n3A = arith.select %and3A, %sub3A_42, %div3A : i32
      %jit3A_43 = arith.constant 8 : i32
      %eq3A = arith.constant 0 : i32
      %eq3A_44 = arith.cmpi eq, %jit3A_43, %eq3A : i32
      %jit3A_45 = arith.constant 1 : i32
      %select_n3A_46 = arith.select %eq3A_44, %jit3A_45, %jit3A_43 : i32
      %rem3A_47 = arith.remsi %scan3A_26, %select_n3A_46 : i32
      %ne3A_48 = arith.constant 0 : i32
      %ne3A_49 = arith.cmpi ne, %rem3A_47, %ne3A_48 : i32
      %lt3A = arith.constant 0 : i32
      %lt3A_50 = arith.cmpi slt, %rem3A_47, %lt3A : i32
      %lt3A_51 = arith.constant 0 : i32
      %lt3A_52 = arith.cmpi slt, %select_n3A_46, %lt3A_51 : i32
      %ne3A_53 = arith.xori %lt3A_50, %lt3A_52 : i1
      %and3A_54 = arith.andi %ne3A_53, %ne3A_49 : i1
      %add3A_55 = arith.addi %rem3A_47, %select_n3A_46 : i32
      %select_n3A_56 = arith.select %and3A_54, %add3A_55, %rem3A_47 : i32
      %mul3A_57 = arith.constant 16 : i32
      %mul3A_58 = arith.muli %select_n3A_56, %mul3A_57 : i32
      %get3A = arith.index_cast %select_n3A : i32 to index
      %get3A_59 = arith.index_cast %mul3A_58 : i32 to index
      %get3A_60 = tpu.vector_load %arg4[%get3A, %get3A_59] {strides = array<i32>} : memref<40x128xi32, #tpu.memory_space<vmem>>, vector<16xi32>,
      tpu.vector_store_idx %arg5[%get3A_60], %broadcast_in_dim3A_3 {add = true} : memref<10240xi32, #tpu.memory_space<vmem>>[vector<16xi32>], vector<16xi32>,
      %scan3A_61 = arith.constant 1 : i32
      %scan3A_62 = arith.addi %scan3A_26, %scan3A_61 : i32
      %jit3A_63 = arith.constant 8 : i32
      %div3A_64 = arith.divsi %scan3A_62, %jit3A_63 : i32
      %sign3A_65 = arith.constant 0 : i32
      %sign3A_66 = arith.cmpi sgt, %scan3A_62, %sign3A_65 : i32
      %sign3A_67 = arith.extui %sign3A_66 : i1 to i32
      %sign3A_68 = arith.constant 0 : i32
      %sign3A_69 = arith.cmpi slt, %scan3A_62, %sign3A_68 : i32
      %sign3A_70 = arith.extui %sign3A_69 : i1 to i32
      %sign3A_71 = arith.subi %sign3A_67, %sign3A_70 : i32
      %sign3A_72 = arith.constant 0 : i32
      %sign3A_73 = arith.cmpi sgt, %jit3A_63, %sign3A_72 : i32
      %sign3A_74 = arith.extui %sign3A_73 : i1 to i32
      %sign3A_75 = arith.constant 0 : i32
      %sign3A_76 = arith.cmpi slt, %jit3A_63, %sign3A_75 : i32
      %sign3A_77 = arith.extui %sign3A_76 : i1 to i32
      %sign3A_78 = arith.subi %sign3A_74, %sign3A_77 : i32
      %ne3A_79 = arith.cmpi ne, %sign3A_71, %sign3A_78 : i32
      %rem3A_80 = arith.remsi %scan3A_62, %jit3A_63 : i32
      %ne3A_81 = arith.constant 0 : i32
      %ne3A_82 = arith.cmpi ne, %rem3A_80, %ne3A_81 : i32
      %and3A_83 = arith.andi %ne3A_79, %ne3A_82 : i1
      %sub3A_84 = arith.constant 1 : i32
      %sub3A_85 = arith.subi %div3A_64, %sub3A_84 : i32
      %select_n3A_86 = arith.select %and3A_83, %sub3A_85, %div3A_64 : i32
      %jit3A_87 = arith.constant 8 : i32
      %eq3A_88 = arith.constant 0 : i32
      %eq3A_89 = arith.cmpi eq, %jit3A_87, %eq3A_88 : i32
      %jit3A_90 = arith.constant 1 : i32
      %select_n3A_91 = arith.select %eq3A_89, %jit3A_90, %jit3A_87 : i32
      %rem3A_92 = arith.remsi %scan3A_62, %select_n3A_91 : i32
      %ne3A_93 = arith.constant 0 : i32
      %ne3A_94 = arith.cmpi ne, %rem3A_92, %ne3A_93 : i32
      %lt3A_95 = arith.constant 0 : i32
      %lt3A_96 = arith.cmpi slt, %rem3A_92, %lt3A_95 : i32
      %lt3A_97 = arith.constant 0 : i32
      %lt3A_98 = arith.cmpi slt, %select_n3A_91, %lt3A_97 : i32
      %ne3A_99 = arith.xori %lt3A_96, %lt3A_98 : i1
      %and3A_100 = arith.andi %ne3A_99, %ne3A_94 : i1
      %add3A_101 = arith.addi %rem3A_92, %select_n3A_91 : i32
      %select_n3A_102 = arith.select %and3A_100, %add3A_101, %rem3A_92 : i32
      %mul3A_103 = arith.constant 16 : i32
      %mul3A_104 = arith.muli %select_n3A_102, %mul3A_103 : i32
      %get3A_105 = arith.index_cast %select_n3A_86 : i32 to index
      %get3A_106 = arith.index_cast %mul3A_104 : i32 to index
      %get3A_107 = tpu.vector_load %arg4[%get3A_105, %get3A_106] {strides = array<i32>} : memref<40x128xi32, #tpu.memory_space<vmem>>, vector<16xi32>,
      tpu.vector_store_idx %arg5[%get3A_107], %broadcast_in_dim3A_3 {add = true} : memref<10240xi32, #tpu.memory_space<vmem>>[vector<16xi32>], vector<16xi32>,
      %scan3A_108 = arith.constant 2 : i32
      %scan3A_109 = arith.addi %scan3A_26, %scan3A_108 : i32
      %jit3A_110 = arith.constant 8 : i32
      %div3A_111 = arith.divsi %scan3A_109, %jit3A_110 : i32
      %sign3A_112 = arith.constant 0 : i32
      %sign3A_113 = arith.cmpi sgt, %scan3A_109, %sign3A_112 : i32
      %sign3A_114 = arith.extui %sign3A_113 : i1 to i32
      %sign3A_115 = arith.constant 0 : i32
      %sign3A_116 = arith.cmpi slt, %scan3A_109, %sign3A_115 : i32
      %sign3A_117 = arith.extui %sign3A_116 : i1 to i32
      %sign3A_118 = arith.subi %sign3A_114, %sign3A_117 : i32
      %sign3A_119 = arith.constant 0 : i32
      %sign3A_120 = arith.cmpi sgt, %jit3A_110, %sign3A_119 : i32
      %sign3A_121 = arith.extui %sign3A_120 : i1 to i32
      %sign3A_122 = arith.constant 0 : i32
      %sign3A_123 = arith.cmpi slt, %jit3A_110, %sign3A_122 : i32
      %sign3A_124 = arith.extui %sign3A_123 : i1 to i32
      %sign3A_125 = arith.subi %sign3A_121, %sign3A_124 : i32
      %ne3A_126 = arith.cmpi ne, %sign3A_118, %sign3A_125 : i32
      %rem3A_127 = arith.remsi %scan3A_109, %jit3A_110 : i32
      %ne3A_128 = arith.constant 0 : i32
      %ne3A_129 = arith.cmpi ne, %rem3A_127, %ne3A_128 : i32
      %and3A_130 = arith.andi %ne3A_126, %ne3A_129 : i1
      %sub3A_131 = arith.constant 1 : i32
      %sub3A_132 = arith.subi %div3A_111, %sub3A_131 : i32
      %select_n3A_133 = arith.select %and3A_130, %sub3A_132, %div3A_111 : i32
      %jit3A_134 = arith.constant 8 : i32
      %eq3A_135 = arith.constant 0 : i32
      %eq3A_136 = arith.cmpi eq, %jit3A_134, %eq3A_135 : i32
      %jit3A_137 = arith.constant 1 : i32
      %select_n3A_138 = arith.select %eq3A_136, %jit3A_137, %jit3A_134 : i32
      %rem3A_139 = arith.remsi %scan3A_109, %select_n3A_138 : i32
      %ne3A_140 = arith.constant 0 : i32
      %ne3A_141 = arith.cmpi ne, %rem3A_139, %ne3A_140 : i32
      %lt3A_142 = arith.constant 0 : i32
      %lt3A_143 = arith.cmpi slt, %rem3A_139, %lt3A_142 : i32
      %lt3A_144 = arith.constant 0 : i32
      %lt3A_145 = arith.cmpi slt, %select_n3A_138, %lt3A_144 : i32
      %ne3A_146 = arith.xori %lt3A_143, %lt3A_145 : i1
      %and3A_147 = arith.andi %ne3A_146, %ne3A_141 : i1
      %add3A_148 = arith.addi %rem3A_139, %select_n3A_138 : i32
      %select_n3A_149 = arith.select %and3A_147, %add3A_148, %rem3A_139 : i32
      %mul3A_150 = arith.constant 16 : i32
      %mul3A_151 = arith.muli %select_n3A_149, %mul3A_150 : i32
      %get3A_152 = arith.index_cast %select_n3A_133 : i32 to index
      %get3A_153 = arith.index_cast %mul3A_151 : i32 to index
      %get3A_154 = tpu.vector_load %arg4[%get3A_152, %get3A_153] {strides = array<i32>} : memref<40x128xi32, #tpu.memory_space<vmem>>, vector<16xi32>,
      tpu.vector_store_idx %arg5[%get3A_154], %broadcast_in_dim3A_3 {add = true} : memref<10240xi32, #tpu.memory_space<vmem>>[vector<16xi32>], vector<16xi32>,
      %scan3A_155 = arith.constant 3 : i32
      %scan3A_156 = arith.addi %scan3A_26, %scan3A_155 : i32
      %jit3A_157 = arith.constant 8 : i32
      %div3A_158 = arith.divsi %scan3A_156, %jit3A_157 : i32
      %sign3A_159 = arith.constant 0 : i32
      %sign3A_160 = arith.cmpi sgt, %scan3A_156, %sign3A_159 : i32
      %sign3A_161 = arith.extui %sign3A_160 : i1 to i32
      %sign3A_162 = arith.constant 0 : i32
      %sign3A_163 = arith.cmpi slt, %scan3A_156, %sign3A_162 : i32
      %sign3A_164 = arith.extui %sign3A_163 : i1 to i32
      %sign3A_165 = arith.subi %sign3A_161, %sign3A_164 : i32
      %sign3A_166 = arith.constant 0 : i32
      %sign3A_167 = arith.cmpi sgt, %jit3A_157, %sign3A_166 : i32
      %sign3A_168 = arith.extui %sign3A_167 : i1 to i32
      %sign3A_169 = arith.constant 0 : i32
      %sign3A_170 = arith.cmpi slt, %jit3A_157, %sign3A_169 : i32
      %sign3A_171 = arith.extui %sign3A_170 : i1 to i32
      %sign3A_172 = arith.subi %sign3A_168, %sign3A_171 : i32
      %ne3A_173 = arith.cmpi ne, %sign3A_165, %sign3A_172 : i32
      %rem3A_174 = arith.remsi %scan3A_156, %jit3A_157 : i32
      %ne3A_175 = arith.constant 0 : i32
      %ne3A_176 = arith.cmpi ne, %rem3A_174, %ne3A_175 : i32
      %and3A_177 = arith.andi %ne3A_173, %ne3A_176 : i1
      %sub3A_178 = arith.constant 1 : i32
      %sub3A_179 = arith.subi %div3A_158, %sub3A_178 : i32
      %select_n3A_180 = arith.select %and3A_177, %sub3A_179, %div3A_158 : i32
      %jit3A_181 = arith.constant 8 : i32
      %eq3A_182 = arith.constant 0 : i32
      %eq3A_183 = arith.cmpi eq, %jit3A_181, %eq3A_182 : i32
      %jit3A_184 = arith.constant 1 : i32
      %select_n3A_185 = arith.select %eq3A_183, %jit3A_184, %jit3A_181 : i32
      %rem3A_186 = arith.remsi %scan3A_156, %select_n3A_185 : i32
      %ne3A_187 = arith.constant 0 : i32
      %ne3A_188 = arith.cmpi ne, %rem3A_186, %ne3A_187 : i32
      %lt3A_189 = arith.constant 0 : i32
      %lt3A_190 = arith.cmpi slt, %rem3A_186, %lt3A_189 : i32
      %lt3A_191 = arith.constant 0 : i32
      %lt3A_192 = arith.cmpi slt, %select_n3A_185, %lt3A_191 : i32
      %ne3A_193 = arith.xori %lt3A_190, %lt3A_192 : i1
      %and3A_194 = arith.andi %ne3A_193, %ne3A_188 : i1
      %add3A_195 = arith.addi %rem3A_186, %select_n3A_185 : i32
      %select_n3A_196 = arith.select %and3A_194, %add3A_195, %rem3A_186 : i32
      %mul3A_197 = arith.constant 16 : i32
      %mul3A_198 = arith.muli %select_n3A_196, %mul3A_197 : i32
      %get3A_199 = arith.index_cast %select_n3A_180 : i32 to index
      %get3A_200 = arith.index_cast %mul3A_198 : i32 to index
      %get3A_201 = tpu.vector_load %arg4[%get3A_199, %get3A_200] {strides = array<i32>} : memref<40x128xi32, #tpu.memory_space<vmem>>, vector<16xi32>,
      tpu.vector_store_idx %arg5[%get3A_201], %broadcast_in_dim3A_3 {add = true} : memref<10240xi32, #tpu.memory_space<vmem>>[vector<16xi32>], vector<16xi32>,
      %scan3A_202 = arith.constant 4 : i32
      %scan3A_203 = arith.addi %scan3A_26, %scan3A_202 : i32
      %jit3A_204 = arith.constant 8 : i32
      %div3A_205 = arith.divsi %scan3A_203, %jit3A_204 : i32
      %sign3A_206 = arith.constant 0 : i32
      %sign3A_207 = arith.cmpi sgt, %scan3A_203, %sign3A_206 : i32
      %sign3A_208 = arith.extui %sign3A_207 : i1 to i32
      %sign3A_209 = arith.constant 0 : i32
      %sign3A_210 = arith.cmpi slt, %scan3A_203, %sign3A_209 : i32
      %sign3A_211 = arith.extui %sign3A_210 : i1 to i32
      %sign3A_212 = arith.subi %sign3A_208, %sign3A_211 : i32
      %sign3A_213 = arith.constant 0 : i32
      %sign3A_214 = arith.cmpi sgt, %jit3A_204, %sign3A_213 : i32
      %sign3A_215 = arith.extui %sign3A_214 : i1 to i32
      %sign3A_216 = arith.constant 0 : i32
      %sign3A_217 = arith.cmpi slt, %jit3A_204, %sign3A_216 : i32
      %sign3A_218 = arith.extui %sign3A_217 : i1 to i32
      %sign3A_219 = arith.subi %sign3A_215, %sign3A_218 : i32
      %ne3A_220 = arith.cmpi ne, %sign3A_212, %sign3A_219 : i32
      %rem3A_221 = arith.remsi %scan3A_203, %jit3A_204 : i32
      %ne3A_222 = arith.constant 0 : i32
      %ne3A_223 = arith.cmpi ne, %rem3A_221, %ne3A_222 : i32
      %and3A_224 = arith.andi %ne3A_220, %ne3A_223 : i1
      %sub3A_225 = arith.constant 1 : i32
      %sub3A_226 = arith.subi %div3A_205, %sub3A_225 : i32
      %select_n3A_227 = arith.select %and3A_224, %sub3A_226, %div3A_205 : i32
      %jit3A_228 = arith.constant 8 : i32
      %eq3A_229 = arith.constant 0 : i32
      %eq3A_230 = arith.cmpi eq, %jit3A_228, %eq3A_229 : i32
      %jit3A_231 = arith.constant 1 : i32
      %select_n3A_232 = arith.select %eq3A_230, %jit3A_231, %jit3A_228 : i32
      %rem3A_233 = arith.remsi %scan3A_203, %select_n3A_232 : i32
      %ne3A_234 = arith.constant 0 : i32
      %ne3A_235 = arith.cmpi ne, %rem3A_233, %ne3A_234 : i32
      %lt3A_236 = arith.constant 0 : i32
      %lt3A_237 = arith.cmpi slt, %rem3A_233, %lt3A_236 : i32
      %lt3A_238 = arith.constant 0 : i32
      %lt3A_239 = arith.cmpi slt, %select_n3A_232, %lt3A_238 : i32
      %ne3A_240 = arith.xori %lt3A_237, %lt3A_239 : i1
      %and3A_241 = arith.andi %ne3A_240, %ne3A_235 : i1
      %add3A_242 = arith.addi %rem3A_233, %select_n3A_232 : i32
      %select_n3A_243 = arith.select %and3A_241, %add3A_242, %rem3A_233 : i32
      %mul3A_244 = arith.constant 16 : i32
      %mul3A_245 = arith.muli %select_n3A_243, %mul3A_244 : i32
      %get3A_246 = arith.index_cast %select_n3A_227 : i32 to index
      %get3A_247 = arith.index_cast %mul3A_245 : i32 to index
      %get3A_248 = tpu.vector_load %arg4[%get3A_246, %get3A_247] {strides = array<i32>} : memref<40x128xi32, #tpu.memory_space<vmem>>, vector<16xi32>,
      tpu.vector_store_idx %arg5[%get3A_248], %broadcast_in_dim3A_3 {add = true} : memref<10240xi32, #tpu.memory_space<vmem>>[vector<16xi32>], vector<16xi32>,
      %scan3A_249 = arith.constant 5 : i32
      %scan3A_250 = arith.addi %scan3A_26, %scan3A_249 : i32
      %jit3A_251 = arith.constant 8 : i32
      %div3A_252 = arith.divsi %scan3A_250, %jit3A_251 : i32
      %sign3A_253 = arith.constant 0 : i32
      %sign3A_254 = arith.cmpi sgt, %scan3A_250, %sign3A_253 : i32
      %sign3A_255 = arith.extui %sign3A_254 : i1 to i32
      %sign3A_256 = arith.constant 0 : i32
      %sign3A_257 = arith.cmpi slt, %scan3A_250, %sign3A_256 : i32
      %sign3A_258 = arith.extui %sign3A_257 : i1 to i32
      %sign3A_259 = arith.subi %sign3A_255, %sign3A_258 : i32
      %sign3A_260 = arith.constant 0 : i32
      %sign3A_261 = arith.cmpi sgt, %jit3A_251, %sign3A_260 : i32
      %sign3A_262 = arith.extui %sign3A_261 : i1 to i32
      %sign3A_263 = arith.constant 0 : i32
      %sign3A_264 = arith.cmpi slt, %jit3A_251, %sign3A_263 : i32
      %sign3A_265 = arith.extui %sign3A_264 : i1 to i32
      %sign3A_266 = arith.subi %sign3A_262, %sign3A_265 : i32
      %ne3A_267 = arith.cmpi ne, %sign3A_259, %sign3A_266 : i32
      %rem3A_268 = arith.remsi %scan3A_250, %jit3A_251 : i32
      %ne3A_269 = arith.constant 0 : i32
      %ne3A_270 = arith.cmpi ne, %rem3A_268, %ne3A_269 : i32
      %and3A_271 = arith.andi %ne3A_267, %ne3A_270 : i1
      %sub3A_272 = arith.constant 1 : i32
      %sub3A_273 = arith.subi %div3A_252, %sub3A_272 : i32
      %select_n3A_274 = arith.select %and3A_271, %sub3A_273, %div3A_252 : i32
      %jit3A_275 = arith.constant 8 : i32
      %eq3A_276 = arith.constant 0 : i32
      %eq3A_277 = arith.cmpi eq, %jit3A_275, %eq3A_276 : i32
      %jit3A_278 = arith.constant 1 : i32
      %select_n3A_279 = arith.select %eq3A_277, %jit3A_278, %jit3A_275 : i32
      %rem3A_280 = arith.remsi %scan3A_250, %select_n3A_279 : i32
      %ne3A_281 = arith.constant 0 : i32
      %ne3A_282 = arith.cmpi ne, %rem3A_280, %ne3A_281 : i32
      %lt3A_283 = arith.constant 0 : i32
      %lt3A_284 = arith.cmpi slt, %rem3A_280, %lt3A_283 : i32
      %lt3A_285 = arith.constant 0 : i32
      %lt3A_286 = arith.cmpi slt, %select_n3A_279, %lt3A_285 : i32
      %ne3A_287 = arith.xori %lt3A_284, %lt3A_286 : i1
      %and3A_288 = arith.andi %ne3A_287, %ne3A_282 : i1
      %add3A_289 = arith.addi %rem3A_280, %select_n3A_279 : i32
      %select_n3A_290 = arith.select %and3A_288, %add3A_289, %rem3A_280 : i32
      %mul3A_291 = arith.constant 16 : i32
      %mul3A_292 = arith.muli %select_n3A_290, %mul3A_291 : i32
      %get3A_293 = arith.index_cast %select_n3A_274 : i32 to index
      %get3A_294 = arith.index_cast %mul3A_292 : i32 to index
      %get3A_295 = tpu.vector_load %arg4[%get3A_293, %get3A_294] {strides = array<i32>} : memref<40x128xi32, #tpu.memory_space<vmem>>, vector<16xi32>,
      tpu.vector_store_idx %arg5[%get3A_295], %broadcast_in_dim3A_3 {add = true} : memref<10240xi32, #tpu.memory_space<vmem>>[vector<16xi32>], vector<16xi32>,
      %scan3A_296 = arith.constant 6 : i32
      %scan3A_297 = arith.addi %scan3A_26, %scan3A_296 : i32
      %jit3A_298 = arith.constant 8 : i32
      %div3A_299 = arith.divsi %scan3A_297, %jit3A_298 : i32
      %sign3A_300 = arith.constant 0 : i32
      %sign3A_301 = arith.cmpi sgt, %scan3A_297, %sign3A_300 : i32
      %sign3A_302 = arith.extui %sign3A_301 : i1 to i32
      %sign3A_303 = arith.constant 0 : i32
      %sign3A_304 = arith.cmpi slt, %scan3A_297, %sign3A_303 : i32
      %sign3A_305 = arith.extui %sign3A_304 : i1 to i32
      %sign3A_306 = arith.subi %sign3A_302, %sign3A_305 : i32
      %sign3A_307 = arith.constant 0 : i32
      %sign3A_308 = arith.cmpi sgt, %jit3A_298, %sign3A_307 : i32
      %sign3A_309 = arith.extui %sign3A_308 : i1 to i32
      %sign3A_310 = arith.constant 0 : i32
      %sign3A_311 = arith.cmpi slt, %jit3A_298, %sign3A_310 : i32
      %sign3A_312 = arith.extui %sign3A_311 : i1 to i32
      %sign3A_313 = arith.subi %sign3A_309, %sign3A_312 : i32
      %ne3A_314 = arith.cmpi ne, %sign3A_306, %sign3A_313 : i32
      %rem3A_315 = arith.remsi %scan3A_297, %jit3A_298 : i32
      %ne3A_316 = arith.constant 0 : i32
      %ne3A_317 = arith.cmpi ne, %rem3A_315, %ne3A_316 : i32
      %and3A_318 = arith.andi %ne3A_314, %ne3A_317 : i1
      %sub3A_319 = arith.constant 1 : i32
      %sub3A_320 = arith.subi %div3A_299, %sub3A_319 : i32
      %select_n3A_321 = arith.select %and3A_318, %sub3A_320, %div3A_299 : i32
      %jit3A_322 = arith.constant 8 : i32
      %eq3A_323 = arith.constant 0 : i32
      %eq3A_324 = arith.cmpi eq, %jit3A_322, %eq3A_323 : i32
      %jit3A_325 = arith.constant 1 : i32
      %select_n3A_326 = arith.select %eq3A_324, %jit3A_325, %jit3A_322 : i32
      %rem3A_327 = arith.remsi %scan3A_297, %select_n3A_326 : i32
      %ne3A_328 = arith.constant 0 : i32
      %ne3A_329 = arith.cmpi ne, %rem3A_327, %ne3A_328 : i32
      %lt3A_330 = arith.constant 0 : i32
      %lt3A_331 = arith.cmpi slt, %rem3A_327, %lt3A_330 : i32
      %lt3A_332 = arith.constant 0 : i32
      %lt3A_333 = arith.cmpi slt, %select_n3A_326, %lt3A_332 : i32
      %ne3A_334 = arith.xori %lt3A_331, %lt3A_333 : i1
      %and3A_335 = arith.andi %ne3A_334, %ne3A_329 : i1
      %add3A_336 = arith.addi %rem3A_327, %select_n3A_326 : i32
      %select_n3A_337 = arith.select %and3A_335, %add3A_336, %rem3A_327 : i32
      %mul3A_338 = arith.constant 16 : i32
      %mul3A_339 = arith.muli %select_n3A_337, %mul3A_338 : i32
      %get3A_340 = arith.index_cast %select_n3A_321 : i32 to index
      %get3A_341 = arith.index_cast %mul3A_339 : i32 to index
      %get3A_342 = tpu.vector_load %arg4[%get3A_340, %get3A_341] {strides = array<i32>} : memref<40x128xi32, #tpu.memory_space<vmem>>, vector<16xi32>,
      tpu.vector_store_idx %arg5[%get3A_342], %broadcast_in_dim3A_3 {add = true} : memref<10240xi32, #tpu.memory_space<vmem>>[vector<16xi32>], vector<16xi32>,
      %scan3A_343 = arith.constant 7 : i32
      %scan3A_344 = arith.addi %scan3A_26, %scan3A_343 : i32
      %jit3A_345 = arith.constant 8 : i32
      %div3A_346 = arith.divsi %scan3A_344, %jit3A_345 : i32
      %sign3A_347 = arith.constant 0 : i32
      %sign3A_348 = arith.cmpi sgt, %scan3A_344, %sign3A_347 : i32
      %sign3A_349 = arith.extui %sign3A_348 : i1 to i32
      %sign3A_350 = arith.constant 0 : i32
      %sign3A_351 = arith.cmpi slt, %scan3A_344, %sign3A_350 : i32
      %sign3A_352 = arith.extui %sign3A_351 : i1 to i32
      %sign3A_353 = arith.subi %sign3A_349, %sign3A_352 : i32
      %sign3A_354 = arith.constant 0 : i32
      %sign3A_355 = arith.cmpi sgt, %jit3A_345, %sign3A_354 : i32
      %sign3A_356 = arith.extui %sign3A_355 : i1 to i32
      %sign3A_357 = arith.constant 0 : i32
      %sign3A_358 = arith.cmpi slt, %jit3A_345, %sign3A_357 : i32
      %sign3A_359 = arith.extui %sign3A_358 : i1 to i32
      %sign3A_360 = arith.subi %sign3A_356, %sign3A_359 : i32
      %ne3A_361 = arith.cmpi ne, %sign3A_353, %sign3A_360 : i32
      %rem3A_362 = arith.remsi %scan3A_344, %jit3A_345 : i32
      %ne3A_363 = arith.constant 0 : i32
      %ne3A_364 = arith.cmpi ne, %rem3A_362, %ne3A_363 : i32
      %and3A_365 = arith.andi %ne3A_361, %ne3A_364 : i1
      %sub3A_366 = arith.constant 1 : i32
      %sub3A_367 = arith.subi %div3A_346, %sub3A_366 : i32
      %select_n3A_368 = arith.select %and3A_365, %sub3A_367, %div3A_346 : i32
      %jit3A_369 = arith.constant 8 : i32
      %eq3A_370 = arith.constant 0 : i32
      %eq3A_371 = arith.cmpi eq, %jit3A_369, %eq3A_370 : i32
      %jit3A_372 = arith.constant 1 : i32
      %select_n3A_373 = arith.select %eq3A_371, %jit3A_372, %jit3A_369 : i32
      %rem3A_374 = arith.remsi %scan3A_344, %select_n3A_373 : i32
      %ne3A_375 = arith.constant 0 : i32
      %ne3A_376 = arith.cmpi ne, %rem3A_374, %ne3A_375 : i32
      %lt3A_377 = arith.constant 0 : i32
      %lt3A_378 = arith.cmpi slt, %rem3A_374, %lt3A_377 : i32
      %lt3A_379 = arith.constant 0 : i32
      %lt3A_380 = arith.cmpi slt, %select_n3A_373, %lt3A_379 : i32
      %ne3A_381 = arith.xori %lt3A_378, %lt3A_380 : i1
      %and3A_382 = arith.andi %ne3A_381, %ne3A_376 : i1
      %add3A_383 = arith.addi %rem3A_374, %select_n3A_373 : i32
      %select_n3A_384 = arith.select %and3A_382, %add3A_383, %rem3A_374 : i32
      %mul3A_385 = arith.constant 16 : i32
      %mul3A_386 = arith.muli %select_n3A_384, %mul3A_385 : i32
      %get3A_387 = arith.index_cast %select_n3A_368 : i32 to index
      %get3A_388 = arith.index_cast %mul3A_386 : i32 to index
      %get3A_389 = tpu.vector_load %arg4[%get3A_387, %get3A_388] {strides = array<i32>} : memref<40x128xi32, #tpu.memory_space<vmem>>, vector<16xi32>,
      tpu.vector_store_idx %arg5[%get3A_389], %broadcast_in_dim3A_3 {add = true} : memref<10240xi32, #tpu.memory_space<vmem>>[vector<16xi32>], vector<16xi32>,
    }
    %scan3A_25 = arith.constant 320 : i32
    "tpu.region"() ({
      %run_scoped3A = tpu.sem_alloc : memref<!tpu.dma_semaphore, #tpu.memory_space<semaphore_mem>>
      %dma_start3A = arith.constant 0 : i32
      %dma_start3A_26 = tpu.memref_slice %arg3[%add3A, %dma_start3A] : memref<32x10240xi32, #tpu.memory_space<hbm>> -> memref<1x10240xi32, #tpu.memory_space<hbm>>
      %dma_start3A_27 = tpu.memref_squeeze %dma_start3A_26 : memref<1x10240xi32, #tpu.memory_space<hbm>> -> memref<10240xi32, #tpu.memory_space<hbm>>
      %dma_start3A_28 = arith.constant 0 : i32
      %dma_start3A_29 = tpu.memref_slice %arg3[%add3A, %dma_start3A_28] : memref<32x10240xi32, #tpu.memory_space<hbm>> -> memref<1x10240xi32, #tpu.memory_space<hbm>>
      %dma_start3A_30 = tpu.memref_squeeze %dma_start3A_29 : memref<1x10240xi32, #tpu.memory_space<hbm>> -> memref<10240xi32, #tpu.memory_space<hbm>>
      tpu.enqueue_dma source(%arg5 : memref<10240xi32, #tpu.memory_space<vmem>>) target(%dma_start3A_30 : memref<10240xi32, #tpu.memory_space<hbm>>) target_semaphore(%run_scoped3A : memref<!tpu.dma_semaphore, #tpu.memory_space<semaphore_mem>>)
      %dma_wait3A = arith.constant 0 : i32
      %dma_wait3A_31 = tpu.memref_slice %arg3[%add3A, %dma_wait3A] : memref<32x10240xi32, #tpu.memory_space<hbm>> -> memref<1x10240xi32, #tpu.memory_space<hbm>>
      %dma_wait3A_32 = tpu.memref_squeeze %dma_wait3A_31 : memref<1x10240xi32, #tpu.memory_space<hbm>> -> memref<10240xi32, #tpu.memory_space<hbm>>
      %dma_wait3A_33 = arith.constant 0 : i32
      %dma_wait3A_34 = tpu.memref_slice %arg3[%add3A, %dma_wait3A_33] : memref<32x10240xi32, #tpu.memory_space<hbm>> -> memref<1x10240xi32, #tpu.memory_space<hbm>>
      %dma_wait3A_35 = tpu.memref_squeeze %dma_wait3A_34 : memref<1x10240xi32, #tpu.memory_space<hbm>> -> memref<10240xi32, #tpu.memory_space<hbm>>
      tpu.wait_dma2 semaphore(%run_scoped3A : memref<!tpu.dma_semaphore, #tpu.memory_space<semaphore_mem>>) src(%arg5 : memref<10240xi32, #tpu.memory_space<vmem>>) dst(%dma_wait3A_35 : memref<10240xi32, #tpu.memory_space<hbm>>)
      tpu.yield
    }) : () -> ()
    return
  }
}

#map = affine_map<(d0, d1) -> (0, 0, 0)>
#map1 = affine_map<(d0, d1) -> (0, 0, 0, 0)>
module attributes {stable_mosaic.version = 14 : i64} {
  func.func @scatter_kernel(%arg0: i32, %arg1: i32, %arg2: memref<2x10112x64xbf16, #tpu.memory_space<hbm>>, %arg3: memref<16x4x40x128xi32, #tpu.memory_space<hbm>>, %arg4: memref<16x4x40x128xi32, #tpu.memory_space<hbm>>, %arg5: memref<2x10112x64xbf16, #tpu.memory_space<hbm>>, %arg6: memref<40x128xi32, #tpu.memory_space<vmem>>, %arg7: memref<40x128xi32, #tpu.memory_space<vmem>>, %arg8: memref<4x128x64xbf16, #tpu.memory_space<vmem>>, %arg9: memref<10112x64xbf16, #tpu.memory_space<vmem_shared>>, %arg10: memref<10112x64xbf16, #tpu.memory_space<vmem_shared>>, %arg11: memref<10112x64xbf16, #tpu.memory_space<vmem_shared>>, %arg12: memref<!tpu.dma_semaphore, #tpu.memory_space<semaphore_mem>>, %arg13: memref<!tpu.dma_semaphore, #tpu.memory_space<semaphore_mem>>, %arg14: memref<!tpu.dma_semaphore, #tpu.memory_space<semaphore_mem>>, %arg15: memref<!tpu.dma_semaphore, #tpu.memory_space<semaphore_mem>>) attributes {dimension_semantics = [#tpu.dimension_semantics<core_parallel>, #tpu.dimension_semantics<subcore_parallel>], iteration_bounds = array<i64: 2, 16>, scalar_prefetch = 0 : i64, scratch_operands = 10 : i64, tpu.core_type = #tpu.core_type<sc_vector_subcore>, window_params = [{transform_indices = #map}, {transform_indices = #map1}, {transform_indices = #map1}, {transform_indices = #map}]} {
    %broadcast_in_dim3A = arith.constant 0.000000e+00 : bf16
    %broadcast_in_dim3A_0 = vector.broadcast %broadcast_in_dim3A : bf16 to vector<32xbf16>
    %mul3A = arith.constant 632 : i32
    %mul3A_1 = arith.muli %arg1, %mul3A : i32
    "tpu.region"() ({
      %run_scoped3A_291 = tpu.sem_alloc : memref<!tpu.dma_semaphore, #tpu.memory_space<semaphore_mem>>
      %dma_start3A_292 = arith.constant 0 : i32
      %dma_start3A_293 = tpu.memref_slice %arg11[%mul3A_1, %dma_start3A_292] : memref<10112x64xbf16, #tpu.memory_space<vmem_shared>> -> memref<632x64xbf16, #tpu.memory_space<vmem_shared>>
      %dma_start3A_294 = arith.constant 0 : i32
      %dma_start3A_295 = tpu.memref_slice %arg2[%arg0, %mul3A_1, %dma_start3A_294] : memref<2x10112x64xbf16, #tpu.memory_space<hbm>> -> memref<1x632x64xbf16, #tpu.memory_space<hbm>>
      %dma_start3A_296 = tpu.memref_squeeze %dma_start3A_295 : memref<1x632x64xbf16, #tpu.memory_space<hbm>> -> memref<632x64xbf16, #tpu.memory_space<hbm>>
      tpu.enqueue_dma source(%dma_start3A_296 : memref<632x64xbf16, #tpu.memory_space<hbm>>) target(%dma_start3A_293 : memref<632x64xbf16, #tpu.memory_space<vmem_shared>>) target_semaphore(%run_scoped3A_291 : memref<!tpu.dma_semaphore, #tpu.memory_space<semaphore_mem>>)
      %dma_wait3A = arith.constant 0 : i32
      %dma_wait3A_297 = tpu.memref_slice %arg11[%mul3A_1, %dma_wait3A] : memref<10112x64xbf16, #tpu.memory_space<vmem_shared>> -> memref<632x64xbf16, #tpu.memory_space<vmem_shared>>
      %dma_wait3A_298 = arith.constant 0 : i32
      %dma_wait3A_299 = tpu.memref_slice %arg2[%arg0, %mul3A_1, %dma_wait3A_298] : memref<2x10112x64xbf16, #tpu.memory_space<hbm>> -> memref<1x632x64xbf16, #tpu.memory_space<hbm>>
      %dma_wait3A_300 = tpu.memref_squeeze %dma_wait3A_299 : memref<1x632x64xbf16, #tpu.memory_space<hbm>> -> memref<632x64xbf16, #tpu.memory_space<hbm>>
      tpu.wait_dma2 semaphore(%run_scoped3A_291 : memref<!tpu.dma_semaphore, #tpu.memory_space<semaphore_mem>>) src(%dma_wait3A_300 : memref<632x64xbf16, #tpu.memory_space<hbm>>) dst(%dma_wait3A_297 : memref<632x64xbf16, #tpu.memory_space<vmem_shared>>)
      tpu.yield
    }) : () -> ()
    %scan3A = arith.constant 0 : i32
    %scan3A_2 = arith.constant 128 : i32
    %scan3A_3 = arith.addi %scan3A, %scan3A_2 : i32
    %scan3A_4 = arith.constant 1 : i32
    scf.for %scan3A_291 = %scan3A to %scan3A_3 step %scan3A_4  : i32 {
      %scan3A_292 = arith.constant 0 : i32
      %scan3A_293 = arith.constant 0 : i32
      %scan3A_294 = arith.addi %scan3A_292, %scan3A_293 : i32
      %scan3A_295 = arith.constant 0 : i32
      %scan3A_296 = arith.addi %scan3A_292, %scan3A_295 : i32
      %mul3A_297 = arith.constant 2 : i32
      %mul3A_298 = arith.muli %scan3A_296, %mul3A_297 : i32
      %mul3A_299 = arith.constant 16 : i32
      %mul3A_300 = arith.muli %mul3A_298, %mul3A_299 : i32
      %swap3A = arith.constant 0 : i32
      %swap3A_301 = arith.index_cast %swap3A : i32 to index
      %swap3A_302 = arith.index_cast %scan3A_291 : i32 to index
      %swap3A_303 = arith.index_cast %mul3A_300 : i32 to index
      %swap3A_304 = tpu.vector_load %arg8[%swap3A_301, %swap3A_302, %swap3A_303] {strides = array<i32>} : memref<4x128x64xbf16, #tpu.memory_space<vmem>>, vector<32xbf16>,
      tpu.vector_store %arg8[%swap3A_301, %swap3A_302, %swap3A_303], %broadcast_in_dim3A_0 {strides = array<i32>} : memref<4x128x64xbf16, #tpu.memory_space<vmem>>, vector<32xbf16>,
      %scan3A_305 = arith.constant 1 : i32
      %scan3A_306 = arith.addi %scan3A_292, %scan3A_305 : i32
      %mul3A_307 = arith.constant 2 : i32
      %mul3A_308 = arith.muli %scan3A_306, %mul3A_307 : i32
      %mul3A_309 = arith.constant 16 : i32
      %mul3A_310 = arith.muli %mul3A_308, %mul3A_309 : i32
      %swap3A_311 = arith.constant 0 : i32
      %swap3A_312 = arith.index_cast %swap3A_311 : i32 to index
      %swap3A_313 = arith.index_cast %scan3A_291 : i32 to index
      %swap3A_314 = arith.index_cast %mul3A_310 : i32 to index
      %swap3A_315 = tpu.vector_load %arg8[%swap3A_312, %swap3A_313, %swap3A_314] {strides = array<i32>} : memref<4x128x64xbf16, #tpu.memory_space<vmem>>, vector<32xbf16>,
      tpu.vector_store %arg8[%swap3A_312, %swap3A_313, %swap3A_314], %broadcast_in_dim3A_0 {strides = array<i32>} : memref<4x128x64xbf16, #tpu.memory_space<vmem>>, vector<32xbf16>,
      %scan3A_316 = arith.constant 2 : i32
    }
    %scan3A_5 = arith.constant 128 : i32
    %add3A = arith.constant 0 : i32
    %add3A_6 = arith.addi %mul3A_1, %add3A : i32
    %run_scoped3A = arith.constant 0 : i32
    "tpu.region"() ({
      %run_scoped3A_291 = tpu.sem_alloc : memref<!tpu.dma_semaphore, #tpu.memory_space<semaphore_mem>>
      %dma_start3A_292 = arith.constant 0 : i32
      %dma_start3A_293 = arith.constant 0 : i32
      %dma_start3A_294 = tpu.memref_slice %arg8[%run_scoped3A, %dma_start3A_292, %dma_start3A_293] : memref<4x128x64xbf16, #tpu.memory_space<vmem>> -> memref<1x128x64xbf16, #tpu.memory_space<vmem>>
      %dma_start3A_295 = tpu.memref_squeeze %dma_start3A_294 : memref<1x128x64xbf16, #tpu.memory_space<vmem>> -> memref<128x64xbf16, #tpu.memory_space<vmem>>
      %dma_start3A_296 = arith.constant 0 : i32
      %dma_start3A_297 = tpu.memref_slice %arg9[%add3A_6, %dma_start3A_296] : memref<10112x64xbf16, #tpu.memory_space<vmem_shared>> -> memref<128x64xbf16, #tpu.memory_space<vmem_shared>>
      %dma_start3A_298 = arith.constant 0 : i32
      %dma_start3A_299 = tpu.memref_slice %arg9[%add3A_6, %dma_start3A_298] : memref<10112x64xbf16, #tpu.memory_space<vmem_shared>> -> memref<128x64xbf16, #tpu.memory_space<vmem_shared>>
      %dma_start3A_300 = arith.constant 0 : i32
      %dma_start3A_301 = arith.constant 0 : i32
      %dma_start3A_302 = tpu.memref_slice %arg8[%run_scoped3A, %dma_start3A_300, %dma_start3A_301] : memref<4x128x64xbf16, #tpu.memory_space<vmem>> -> memref<1x128x64xbf16, #tpu.memory_space<vmem>>
      %dma_start3A_303 = tpu.memref_squeeze %dma_start3A_302 : memref<1x128x64xbf16, #tpu.memory_space<vmem>> -> memref<128x64xbf16, #tpu.memory_space<vmem>>
      tpu.enqueue_dma source(%dma_start3A_303 : memref<128x64xbf16, #tpu.memory_space<vmem>>) target(%dma_start3A_299 : memref<128x64xbf16, #tpu.memory_space<vmem_shared>>) target_semaphore(%run_scoped3A_291 : memref<!tpu.dma_semaphore, #tpu.memory_space<semaphore_mem>>)
      %dma_wait3A = arith.constant 0 : i32
      %dma_wait3A_304 = arith.constant 0 : i32
      %dma_wait3A_305 = tpu.memref_slice %arg8[%run_scoped3A, %dma_wait3A, %dma_wait3A_304] : memref<4x128x64xbf16, #tpu.memory_space<vmem>> -> memref<1x128x64xbf16, #tpu.memory_space<vmem>>
      %dma_wait3A_306 = tpu.memref_squeeze %dma_wait3A_305 : memref<1x128x64xbf16, #tpu.memory_space<vmem>> -> memref<128x64xbf16, #tpu.memory_space<vmem>>
      %dma_wait3A_307 = arith.constant 0 : i32
      %dma_wait3A_308 = tpu.memref_slice %arg9[%add3A_6, %dma_wait3A_307] : memref<10112x64xbf16, #tpu.memory_space<vmem_shared>> -> memref<128x64xbf16, #tpu.memory_space<vmem_shared>>
      %dma_wait3A_309 = arith.constant 0 : i32
      %dma_wait3A_310 = tpu.memref_slice %arg9[%add3A_6, %dma_wait3A_309] : memref<10112x64xbf16, #tpu.memory_space<vmem_shared>> -> memref<128x64xbf16, #tpu.memory_space<vmem_shared>>
      %dma_wait3A_311 = arith.constant 0 : i32
      %dma_wait3A_312 = arith.constant 0 : i32
      %dma_wait3A_313 = tpu.memref_slice %arg8[%run_scoped3A, %dma_wait3A_311, %dma_wait3A_312] : memref<4x128x64xbf16, #tpu.memory_space<vmem>> -> memref<1x128x64xbf16, #tpu.memory_space<vmem>>
      %dma_wait3A_314 = tpu.memref_squeeze %dma_wait3A_313 : memref<1x128x64xbf16, #tpu.memory_space<vmem>> -> memref<128x64xbf16, #tpu.memory_space<vmem>>
      tpu.wait_dma2 semaphore(%run_scoped3A_291 : memref<!tpu.dma_semaphore, #tpu.memory_space<semaphore_mem>>) src(%dma_wait3A_314 : memref<128x64xbf16, #tpu.memory_space<vmem>>) dst(%dma_wait3A_310 : memref<128x64xbf16, #tpu.memory_space<vmem_shared>>)
      tpu.yield
    }) : () -> ()
    %add3A_7 = arith.constant 128 : i32
    %add3A_8 = arith.addi %mul3A_1, %add3A_7 : i32
    %run_scoped3A_9 = arith.constant 0 : i32
    "tpu.region"() ({
      %run_scoped3A_291 = tpu.sem_alloc : memref<!tpu.dma_semaphore, #tpu.memory_space<semaphore_mem>>
      %dma_start3A_292 = arith.constant 0 : i32
      %dma_start3A_293 = arith.constant 0 : i32
      %dma_start3A_294 = tpu.memref_slice %arg8[%run_scoped3A_9, %dma_start3A_292, %dma_start3A_293] : memref<4x128x64xbf16, #tpu.memory_space<vmem>> -> memref<1x128x64xbf16, #tpu.memory_space<vmem>>
      %dma_start3A_295 = tpu.memref_squeeze %dma_start3A_294 : memref<1x128x64xbf16, #tpu.memory_space<vmem>> -> memref<128x64xbf16, #tpu.memory_space<vmem>>
      %dma_start3A_296 = arith.constant 0 : i32
      %dma_start3A_297 = tpu.memref_slice %arg9[%add3A_8, %dma_start3A_296] : memref<10112x64xbf16, #tpu.memory_space<vmem_shared>> -> memref<128x64xbf16, #tpu.memory_space<vmem_shared>>
      %dma_start3A_298 = arith.constant 0 : i32
      %dma_start3A_299 = tpu.memref_slice %arg9[%add3A_8, %dma_start3A_298] : memref<10112x64xbf16, #tpu.memory_space<vmem_shared>> -> memref<128x64xbf16, #tpu.memory_space<vmem_shared>>
      %dma_start3A_300 = arith.constant 0 : i32
      %dma_start3A_301 = arith.constant 0 : i32
      %dma_start3A_302 = tpu.memref_slice %arg8[%run_scoped3A_9, %dma_start3A_300, %dma_start3A_301] : memref<4x128x64xbf16, #tpu.memory_space<vmem>> -> memref<1x128x64xbf16, #tpu.memory_space<vmem>>
      %dma_start3A_303 = tpu.memref_squeeze %dma_start3A_302 : memref<1x128x64xbf16, #tpu.memory_space<vmem>> -> memref<128x64xbf16, #tpu.memory_space<vmem>>
      tpu.enqueue_dma source(%dma_start3A_303 : memref<128x64xbf16, #tpu.memory_space<vmem>>) target(%dma_start3A_299 : memref<128x64xbf16, #tpu.memory_space<vmem_shared>>) target_semaphore(%run_scoped3A_291 : memref<!tpu.dma_semaphore, #tpu.memory_space<semaphore_mem>>)
      %dma_wait3A = arith.constant 0 : i32
      %dma_wait3A_304 = arith.constant 0 : i32
      %dma_wait3A_305 = tpu.memref_slice %arg8[%run_scoped3A_9, %dma_wait3A, %dma_wait3A_304] : memref<4x128x64xbf16, #tpu.memory_space<vmem>> -> memref<1x128x64xbf16, #tpu.memory_space<vmem>>
      %dma_wait3A_306 = tpu.memref_squeeze %dma_wait3A_305 : memref<1x128x64xbf16, #tpu.memory_space<vmem>> -> memref<128x64xbf16, #tpu.memory_space<vmem>>
      %dma_wait3A_307 = arith.constant 0 : i32
      %dma_wait3A_308 = tpu.memref_slice %arg9[%add3A_8, %dma_wait3A_307] : memref<10112x64xbf16, #tpu.memory_space<vmem_shared>> -> memref<128x64xbf16, #tpu.memory_space<vmem_shared>>
      %dma_wait3A_309 = arith.constant 0 : i32
      %dma_wait3A_310 = tpu.memref_slice %arg9[%add3A_8, %dma_wait3A_309] : memref<10112x64xbf16, #tpu.memory_space<vmem_shared>> -> memref<128x64xbf16, #tpu.memory_space<vmem_shared>>
      %dma_wait3A_311 = arith.constant 0 : i32
      %dma_wait3A_312 = arith.constant 0 : i32
      %dma_wait3A_313 = tpu.memref_slice %arg8[%run_scoped3A_9, %dma_wait3A_311, %dma_wait3A_312] : memref<4x128x64xbf16, #tpu.memory_space<vmem>> -> memref<1x128x64xbf16, #tpu.memory_space<vmem>>
      %dma_wait3A_314 = tpu.memref_squeeze %dma_wait3A_313 : memref<1x128x64xbf16, #tpu.memory_space<vmem>> -> memref<128x64xbf16, #tpu.memory_space<vmem>>
      tpu.wait_dma2 semaphore(%run_scoped3A_291 : memref<!tpu.dma_semaphore, #tpu.memory_space<semaphore_mem>>) src(%dma_wait3A_314 : memref<128x64xbf16, #tpu.memory_space<vmem>>) dst(%dma_wait3A_310 : memref<128x64xbf16, #tpu.memory_space<vmem_shared>>)
      tpu.yield
    }) : () -> ()
    %add3A_10 = arith.constant 256 : i32
    %add3A_11 = arith.addi %mul3A_1, %add3A_10 : i32
    %run_scoped3A_12 = arith.constant 0 : i32
    "tpu.region"() ({
      %run_scoped3A_291 = tpu.sem_alloc : memref<!tpu.dma_semaphore, #tpu.memory_space<semaphore_mem>>
      %dma_start3A_292 = arith.constant 0 : i32
      %dma_start3A_293 = arith.constant 0 : i32
      %dma_start3A_294 = tpu.memref_slice %arg8[%run_scoped3A_12, %dma_start3A_292, %dma_start3A_293] : memref<4x128x64xbf16, #tpu.memory_space<vmem>> -> memref<1x128x64xbf16, #tpu.memory_space<vmem>>
      %dma_start3A_295 = tpu.memref_squeeze %dma_start3A_294 : memref<1x128x64xbf16, #tpu.memory_space<vmem>> -> memref<128x64xbf16, #tpu.memory_space<vmem>>
      %dma_start3A_296 = arith.constant 0 : i32
      %dma_start3A_297 = tpu.memref_slice %arg9[%add3A_11, %dma_start3A_296] : memref<10112x64xbf16, #tpu.memory_space<vmem_shared>> -> memref<128x64xbf16, #tpu.memory_space<vmem_shared>>
      %dma_start3A_298 = arith.constant 0 : i32
      %dma_start3A_299 = tpu.memref_slice %arg9[%add3A_11, %dma_start3A_298] : memref<10112x64xbf16, #tpu.memory_space<vmem_shared>> -> memref<128x64xbf16, #tpu.memory_space<vmem_shared>>
      %dma_start3A_300 = arith.constant 0 : i32
      %dma_start3A_301 = arith.constant 0 : i32
      %dma_start3A_302 = tpu.memref_slice %arg8[%run_scoped3A_12, %dma_start3A_300, %dma_start3A_301] : memref<4x128x64xbf16, #tpu.memory_space<vmem>> -> memref<1x128x64xbf16, #tpu.memory_space<vmem>>
      %dma_start3A_303 = tpu.memref_squeeze %dma_start3A_302 : memref<1x128x64xbf16, #tpu.memory_space<vmem>> -> memref<128x64xbf16, #tpu.memory_space<vmem>>
      tpu.enqueue_dma source(%dma_start3A_303 : memref<128x64xbf16, #tpu.memory_space<vmem>>) target(%dma_start3A_299 : memref<128x64xbf16, #tpu.memory_space<vmem_shared>>) target_semaphore(%run_scoped3A_291 : memref<!tpu.dma_semaphore, #tpu.memory_space<semaphore_mem>>)
      %dma_wait3A = arith.constant 0 : i32
      %dma_wait3A_304 = arith.constant 0 : i32
      %dma_wait3A_305 = tpu.memref_slice %arg8[%run_scoped3A_12, %dma_wait3A, %dma_wait3A_304] : memref<4x128x64xbf16, #tpu.memory_space<vmem>> -> memref<1x128x64xbf16, #tpu.memory_space<vmem>>
      %dma_wait3A_306 = tpu.memref_squeeze %dma_wait3A_305 : memref<1x128x64xbf16, #tpu.memory_space<vmem>> -> memref<128x64xbf16, #tpu.memory_space<vmem>>
      %dma_wait3A_307 = arith.constant 0 : i32
      %dma_wait3A_308 = tpu.memref_slice %arg9[%add3A_11, %dma_wait3A_307] : memref<10112x64xbf16, #tpu.memory_space<vmem_shared>> -> memref<128x64xbf16, #tpu.memory_space<vmem_shared>>
      %dma_wait3A_309 = arith.constant 0 : i32
      %dma_wait3A_310 = tpu.memref_slice %arg9[%add3A_11, %dma_wait3A_309] : memref<10112x64xbf16, #tpu.memory_space<vmem_shared>> -> memref<128x64xbf16, #tpu.memory_space<vmem_shared>>
      %dma_wait3A_311 = arith.constant 0 : i32
      %dma_wait3A_312 = arith.constant 0 : i32
      %dma_wait3A_313 = tpu.memref_slice %arg8[%run_scoped3A_12, %dma_wait3A_311, %dma_wait3A_312] : memref<4x128x64xbf16, #tpu.memory_space<vmem>> -> memref<1x128x64xbf16, #tpu.memory_space<vmem>>
      %dma_wait3A_314 = tpu.memref_squeeze %dma_wait3A_313 : memref<1x128x64xbf16, #tpu.memory_space<vmem>> -> memref<128x64xbf16, #tpu.memory_space<vmem>>
      tpu.wait_dma2 semaphore(%run_scoped3A_291 : memref<!tpu.dma_semaphore, #tpu.memory_space<semaphore_mem>>) src(%dma_wait3A_314 : memref<128x64xbf16, #tpu.memory_space<vmem>>) dst(%dma_wait3A_310 : memref<128x64xbf16, #tpu.memory_space<vmem_shared>>)
      tpu.yield
    }) : () -> ()
    %add3A_13 = arith.constant 384 : i32
    %add3A_14 = arith.addi %mul3A_1, %add3A_13 : i32
    %run_scoped3A_15 = arith.constant 0 : i32
    "tpu.region"() ({
      %run_scoped3A_291 = tpu.sem_alloc : memref<!tpu.dma_semaphore, #tpu.memory_space<semaphore_mem>>
      %dma_start3A_292 = arith.constant 0 : i32
      %dma_start3A_293 = arith.constant 0 : i32
      %dma_start3A_294 = tpu.memref_slice %arg8[%run_scoped3A_15, %dma_start3A_292, %dma_start3A_293] : memref<4x128x64xbf16, #tpu.memory_space<vmem>> -> memref<1x128x64xbf16, #tpu.memory_space<vmem>>
      %dma_start3A_295 = tpu.memref_squeeze %dma_start3A_294 : memref<1x128x64xbf16, #tpu.memory_space<vmem>> -> memref<128x64xbf16, #tpu.memory_space<vmem>>
      %dma_start3A_296 = arith.constant 0 : i32
      %dma_start3A_297 = tpu.memref_slice %arg9[%add3A_14, %dma_start3A_296] : memref<10112x64xbf16, #tpu.memory_space<vmem_shared>> -> memref<128x64xbf16, #tpu.memory_space<vmem_shared>>
      %dma_start3A_298 = arith.constant 0 : i32
      %dma_start3A_299 = tpu.memref_slice %arg9[%add3A_14, %dma_start3A_298] : memref<10112x64xbf16, #tpu.memory_space<vmem_shared>> -> memref<128x64xbf16, #tpu.memory_space<vmem_shared>>
      %dma_start3A_300 = arith.constant 0 : i32
      %dma_start3A_301 = arith.constant 0 : i32
      %dma_start3A_302 = tpu.memref_slice %arg8[%run_scoped3A_15, %dma_start3A_300, %dma_start3A_301] : memref<4x128x64xbf16, #tpu.memory_space<vmem>> -> memref<1x128x64xbf16, #tpu.memory_space<vmem>>
      %dma_start3A_303 = tpu.memref_squeeze %dma_start3A_302 : memref<1x128x64xbf16, #tpu.memory_space<vmem>> -> memref<128x64xbf16, #tpu.memory_space<vmem>>
      tpu.enqueue_dma source(%dma_start3A_303 : memref<128x64xbf16, #tpu.memory_space<vmem>>) target(%dma_start3A_299 : memref<128x64xbf16, #tpu.memory_space<vmem_shared>>) target_semaphore(%run_scoped3A_291 : memref<!tpu.dma_semaphore, #tpu.memory_space<semaphore_mem>>)
      %dma_wait3A = arith.constant 0 : i32
      %dma_wait3A_304 = arith.constant 0 : i32
      %dma_wait3A_305 = tpu.memref_slice %arg8[%run_scoped3A_15, %dma_wait3A, %dma_wait3A_304] : memref<4x128x64xbf16, #tpu.memory_space<vmem>> -> memref<1x128x64xbf16, #tpu.memory_space<vmem>>
      %dma_wait3A_306 = tpu.memref_squeeze %dma_wait3A_305 : memref<1x128x64xbf16, #tpu.memory_space<vmem>> -> memref<128x64xbf16, #tpu.memory_space<vmem>>
      %dma_wait3A_307 = arith.constant 0 : i32
      %dma_wait3A_308 = tpu.memref_slice %arg9[%add3A_14, %dma_wait3A_307] : memref<10112x64xbf16, #tpu.memory_space<vmem_shared>> -> memref<128x64xbf16, #tpu.memory_space<vmem_shared>>
      %dma_wait3A_309 = arith.constant 0 : i32
      %dma_wait3A_310 = tpu.memref_slice %arg9[%add3A_14, %dma_wait3A_309] : memref<10112x64xbf16, #tpu.memory_space<vmem_shared>> -> memref<128x64xbf16, #tpu.memory_space<vmem_shared>>
      %dma_wait3A_311 = arith.constant 0 : i32
      %dma_wait3A_312 = arith.constant 0 : i32
      %dma_wait3A_313 = tpu.memref_slice %arg8[%run_scoped3A_15, %dma_wait3A_311, %dma_wait3A_312] : memref<4x128x64xbf16, #tpu.memory_space<vmem>> -> memref<1x128x64xbf16, #tpu.memory_space<vmem>>
      %dma_wait3A_314 = tpu.memref_squeeze %dma_wait3A_313 : memref<1x128x64xbf16, #tpu.memory_space<vmem>> -> memref<128x64xbf16, #tpu.memory_space<vmem>>
      tpu.wait_dma2 semaphore(%run_scoped3A_291 : memref<!tpu.dma_semaphore, #tpu.memory_space<semaphore_mem>>) src(%dma_wait3A_314 : memref<128x64xbf16, #tpu.memory_space<vmem>>) dst(%dma_wait3A_310 : memref<128x64xbf16, #tpu.memory_space<vmem_shared>>)
      tpu.yield
    }) : () -> ()
    %add3A_16 = arith.constant 512 : i32
    %add3A_17 = arith.addi %mul3A_1, %add3A_16 : i32
    %run_scoped3A_18 = arith.constant 0 : i32
    "tpu.region"() ({
      %run_scoped3A_291 = tpu.sem_alloc : memref<!tpu.dma_semaphore, #tpu.memory_space<semaphore_mem>>
      %dma_start3A_292 = arith.constant 0 : i32
      %dma_start3A_293 = arith.constant 0 : i32
      %dma_start3A_294 = tpu.memref_slice %arg8[%run_scoped3A_18, %dma_start3A_292, %dma_start3A_293] : memref<4x128x64xbf16, #tpu.memory_space<vmem>> -> memref<1x120x64xbf16, #tpu.memory_space<vmem>>
      %dma_start3A_295 = tpu.memref_squeeze %dma_start3A_294 : memref<1x120x64xbf16, #tpu.memory_space<vmem>> -> memref<120x64xbf16, #tpu.memory_space<vmem>>
      %dma_start3A_296 = arith.constant 0 : i32
      %dma_start3A_297 = tpu.memref_slice %arg9[%add3A_17, %dma_start3A_296] : memref<10112x64xbf16, #tpu.memory_space<vmem_shared>> -> memref<120x64xbf16, #tpu.memory_space<vmem_shared>>
      %dma_start3A_298 = arith.constant 0 : i32
      %dma_start3A_299 = tpu.memref_slice %arg9[%add3A_17, %dma_start3A_298] : memref<10112x64xbf16, #tpu.memory_space<vmem_shared>> -> memref<120x64xbf16, #tpu.memory_space<vmem_shared>>
      %dma_start3A_300 = arith.constant 0 : i32
      %dma_start3A_301 = arith.constant 0 : i32
      %dma_start3A_302 = tpu.memref_slice %arg8[%run_scoped3A_18, %dma_start3A_300, %dma_start3A_301] : memref<4x128x64xbf16, #tpu.memory_space<vmem>> -> memref<1x120x64xbf16, #tpu.memory_space<vmem>>
      %dma_start3A_303 = tpu.memref_squeeze %dma_start3A_302 : memref<1x120x64xbf16, #tpu.memory_space<vmem>> -> memref<120x64xbf16, #tpu.memory_space<vmem>>
      tpu.enqueue_dma source(%dma_start3A_303 : memref<120x64xbf16, #tpu.memory_space<vmem>>) target(%dma_start3A_299 : memref<120x64xbf16, #tpu.memory_space<vmem_shared>>) target_semaphore(%run_scoped3A_291 : memref<!tpu.dma_semaphore, #tpu.memory_space<semaphore_mem>>)
      %dma_wait3A = arith.constant 0 : i32
      %dma_wait3A_304 = arith.constant 0 : i32
      %dma_wait3A_305 = tpu.memref_slice %arg8[%run_scoped3A_18, %dma_wait3A, %dma_wait3A_304] : memref<4x128x64xbf16, #tpu.memory_space<vmem>> -> memref<1x120x64xbf16, #tpu.memory_space<vmem>>
      %dma_wait3A_306 = tpu.memref_squeeze %dma_wait3A_305 : memref<1x120x64xbf16, #tpu.memory_space<vmem>> -> memref<120x64xbf16, #tpu.memory_space<vmem>>
      %dma_wait3A_307 = arith.constant 0 : i32
      %dma_wait3A_308 = tpu.memref_slice %arg9[%add3A_17, %dma_wait3A_307] : memref<10112x64xbf16, #tpu.memory_space<vmem_shared>> -> memref<120x64xbf16, #tpu.memory_space<vmem_shared>>
      %dma_wait3A_309 = arith.constant 0 : i32
      %dma_wait3A_310 = tpu.memref_slice %arg9[%add3A_17, %dma_wait3A_309] : memref<10112x64xbf16, #tpu.memory_space<vmem_shared>> -> memref<120x64xbf16, #tpu.memory_space<vmem_shared>>
      %dma_wait3A_311 = arith.constant 0 : i32
      %dma_wait3A_312 = arith.constant 0 : i32
      %dma_wait3A_313 = tpu.memref_slice %arg8[%run_scoped3A_18, %dma_wait3A_311, %dma_wait3A_312] : memref<4x128x64xbf16, #tpu.memory_space<vmem>> -> memref<1x120x64xbf16, #tpu.memory_space<vmem>>
      %dma_wait3A_314 = tpu.memref_squeeze %dma_wait3A_313 : memref<1x120x64xbf16, #tpu.memory_space<vmem>> -> memref<120x64xbf16, #tpu.memory_space<vmem>>
      tpu.wait_dma2 semaphore(%run_scoped3A_291 : memref<!tpu.dma_semaphore, #tpu.memory_space<semaphore_mem>>) src(%dma_wait3A_314 : memref<120x64xbf16, #tpu.memory_space<vmem>>) dst(%dma_wait3A_310 : memref<120x64xbf16, #tpu.memory_space<vmem_shared>>)
      tpu.yield
    }) : () -> ()
    %add3A_19 = arith.constant 0 : i32
    %add3A_20 = arith.addi %mul3A_1, %add3A_19 : i32
    %run_scoped3A_21 = arith.constant 0 : i32
    "tpu.region"() ({
      %run_scoped3A_291 = tpu.sem_alloc : memref<!tpu.dma_semaphore, #tpu.memory_space<semaphore_mem>>
      %dma_start3A_292 = arith.constant 0 : i32
      %dma_start3A_293 = arith.constant 0 : i32
      %dma_start3A_294 = tpu.memref_slice %arg8[%run_scoped3A_21, %dma_start3A_292, %dma_start3A_293] : memref<4x128x64xbf16, #tpu.memory_space<vmem>> -> memref<1x128x64xbf16, #tpu.memory_space<vmem>>
      %dma_start3A_295 = tpu.memref_squeeze %dma_start3A_294 : memref<1x128x64xbf16, #tpu.memory_space<vmem>> -> memref<128x64xbf16, #tpu.memory_space<vmem>>
      %dma_start3A_296 = arith.constant 0 : i32
      %dma_start3A_297 = tpu.memref_slice %arg10[%add3A_20, %dma_start3A_296] : memref<10112x64xbf16, #tpu.memory_space<vmem_shared>> -> memref<128x64xbf16, #tpu.memory_space<vmem_shared>>
      %dma_start3A_298 = arith.constant 0 : i32
      %dma_start3A_299 = tpu.memref_slice %arg10[%add3A_20, %dma_start3A_298] : memref<10112x64xbf16, #tpu.memory_space<vmem_shared>> -> memref<128x64xbf16, #tpu.memory_space<vmem_shared>>
      %dma_start3A_300 = arith.constant 0 : i32
      %dma_start3A_301 = arith.constant 0 : i32
      %dma_start3A_302 = tpu.memref_slice %arg8[%run_scoped3A_21, %dma_start3A_300, %dma_start3A_301] : memref<4x128x64xbf16, #tpu.memory_space<vmem>> -> memref<1x128x64xbf16, #tpu.memory_space<vmem>>
      %dma_start3A_303 = tpu.memref_squeeze %dma_start3A_302 : memref<1x128x64xbf16, #tpu.memory_space<vmem>> -> memref<128x64xbf16, #tpu.memory_space<vmem>>
      tpu.enqueue_dma source(%dma_start3A_303 : memref<128x64xbf16, #tpu.memory_space<vmem>>) target(%dma_start3A_299 : memref<128x64xbf16, #tpu.memory_space<vmem_shared>>) target_semaphore(%run_scoped3A_291 : memref<!tpu.dma_semaphore, #tpu.memory_space<semaphore_mem>>)
      %dma_wait3A = arith.constant 0 : i32
      %dma_wait3A_304 = arith.constant 0 : i32
      %dma_wait3A_305 = tpu.memref_slice %arg8[%run_scoped3A_21, %dma_wait3A, %dma_wait3A_304] : memref<4x128x64xbf16, #tpu.memory_space<vmem>> -> memref<1x128x64xbf16, #tpu.memory_space<vmem>>
      %dma_wait3A_306 = tpu.memref_squeeze %dma_wait3A_305 : memref<1x128x64xbf16, #tpu.memory_space<vmem>> -> memref<128x64xbf16, #tpu.memory_space<vmem>>
      %dma_wait3A_307 = arith.constant 0 : i32
      %dma_wait3A_308 = tpu.memref_slice %arg10[%add3A_20, %dma_wait3A_307] : memref<10112x64xbf16, #tpu.memory_space<vmem_shared>> -> memref<128x64xbf16, #tpu.memory_space<vmem_shared>>
      %dma_wait3A_309 = arith.constant 0 : i32
      %dma_wait3A_310 = tpu.memref_slice %arg10[%add3A_20, %dma_wait3A_309] : memref<10112x64xbf16, #tpu.memory_space<vmem_shared>> -> memref<128x64xbf16, #tpu.memory_space<vmem_shared>>
      %dma_wait3A_311 = arith.constant 0 : i32
      %dma_wait3A_312 = arith.constant 0 : i32
      %dma_wait3A_313 = tpu.memref_slice %arg8[%run_scoped3A_21, %dma_wait3A_311, %dma_wait3A_312] : memref<4x128x64xbf16, #tpu.memory_space<vmem>> -> memref<1x128x64xbf16, #tpu.memory_space<vmem>>
      %dma_wait3A_314 = tpu.memref_squeeze %dma_wait3A_313 : memref<1x128x64xbf16, #tpu.memory_space<vmem>> -> memref<128x64xbf16, #tpu.memory_space<vmem>>
      tpu.wait_dma2 semaphore(%run_scoped3A_291 : memref<!tpu.dma_semaphore, #tpu.memory_space<semaphore_mem>>) src(%dma_wait3A_314 : memref<128x64xbf16, #tpu.memory_space<vmem>>) dst(%dma_wait3A_310 : memref<128x64xbf16, #tpu.memory_space<vmem_shared>>)
      tpu.yield
    }) : () -> ()
    %add3A_22 = arith.constant 128 : i32
    %add3A_23 = arith.addi %mul3A_1, %add3A_22 : i32
    %run_scoped3A_24 = arith.constant 0 : i32
    "tpu.region"() ({
      %run_scoped3A_291 = tpu.sem_alloc : memref<!tpu.dma_semaphore, #tpu.memory_space<semaphore_mem>>
      %dma_start3A_292 = arith.constant 0 : i32
      %dma_start3A_293 = arith.constant 0 : i32
      %dma_start3A_294 = tpu.memref_slice %arg8[%run_scoped3A_24, %dma_start3A_292, %dma_start3A_293] : memref<4x128x64xbf16, #tpu.memory_space<vmem>> -> memref<1x128x64xbf16, #tpu.memory_space<vmem>>
      %dma_start3A_295 = tpu.memref_squeeze %dma_start3A_294 : memref<1x128x64xbf16, #tpu.memory_space<vmem>> -> memref<128x64xbf16, #tpu.memory_space<vmem>>
      %dma_start3A_296 = arith.constant 0 : i32
      %dma_start3A_297 = tpu.memref_slice %arg10[%add3A_23, %dma_start3A_296] : memref<10112x64xbf16, #tpu.memory_space<vmem_shared>> -> memref<128x64xbf16, #tpu.memory_space<vmem_shared>>
      %dma_start3A_298 = arith.constant 0 : i32
      %dma_start3A_299 = tpu.memref_slice %arg10[%add3A_23, %dma_start3A_298] : memref<10112x64xbf16, #tpu.memory_space<vmem_shared>> -> memref<128x64xbf16, #tpu.memory_space<vmem_shared>>
      %dma_start3A_300 = arith.constant 0 : i32
      %dma_start3A_301 = arith.constant 0 : i32
      %dma_start3A_302 = tpu.memref_slice %arg8[%run_scoped3A_24, %dma_start3A_300, %dma_start3A_301] : memref<4x128x64xbf16, #tpu.memory_space<vmem>> -> memref<1x128x64xbf16, #tpu.memory_space<vmem>>
      %dma_start3A_303 = tpu.memref_squeeze %dma_start3A_302 : memref<1x128x64xbf16, #tpu.memory_space<vmem>> -> memref<128x64xbf16, #tpu.memory_space<vmem>>
      tpu.enqueue_dma source(%dma_start3A_303 : memref<128x64xbf16, #tpu.memory_space<vmem>>) target(%dma_start3A_299 : memref<128x64xbf16, #tpu.memory_space<vmem_shared>>) target_semaphore(%run_scoped3A_291 : memref<!tpu.dma_semaphore, #tpu.memory_space<semaphore_mem>>)
      %dma_wait3A = arith.constant 0 : i32
      %dma_wait3A_304 = arith.constant 0 : i32
      %dma_wait3A_305 = tpu.memref_slice %arg8[%run_scoped3A_24, %dma_wait3A, %dma_wait3A_304] : memref<4x128x64xbf16, #tpu.memory_space<vmem>> -> memref<1x128x64xbf16, #tpu.memory_space<vmem>>
      %dma_wait3A_306 = tpu.memref_squeeze %dma_wait3A_305 : memref<1x128x64xbf16, #tpu.memory_space<vmem>> -> memref<128x64xbf16, #tpu.memory_space<vmem>>
      %dma_wait3A_307 = arith.constant 0 : i32
      %dma_wait3A_308 = tpu.memref_slice %arg10[%add3A_23, %dma_wait3A_307] : memref<10112x64xbf16, #tpu.memory_space<vmem_shared>> -> memref<128x64xbf16, #tpu.memory_space<vmem_shared>>
      %dma_wait3A_309 = arith.constant 0 : i32
      %dma_wait3A_310 = tpu.memref_slice %arg10[%add3A_23, %dma_wait3A_309] : memref<10112x64xbf16, #tpu.memory_space<vmem_shared>> -> memref<128x64xbf16, #tpu.memory_space<vmem_shared>>
      %dma_wait3A_311 = arith.constant 0 : i32
      %dma_wait3A_312 = arith.constant 0 : i32
      %dma_wait3A_313 = tpu.memref_slice %arg8[%run_scoped3A_24, %dma_wait3A_311, %dma_wait3A_312] : memref<4x128x64xbf16, #tpu.memory_space<vmem>> -> memref<1x128x64xbf16, #tpu.memory_space<vmem>>
      %dma_wait3A_314 = tpu.memref_squeeze %dma_wait3A_313 : memref<1x128x64xbf16, #tpu.memory_space<vmem>> -> memref<128x64xbf16, #tpu.memory_space<vmem>>
      tpu.wait_dma2 semaphore(%run_scoped3A_291 : memref<!tpu.dma_semaphore, #tpu.memory_space<semaphore_mem>>) src(%dma_wait3A_314 : memref<128x64xbf16, #tpu.memory_space<vmem>>) dst(%dma_wait3A_310 : memref<128x64xbf16, #tpu.memory_space<vmem_shared>>)
      tpu.yield
    }) : () -> ()
    %add3A_25 = arith.constant 256 : i32
    %add3A_26 = arith.addi %mul3A_1, %add3A_25 : i32
    %run_scoped3A_27 = arith.constant 0 : i32
    "tpu.region"() ({
      %run_scoped3A_291 = tpu.sem_alloc : memref<!tpu.dma_semaphore, #tpu.memory_space<semaphore_mem>>
      %dma_start3A_292 = arith.constant 0 : i32
      %dma_start3A_293 = arith.constant 0 : i32
      %dma_start3A_294 = tpu.memref_slice %arg8[%run_scoped3A_27, %dma_start3A_292, %dma_start3A_293] : memref<4x128x64xbf16, #tpu.memory_space<vmem>> -> memref<1x128x64xbf16, #tpu.memory_space<vmem>>
      %dma_start3A_295 = tpu.memref_squeeze %dma_start3A_294 : memref<1x128x64xbf16, #tpu.memory_space<vmem>> -> memref<128x64xbf16, #tpu.memory_space<vmem>>
      %dma_start3A_296 = arith.constant 0 : i32
      %dma_start3A_297 = tpu.memref_slice %arg10[%add3A_26, %dma_start3A_296] : memref<10112x64xbf16, #tpu.memory_space<vmem_shared>> -> memref<128x64xbf16, #tpu.memory_space<vmem_shared>>
      %dma_start3A_298 = arith.constant 0 : i32
      %dma_start3A_299 = tpu.memref_slice %arg10[%add3A_26, %dma_start3A_298] : memref<10112x64xbf16, #tpu.memory_space<vmem_shared>> -> memref<128x64xbf16, #tpu.memory_space<vmem_shared>>
      %dma_start3A_300 = arith.constant 0 : i32
      %dma_start3A_301 = arith.constant 0 : i32
      %dma_start3A_302 = tpu.memref_slice %arg8[%run_scoped3A_27, %dma_start3A_300, %dma_start3A_301] : memref<4x128x64xbf16, #tpu.memory_space<vmem>> -> memref<1x128x64xbf16, #tpu.memory_space<vmem>>
      %dma_start3A_303 = tpu.memref_squeeze %dma_start3A_302 : memref<1x128x64xbf16, #tpu.memory_space<vmem>> -> memref<128x64xbf16, #tpu.memory_space<vmem>>
      tpu.enqueue_dma source(%dma_start3A_303 : memref<128x64xbf16, #tpu.memory_space<vmem>>) target(%dma_start3A_299 : memref<128x64xbf16, #tpu.memory_space<vmem_shared>>) target_semaphore(%run_scoped3A_291 : memref<!tpu.dma_semaphore, #tpu.memory_space<semaphore_mem>>)
      %dma_wait3A = arith.constant 0 : i32
      %dma_wait3A_304 = arith.constant 0 : i32
      %dma_wait3A_305 = tpu.memref_slice %arg8[%run_scoped3A_27, %dma_wait3A, %dma_wait3A_304] : memref<4x128x64xbf16, #tpu.memory_space<vmem>> -> memref<1x128x64xbf16, #tpu.memory_space<vmem>>
      %dma_wait3A_306 = tpu.memref_squeeze %dma_wait3A_305 : memref<1x128x64xbf16, #tpu.memory_space<vmem>> -> memref<128x64xbf16, #tpu.memory_space<vmem>>
      %dma_wait3A_307 = arith.constant 0 : i32
      %dma_wait3A_308 = tpu.memref_slice %arg10[%add3A_26, %dma_wait3A_307] : memref<10112x64xbf16, #tpu.memory_space<vmem_shared>> -> memref<128x64xbf16, #tpu.memory_space<vmem_shared>>
      %dma_wait3A_309 = arith.constant 0 : i32
      %dma_wait3A_310 = tpu.memref_slice %arg10[%add3A_26, %dma_wait3A_309] : memref<10112x64xbf16, #tpu.memory_space<vmem_shared>> -> memref<128x64xbf16, #tpu.memory_space<vmem_shared>>
      %dma_wait3A_311 = arith.constant 0 : i32
      %dma_wait3A_312 = arith.constant 0 : i32
      %dma_wait3A_313 = tpu.memref_slice %arg8[%run_scoped3A_27, %dma_wait3A_311, %dma_wait3A_312] : memref<4x128x64xbf16, #tpu.memory_space<vmem>> -> memref<1x128x64xbf16, #tpu.memory_space<vmem>>
      %dma_wait3A_314 = tpu.memref_squeeze %dma_wait3A_313 : memref<1x128x64xbf16, #tpu.memory_space<vmem>> -> memref<128x64xbf16, #tpu.memory_space<vmem>>
      tpu.wait_dma2 semaphore(%run_scoped3A_291 : memref<!tpu.dma_semaphore, #tpu.memory_space<semaphore_mem>>) src(%dma_wait3A_314 : memref<128x64xbf16, #tpu.memory_space<vmem>>) dst(%dma_wait3A_310 : memref<128x64xbf16, #tpu.memory_space<vmem_shared>>)
      tpu.yield
    }) : () -> ()
    %add3A_28 = arith.constant 384 : i32
    %add3A_29 = arith.addi %mul3A_1, %add3A_28 : i32
    %run_scoped3A_30 = arith.constant 0 : i32
    "tpu.region"() ({
      %run_scoped3A_291 = tpu.sem_alloc : memref<!tpu.dma_semaphore, #tpu.memory_space<semaphore_mem>>
      %dma_start3A_292 = arith.constant 0 : i32
      %dma_start3A_293 = arith.constant 0 : i32
      %dma_start3A_294 = tpu.memref_slice %arg8[%run_scoped3A_30, %dma_start3A_292, %dma_start3A_293] : memref<4x128x64xbf16, #tpu.memory_space<vmem>> -> memref<1x128x64xbf16, #tpu.memory_space<vmem>>
      %dma_start3A_295 = tpu.memref_squeeze %dma_start3A_294 : memref<1x128x64xbf16, #tpu.memory_space<vmem>> -> memref<128x64xbf16, #tpu.memory_space<vmem>>
      %dma_start3A_296 = arith.constant 0 : i32
      %dma_start3A_297 = tpu.memref_slice %arg10[%add3A_29, %dma_start3A_296] : memref<10112x64xbf16, #tpu.memory_space<vmem_shared>> -> memref<128x64xbf16, #tpu.memory_space<vmem_shared>>
      %dma_start3A_298 = arith.constant 0 : i32
      %dma_start3A_299 = tpu.memref_slice %arg10[%add3A_29, %dma_start3A_298] : memref<10112x64xbf16, #tpu.memory_space<vmem_shared>> -> memref<128x64xbf16, #tpu.memory_space<vmem_shared>>
      %dma_start3A_300 = arith.constant 0 : i32
      %dma_start3A_301 = arith.constant 0 : i32
      %dma_start3A_302 = tpu.memref_slice %arg8[%run_scoped3A_30, %dma_start3A_300, %dma_start3A_301] : memref<4x128x64xbf16, #tpu.memory_space<vmem>> -> memref<1x128x64xbf16, #tpu.memory_space<vmem>>
      %dma_start3A_303 = tpu.memref_squeeze %dma_start3A_302 : memref<1x128x64xbf16, #tpu.memory_space<vmem>> -> memref<128x64xbf16, #tpu.memory_space<vmem>>
      tpu.enqueue_dma source(%dma_start3A_303 : memref<128x64xbf16, #tpu.memory_space<vmem>>) target(%dma_start3A_299 : memref<128x64xbf16, #tpu.memory_space<vmem_shared>>) target_semaphore(%run_scoped3A_291 : memref<!tpu.dma_semaphore, #tpu.memory_space<semaphore_mem>>)
      %dma_wait3A = arith.constant 0 : i32
      %dma_wait3A_304 = arith.constant 0 : i32
      %dma_wait3A_305 = tpu.memref_slice %arg8[%run_scoped3A_30, %dma_wait3A, %dma_wait3A_304] : memref<4x128x64xbf16, #tpu.memory_space<vmem>> -> memref<1x128x64xbf16, #tpu.memory_space<vmem>>
      %dma_wait3A_306 = tpu.memref_squeeze %dma_wait3A_305 : memref<1x128x64xbf16, #tpu.memory_space<vmem>> -> memref<128x64xbf16, #tpu.memory_space<vmem>>
      %dma_wait3A_307 = arith.constant 0 : i32
      %dma_wait3A_308 = tpu.memref_slice %arg10[%add3A_29, %dma_wait3A_307] : memref<10112x64xbf16, #tpu.memory_space<vmem_shared>> -> memref<128x64xbf16, #tpu.memory_space<vmem_shared>>
      %dma_wait3A_309 = arith.constant 0 : i32
      %dma_wait3A_310 = tpu.memref_slice %arg10[%add3A_29, %dma_wait3A_309] : memref<10112x64xbf16, #tpu.memory_space<vmem_shared>> -> memref<128x64xbf16, #tpu.memory_space<vmem_shared>>
      %dma_wait3A_311 = arith.constant 0 : i32
      %dma_wait3A_312 = arith.constant 0 : i32
      %dma_wait3A_313 = tpu.memref_slice %arg8[%run_scoped3A_30, %dma_wait3A_311, %dma_wait3A_312] : memref<4x128x64xbf16, #tpu.memory_space<vmem>> -> memref<1x128x64xbf16, #tpu.memory_space<vmem>>
      %dma_wait3A_314 = tpu.memref_squeeze %dma_wait3A_313 : memref<1x128x64xbf16, #tpu.memory_space<vmem>> -> memref<128x64xbf16, #tpu.memory_space<vmem>>
      tpu.wait_dma2 semaphore(%run_scoped3A_291 : memref<!tpu.dma_semaphore, #tpu.memory_space<semaphore_mem>>) src(%dma_wait3A_314 : memref<128x64xbf16, #tpu.memory_space<vmem>>) dst(%dma_wait3A_310 : memref<128x64xbf16, #tpu.memory_space<vmem_shared>>)
      tpu.yield
    }) : () -> ()
    %add3A_31 = arith.constant 512 : i32
    %add3A_32 = arith.addi %mul3A_1, %add3A_31 : i32
    %run_scoped3A_33 = arith.constant 0 : i32
    "tpu.region"() ({
      %run_scoped3A_291 = tpu.sem_alloc : memref<!tpu.dma_semaphore, #tpu.memory_space<semaphore_mem>>
      %dma_start3A_292 = arith.constant 0 : i32
      %dma_start3A_293 = arith.constant 0 : i32
      %dma_start3A_294 = tpu.memref_slice %arg8[%run_scoped3A_33, %dma_start3A_292, %dma_start3A_293] : memref<4x128x64xbf16, #tpu.memory_space<vmem>> -> memref<1x120x64xbf16, #tpu.memory_space<vmem>>
      %dma_start3A_295 = tpu.memref_squeeze %dma_start3A_294 : memref<1x120x64xbf16, #tpu.memory_space<vmem>> -> memref<120x64xbf16, #tpu.memory_space<vmem>>
      %dma_start3A_296 = arith.constant 0 : i32
      %dma_start3A_297 = tpu.memref_slice %arg10[%add3A_32, %dma_start3A_296] : memref<10112x64xbf16, #tpu.memory_space<vmem_shared>> -> memref<120x64xbf16, #tpu.memory_space<vmem_shared>>
      %dma_start3A_298 = arith.constant 0 : i32
      %dma_start3A_299 = tpu.memref_slice %arg10[%add3A_32, %dma_start3A_298] : memref<10112x64xbf16, #tpu.memory_space<vmem_shared>> -> memref<120x64xbf16, #tpu.memory_space<vmem_shared>>
      %dma_start3A_300 = arith.constant 0 : i32
      %dma_start3A_301 = arith.constant 0 : i32
      %dma_start3A_302 = tpu.memref_slice %arg8[%run_scoped3A_33, %dma_start3A_300, %dma_start3A_301] : memref<4x128x64xbf16, #tpu.memory_space<vmem>> -> memref<1x120x64xbf16, #tpu.memory_space<vmem>>
      %dma_start3A_303 = tpu.memref_squeeze %dma_start3A_302 : memref<1x120x64xbf16, #tpu.memory_space<vmem>> -> memref<120x64xbf16, #tpu.memory_space<vmem>>
      tpu.enqueue_dma source(%dma_start3A_303 : memref<120x64xbf16, #tpu.memory_space<vmem>>) target(%dma_start3A_299 : memref<120x64xbf16, #tpu.memory_space<vmem_shared>>) target_semaphore(%run_scoped3A_291 : memref<!tpu.dma_semaphore, #tpu.memory_space<semaphore_mem>>)
      %dma_wait3A = arith.constant 0 : i32
      %dma_wait3A_304 = arith.constant 0 : i32
      %dma_wait3A_305 = tpu.memref_slice %arg8[%run_scoped3A_33, %dma_wait3A, %dma_wait3A_304] : memref<4x128x64xbf16, #tpu.memory_space<vmem>> -> memref<1x120x64xbf16, #tpu.memory_space<vmem>>
      %dma_wait3A_306 = tpu.memref_squeeze %dma_wait3A_305 : memref<1x120x64xbf16, #tpu.memory_space<vmem>> -> memref<120x64xbf16, #tpu.memory_space<vmem>>
      %dma_wait3A_307 = arith.constant 0 : i32
      %dma_wait3A_308 = tpu.memref_slice %arg10[%add3A_32, %dma_wait3A_307] : memref<10112x64xbf16, #tpu.memory_space<vmem_shared>> -> memref<120x64xbf16, #tpu.memory_space<vmem_shared>>
      %dma_wait3A_309 = arith.constant 0 : i32
      %dma_wait3A_310 = tpu.memref_slice %arg10[%add3A_32, %dma_wait3A_309] : memref<10112x64xbf16, #tpu.memory_space<vmem_shared>> -> memref<120x64xbf16, #tpu.memory_space<vmem_shared>>
      %dma_wait3A_311 = arith.constant 0 : i32
      %dma_wait3A_312 = arith.constant 0 : i32
      %dma_wait3A_313 = tpu.memref_slice %arg8[%run_scoped3A_33, %dma_wait3A_311, %dma_wait3A_312] : memref<4x128x64xbf16, #tpu.memory_space<vmem>> -> memref<1x120x64xbf16, #tpu.memory_space<vmem>>
      %dma_wait3A_314 = tpu.memref_squeeze %dma_wait3A_313 : memref<1x120x64xbf16, #tpu.memory_space<vmem>> -> memref<120x64xbf16, #tpu.memory_space<vmem>>
      tpu.wait_dma2 semaphore(%run_scoped3A_291 : memref<!tpu.dma_semaphore, #tpu.memory_space<semaphore_mem>>) src(%dma_wait3A_314 : memref<120x64xbf16, #tpu.memory_space<vmem>>) dst(%dma_wait3A_310 : memref<120x64xbf16, #tpu.memory_space<vmem_shared>>)
      tpu.yield
    }) : () -> ()
    %barrier3A = arith.constant 0 : index
    tpu.barrier barrier_id(%barrier3A)
    %run_scoped3A_34 = arith.constant 0 : i32
    "tpu.region"() ({
      %run_scoped3A_291 = tpu.sem_alloc : memref<!tpu.dma_semaphore, #tpu.memory_space<semaphore_mem>>
      %dma_start3A_292 = arith.constant 0 : i32
      %dma_start3A_293 = arith.constant 0 : i32
      %dma_start3A_294 = tpu.memref_slice %arg3[%arg1, %run_scoped3A_34, %dma_start3A_292, %dma_start3A_293] : memref<16x4x40x128xi32, #tpu.memory_space<hbm>> -> memref<1x1x40x128xi32, #tpu.memory_space<hbm>>
      %dma_start3A_295 = tpu.memref_squeeze %dma_start3A_294 : memref<1x1x40x128xi32, #tpu.memory_space<hbm>> -> memref<40x128xi32, #tpu.memory_space<hbm>>
      %dma_start3A_296 = arith.constant 0 : i32
      %dma_start3A_297 = arith.constant 0 : i32
      %dma_start3A_298 = tpu.memref_slice %arg3[%arg1, %run_scoped3A_34, %dma_start3A_296, %dma_start3A_297] : memref<16x4x40x128xi32, #tpu.memory_space<hbm>> -> memref<1x1x40x128xi32, #tpu.memory_space<hbm>>
      %dma_start3A_299 = tpu.memref_squeeze %dma_start3A_298 : memref<1x1x40x128xi32, #tpu.memory_space<hbm>> -> memref<40x128xi32, #tpu.memory_space<hbm>>
      tpu.enqueue_dma source(%dma_start3A_299 : memref<40x128xi32, #tpu.memory_space<hbm>>) target(%arg6 : memref<40x128xi32, #tpu.memory_space<vmem>>) target_semaphore(%run_scoped3A_291 : memref<!tpu.dma_semaphore, #tpu.memory_space<semaphore_mem>>)
      %dma_wait3A = arith.constant 0 : i32
      %dma_wait3A_300 = arith.constant 0 : i32
      %dma_wait3A_301 = tpu.memref_slice %arg3[%arg1, %run_scoped3A_34, %dma_wait3A, %dma_wait3A_300] : memref<16x4x40x128xi32, #tpu.memory_space<hbm>> -> memref<1x1x40x128xi32, #tpu.memory_space<hbm>>
      %dma_wait3A_302 = tpu.memref_squeeze %dma_wait3A_301 : memref<1x1x40x128xi32, #tpu.memory_space<hbm>> -> memref<40x128xi32, #tpu.memory_space<hbm>>
      %dma_wait3A_303 = arith.constant 0 : i32
      %dma_wait3A_304 = arith.constant 0 : i32
      %dma_wait3A_305 = tpu.memref_slice %arg3[%arg1, %run_scoped3A_34, %dma_wait3A_303, %dma_wait3A_304] : memref<16x4x40x128xi32, #tpu.memory_space<hbm>> -> memref<1x1x40x128xi32, #tpu.memory_space<hbm>>
      %dma_wait3A_306 = tpu.memref_squeeze %dma_wait3A_305 : memref<1x1x40x128xi32, #tpu.memory_space<hbm>> -> memref<40x128xi32, #tpu.memory_space<hbm>>
      tpu.wait_dma2 semaphore(%run_scoped3A_291 : memref<!tpu.dma_semaphore, #tpu.memory_space<semaphore_mem>>) src(%dma_wait3A_306 : memref<40x128xi32, #tpu.memory_space<hbm>>) dst(%arg6 : memref<40x128xi32, #tpu.memory_space<vmem>>)
      tpu.yield
    }) : () -> ()
    %run_scoped3A_35 = arith.constant 0 : i32
    "tpu.region"() ({
      %run_scoped3A_291 = tpu.sem_alloc : memref<!tpu.dma_semaphore, #tpu.memory_space<semaphore_mem>>
      %dma_start3A_292 = arith.constant 0 : i32
      %dma_start3A_293 = arith.constant 0 : i32
      %dma_start3A_294 = tpu.memref_slice %arg4[%arg1, %run_scoped3A_35, %dma_start3A_292, %dma_start3A_293] : memref<16x4x40x128xi32, #tpu.memory_space<hbm>> -> memref<1x1x40x128xi32, #tpu.memory_space<hbm>>
      %dma_start3A_295 = tpu.memref_squeeze %dma_start3A_294 : memref<1x1x40x128xi32, #tpu.memory_space<hbm>> -> memref<40x128xi32, #tpu.memory_space<hbm>>
      %dma_start3A_296 = arith.constant 0 : i32
      %dma_start3A_297 = arith.constant 0 : i32
      %dma_start3A_298 = tpu.memref_slice %arg4[%arg1, %run_scoped3A_35, %dma_start3A_296, %dma_start3A_297] : memref<16x4x40x128xi32, #tpu.memory_space<hbm>> -> memref<1x1x40x128xi32, #tpu.memory_space<hbm>>
      %dma_start3A_299 = tpu.memref_squeeze %dma_start3A_298 : memref<1x1x40x128xi32, #tpu.memory_space<hbm>> -> memref<40x128xi32, #tpu.memory_space<hbm>>
      tpu.enqueue_dma source(%dma_start3A_299 : memref<40x128xi32, #tpu.memory_space<hbm>>) target(%arg7 : memref<40x128xi32, #tpu.memory_space<vmem>>) target_semaphore(%run_scoped3A_291 : memref<!tpu.dma_semaphore, #tpu.memory_space<semaphore_mem>>)
      %dma_wait3A = arith.constant 0 : i32
      %dma_wait3A_300 = arith.constant 0 : i32
      %dma_wait3A_301 = tpu.memref_slice %arg4[%arg1, %run_scoped3A_35, %dma_wait3A, %dma_wait3A_300] : memref<16x4x40x128xi32, #tpu.memory_space<hbm>> -> memref<1x1x40x128xi32, #tpu.memory_space<hbm>>
      %dma_wait3A_302 = tpu.memref_squeeze %dma_wait3A_301 : memref<1x1x40x128xi32, #tpu.memory_space<hbm>> -> memref<40x128xi32, #tpu.memory_space<hbm>>
      %dma_wait3A_303 = arith.constant 0 : i32
      %dma_wait3A_304 = arith.constant 0 : i32
      %dma_wait3A_305 = tpu.memref_slice %arg4[%arg1, %run_scoped3A_35, %dma_wait3A_303, %dma_wait3A_304] : memref<16x4x40x128xi32, #tpu.memory_space<hbm>> -> memref<1x1x40x128xi32, #tpu.memory_space<hbm>>
      %dma_wait3A_306 = tpu.memref_squeeze %dma_wait3A_305 : memref<1x1x40x128xi32, #tpu.memory_space<hbm>> -> memref<40x128xi32, #tpu.memory_space<hbm>>
      tpu.wait_dma2 semaphore(%run_scoped3A_291 : memref<!tpu.dma_semaphore, #tpu.memory_space<semaphore_mem>>) src(%dma_wait3A_306 : memref<40x128xi32, #tpu.memory_space<hbm>>) dst(%arg7 : memref<40x128xi32, #tpu.memory_space<vmem>>)
      tpu.yield
    }) : () -> ()
    %dma_start3A = arith.constant 0 : i32
    %dma_start3A_36 = arith.constant 0 : i32
    %dma_start3A_37 = arith.constant 0 : i32
    %dma_start3A_38 = arith.constant 0 : i32
    %dma_start3A_39 = tpu.memref_slice %arg8[%dma_start3A_36, %dma_start3A_37, %dma_start3A_38] : memref<4x128x64xbf16, #tpu.memory_space<vmem>> -> memref<1x128x64xbf16, #tpu.memory_space<vmem>>
    %dma_start3A_40 = tpu.memref_squeeze %dma_start3A_39 : memref<1x128x64xbf16, #tpu.memory_space<vmem>> -> memref<128x64xbf16, #tpu.memory_space<vmem>>
    %dma_start3A_41 = arith.constant 0 : i32
    %dma_start3A_42 = tpu.memref_slice %arg6[%dma_start3A, %dma_start3A_41] : memref<40x128xi32, #tpu.memory_space<vmem>> -> memref<1x128xi32, #tpu.memory_space<vmem>>
    %dma_start3A_43 = tpu.memref_squeeze %dma_start3A_42 : memref<1x128xi32, #tpu.memory_space<vmem>> -> memref<128xi32, #tpu.memory_space<vmem>>
    %dma_start3A_44 = arith.constant 0 : i32
    %dma_start3A_45 = arith.constant 0 : i32
    %dma_start3A_46 = tpu.memref_slice %arg11[%dma_start3A_44, %dma_start3A_45] : memref<10112x64xbf16, #tpu.memory_space<vmem_shared>> -> memref<10112x64xbf16, #tpu.memory_space<vmem_shared>>
    tpu.enqueue_indirect_dma source(%dma_start3A_46 : memref<10112x64xbf16, #tpu.memory_space<vmem_shared>>) target(%dma_start3A_40 : memref<128x64xbf16, #tpu.memory_space<vmem>>) offsets(%dma_start3A_43 : memref<128xi32, #tpu.memory_space<vmem>>) semaphore(%arg12 : memref<!tpu.dma_semaphore, #tpu.memory_space<semaphore_mem>>)
    %dma_start3A_47 = arith.constant 1 : i32
    %dma_start3A_48 = arith.constant 1 : i32
    %dma_start3A_49 = arith.constant 0 : i32
    %dma_start3A_50 = arith.constant 0 : i32
    %dma_start3A_51 = tpu.memref_slice %arg8[%dma_start3A_48, %dma_start3A_49, %dma_start3A_50] : memref<4x128x64xbf16, #tpu.memory_space<vmem>> -> memref<1x128x64xbf16, #tpu.memory_space<vmem>>
    %dma_start3A_52 = tpu.memref_squeeze %dma_start3A_51 : memref<1x128x64xbf16, #tpu.memory_space<vmem>> -> memref<128x64xbf16, #tpu.memory_space<vmem>>
    %dma_start3A_53 = arith.constant 0 : i32
    %dma_start3A_54 = tpu.memref_slice %arg6[%dma_start3A_47, %dma_start3A_53] : memref<40x128xi32, #tpu.memory_space<vmem>> -> memref<1x128xi32, #tpu.memory_space<vmem>>
    %dma_start3A_55 = tpu.memref_squeeze %dma_start3A_54 : memref<1x128xi32, #tpu.memory_space<vmem>> -> memref<128xi32, #tpu.memory_space<vmem>>
    %dma_start3A_56 = arith.constant 0 : i32
    %dma_start3A_57 = arith.constant 0 : i32
    %dma_start3A_58 = tpu.memref_slice %arg11[%dma_start3A_56, %dma_start3A_57] : memref<10112x64xbf16, #tpu.memory_space<vmem_shared>> -> memref<10112x64xbf16, #tpu.memory_space<vmem_shared>>
    tpu.enqueue_indirect_dma source(%dma_start3A_58 : memref<10112x64xbf16, #tpu.memory_space<vmem_shared>>) target(%dma_start3A_52 : memref<128x64xbf16, #tpu.memory_space<vmem>>) offsets(%dma_start3A_55 : memref<128xi32, #tpu.memory_space<vmem>>) semaphore(%arg13 : memref<!tpu.dma_semaphore, #tpu.memory_space<semaphore_mem>>)
    %dma_start3A_59 = arith.constant 2 : i32
    %dma_start3A_60 = arith.constant 2 : i32
    %dma_start3A_61 = arith.constant 0 : i32
    %dma_start3A_62 = arith.constant 0 : i32
    %dma_start3A_63 = tpu.memref_slice %arg8[%dma_start3A_60, %dma_start3A_61, %dma_start3A_62] : memref<4x128x64xbf16, #tpu.memory_space<vmem>> -> memref<1x128x64xbf16, #tpu.memory_space<vmem>>
    %dma_start3A_64 = tpu.memref_squeeze %dma_start3A_63 : memref<1x128x64xbf16, #tpu.memory_space<vmem>> -> memref<128x64xbf16, #tpu.memory_space<vmem>>
    %dma_start3A_65 = arith.constant 0 : i32
    %dma_start3A_66 = tpu.memref_slice %arg6[%dma_start3A_59, %dma_start3A_65] : memref<40x128xi32, #tpu.memory_space<vmem>> -> memref<1x128xi32, #tpu.memory_space<vmem>>
    %dma_start3A_67 = tpu.memref_squeeze %dma_start3A_66 : memref<1x128xi32, #tpu.memory_space<vmem>> -> memref<128xi32, #tpu.memory_space<vmem>>
    %dma_start3A_68 = arith.constant 0 : i32
    %dma_start3A_69 = arith.constant 0 : i32
    %dma_start3A_70 = tpu.memref_slice %arg11[%dma_start3A_68, %dma_start3A_69] : memref<10112x64xbf16, #tpu.memory_space<vmem_shared>> -> memref<10112x64xbf16, #tpu.memory_space<vmem_shared>>
    tpu.enqueue_indirect_dma source(%dma_start3A_70 : memref<10112x64xbf16, #tpu.memory_space<vmem_shared>>) target(%dma_start3A_64 : memref<128x64xbf16, #tpu.memory_space<vmem>>) offsets(%dma_start3A_67 : memref<128xi32, #tpu.memory_space<vmem>>) semaphore(%arg14 : memref<!tpu.dma_semaphore, #tpu.memory_space<semaphore_mem>>)
    %scan3A_71 = arith.constant 0 : i32
    %scan3A_72 = arith.constant 10 : i32
    %scan3A_73 = arith.addi %scan3A_71, %scan3A_72 : i32
    %scan3A_74 = arith.constant 1 : i32
    scf.for %scan3A_291 = %scan3A_71 to %scan3A_73 step %scan3A_74  : i32 {
      %mul3A_292 = arith.constant 4 : i32
      %mul3A_293 = arith.muli %scan3A_291, %mul3A_292 : i32
      %add3A_294 = arith.constant 0 : i32
      %add3A_295 = arith.addi %mul3A_293, %add3A_294 : i32
      %dma_wait3A = arith.constant 0 : i32
      %dma_wait3A_296 = arith.constant 0 : i32
      %dma_wait3A_297 = arith.constant 0 : i32
      %dma_wait3A_298 = tpu.memref_slice %arg8[%dma_wait3A, %dma_wait3A_296, %dma_wait3A_297] : memref<4x128x64xbf16, #tpu.memory_space<vmem>> -> memref<1x128x64xbf16, #tpu.memory_space<vmem>>
      %dma_wait3A_299 = tpu.memref_squeeze %dma_wait3A_298 : memref<1x128x64xbf16, #tpu.memory_space<vmem>> -> memref<128x64xbf16, #tpu.memory_space<vmem>>
      %dma_wait3A_300 = arith.constant 0 : i32
      %dma_wait3A_301 = tpu.memref_slice %arg6[%add3A_295, %dma_wait3A_300] : memref<40x128xi32, #tpu.memory_space<vmem>> -> memref<1x128xi32, #tpu.memory_space<vmem>>
      %dma_wait3A_302 = tpu.memref_squeeze %dma_wait3A_301 : memref<1x128xi32, #tpu.memory_space<vmem>> -> memref<128xi32, #tpu.memory_space<vmem>>
      %dma_wait3A_303 = arith.constant 0 : i32
      %dma_wait3A_304 = arith.constant 0 : i32
      %dma_wait3A_305 = tpu.memref_slice %arg11[%dma_wait3A_303, %dma_wait3A_304] : memref<10112x64xbf16, #tpu.memory_space<vmem_shared>> -> memref<10112x64xbf16, #tpu.memory_space<vmem_shared>>
      tpu.wait_indirect_dma semaphore(%arg12 : memref<!tpu.dma_semaphore, #tpu.memory_space<semaphore_mem>>) src(%dma_wait3A_305 : memref<10112x64xbf16, #tpu.memory_space<vmem_shared>>) dst(%dma_wait3A_299 : memref<128x64xbf16, #tpu.memory_space<vmem>>)
      %run_scoped3A_306 = arith.constant 0 : i32
      "tpu.region"() ({
        %run_scoped3A_387 = tpu.sem_alloc : memref<!tpu.dma_semaphore, #tpu.memory_space<semaphore_mem>>
        %dma_start3A_388 = arith.constant 0 : i32
        %dma_start3A_389 = arith.constant 0 : i32
        %dma_start3A_390 = tpu.memref_slice %arg8[%run_scoped3A_306, %dma_start3A_388, %dma_start3A_389] : memref<4x128x64xbf16, #tpu.memory_space<vmem>> -> memref<1x128x64xbf16, #tpu.memory_space<vmem>>
        %dma_start3A_391 = tpu.memref_squeeze %dma_start3A_390 : memref<1x128x64xbf16, #tpu.memory_space<vmem>> -> memref<128x64xbf16, #tpu.memory_space<vmem>>
        %dma_start3A_392 = arith.constant 0 : i32
        %dma_start3A_393 = tpu.memref_slice %arg7[%add3A_295, %dma_start3A_392] : memref<40x128xi32, #tpu.memory_space<vmem>> -> memref<1x128xi32, #tpu.memory_space<vmem>>
        %dma_start3A_394 = tpu.memref_squeeze %dma_start3A_393 : memref<1x128xi32, #tpu.memory_space<vmem>> -> memref<128xi32, #tpu.memory_space<vmem>>
        %dma_start3A_395 = arith.constant 0 : i32
        %dma_start3A_396 = arith.constant 0 : i32
        %dma_start3A_397 = tpu.memref_slice %arg9[%dma_start3A_395, %dma_start3A_396] : memref<10112x64xbf16, #tpu.memory_space<vmem_shared>> -> memref<10112x64xbf16, #tpu.memory_space<vmem_shared>>
        tpu.enqueue_indirect_dma source(%dma_start3A_391 : memref<128x64xbf16, #tpu.memory_space<vmem>>) target(%dma_start3A_397 : memref<10112x64xbf16, #tpu.memory_space<vmem_shared>>) offsets(%dma_start3A_394 : memref<128xi32, #tpu.memory_space<vmem>>) semaphore(%run_scoped3A_387 : memref<!tpu.dma_semaphore, #tpu.memory_space<semaphore_mem>>) {add = true}
        %dma_wait3A_398 = arith.constant 0 : i32
        %dma_wait3A_399 = arith.constant 0 : i32
        %dma_wait3A_400 = tpu.memref_slice %arg8[%run_scoped3A_306, %dma_wait3A_398, %dma_wait3A_399] : memref<4x128x64xbf16, #tpu.memory_space<vmem>> -> memref<1x128x64xbf16, #tpu.memory_space<vmem>>
        %dma_wait3A_401 = tpu.memref_squeeze %dma_wait3A_400 : memref<1x128x64xbf16, #tpu.memory_space<vmem>> -> memref<128x64xbf16, #tpu.memory_space<vmem>>
        %dma_wait3A_402 = arith.constant 0 : i32
        %dma_wait3A_403 = tpu.memref_slice %arg7[%add3A_295, %dma_wait3A_402] : memref<40x128xi32, #tpu.memory_space<vmem>> -> memref<1x128xi32, #tpu.memory_space<vmem>>
        %dma_wait3A_404 = tpu.memref_squeeze %dma_wait3A_403 : memref<1x128xi32, #tpu.memory_space<vmem>> -> memref<128xi32, #tpu.memory_space<vmem>>
        %dma_wait3A_405 = arith.constant 0 : i32
        %dma_wait3A_406 = arith.constant 0 : i32
        %dma_wait3A_407 = tpu.memref_slice %arg9[%dma_wait3A_405, %dma_wait3A_406] : memref<10112x64xbf16, #tpu.memory_space<vmem_shared>> -> memref<10112x64xbf16, #tpu.memory_space<vmem_shared>>
        tpu.wait_indirect_dma semaphore(%run_scoped3A_387 : memref<!tpu.dma_semaphore, #tpu.memory_space<semaphore_mem>>) src(%dma_wait3A_401 : memref<128x64xbf16, #tpu.memory_space<vmem>>) dst(%dma_wait3A_407 : memref<10112x64xbf16, #tpu.memory_space<vmem_shared>>)
        tpu.yield
      }) : () -> ()
      %add3A_307 = arith.constant 4 : i32
      %add3A_308 = arith.addi %add3A_295, %add3A_307 : i32
      %sub3A = arith.constant 1 : i32
      %sub3A_309 = arith.subi %add3A_308, %sub3A : i32
      %lt3A = arith.constant 40 : i32
      %lt3A_310 = arith.cmpi slt, %sub3A_309, %lt3A : i32
      %convert_element_type3A = arith.extui %lt3A_310 : i1 to i32
      %cond3A = arith.constant 0 : i32
      %cond3A_311 = arith.cmpi ne, %convert_element_type3A, %cond3A : i32
      scf.if %cond3A_311 {
        %dma_start3A_387 = arith.constant 3 : i32
        %dma_start3A_388 = arith.constant 0 : i32
        %dma_start3A_389 = arith.constant 0 : i32
        %dma_start3A_390 = tpu.memref_slice %arg8[%dma_start3A_387, %dma_start3A_388, %dma_start3A_389] : memref<4x128x64xbf16, #tpu.memory_space<vmem>> -> memref<1x128x64xbf16, #tpu.memory_space<vmem>>
        %dma_start3A_391 = tpu.memref_squeeze %dma_start3A_390 : memref<1x128x64xbf16, #tpu.memory_space<vmem>> -> memref<128x64xbf16, #tpu.memory_space<vmem>>
        %dma_start3A_392 = arith.constant 0 : i32
        %dma_start3A_393 = tpu.memref_slice %arg6[%sub3A_309, %dma_start3A_392] : memref<40x128xi32, #tpu.memory_space<vmem>> -> memref<1x128xi32, #tpu.memory_space<vmem>>
        %dma_start3A_394 = tpu.memref_squeeze %dma_start3A_393 : memref<1x128xi32, #tpu.memory_space<vmem>> -> memref<128xi32, #tpu.memory_space<vmem>>
        %dma_start3A_395 = arith.constant 0 : i32
        %dma_start3A_396 = arith.constant 0 : i32
        %dma_start3A_397 = tpu.memref_slice %arg11[%dma_start3A_395, %dma_start3A_396] : memref<10112x64xbf16, #tpu.memory_space<vmem_shared>> -> memref<10112x64xbf16, #tpu.memory_space<vmem_shared>>
        tpu.enqueue_indirect_dma source(%dma_start3A_397 : memref<10112x64xbf16, #tpu.memory_space<vmem_shared>>) target(%dma_start3A_391 : memref<128x64xbf16, #tpu.memory_space<vmem>>) offsets(%dma_start3A_394 : memref<128xi32, #tpu.memory_space<vmem>>) semaphore(%arg15 : memref<!tpu.dma_semaphore, #tpu.memory_space<semaphore_mem>>)
      } else {
      }
      %mul3A_312 = arith.constant 4 : i32
      %mul3A_313 = arith.muli %scan3A_291, %mul3A_312 : i32
      %add3A_314 = arith.constant 1 : i32
      %add3A_315 = arith.addi %mul3A_313, %add3A_314 : i32
      %dma_wait3A_316 = arith.constant 1 : i32
      %dma_wait3A_317 = arith.constant 0 : i32
      %dma_wait3A_318 = arith.constant 0 : i32
      %dma_wait3A_319 = tpu.memref_slice %arg8[%dma_wait3A_316, %dma_wait3A_317, %dma_wait3A_318] : memref<4x128x64xbf16, #tpu.memory_space<vmem>> -> memref<1x128x64xbf16, #tpu.memory_space<vmem>>
      %dma_wait3A_320 = tpu.memref_squeeze %dma_wait3A_319 : memref<1x128x64xbf16, #tpu.memory_space<vmem>> -> memref<128x64xbf16, #tpu.memory_space<vmem>>
      %dma_wait3A_321 = arith.constant 0 : i32
      %dma_wait3A_322 = tpu.memref_slice %arg6[%add3A_315, %dma_wait3A_321] : memref<40x128xi32, #tpu.memory_space<vmem>> -> memref<1x128xi32, #tpu.memory_space<vmem>>
      %dma_wait3A_323 = tpu.memref_squeeze %dma_wait3A_322 : memref<1x128xi32, #tpu.memory_space<vmem>> -> memref<128xi32, #tpu.memory_space<vmem>>
      %dma_wait3A_324 = arith.constant 0 : i32
      %dma_wait3A_325 = arith.constant 0 : i32
      %dma_wait3A_326 = tpu.memref_slice %arg11[%dma_wait3A_324, %dma_wait3A_325] : memref<10112x64xbf16, #tpu.memory_space<vmem_shared>> -> memref<10112x64xbf16, #tpu.memory_space<vmem_shared>>
      tpu.wait_indirect_dma semaphore(%arg13 : memref<!tpu.dma_semaphore, #tpu.memory_space<semaphore_mem>>) src(%dma_wait3A_326 : memref<10112x64xbf16, #tpu.memory_space<vmem_shared>>) dst(%dma_wait3A_320 : memref<128x64xbf16, #tpu.memory_space<vmem>>)
      %run_scoped3A_327 = arith.constant 1 : i32
      "tpu.region"() ({
        %run_scoped3A_387 = tpu.sem_alloc : memref<!tpu.dma_semaphore, #tpu.memory_space<semaphore_mem>>
        %dma_start3A_388 = arith.constant 0 : i32
        %dma_start3A_389 = arith.constant 0 : i32
        %dma_start3A_390 = tpu.memref_slice %arg8[%run_scoped3A_327, %dma_start3A_388, %dma_start3A_389] : memref<4x128x64xbf16, #tpu.memory_space<vmem>> -> memref<1x128x64xbf16, #tpu.memory_space<vmem>>
        %dma_start3A_391 = tpu.memref_squeeze %dma_start3A_390 : memref<1x128x64xbf16, #tpu.memory_space<vmem>> -> memref<128x64xbf16, #tpu.memory_space<vmem>>
        %dma_start3A_392 = arith.constant 0 : i32
        %dma_start3A_393 = tpu.memref_slice %arg7[%add3A_315, %dma_start3A_392] : memref<40x128xi32, #tpu.memory_space<vmem>> -> memref<1x128xi32, #tpu.memory_space<vmem>>
        %dma_start3A_394 = tpu.memref_squeeze %dma_start3A_393 : memref<1x128xi32, #tpu.memory_space<vmem>> -> memref<128xi32, #tpu.memory_space<vmem>>
        %dma_start3A_395 = arith.constant 0 : i32
        %dma_start3A_396 = arith.constant 0 : i32
        %dma_start3A_397 = tpu.memref_slice %arg10[%dma_start3A_395, %dma_start3A_396] : memref<10112x64xbf16, #tpu.memory_space<vmem_shared>> -> memref<10112x64xbf16, #tpu.memory_space<vmem_shared>>
        tpu.enqueue_indirect_dma source(%dma_start3A_391 : memref<128x64xbf16, #tpu.memory_space<vmem>>) target(%dma_start3A_397 : memref<10112x64xbf16, #tpu.memory_space<vmem_shared>>) offsets(%dma_start3A_394 : memref<128xi32, #tpu.memory_space<vmem>>) semaphore(%run_scoped3A_387 : memref<!tpu.dma_semaphore, #tpu.memory_space<semaphore_mem>>) {add = true}
        %dma_wait3A_398 = arith.constant 0 : i32
        %dma_wait3A_399 = arith.constant 0 : i32
        %dma_wait3A_400 = tpu.memref_slice %arg8[%run_scoped3A_327, %dma_wait3A_398, %dma_wait3A_399] : memref<4x128x64xbf16, #tpu.memory_space<vmem>> -> memref<1x128x64xbf16, #tpu.memory_space<vmem>>
        %dma_wait3A_401 = tpu.memref_squeeze %dma_wait3A_400 : memref<1x128x64xbf16, #tpu.memory_space<vmem>> -> memref<128x64xbf16, #tpu.memory_space<vmem>>
        %dma_wait3A_402 = arith.constant 0 : i32
        %dma_wait3A_403 = tpu.memref_slice %arg7[%add3A_315, %dma_wait3A_402] : memref<40x128xi32, #tpu.memory_space<vmem>> -> memref<1x128xi32, #tpu.memory_space<vmem>>
        %dma_wait3A_404 = tpu.memref_squeeze %dma_wait3A_403 : memref<1x128xi32, #tpu.memory_space<vmem>> -> memref<128xi32, #tpu.memory_space<vmem>>
        %dma_wait3A_405 = arith.constant 0 : i32
        %dma_wait3A_406 = arith.constant 0 : i32
        %dma_wait3A_407 = tpu.memref_slice %arg10[%dma_wait3A_405, %dma_wait3A_406] : memref<10112x64xbf16, #tpu.memory_space<vmem_shared>> -> memref<10112x64xbf16, #tpu.memory_space<vmem_shared>>
        tpu.wait_indirect_dma semaphore(%run_scoped3A_387 : memref<!tpu.dma_semaphore, #tpu.memory_space<semaphore_mem>>) src(%dma_wait3A_401 : memref<128x64xbf16, #tpu.memory_space<vmem>>) dst(%dma_wait3A_407 : memref<10112x64xbf16, #tpu.memory_space<vmem_shared>>)
        tpu.yield
      }) : () -> ()
      %add3A_328 = arith.constant 4 : i32
      %add3A_329 = arith.addi %add3A_315, %add3A_328 : i32
      %sub3A_330 = arith.constant 1 : i32
      %sub3A_331 = arith.subi %add3A_329, %sub3A_330 : i32
      %lt3A_332 = arith.constant 40 : i32
      %lt3A_333 = arith.cmpi slt, %sub3A_331, %lt3A_332 : i32
      %convert_element_type3A_334 = arith.extui %lt3A_333 : i1 to i32
      %cond3A_335 = arith.constant 0 : i32
      %cond3A_336 = arith.cmpi ne, %convert_element_type3A_334, %cond3A_335 : i32
      scf.if %cond3A_336 {
        %dma_start3A_387 = arith.constant 0 : i32
        %dma_start3A_388 = arith.constant 0 : i32
        %dma_start3A_389 = arith.constant 0 : i32
        %dma_start3A_390 = tpu.memref_slice %arg8[%dma_start3A_387, %dma_start3A_388, %dma_start3A_389] : memref<4x128x64xbf16, #tpu.memory_space<vmem>> -> memref<1x128x64xbf16, #tpu.memory_space<vmem>>
        %dma_start3A_391 = tpu.memref_squeeze %dma_start3A_390 : memref<1x128x64xbf16, #tpu.memory_space<vmem>> -> memref<128x64xbf16, #tpu.memory_space<vmem>>
        %dma_start3A_392 = arith.constant 0 : i32
        %dma_start3A_393 = tpu.memref_slice %arg6[%sub3A_331, %dma_start3A_392] : memref<40x128xi32, #tpu.memory_space<vmem>> -> memref<1x128xi32, #tpu.memory_space<vmem>>
        %dma_start3A_394 = tpu.memref_squeeze %dma_start3A_393 : memref<1x128xi32, #tpu.memory_space<vmem>> -> memref<128xi32, #tpu.memory_space<vmem>>
        %dma_start3A_395 = arith.constant 0 : i32
        %dma_start3A_396 = arith.constant 0 : i32
        %dma_start3A_397 = tpu.memref_slice %arg11[%dma_start3A_395, %dma_start3A_396] : memref<10112x64xbf16, #tpu.memory_space<vmem_shared>> -> memref<10112x64xbf16, #tpu.memory_space<vmem_shared>>
        tpu.enqueue_indirect_dma source(%dma_start3A_397 : memref<10112x64xbf16, #tpu.memory_space<vmem_shared>>) target(%dma_start3A_391 : memref<128x64xbf16, #tpu.memory_space<vmem>>) offsets(%dma_start3A_394 : memref<128xi32, #tpu.memory_space<vmem>>) semaphore(%arg12 : memref<!tpu.dma_semaphore, #tpu.memory_space<semaphore_mem>>)
      } else {
      }
      %mul3A_337 = arith.constant 4 : i32
      %mul3A_338 = arith.muli %scan3A_291, %mul3A_337 : i32
      %add3A_339 = arith.constant 2 : i32
      %add3A_340 = arith.addi %mul3A_338, %add3A_339 : i32
      %dma_wait3A_341 = arith.constant 2 : i32
      %dma_wait3A_342 = arith.constant 0 : i32
      %dma_wait3A_343 = arith.constant 0 : i32
      %dma_wait3A_344 = tpu.memref_slice %arg8[%dma_wait3A_341, %dma_wait3A_342, %dma_wait3A_343] : memref<4x128x64xbf16, #tpu.memory_space<vmem>> -> memref<1x128x64xbf16, #tpu.memory_space<vmem>>
      %dma_wait3A_345 = tpu.memref_squeeze %dma_wait3A_344 : memref<1x128x64xbf16, #tpu.memory_space<vmem>> -> memref<128x64xbf16, #tpu.memory_space<vmem>>
      %dma_wait3A_346 = arith.constant 0 : i32
      %dma_wait3A_347 = tpu.memref_slice %arg6[%add3A_340, %dma_wait3A_346] : memref<40x128xi32, #tpu.memory_space<vmem>> -> memref<1x128xi32, #tpu.memory_space<vmem>>
      %dma_wait3A_348 = tpu.memref_squeeze %dma_wait3A_347 : memref<1x128xi32, #tpu.memory_space<vmem>> -> memref<128xi32, #tpu.memory_space<vmem>>
      %dma_wait3A_349 = arith.constant 0 : i32
      %dma_wait3A_350 = arith.constant 0 : i32
      %dma_wait3A_351 = tpu.memref_slice %arg11[%dma_wait3A_349, %dma_wait3A_350] : memref<10112x64xbf16, #tpu.memory_space<vmem_shared>> -> memref<10112x64xbf16, #tpu.memory_space<vmem_shared>>
      tpu.wait_indirect_dma semaphore(%arg14 : memref<!tpu.dma_semaphore, #tpu.memory_space<semaphore_mem>>) src(%dma_wait3A_351 : memref<10112x64xbf16, #tpu.memory_space<vmem_shared>>) dst(%dma_wait3A_345 : memref<128x64xbf16, #tpu.memory_space<vmem>>)
      %run_scoped3A_352 = arith.constant 2 : i32
      "tpu.region"() ({
        %run_scoped3A_387 = tpu.sem_alloc : memref<!tpu.dma_semaphore, #tpu.memory_space<semaphore_mem>>
        %dma_start3A_388 = arith.constant 0 : i32
        %dma_start3A_389 = arith.constant 0 : i32
        %dma_start3A_390 = tpu.memref_slice %arg8[%run_scoped3A_352, %dma_start3A_388, %dma_start3A_389] : memref<4x128x64xbf16, #tpu.memory_space<vmem>> -> memref<1x128x64xbf16, #tpu.memory_space<vmem>>
        %dma_start3A_391 = tpu.memref_squeeze %dma_start3A_390 : memref<1x128x64xbf16, #tpu.memory_space<vmem>> -> memref<128x64xbf16, #tpu.memory_space<vmem>>
        %dma_start3A_392 = arith.constant 0 : i32
        %dma_start3A_393 = tpu.memref_slice %arg7[%add3A_340, %dma_start3A_392] : memref<40x128xi32, #tpu.memory_space<vmem>> -> memref<1x128xi32, #tpu.memory_space<vmem>>
        %dma_start3A_394 = tpu.memref_squeeze %dma_start3A_393 : memref<1x128xi32, #tpu.memory_space<vmem>> -> memref<128xi32, #tpu.memory_space<vmem>>
        %dma_start3A_395 = arith.constant 0 : i32
        %dma_start3A_396 = arith.constant 0 : i32
        %dma_start3A_397 = tpu.memref_slice %arg9[%dma_start3A_395, %dma_start3A_396] : memref<10112x64xbf16, #tpu.memory_space<vmem_shared>> -> memref<10112x64xbf16, #tpu.memory_space<vmem_shared>>
        tpu.enqueue_indirect_dma source(%dma_start3A_391 : memref<128x64xbf16, #tpu.memory_space<vmem>>) target(%dma_start3A_397 : memref<10112x64xbf16, #tpu.memory_space<vmem_shared>>) offsets(%dma_start3A_394 : memref<128xi32, #tpu.memory_space<vmem>>) semaphore(%run_scoped3A_387 : memref<!tpu.dma_semaphore, #tpu.memory_space<semaphore_mem>>) {add = true}
        %dma_wait3A_398 = arith.constant 0 : i32
        %dma_wait3A_399 = arith.constant 0 : i32
        %dma_wait3A_400 = tpu.memref_slice %arg8[%run_scoped3A_352, %dma_wait3A_398, %dma_wait3A_399] : memref<4x128x64xbf16, #tpu.memory_space<vmem>> -> memref<1x128x64xbf16, #tpu.memory_space<vmem>>
        %dma_wait3A_401 = tpu.memref_squeeze %dma_wait3A_400 : memref<1x128x64xbf16, #tpu.memory_space<vmem>> -> memref<128x64xbf16, #tpu.memory_space<vmem>>
        %dma_wait3A_402 = arith.constant 0 : i32
        %dma_wait3A_403 = tpu.memref_slice %arg7[%add3A_340, %dma_wait3A_402] : memref<40x128xi32, #tpu.memory_space<vmem>> -> memref<1x128xi32, #tpu.memory_space<vmem>>
        %dma_wait3A_404 = tpu.memref_squeeze %dma_wait3A_403 : memref<1x128xi32, #tpu.memory_space<vmem>> -> memref<128xi32, #tpu.memory_space<vmem>>
        %dma_wait3A_405 = arith.constant 0 : i32
        %dma_wait3A_406 = arith.constant 0 : i32
        %dma_wait3A_407 = tpu.memref_slice %arg9[%dma_wait3A_405, %dma_wait3A_406] : memref<10112x64xbf16, #tpu.memory_space<vmem_shared>> -> memref<10112x64xbf16, #tpu.memory_space<vmem_shared>>
        tpu.wait_indirect_dma semaphore(%run_scoped3A_387 : memref<!tpu.dma_semaphore, #tpu.memory_space<semaphore_mem>>) src(%dma_wait3A_401 : memref<128x64xbf16, #tpu.memory_space<vmem>>) dst(%dma_wait3A_407 : memref<10112x64xbf16, #tpu.memory_space<vmem_shared>>)
        tpu.yield
      }) : () -> ()
      %add3A_353 = arith.constant 4 : i32
      %add3A_354 = arith.addi %add3A_340, %add3A_353 : i32
      %sub3A_355 = arith.constant 1 : i32
      %sub3A_356 = arith.subi %add3A_354, %sub3A_355 : i32
      %lt3A_357 = arith.constant 40 : i32
      %lt3A_358 = arith.cmpi slt, %sub3A_356, %lt3A_357 : i32
      %convert_element_type3A_359 = arith.extui %lt3A_358 : i1 to i32
      %cond3A_360 = arith.constant 0 : i32
      %cond3A_361 = arith.cmpi ne, %convert_element_type3A_359, %cond3A_360 : i32
      scf.if %cond3A_361 {
        %dma_start3A_387 = arith.constant 1 : i32
        %dma_start3A_388 = arith.constant 0 : i32
        %dma_start3A_389 = arith.constant 0 : i32
        %dma_start3A_390 = tpu.memref_slice %arg8[%dma_start3A_387, %dma_start3A_388, %dma_start3A_389] : memref<4x128x64xbf16, #tpu.memory_space<vmem>> -> memref<1x128x64xbf16, #tpu.memory_space<vmem>>
        %dma_start3A_391 = tpu.memref_squeeze %dma_start3A_390 : memref<1x128x64xbf16, #tpu.memory_space<vmem>> -> memref<128x64xbf16, #tpu.memory_space<vmem>>
        %dma_start3A_392 = arith.constant 0 : i32
        %dma_start3A_393 = tpu.memref_slice %arg6[%sub3A_356, %dma_start3A_392] : memref<40x128xi32, #tpu.memory_space<vmem>> -> memref<1x128xi32, #tpu.memory_space<vmem>>
        %dma_start3A_394 = tpu.memref_squeeze %dma_start3A_393 : memref<1x128xi32, #tpu.memory_space<vmem>> -> memref<128xi32, #tpu.memory_space<vmem>>
        %dma_start3A_395 = arith.constant 0 : i32
        %dma_start3A_396 = arith.constant 0 : i32
        %dma_start3A_397 = tpu.memref_slice %arg11[%dma_start3A_395, %dma_start3A_396] : memref<10112x64xbf16, #tpu.memory_space<vmem_shared>> -> memref<10112x64xbf16, #tpu.memory_space<vmem_shared>>
        tpu.enqueue_indirect_dma source(%dma_start3A_397 : memref<10112x64xbf16, #tpu.memory_space<vmem_shared>>) target(%dma_start3A_391 : memref<128x64xbf16, #tpu.memory_space<vmem>>) offsets(%dma_start3A_394 : memref<128xi32, #tpu.memory_space<vmem>>) semaphore(%arg13 : memref<!tpu.dma_semaphore, #tpu.memory_space<semaphore_mem>>)
      } else {
      }
      %mul3A_362 = arith.constant 4 : i32
      %mul3A_363 = arith.muli %scan3A_291, %mul3A_362 : i32
      %add3A_364 = arith.constant 3 : i32
      %add3A_365 = arith.addi %mul3A_363, %add3A_364 : i32
      %dma_wait3A_366 = arith.constant 3 : i32
      %dma_wait3A_367 = arith.constant 0 : i32
      %dma_wait3A_368 = arith.constant 0 : i32
      %dma_wait3A_369 = tpu.memref_slice %arg8[%dma_wait3A_366, %dma_wait3A_367, %dma_wait3A_368] : memref<4x128x64xbf16, #tpu.memory_space<vmem>> -> memref<1x128x64xbf16, #tpu.memory_space<vmem>>
      %dma_wait3A_370 = tpu.memref_squeeze %dma_wait3A_369 : memref<1x128x64xbf16, #tpu.memory_space<vmem>> -> memref<128x64xbf16, #tpu.memory_space<vmem>>
      %dma_wait3A_371 = arith.constant 0 : i32
      %dma_wait3A_372 = tpu.memref_slice %arg6[%add3A_365, %dma_wait3A_371] : memref<40x128xi32, #tpu.memory_space<vmem>> -> memref<1x128xi32, #tpu.memory_space<vmem>>
      %dma_wait3A_373 = tpu.memref_squeeze %dma_wait3A_372 : memref<1x128xi32, #tpu.memory_space<vmem>> -> memref<128xi32, #tpu.memory_space<vmem>>
      %dma_wait3A_374 = arith.constant 0 : i32
      %dma_wait3A_375 = arith.constant 0 : i32
      %dma_wait3A_376 = tpu.memref_slice %arg11[%dma_wait3A_374, %dma_wait3A_375] : memref<10112x64xbf16, #tpu.memory_space<vmem_shared>> -> memref<10112x64xbf16, #tpu.memory_space<vmem_shared>>
      tpu.wait_indirect_dma semaphore(%arg15 : memref<!tpu.dma_semaphore, #tpu.memory_space<semaphore_mem>>) src(%dma_wait3A_376 : memref<10112x64xbf16, #tpu.memory_space<vmem_shared>>) dst(%dma_wait3A_370 : memref<128x64xbf16, #tpu.memory_space<vmem>>)
      %run_scoped3A_377 = arith.constant 3 : i32
      "tpu.region"() ({
        %run_scoped3A_387 = tpu.sem_alloc : memref<!tpu.dma_semaphore, #tpu.memory_space<semaphore_mem>>
        %dma_start3A_388 = arith.constant 0 : i32
        %dma_start3A_389 = arith.constant 0 : i32
        %dma_start3A_390 = tpu.memref_slice %arg8[%run_scoped3A_377, %dma_start3A_388, %dma_start3A_389] : memref<4x128x64xbf16, #tpu.memory_space<vmem>> -> memref<1x128x64xbf16, #tpu.memory_space<vmem>>
        %dma_start3A_391 = tpu.memref_squeeze %dma_start3A_390 : memref<1x128x64xbf16, #tpu.memory_space<vmem>> -> memref<128x64xbf16, #tpu.memory_space<vmem>>
        %dma_start3A_392 = arith.constant 0 : i32
        %dma_start3A_393 = tpu.memref_slice %arg7[%add3A_365, %dma_start3A_392] : memref<40x128xi32, #tpu.memory_space<vmem>> -> memref<1x128xi32, #tpu.memory_space<vmem>>
        %dma_start3A_394 = tpu.memref_squeeze %dma_start3A_393 : memref<1x128xi32, #tpu.memory_space<vmem>> -> memref<128xi32, #tpu.memory_space<vmem>>
        %dma_start3A_395 = arith.constant 0 : i32
        %dma_start3A_396 = arith.constant 0 : i32
        %dma_start3A_397 = tpu.memref_slice %arg10[%dma_start3A_395, %dma_start3A_396] : memref<10112x64xbf16, #tpu.memory_space<vmem_shared>> -> memref<10112x64xbf16, #tpu.memory_space<vmem_shared>>
        tpu.enqueue_indirect_dma source(%dma_start3A_391 : memref<128x64xbf16, #tpu.memory_space<vmem>>) target(%dma_start3A_397 : memref<10112x64xbf16, #tpu.memory_space<vmem_shared>>) offsets(%dma_start3A_394 : memref<128xi32, #tpu.memory_space<vmem>>) semaphore(%run_scoped3A_387 : memref<!tpu.dma_semaphore, #tpu.memory_space<semaphore_mem>>) {add = true}
        %dma_wait3A_398 = arith.constant 0 : i32
        %dma_wait3A_399 = arith.constant 0 : i32
        %dma_wait3A_400 = tpu.memref_slice %arg8[%run_scoped3A_377, %dma_wait3A_398, %dma_wait3A_399] : memref<4x128x64xbf16, #tpu.memory_space<vmem>> -> memref<1x128x64xbf16, #tpu.memory_space<vmem>>
        %dma_wait3A_401 = tpu.memref_squeeze %dma_wait3A_400 : memref<1x128x64xbf16, #tpu.memory_space<vmem>> -> memref<128x64xbf16, #tpu.memory_space<vmem>>
        %dma_wait3A_402 = arith.constant 0 : i32
        %dma_wait3A_403 = tpu.memref_slice %arg7[%add3A_365, %dma_wait3A_402] : memref<40x128xi32, #tpu.memory_space<vmem>> -> memref<1x128xi32, #tpu.memory_space<vmem>>
        %dma_wait3A_404 = tpu.memref_squeeze %dma_wait3A_403 : memref<1x128xi32, #tpu.memory_space<vmem>> -> memref<128xi32, #tpu.memory_space<vmem>>
        %dma_wait3A_405 = arith.constant 0 : i32
        %dma_wait3A_406 = arith.constant 0 : i32
        %dma_wait3A_407 = tpu.memref_slice %arg10[%dma_wait3A_405, %dma_wait3A_406] : memref<10112x64xbf16, #tpu.memory_space<vmem_shared>> -> memref<10112x64xbf16, #tpu.memory_space<vmem_shared>>
        tpu.wait_indirect_dma semaphore(%run_scoped3A_387 : memref<!tpu.dma_semaphore, #tpu.memory_space<semaphore_mem>>) src(%dma_wait3A_401 : memref<128x64xbf16, #tpu.memory_space<vmem>>) dst(%dma_wait3A_407 : memref<10112x64xbf16, #tpu.memory_space<vmem_shared>>)
        tpu.yield
      }) : () -> ()
      %add3A_378 = arith.constant 4 : i32
      %add3A_379 = arith.addi %add3A_365, %add3A_378 : i32
      %sub3A_380 = arith.constant 1 : i32
      %sub3A_381 = arith.subi %add3A_379, %sub3A_380 : i32
      %lt3A_382 = arith.constant 40 : i32
      %lt3A_383 = arith.cmpi slt, %sub3A_381, %lt3A_382 : i32
      %convert_element_type3A_384 = arith.extui %lt3A_383 : i1 to i32
      %cond3A_385 = arith.constant 0 : i32
      %cond3A_386 = arith.cmpi ne, %convert_element_type3A_384, %cond3A_385 : i32
      scf.if %cond3A_386 {
        %dma_start3A_387 = arith.constant 2 : i32
        %dma_start3A_388 = arith.constant 0 : i32
        %dma_start3A_389 = arith.constant 0 : i32
        %dma_start3A_390 = tpu.memref_slice %arg8[%dma_start3A_387, %dma_start3A_388, %dma_start3A_389] : memref<4x128x64xbf16, #tpu.memory_space<vmem>> -> memref<1x128x64xbf16, #tpu.memory_space<vmem>>
        %dma_start3A_391 = tpu.memref_squeeze %dma_start3A_390 : memref<1x128x64xbf16, #tpu.memory_space<vmem>> -> memref<128x64xbf16, #tpu.memory_space<vmem>>
        %dma_start3A_392 = arith.constant 0 : i32
        %dma_start3A_393 = tpu.memref_slice %arg6[%sub3A_381, %dma_start3A_392] : memref<40x128xi32, #tpu.memory_space<vmem>> -> memref<1x128xi32, #tpu.memory_space<vmem>>
        %dma_start3A_394 = tpu.memref_squeeze %dma_start3A_393 : memref<1x128xi32, #tpu.memory_space<vmem>> -> memref<128xi32, #tpu.memory_space<vmem>>
        %dma_start3A_395 = arith.constant 0 : i32
        %dma_start3A_396 = arith.constant 0 : i32
        %dma_start3A_397 = tpu.memref_slice %arg11[%dma_start3A_395, %dma_start3A_396] : memref<10112x64xbf16, #tpu.memory_space<vmem_shared>> -> memref<10112x64xbf16, #tpu.memory_space<vmem_shared>>
        tpu.enqueue_indirect_dma source(%dma_start3A_397 : memref<10112x64xbf16, #tpu.memory_space<vmem_shared>>) target(%dma_start3A_391 : memref<128x64xbf16, #tpu.memory_space<vmem>>) offsets(%dma_start3A_394 : memref<128xi32, #tpu.memory_space<vmem>>) semaphore(%arg14 : memref<!tpu.dma_semaphore, #tpu.memory_space<semaphore_mem>>)
      } else {
      }
    }
    %scan3A_75 = arith.constant 10 : i32
    %run_scoped3A_76 = arith.constant 1 : i32
    "tpu.region"() ({
      %run_scoped3A_291 = tpu.sem_alloc : memref<!tpu.dma_semaphore, #tpu.memory_space<semaphore_mem>>
      %dma_start3A_292 = arith.constant 0 : i32
      %dma_start3A_293 = arith.constant 0 : i32
      %dma_start3A_294 = tpu.memref_slice %arg3[%arg1, %run_scoped3A_76, %dma_start3A_292, %dma_start3A_293] : memref<16x4x40x128xi32, #tpu.memory_space<hbm>> -> memref<1x1x40x128xi32, #tpu.memory_space<hbm>>
      %dma_start3A_295 = tpu.memref_squeeze %dma_start3A_294 : memref<1x1x40x128xi32, #tpu.memory_space<hbm>> -> memref<40x128xi32, #tpu.memory_space<hbm>>
      %dma_start3A_296 = arith.constant 0 : i32
      %dma_start3A_297 = arith.constant 0 : i32
      %dma_start3A_298 = tpu.memref_slice %arg3[%arg1, %run_scoped3A_76, %dma_start3A_296, %dma_start3A_297] : memref<16x4x40x128xi32, #tpu.memory_space<hbm>> -> memref<1x1x40x128xi32, #tpu.memory_space<hbm>>
      %dma_start3A_299 = tpu.memref_squeeze %dma_start3A_298 : memref<1x1x40x128xi32, #tpu.memory_space<hbm>> -> memref<40x128xi32, #tpu.memory_space<hbm>>
      tpu.enqueue_dma source(%dma_start3A_299 : memref<40x128xi32, #tpu.memory_space<hbm>>) target(%arg6 : memref<40x128xi32, #tpu.memory_space<vmem>>) target_semaphore(%run_scoped3A_291 : memref<!tpu.dma_semaphore, #tpu.memory_space<semaphore_mem>>)
      %dma_wait3A = arith.constant 0 : i32
      %dma_wait3A_300 = arith.constant 0 : i32
      %dma_wait3A_301 = tpu.memref_slice %arg3[%arg1, %run_scoped3A_76, %dma_wait3A, %dma_wait3A_300] : memref<16x4x40x128xi32, #tpu.memory_space<hbm>> -> memref<1x1x40x128xi32, #tpu.memory_space<hbm>>
      %dma_wait3A_302 = tpu.memref_squeeze %dma_wait3A_301 : memref<1x1x40x128xi32, #tpu.memory_space<hbm>> -> memref<40x128xi32, #tpu.memory_space<hbm>>
      %dma_wait3A_303 = arith.constant 0 : i32
      %dma_wait3A_304 = arith.constant 0 : i32
      %dma_wait3A_305 = tpu.memref_slice %arg3[%arg1, %run_scoped3A_76, %dma_wait3A_303, %dma_wait3A_304] : memref<16x4x40x128xi32, #tpu.memory_space<hbm>> -> memref<1x1x40x128xi32, #tpu.memory_space<hbm>>
      %dma_wait3A_306 = tpu.memref_squeeze %dma_wait3A_305 : memref<1x1x40x128xi32, #tpu.memory_space<hbm>> -> memref<40x128xi32, #tpu.memory_space<hbm>>
      tpu.wait_dma2 semaphore(%run_scoped3A_291 : memref<!tpu.dma_semaphore, #tpu.memory_space<semaphore_mem>>) src(%dma_wait3A_306 : memref<40x128xi32, #tpu.memory_space<hbm>>) dst(%arg6 : memref<40x128xi32, #tpu.memory_space<vmem>>)
      tpu.yield
    }) : () -> ()
    %run_scoped3A_77 = arith.constant 1 : i32
    "tpu.region"() ({
      %run_scoped3A_291 = tpu.sem_alloc : memref<!tpu.dma_semaphore, #tpu.memory_space<semaphore_mem>>
      %dma_start3A_292 = arith.constant 0 : i32
      %dma_start3A_293 = arith.constant 0 : i32
      %dma_start3A_294 = tpu.memref_slice %arg4[%arg1, %run_scoped3A_77, %dma_start3A_292, %dma_start3A_293] : memref<16x4x40x128xi32, #tpu.memory_space<hbm>> -> memref<1x1x40x128xi32, #tpu.memory_space<hbm>>
      %dma_start3A_295 = tpu.memref_squeeze %dma_start3A_294 : memref<1x1x40x128xi32, #tpu.memory_space<hbm>> -> memref<40x128xi32, #tpu.memory_space<hbm>>
      %dma_start3A_296 = arith.constant 0 : i32
      %dma_start3A_297 = arith.constant 0 : i32
      %dma_start3A_298 = tpu.memref_slice %arg4[%arg1, %run_scoped3A_77, %dma_start3A_296, %dma_start3A_297] : memref<16x4x40x128xi32, #tpu.memory_space<hbm>> -> memref<1x1x40x128xi32, #tpu.memory_space<hbm>>
      %dma_start3A_299 = tpu.memref_squeeze %dma_start3A_298 : memref<1x1x40x128xi32, #tpu.memory_space<hbm>> -> memref<40x128xi32, #tpu.memory_space<hbm>>
      tpu.enqueue_dma source(%dma_start3A_299 : memref<40x128xi32, #tpu.memory_space<hbm>>) target(%arg7 : memref<40x128xi32, #tpu.memory_space<vmem>>) target_semaphore(%run_scoped3A_291 : memref<!tpu.dma_semaphore, #tpu.memory_space<semaphore_mem>>)
      %dma_wait3A = arith.constant 0 : i32
      %dma_wait3A_300 = arith.constant 0 : i32
      %dma_wait3A_301 = tpu.memref_slice %arg4[%arg1, %run_scoped3A_77, %dma_wait3A, %dma_wait3A_300] : memref<16x4x40x128xi32, #tpu.memory_space<hbm>> -> memref<1x1x40x128xi32, #tpu.memory_space<hbm>>
      %dma_wait3A_302 = tpu.memref_squeeze %dma_wait3A_301 : memref<1x1x40x128xi32, #tpu.memory_space<hbm>> -> memref<40x128xi32, #tpu.memory_space<hbm>>
      %dma_wait3A_303 = arith.constant 0 : i32
      %dma_wait3A_304 = arith.constant 0 : i32
      %dma_wait3A_305 = tpu.memref_slice %arg4[%arg1, %run_scoped3A_77, %dma_wait3A_303, %dma_wait3A_304] : memref<16x4x40x128xi32, #tpu.memory_space<hbm>> -> memref<1x1x40x128xi32, #tpu.memory_space<hbm>>
      %dma_wait3A_306 = tpu.memref_squeeze %dma_wait3A_305 : memref<1x1x40x128xi32, #tpu.memory_space<hbm>> -> memref<40x128xi32, #tpu.memory_space<hbm>>
      tpu.wait_dma2 semaphore(%run_scoped3A_291 : memref<!tpu.dma_semaphore, #tpu.memory_space<semaphore_mem>>) src(%dma_wait3A_306 : memref<40x128xi32, #tpu.memory_space<hbm>>) dst(%arg7 : memref<40x128xi32, #tpu.memory_space<vmem>>)
      tpu.yield
    }) : () -> ()
    %dma_start3A_78 = arith.constant 0 : i32
    %dma_start3A_79 = arith.constant 0 : i32
    %dma_start3A_80 = arith.constant 0 : i32
    %dma_start3A_81 = arith.constant 0 : i32
    %dma_start3A_82 = tpu.memref_slice %arg8[%dma_start3A_79, %dma_start3A_80, %dma_start3A_81] : memref<4x128x64xbf16, #tpu.memory_space<vmem>> -> memref<1x128x64xbf16, #tpu.memory_space<vmem>>
    %dma_start3A_83 = tpu.memref_squeeze %dma_start3A_82 : memref<1x128x64xbf16, #tpu.memory_space<vmem>> -> memref<128x64xbf16, #tpu.memory_space<vmem>>
    %dma_start3A_84 = arith.constant 0 : i32
    %dma_start3A_85 = tpu.memref_slice %arg6[%dma_start3A_78, %dma_start3A_84] : memref<40x128xi32, #tpu.memory_space<vmem>> -> memref<1x128xi32, #tpu.memory_space<vmem>>
    %dma_start3A_86 = tpu.memref_squeeze %dma_start3A_85 : memref<1x128xi32, #tpu.memory_space<vmem>> -> memref<128xi32, #tpu.memory_space<vmem>>
    %dma_start3A_87 = arith.constant 0 : i32
    %dma_start3A_88 = arith.constant 0 : i32
    %dma_start3A_89 = tpu.memref_slice %arg11[%dma_start3A_87, %dma_start3A_88] : memref<10112x64xbf16, #tpu.memory_space<vmem_shared>> -> memref<10112x64xbf16, #tpu.memory_space<vmem_shared>>
    tpu.enqueue_indirect_dma source(%dma_start3A_89 : memref<10112x64xbf16, #tpu.memory_space<vmem_shared>>) target(%dma_start3A_83 : memref<128x64xbf16, #tpu.memory_space<vmem>>) offsets(%dma_start3A_86 : memref<128xi32, #tpu.memory_space<vmem>>) semaphore(%arg12 : memref<!tpu.dma_semaphore, #tpu.memory_space<semaphore_mem>>)
    %dma_start3A_90 = arith.constant 1 : i32
    %dma_start3A_91 = arith.constant 1 : i32
    %dma_start3A_92 = arith.constant 0 : i32
    %dma_start3A_93 = arith.constant 0 : i32
    %dma_start3A_94 = tpu.memref_slice %arg8[%dma_start3A_91, %dma_start3A_92, %dma_start3A_93] : memref<4x128x64xbf16, #tpu.memory_space<vmem>> -> memref<1x128x64xbf16, #tpu.memory_space<vmem>>
    %dma_start3A_95 = tpu.memref_squeeze %dma_start3A_94 : memref<1x128x64xbf16, #tpu.memory_space<vmem>> -> memref<128x64xbf16, #tpu.memory_space<vmem>>
    %dma_start3A_96 = arith.constant 0 : i32
    %dma_start3A_97 = tpu.memref_slice %arg6[%dma_start3A_90, %dma_start3A_96] : memref<40x128xi32, #tpu.memory_space<vmem>> -> memref<1x128xi32, #tpu.memory_space<vmem>>
    %dma_start3A_98 = tpu.memref_squeeze %dma_start3A_97 : memref<1x128xi32, #tpu.memory_space<vmem>> -> memref<128xi32, #tpu.memory_space<vmem>>
    %dma_start3A_99 = arith.constant 0 : i32
    %dma_start3A_100 = arith.constant 0 : i32
    %dma_start3A_101 = tpu.memref_slice %arg11[%dma_start3A_99, %dma_start3A_100] : memref<10112x64xbf16, #tpu.memory_space<vmem_shared>> -> memref<10112x64xbf16, #tpu.memory_space<vmem_shared>>
    tpu.enqueue_indirect_dma source(%dma_start3A_101 : memref<10112x64xbf16, #tpu.memory_space<vmem_shared>>) target(%dma_start3A_95 : memref<128x64xbf16, #tpu.memory_space<vmem>>) offsets(%dma_start3A_98 : memref<128xi32, #tpu.memory_space<vmem>>) semaphore(%arg13 : memref<!tpu.dma_semaphore, #tpu.memory_space<semaphore_mem>>)
    %dma_start3A_102 = arith.constant 2 : i32
    %dma_start3A_103 = arith.constant 2 : i32
    %dma_start3A_104 = arith.constant 0 : i32
    %dma_start3A_105 = arith.constant 0 : i32
    %dma_start3A_106 = tpu.memref_slice %arg8[%dma_start3A_103, %dma_start3A_104, %dma_start3A_105] : memref<4x128x64xbf16, #tpu.memory_space<vmem>> -> memref<1x128x64xbf16, #tpu.memory_space<vmem>>
    %dma_start3A_107 = tpu.memref_squeeze %dma_start3A_106 : memref<1x128x64xbf16, #tpu.memory_space<vmem>> -> memref<128x64xbf16, #tpu.memory_space<vmem>>
    %dma_start3A_108 = arith.constant 0 : i32
    %dma_start3A_109 = tpu.memref_slice %arg6[%dma_start3A_102, %dma_start3A_108] : memref<40x128xi32, #tpu.memory_space<vmem>> -> memref<1x128xi32, #tpu.memory_space<vmem>>
    %dma_start3A_110 = tpu.memref_squeeze %dma_start3A_109 : memref<1x128xi32, #tpu.memory_space<vmem>> -> memref<128xi32, #tpu.memory_space<vmem>>
    %dma_start3A_111 = arith.constant 0 : i32
    %dma_start3A_112 = arith.constant 0 : i32
    %dma_start3A_113 = tpu.memref_slice %arg11[%dma_start3A_111, %dma_start3A_112] : memref<10112x64xbf16, #tpu.memory_space<vmem_shared>> -> memref<10112x64xbf16, #tpu.memory_space<vmem_shared>>
    tpu.enqueue_indirect_dma source(%dma_start3A_113 : memref<10112x64xbf16, #tpu.memory_space<vmem_shared>>) target(%dma_start3A_107 : memref<128x64xbf16, #tpu.memory_space<vmem>>) offsets(%dma_start3A_110 : memref<128xi32, #tpu.memory_space<vmem>>) semaphore(%arg14 : memref<!tpu.dma_semaphore, #tpu.memory_space<semaphore_mem>>)
    %scan3A_114 = arith.constant 0 : i32
    %scan3A_115 = arith.constant 10 : i32
    %scan3A_116 = arith.addi %scan3A_114, %scan3A_115 : i32
    %scan3A_117 = arith.constant 1 : i32
    scf.for %scan3A_291 = %scan3A_114 to %scan3A_116 step %scan3A_117  : i32 {
      %mul3A_292 = arith.constant 4 : i32
      %mul3A_293 = arith.muli %scan3A_291, %mul3A_292 : i32
      %add3A_294 = arith.constant 0 : i32
      %add3A_295 = arith.addi %mul3A_293, %add3A_294 : i32
      %dma_wait3A = arith.constant 0 : i32
      %dma_wait3A_296 = arith.constant 0 : i32
      %dma_wait3A_297 = arith.constant 0 : i32
      %dma_wait3A_298 = tpu.memref_slice %arg8[%dma_wait3A, %dma_wait3A_296, %dma_wait3A_297] : memref<4x128x64xbf16, #tpu.memory_space<vmem>> -> memref<1x128x64xbf16, #tpu.memory_space<vmem>>
      %dma_wait3A_299 = tpu.memref_squeeze %dma_wait3A_298 : memref<1x128x64xbf16, #tpu.memory_space<vmem>> -> memref<128x64xbf16, #tpu.memory_space<vmem>>
      %dma_wait3A_300 = arith.constant 0 : i32
      %dma_wait3A_301 = tpu.memref_slice %arg6[%add3A_295, %dma_wait3A_300] : memref<40x128xi32, #tpu.memory_space<vmem>> -> memref<1x128xi32, #tpu.memory_space<vmem>>
      %dma_wait3A_302 = tpu.memref_squeeze %dma_wait3A_301 : memref<1x128xi32, #tpu.memory_space<vmem>> -> memref<128xi32, #tpu.memory_space<vmem>>
      %dma_wait3A_303 = arith.constant 0 : i32
      %dma_wait3A_304 = arith.constant 0 : i32
      %dma_wait3A_305 = tpu.memref_slice %arg11[%dma_wait3A_303, %dma_wait3A_304] : memref<10112x64xbf16, #tpu.memory_space<vmem_shared>> -> memref<10112x64xbf16, #tpu.memory_space<vmem_shared>>
      tpu.wait_indirect_dma semaphore(%arg12 : memref<!tpu.dma_semaphore, #tpu.memory_space<semaphore_mem>>) src(%dma_wait3A_305 : memref<10112x64xbf16, #tpu.memory_space<vmem_shared>>) dst(%dma_wait3A_299 : memref<128x64xbf16, #tpu.memory_space<vmem>>)
      %run_scoped3A_306 = arith.constant 0 : i32
      "tpu.region"() ({
        %run_scoped3A_387 = tpu.sem_alloc : memref<!tpu.dma_semaphore, #tpu.memory_space<semaphore_mem>>
        %dma_start3A_388 = arith.constant 0 : i32
        %dma_start3A_389 = arith.constant 0 : i32
        %dma_start3A_390 = tpu.memref_slice %arg8[%run_scoped3A_306, %dma_start3A_388, %dma_start3A_389] : memref<4x128x64xbf16, #tpu.memory_space<vmem>> -> memref<1x128x64xbf16, #tpu.memory_space<vmem>>
        %dma_start3A_391 = tpu.memref_squeeze %dma_start3A_390 : memref<1x128x64xbf16, #tpu.memory_space<vmem>> -> memref<128x64xbf16, #tpu.memory_space<vmem>>
        %dma_start3A_392 = arith.constant 0 : i32
        %dma_start3A_393 = tpu.memref_slice %arg7[%add3A_295, %dma_start3A_392] : memref<40x128xi32, #tpu.memory_space<vmem>> -> memref<1x128xi32, #tpu.memory_space<vmem>>
        %dma_start3A_394 = tpu.memref_squeeze %dma_start3A_393 : memref<1x128xi32, #tpu.memory_space<vmem>> -> memref<128xi32, #tpu.memory_space<vmem>>
        %dma_start3A_395 = arith.constant 0 : i32
        %dma_start3A_396 = arith.constant 0 : i32
        %dma_start3A_397 = tpu.memref_slice %arg9[%dma_start3A_395, %dma_start3A_396] : memref<10112x64xbf16, #tpu.memory_space<vmem_shared>> -> memref<10112x64xbf16, #tpu.memory_space<vmem_shared>>
        tpu.enqueue_indirect_dma source(%dma_start3A_391 : memref<128x64xbf16, #tpu.memory_space<vmem>>) target(%dma_start3A_397 : memref<10112x64xbf16, #tpu.memory_space<vmem_shared>>) offsets(%dma_start3A_394 : memref<128xi32, #tpu.memory_space<vmem>>) semaphore(%run_scoped3A_387 : memref<!tpu.dma_semaphore, #tpu.memory_space<semaphore_mem>>) {add = true}
        %dma_wait3A_398 = arith.constant 0 : i32
        %dma_wait3A_399 = arith.constant 0 : i32
        %dma_wait3A_400 = tpu.memref_slice %arg8[%run_scoped3A_306, %dma_wait3A_398, %dma_wait3A_399] : memref<4x128x64xbf16, #tpu.memory_space<vmem>> -> memref<1x128x64xbf16, #tpu.memory_space<vmem>>
        %dma_wait3A_401 = tpu.memref_squeeze %dma_wait3A_400 : memref<1x128x64xbf16, #tpu.memory_space<vmem>> -> memref<128x64xbf16, #tpu.memory_space<vmem>>
        %dma_wait3A_402 = arith.constant 0 : i32
        %dma_wait3A_403 = tpu.memref_slice %arg7[%add3A_295, %dma_wait3A_402] : memref<40x128xi32, #tpu.memory_space<vmem>> -> memref<1x128xi32, #tpu.memory_space<vmem>>
        %dma_wait3A_404 = tpu.memref_squeeze %dma_wait3A_403 : memref<1x128xi32, #tpu.memory_space<vmem>> -> memref<128xi32, #tpu.memory_space<vmem>>
        %dma_wait3A_405 = arith.constant 0 : i32
        %dma_wait3A_406 = arith.constant 0 : i32
        %dma_wait3A_407 = tpu.memref_slice %arg9[%dma_wait3A_405, %dma_wait3A_406] : memref<10112x64xbf16, #tpu.memory_space<vmem_shared>> -> memref<10112x64xbf16, #tpu.memory_space<vmem_shared>>
        tpu.wait_indirect_dma semaphore(%run_scoped3A_387 : memref<!tpu.dma_semaphore, #tpu.memory_space<semaphore_mem>>) src(%dma_wait3A_401 : memref<128x64xbf16, #tpu.memory_space<vmem>>) dst(%dma_wait3A_407 : memref<10112x64xbf16, #tpu.memory_space<vmem_shared>>)
        tpu.yield
      }) : () -> ()
      %add3A_307 = arith.constant 4 : i32
      %add3A_308 = arith.addi %add3A_295, %add3A_307 : i32
      %sub3A = arith.constant 1 : i32
      %sub3A_309 = arith.subi %add3A_308, %sub3A : i32
      %lt3A = arith.constant 40 : i32
      %lt3A_310 = arith.cmpi slt, %sub3A_309, %lt3A : i32
      %convert_element_type3A = arith.extui %lt3A_310 : i1 to i32
      %cond3A = arith.constant 0 : i32
      %cond3A_311 = arith.cmpi ne, %convert_element_type3A, %cond3A : i32
      scf.if %cond3A_311 {
        %dma_start3A_387 = arith.constant 3 : i32
        %dma_start3A_388 = arith.constant 0 : i32
        %dma_start3A_389 = arith.constant 0 : i32
        %dma_start3A_390 = tpu.memref_slice %arg8[%dma_start3A_387, %dma_start3A_388, %dma_start3A_389] : memref<4x128x64xbf16, #tpu.memory_space<vmem>> -> memref<1x128x64xbf16, #tpu.memory_space<vmem>>
        %dma_start3A_391 = tpu.memref_squeeze %dma_start3A_390 : memref<1x128x64xbf16, #tpu.memory_space<vmem>> -> memref<128x64xbf16, #tpu.memory_space<vmem>>
        %dma_start3A_392 = arith.constant 0 : i32
        %dma_start3A_393 = tpu.memref_slice %arg6[%sub3A_309, %dma_start3A_392] : memref<40x128xi32, #tpu.memory_space<vmem>> -> memref<1x128xi32, #tpu.memory_space<vmem>>
        %dma_start3A_394 = tpu.memref_squeeze %dma_start3A_393 : memref<1x128xi32, #tpu.memory_space<vmem>> -> memref<128xi32, #tpu.memory_space<vmem>>
        %dma_start3A_395 = arith.constant 0 : i32
        %dma_start3A_396 = arith.constant 0 : i32
        %dma_start3A_397 = tpu.memref_slice %arg11[%dma_start3A_395, %dma_start3A_396] : memref<10112x64xbf16, #tpu.memory_space<vmem_shared>> -> memref<10112x64xbf16, #tpu.memory_space<vmem_shared>>
        tpu.enqueue_indirect_dma source(%dma_start3A_397 : memref<10112x64xbf16, #tpu.memory_space<vmem_shared>>) target(%dma_start3A_391 : memref<128x64xbf16, #tpu.memory_space<vmem>>) offsets(%dma_start3A_394 : memref<128xi32, #tpu.memory_space<vmem>>) semaphore(%arg15 : memref<!tpu.dma_semaphore, #tpu.memory_space<semaphore_mem>>)
      } else {
      }
      %mul3A_312 = arith.constant 4 : i32
      %mul3A_313 = arith.muli %scan3A_291, %mul3A_312 : i32
      %add3A_314 = arith.constant 1 : i32
      %add3A_315 = arith.addi %mul3A_313, %add3A_314 : i32
      %dma_wait3A_316 = arith.constant 1 : i32
      %dma_wait3A_317 = arith.constant 0 : i32
      %dma_wait3A_318 = arith.constant 0 : i32
      %dma_wait3A_319 = tpu.memref_slice %arg8[%dma_wait3A_316, %dma_wait3A_317, %dma_wait3A_318] : memref<4x128x64xbf16, #tpu.memory_space<vmem>> -> memref<1x128x64xbf16, #tpu.memory_space<vmem>>
      %dma_wait3A_320 = tpu.memref_squeeze %dma_wait3A_319 : memref<1x128x64xbf16, #tpu.memory_space<vmem>> -> memref<128x64xbf16, #tpu.memory_space<vmem>>
      %dma_wait3A_321 = arith.constant 0 : i32
      %dma_wait3A_322 = tpu.memref_slice %arg6[%add3A_315, %dma_wait3A_321] : memref<40x128xi32, #tpu.memory_space<vmem>> -> memref<1x128xi32, #tpu.memory_space<vmem>>
      %dma_wait3A_323 = tpu.memref_squeeze %dma_wait3A_322 : memref<1x128xi32, #tpu.memory_space<vmem>> -> memref<128xi32, #tpu.memory_space<vmem>>
      %dma_wait3A_324 = arith.constant 0 : i32
      %dma_wait3A_325 = arith.constant 0 : i32
      %dma_wait3A_326 = tpu.memref_slice %arg11[%dma_wait3A_324, %dma_wait3A_325] : memref<10112x64xbf16, #tpu.memory_space<vmem_shared>> -> memref<10112x64xbf16, #tpu.memory_space<vmem_shared>>
      tpu.wait_indirect_dma semaphore(%arg13 : memref<!tpu.dma_semaphore, #tpu.memory_space<semaphore_mem>>) src(%dma_wait3A_326 : memref<10112x64xbf16, #tpu.memory_space<vmem_shared>>) dst(%dma_wait3A_320 : memref<128x64xbf16, #tpu.memory_space<vmem>>)
      %run_scoped3A_327 = arith.constant 1 : i32
      "tpu.region"() ({
        %run_scoped3A_387 = tpu.sem_alloc : memref<!tpu.dma_semaphore, #tpu.memory_space<semaphore_mem>>
        %dma_start3A_388 = arith.constant 0 : i32
        %dma_start3A_389 = arith.constant 0 : i32
        %dma_start3A_390 = tpu.memref_slice %arg8[%run_scoped3A_327, %dma_start3A_388, %dma_start3A_389] : memref<4x128x64xbf16, #tpu.memory_space<vmem>> -> memref<1x128x64xbf16, #tpu.memory_space<vmem>>
        %dma_start3A_391 = tpu.memref_squeeze %dma_start3A_390 : memref<1x128x64xbf16, #tpu.memory_space<vmem>> -> memref<128x64xbf16, #tpu.memory_space<vmem>>
        %dma_start3A_392 = arith.constant 0 : i32
        %dma_start3A_393 = tpu.memref_slice %arg7[%add3A_315, %dma_start3A_392] : memref<40x128xi32, #tpu.memory_space<vmem>> -> memref<1x128xi32, #tpu.memory_space<vmem>>
        %dma_start3A_394 = tpu.memref_squeeze %dma_start3A_393 : memref<1x128xi32, #tpu.memory_space<vmem>> -> memref<128xi32, #tpu.memory_space<vmem>>
        %dma_start3A_395 = arith.constant 0 : i32
        %dma_start3A_396 = arith.constant 0 : i32
        %dma_start3A_397 = tpu.memref_slice %arg10[%dma_start3A_395, %dma_start3A_396] : memref<10112x64xbf16, #tpu.memory_space<vmem_shared>> -> memref<10112x64xbf16, #tpu.memory_space<vmem_shared>>
        tpu.enqueue_indirect_dma source(%dma_start3A_391 : memref<128x64xbf16, #tpu.memory_space<vmem>>) target(%dma_start3A_397 : memref<10112x64xbf16, #tpu.memory_space<vmem_shared>>) offsets(%dma_start3A_394 : memref<128xi32, #tpu.memory_space<vmem>>) semaphore(%run_scoped3A_387 : memref<!tpu.dma_semaphore, #tpu.memory_space<semaphore_mem>>) {add = true}
        %dma_wait3A_398 = arith.constant 0 : i32
        %dma_wait3A_399 = arith.constant 0 : i32
        %dma_wait3A_400 = tpu.memref_slice %arg8[%run_scoped3A_327, %dma_wait3A_398, %dma_wait3A_399] : memref<4x128x64xbf16, #tpu.memory_space<vmem>> -> memref<1x128x64xbf16, #tpu.memory_space<vmem>>
        %dma_wait3A_401 = tpu.memref_squeeze %dma_wait3A_400 : memref<1x128x64xbf16, #tpu.memory_space<vmem>> -> memref<128x64xbf16, #tpu.memory_space<vmem>>
        %dma_wait3A_402 = arith.constant 0 : i32
        %dma_wait3A_403 = tpu.memref_slice %arg7[%add3A_315, %dma_wait3A_402] : memref<40x128xi32, #tpu.memory_space<vmem>> -> memref<1x128xi32, #tpu.memory_space<vmem>>
        %dma_wait3A_404 = tpu.memref_squeeze %dma_wait3A_403 : memref<1x128xi32, #tpu.memory_space<vmem>> -> memref<128xi32, #tpu.memory_space<vmem>>
        %dma_wait3A_405 = arith.constant 0 : i32
        %dma_wait3A_406 = arith.constant 0 : i32
        %dma_wait3A_407 = tpu.memref_slice %arg10[%dma_wait3A_405, %dma_wait3A_406] : memref<10112x64xbf16, #tpu.memory_space<vmem_shared>> -> memref<10112x64xbf16, #tpu.memory_space<vmem_shared>>
        tpu.wait_indirect_dma semaphore(%run_scoped3A_387 : memref<!tpu.dma_semaphore, #tpu.memory_space<semaphore_mem>>) src(%dma_wait3A_401 : memref<128x64xbf16, #tpu.memory_space<vmem>>) dst(%dma_wait3A_407 : memref<10112x64xbf16, #tpu.memory_space<vmem_shared>>)
        tpu.yield
      }) : () -> ()
      %add3A_328 = arith.constant 4 : i32
      %add3A_329 = arith.addi %add3A_315, %add3A_328 : i32
      %sub3A_330 = arith.constant 1 : i32
      %sub3A_331 = arith.subi %add3A_329, %sub3A_330 : i32
      %lt3A_332 = arith.constant 40 : i32
      %lt3A_333 = arith.cmpi slt, %sub3A_331, %lt3A_332 : i32
      %convert_element_type3A_334 = arith.extui %lt3A_333 : i1 to i32
      %cond3A_335 = arith.constant 0 : i32
      %cond3A_336 = arith.cmpi ne, %convert_element_type3A_334, %cond3A_335 : i32
      scf.if %cond3A_336 {
        %dma_start3A_387 = arith.constant 0 : i32
        %dma_start3A_388 = arith.constant 0 : i32
        %dma_start3A_389 = arith.constant 0 : i32
        %dma_start3A_390 = tpu.memref_slice %arg8[%dma_start3A_387, %dma_start3A_388, %dma_start3A_389] : memref<4x128x64xbf16, #tpu.memory_space<vmem>> -> memref<1x128x64xbf16, #tpu.memory_space<vmem>>
        %dma_start3A_391 = tpu.memref_squeeze %dma_start3A_390 : memref<1x128x64xbf16, #tpu.memory_space<vmem>> -> memref<128x64xbf16, #tpu.memory_space<vmem>>
        %dma_start3A_392 = arith.constant 0 : i32
        %dma_start3A_393 = tpu.memref_slice %arg6[%sub3A_331, %dma_start3A_392] : memref<40x128xi32, #tpu.memory_space<vmem>> -> memref<1x128xi32, #tpu.memory_space<vmem>>
        %dma_start3A_394 = tpu.memref_squeeze %dma_start3A_393 : memref<1x128xi32, #tpu.memory_space<vmem>> -> memref<128xi32, #tpu.memory_space<vmem>>
        %dma_start3A_395 = arith.constant 0 : i32
        %dma_start3A_396 = arith.constant 0 : i32
        %dma_start3A_397 = tpu.memref_slice %arg11[%dma_start3A_395, %dma_start3A_396] : memref<10112x64xbf16, #tpu.memory_space<vmem_shared>> -> memref<10112x64xbf16, #tpu.memory_space<vmem_shared>>
        tpu.enqueue_indirect_dma source(%dma_start3A_397 : memref<10112x64xbf16, #tpu.memory_space<vmem_shared>>) target(%dma_start3A_391 : memref<128x64xbf16, #tpu.memory_space<vmem>>) offsets(%dma_start3A_394 : memref<128xi32, #tpu.memory_space<vmem>>) semaphore(%arg12 : memref<!tpu.dma_semaphore, #tpu.memory_space<semaphore_mem>>)
      } else {
      }
      %mul3A_337 = arith.constant 4 : i32
      %mul3A_338 = arith.muli %scan3A_291, %mul3A_337 : i32
      %add3A_339 = arith.constant 2 : i32
      %add3A_340 = arith.addi %mul3A_338, %add3A_339 : i32
      %dma_wait3A_341 = arith.constant 2 : i32
      %dma_wait3A_342 = arith.constant 0 : i32
      %dma_wait3A_343 = arith.constant 0 : i32
      %dma_wait3A_344 = tpu.memref_slice %arg8[%dma_wait3A_341, %dma_wait3A_342, %dma_wait3A_343] : memref<4x128x64xbf16, #tpu.memory_space<vmem>> -> memref<1x128x64xbf16, #tpu.memory_space<vmem>>
      %dma_wait3A_345 = tpu.memref_squeeze %dma_wait3A_344 : memref<1x128x64xbf16, #tpu.memory_space<vmem>> -> memref<128x64xbf16, #tpu.memory_space<vmem>>
      %dma_wait3A_346 = arith.constant 0 : i32
      %dma_wait3A_347 = tpu.memref_slice %arg6[%add3A_340, %dma_wait3A_346] : memref<40x128xi32, #tpu.memory_space<vmem>> -> memref<1x128xi32, #tpu.memory_space<vmem>>
      %dma_wait3A_348 = tpu.memref_squeeze %dma_wait3A_347 : memref<1x128xi32, #tpu.memory_space<vmem>> -> memref<128xi32, #tpu.memory_space<vmem>>
      %dma_wait3A_349 = arith.constant 0 : i32
      %dma_wait3A_350 = arith.constant 0 : i32
      %dma_wait3A_351 = tpu.memref_slice %arg11[%dma_wait3A_349, %dma_wait3A_350] : memref<10112x64xbf16, #tpu.memory_space<vmem_shared>> -> memref<10112x64xbf16, #tpu.memory_space<vmem_shared>>
      tpu.wait_indirect_dma semaphore(%arg14 : memref<!tpu.dma_semaphore, #tpu.memory_space<semaphore_mem>>) src(%dma_wait3A_351 : memref<10112x64xbf16, #tpu.memory_space<vmem_shared>>) dst(%dma_wait3A_345 : memref<128x64xbf16, #tpu.memory_space<vmem>>)
      %run_scoped3A_352 = arith.constant 2 : i32
      "tpu.region"() ({
        %run_scoped3A_387 = tpu.sem_alloc : memref<!tpu.dma_semaphore, #tpu.memory_space<semaphore_mem>>
        %dma_start3A_388 = arith.constant 0 : i32
        %dma_start3A_389 = arith.constant 0 : i32
        %dma_start3A_390 = tpu.memref_slice %arg8[%run_scoped3A_352, %dma_start3A_388, %dma_start3A_389] : memref<4x128x64xbf16, #tpu.memory_space<vmem>> -> memref<1x128x64xbf16, #tpu.memory_space<vmem>>
        %dma_start3A_391 = tpu.memref_squeeze %dma_start3A_390 : memref<1x128x64xbf16, #tpu.memory_space<vmem>> -> memref<128x64xbf16, #tpu.memory_space<vmem>>
        %dma_start3A_392 = arith.constant 0 : i32
        %dma_start3A_393 = tpu.memref_slice %arg7[%add3A_340, %dma_start3A_392] : memref<40x128xi32, #tpu.memory_space<vmem>> -> memref<1x128xi32, #tpu.memory_space<vmem>>
        %dma_start3A_394 = tpu.memref_squeeze %dma_start3A_393 : memref<1x128xi32, #tpu.memory_space<vmem>> -> memref<128xi32, #tpu.memory_space<vmem>>
        %dma_start3A_395 = arith.constant 0 : i32
        %dma_start3A_396 = arith.constant 0 : i32
        %dma_start3A_397 = tpu.memref_slice %arg9[%dma_start3A_395, %dma_start3A_396] : memref<10112x64xbf16, #tpu.memory_space<vmem_shared>> -> memref<10112x64xbf16, #tpu.memory_space<vmem_shared>>
        tpu.enqueue_indirect_dma source(%dma_start3A_391 : memref<128x64xbf16, #tpu.memory_space<vmem>>) target(%dma_start3A_397 : memref<10112x64xbf16, #tpu.memory_space<vmem_shared>>) offsets(%dma_start3A_394 : memref<128xi32, #tpu.memory_space<vmem>>) semaphore(%run_scoped3A_387 : memref<!tpu.dma_semaphore, #tpu.memory_space<semaphore_mem>>) {add = true}
        %dma_wait3A_398 = arith.constant 0 : i32
        %dma_wait3A_399 = arith.constant 0 : i32
        %dma_wait3A_400 = tpu.memref_slice %arg8[%run_scoped3A_352, %dma_wait3A_398, %dma_wait3A_399] : memref<4x128x64xbf16, #tpu.memory_space<vmem>> -> memref<1x128x64xbf16, #tpu.memory_space<vmem>>
        %dma_wait3A_401 = tpu.memref_squeeze %dma_wait3A_400 : memref<1x128x64xbf16, #tpu.memory_space<vmem>> -> memref<128x64xbf16, #tpu.memory_space<vmem>>
        %dma_wait3A_402 = arith.constant 0 : i32
        %dma_wait3A_403 = tpu.memref_slice %arg7[%add3A_340, %dma_wait3A_402] : memref<40x128xi32, #tpu.memory_space<vmem>> -> memref<1x128xi32, #tpu.memory_space<vmem>>
        %dma_wait3A_404 = tpu.memref_squeeze %dma_wait3A_403 : memref<1x128xi32, #tpu.memory_space<vmem>> -> memref<128xi32, #tpu.memory_space<vmem>>
        %dma_wait3A_405 = arith.constant 0 : i32
        %dma_wait3A_406 = arith.constant 0 : i32
        %dma_wait3A_407 = tpu.memref_slice %arg9[%dma_wait3A_405, %dma_wait3A_406] : memref<10112x64xbf16, #tpu.memory_space<vmem_shared>> -> memref<10112x64xbf16, #tpu.memory_space<vmem_shared>>
        tpu.wait_indirect_dma semaphore(%run_scoped3A_387 : memref<!tpu.dma_semaphore, #tpu.memory_space<semaphore_mem>>) src(%dma_wait3A_401 : memref<128x64xbf16, #tpu.memory_space<vmem>>) dst(%dma_wait3A_407 : memref<10112x64xbf16, #tpu.memory_space<vmem_shared>>)
        tpu.yield
      }) : () -> ()
      %add3A_353 = arith.constant 4 : i32
      %add3A_354 = arith.addi %add3A_340, %add3A_353 : i32
      %sub3A_355 = arith.constant 1 : i32
      %sub3A_356 = arith.subi %add3A_354, %sub3A_355 : i32
      %lt3A_357 = arith.constant 40 : i32
      %lt3A_358 = arith.cmpi slt, %sub3A_356, %lt3A_357 : i32
      %convert_element_type3A_359 = arith.extui %lt3A_358 : i1 to i32
      %cond3A_360 = arith.constant 0 : i32
      %cond3A_361 = arith.cmpi ne, %convert_element_type3A_359, %cond3A_360 : i32
      scf.if %cond3A_361 {
        %dma_start3A_387 = arith.constant 1 : i32
        %dma_start3A_388 = arith.constant 0 : i32
        %dma_start3A_389 = arith.constant 0 : i32
        %dma_start3A_390 = tpu.memref_slice %arg8[%dma_start3A_387, %dma_start3A_388, %dma_start3A_389] : memref<4x128x64xbf16, #tpu.memory_space<vmem>> -> memref<1x128x64xbf16, #tpu.memory_space<vmem>>
        %dma_start3A_391 = tpu.memref_squeeze %dma_start3A_390 : memref<1x128x64xbf16, #tpu.memory_space<vmem>> -> memref<128x64xbf16, #tpu.memory_space<vmem>>
        %dma_start3A_392 = arith.constant 0 : i32
        %dma_start3A_393 = tpu.memref_slice %arg6[%sub3A_356, %dma_start3A_392] : memref<40x128xi32, #tpu.memory_space<vmem>> -> memref<1x128xi32, #tpu.memory_space<vmem>>
        %dma_start3A_394 = tpu.memref_squeeze %dma_start3A_393 : memref<1x128xi32, #tpu.memory_space<vmem>> -> memref<128xi32, #tpu.memory_space<vmem>>
        %dma_start3A_395 = arith.constant 0 : i32
        %dma_start3A_396 = arith.constant 0 : i32
        %dma_start3A_397 = tpu.memref_slice %arg11[%dma_start3A_395, %dma_start3A_396] : memref<10112x64xbf16, #tpu.memory_space<vmem_shared>> -> memref<10112x64xbf16, #tpu.memory_space<vmem_shared>>
        tpu.enqueue_indirect_dma source(%dma_start3A_397 : memref<10112x64xbf16, #tpu.memory_space<vmem_shared>>) target(%dma_start3A_391 : memref<128x64xbf16, #tpu.memory_space<vmem>>) offsets(%dma_start3A_394 : memref<128xi32, #tpu.memory_space<vmem>>) semaphore(%arg13 : memref<!tpu.dma_semaphore, #tpu.memory_space<semaphore_mem>>)
      } else {
      }
      %mul3A_362 = arith.constant 4 : i32
      %mul3A_363 = arith.muli %scan3A_291, %mul3A_362 : i32
      %add3A_364 = arith.constant 3 : i32
      %add3A_365 = arith.addi %mul3A_363, %add3A_364 : i32
      %dma_wait3A_366 = arith.constant 3 : i32
      %dma_wait3A_367 = arith.constant 0 : i32
      %dma_wait3A_368 = arith.constant 0 : i32
      %dma_wait3A_369 = tpu.memref_slice %arg8[%dma_wait3A_366, %dma_wait3A_367, %dma_wait3A_368] : memref<4x128x64xbf16, #tpu.memory_space<vmem>> -> memref<1x128x64xbf16, #tpu.memory_space<vmem>>
      %dma_wait3A_370 = tpu.memref_squeeze %dma_wait3A_369 : memref<1x128x64xbf16, #tpu.memory_space<vmem>> -> memref<128x64xbf16, #tpu.memory_space<vmem>>
      %dma_wait3A_371 = arith.constant 0 : i32
      %dma_wait3A_372 = tpu.memref_slice %arg6[%add3A_365, %dma_wait3A_371] : memref<40x128xi32, #tpu.memory_space<vmem>> -> memref<1x128xi32, #tpu.memory_space<vmem>>
      %dma_wait3A_373 = tpu.memref_squeeze %dma_wait3A_372 : memref<1x128xi32, #tpu.memory_space<vmem>> -> memref<128xi32, #tpu.memory_space<vmem>>
      %dma_wait3A_374 = arith.constant 0 : i32
      %dma_wait3A_375 = arith.constant 0 : i32
      %dma_wait3A_376 = tpu.memref_slice %arg11[%dma_wait3A_374, %dma_wait3A_375] : memref<10112x64xbf16, #tpu.memory_space<vmem_shared>> -> memref<10112x64xbf16, #tpu.memory_space<vmem_shared>>
      tpu.wait_indirect_dma semaphore(%arg15 : memref<!tpu.dma_semaphore, #tpu.memory_space<semaphore_mem>>) src(%dma_wait3A_376 : memref<10112x64xbf16, #tpu.memory_space<vmem_shared>>) dst(%dma_wait3A_370 : memref<128x64xbf16, #tpu.memory_space<vmem>>)
      %run_scoped3A_377 = arith.constant 3 : i32
      "tpu.region"() ({
        %run_scoped3A_387 = tpu.sem_alloc : memref<!tpu.dma_semaphore, #tpu.memory_space<semaphore_mem>>
        %dma_start3A_388 = arith.constant 0 : i32
        %dma_start3A_389 = arith.constant 0 : i32
        %dma_start3A_390 = tpu.memref_slice %arg8[%run_scoped3A_377, %dma_start3A_388, %dma_start3A_389] : memref<4x128x64xbf16, #tpu.memory_space<vmem>> -> memref<1x128x64xbf16, #tpu.memory_space<vmem>>
        %dma_start3A_391 = tpu.memref_squeeze %dma_start3A_390 : memref<1x128x64xbf16, #tpu.memory_space<vmem>> -> memref<128x64xbf16, #tpu.memory_space<vmem>>
        %dma_start3A_392 = arith.constant 0 : i32
        %dma_start3A_393 = tpu.memref_slice %arg7[%add3A_365, %dma_start3A_392] : memref<40x128xi32, #tpu.memory_space<vmem>> -> memref<1x128xi32, #tpu.memory_space<vmem>>
        %dma_start3A_394 = tpu.memref_squeeze %dma_start3A_393 : memref<1x128xi32, #tpu.memory_space<vmem>> -> memref<128xi32, #tpu.memory_space<vmem>>
        %dma_start3A_395 = arith.constant 0 : i32
        %dma_start3A_396 = arith.constant 0 : i32
        %dma_start3A_397 = tpu.memref_slice %arg10[%dma_start3A_395, %dma_start3A_396] : memref<10112x64xbf16, #tpu.memory_space<vmem_shared>> -> memref<10112x64xbf16, #tpu.memory_space<vmem_shared>>
        tpu.enqueue_indirect_dma source(%dma_start3A_391 : memref<128x64xbf16, #tpu.memory_space<vmem>>) target(%dma_start3A_397 : memref<10112x64xbf16, #tpu.memory_space<vmem_shared>>) offsets(%dma_start3A_394 : memref<128xi32, #tpu.memory_space<vmem>>) semaphore(%run_scoped3A_387 : memref<!tpu.dma_semaphore, #tpu.memory_space<semaphore_mem>>) {add = true}
        %dma_wait3A_398 = arith.constant 0 : i32
        %dma_wait3A_399 = arith.constant 0 : i32
        %dma_wait3A_400 = tpu.memref_slice %arg8[%run_scoped3A_377, %dma_wait3A_398, %dma_wait3A_399] : memref<4x128x64xbf16, #tpu.memory_space<vmem>> -> memref<1x128x64xbf16, #tpu.memory_space<vmem>>
        %dma_wait3A_401 = tpu.memref_squeeze %dma_wait3A_400 : memref<1x128x64xbf16, #tpu.memory_space<vmem>> -> memref<128x64xbf16, #tpu.memory_space<vmem>>
        %dma_wait3A_402 = arith.constant 0 : i32
        %dma_wait3A_403 = tpu.memref_slice %arg7[%add3A_365, %dma_wait3A_402] : memref<40x128xi32, #tpu.memory_space<vmem>> -> memref<1x128xi32, #tpu.memory_space<vmem>>
        %dma_wait3A_404 = tpu.memref_squeeze %dma_wait3A_403 : memref<1x128xi32, #tpu.memory_space<vmem>> -> memref<128xi32, #tpu.memory_space<vmem>>
        %dma_wait3A_405 = arith.constant 0 : i32
        %dma_wait3A_406 = arith.constant 0 : i32
        %dma_wait3A_407 = tpu.memref_slice %arg10[%dma_wait3A_405, %dma_wait3A_406] : memref<10112x64xbf16, #tpu.memory_space<vmem_shared>> -> memref<10112x64xbf16, #tpu.memory_space<vmem_shared>>
        tpu.wait_indirect_dma semaphore(%run_scoped3A_387 : memref<!tpu.dma_semaphore, #tpu.memory_space<semaphore_mem>>) src(%dma_wait3A_401 : memref<128x64xbf16, #tpu.memory_space<vmem>>) dst(%dma_wait3A_407 : memref<10112x64xbf16, #tpu.memory_space<vmem_shared>>)
        tpu.yield
      }) : () -> ()
      %add3A_378 = arith.constant 4 : i32
      %add3A_379 = arith.addi %add3A_365, %add3A_378 : i32
      %sub3A_380 = arith.constant 1 : i32
      %sub3A_381 = arith.subi %add3A_379, %sub3A_380 : i32
      %lt3A_382 = arith.constant 40 : i32
      %lt3A_383 = arith.cmpi slt, %sub3A_381, %lt3A_382 : i32
      %convert_element_type3A_384 = arith.extui %lt3A_383 : i1 to i32
      %cond3A_385 = arith.constant 0 : i32
      %cond3A_386 = arith.cmpi ne, %convert_element_type3A_384, %cond3A_385 : i32
      scf.if %cond3A_386 {
        %dma_start3A_387 = arith.constant 2 : i32
        %dma_start3A_388 = arith.constant 0 : i32
        %dma_start3A_389 = arith.constant 0 : i32
        %dma_start3A_390 = tpu.memref_slice %arg8[%dma_start3A_387, %dma_start3A_388, %dma_start3A_389] : memref<4x128x64xbf16, #tpu.memory_space<vmem>> -> memref<1x128x64xbf16, #tpu.memory_space<vmem>>
        %dma_start3A_391 = tpu.memref_squeeze %dma_start3A_390 : memref<1x128x64xbf16, #tpu.memory_space<vmem>> -> memref<128x64xbf16, #tpu.memory_space<vmem>>
        %dma_start3A_392 = arith.constant 0 : i32
        %dma_start3A_393 = tpu.memref_slice %arg6[%sub3A_381, %dma_start3A_392] : memref<40x128xi32, #tpu.memory_space<vmem>> -> memref<1x128xi32, #tpu.memory_space<vmem>>
        %dma_start3A_394 = tpu.memref_squeeze %dma_start3A_393 : memref<1x128xi32, #tpu.memory_space<vmem>> -> memref<128xi32, #tpu.memory_space<vmem>>
        %dma_start3A_395 = arith.constant 0 : i32
        %dma_start3A_396 = arith.constant 0 : i32
        %dma_start3A_397 = tpu.memref_slice %arg11[%dma_start3A_395, %dma_start3A_396] : memref<10112x64xbf16, #tpu.memory_space<vmem_shared>> -> memref<10112x64xbf16, #tpu.memory_space<vmem_shared>>
        tpu.enqueue_indirect_dma source(%dma_start3A_397 : memref<10112x64xbf16, #tpu.memory_space<vmem_shared>>) target(%dma_start3A_391 : memref<128x64xbf16, #tpu.memory_space<vmem>>) offsets(%dma_start3A_394 : memref<128xi32, #tpu.memory_space<vmem>>) semaphore(%arg14 : memref<!tpu.dma_semaphore, #tpu.memory_space<semaphore_mem>>)
      } else {
      }
    }
    %scan3A_118 = arith.constant 10 : i32
    %run_scoped3A_119 = arith.constant 2 : i32
    "tpu.region"() ({
      %run_scoped3A_291 = tpu.sem_alloc : memref<!tpu.dma_semaphore, #tpu.memory_space<semaphore_mem>>
      %dma_start3A_292 = arith.constant 0 : i32
      %dma_start3A_293 = arith.constant 0 : i32
      %dma_start3A_294 = tpu.memref_slice %arg3[%arg1, %run_scoped3A_119, %dma_start3A_292, %dma_start3A_293] : memref<16x4x40x128xi32, #tpu.memory_space<hbm>> -> memref<1x1x40x128xi32, #tpu.memory_space<hbm>>
      %dma_start3A_295 = tpu.memref_squeeze %dma_start3A_294 : memref<1x1x40x128xi32, #tpu.memory_space<hbm>> -> memref<40x128xi32, #tpu.memory_space<hbm>>
      %dma_start3A_296 = arith.constant 0 : i32
      %dma_start3A_297 = arith.constant 0 : i32
      %dma_start3A_298 = tpu.memref_slice %arg3[%arg1, %run_scoped3A_119, %dma_start3A_296, %dma_start3A_297] : memref<16x4x40x128xi32, #tpu.memory_space<hbm>> -> memref<1x1x40x128xi32, #tpu.memory_space<hbm>>
      %dma_start3A_299 = tpu.memref_squeeze %dma_start3A_298 : memref<1x1x40x128xi32, #tpu.memory_space<hbm>> -> memref<40x128xi32, #tpu.memory_space<hbm>>
      tpu.enqueue_dma source(%dma_start3A_299 : memref<40x128xi32, #tpu.memory_space<hbm>>) target(%arg6 : memref<40x128xi32, #tpu.memory_space<vmem>>) target_semaphore(%run_scoped3A_291 : memref<!tpu.dma_semaphore, #tpu.memory_space<semaphore_mem>>)
      %dma_wait3A = arith.constant 0 : i32
      %dma_wait3A_300 = arith.constant 0 : i32
      %dma_wait3A_301 = tpu.memref_slice %arg3[%arg1, %run_scoped3A_119, %dma_wait3A, %dma_wait3A_300] : memref<16x4x40x128xi32, #tpu.memory_space<hbm>> -> memref<1x1x40x128xi32, #tpu.memory_space<hbm>>
      %dma_wait3A_302 = tpu.memref_squeeze %dma_wait3A_301 : memref<1x1x40x128xi32, #tpu.memory_space<hbm>> -> memref<40x128xi32, #tpu.memory_space<hbm>>
      %dma_wait3A_303 = arith.constant 0 : i32
      %dma_wait3A_304 = arith.constant 0 : i32
      %dma_wait3A_305 = tpu.memref_slice %arg3[%arg1, %run_scoped3A_119, %dma_wait3A_303, %dma_wait3A_304] : memref<16x4x40x128xi32, #tpu.memory_space<hbm>> -> memref<1x1x40x128xi32, #tpu.memory_space<hbm>>
      %dma_wait3A_306 = tpu.memref_squeeze %dma_wait3A_305 : memref<1x1x40x128xi32, #tpu.memory_space<hbm>> -> memref<40x128xi32, #tpu.memory_space<hbm>>
      tpu.wait_dma2 semaphore(%run_scoped3A_291 : memref<!tpu.dma_semaphore, #tpu.memory_space<semaphore_mem>>) src(%dma_wait3A_306 : memref<40x128xi32, #tpu.memory_space<hbm>>) dst(%arg6 : memref<40x128xi32, #tpu.memory_space<vmem>>)
      tpu.yield
    }) : () -> ()
    %run_scoped3A_120 = arith.constant 2 : i32
    "tpu.region"() ({
      %run_scoped3A_291 = tpu.sem_alloc : memref<!tpu.dma_semaphore, #tpu.memory_space<semaphore_mem>>
      %dma_start3A_292 = arith.constant 0 : i32
      %dma_start3A_293 = arith.constant 0 : i32
      %dma_start3A_294 = tpu.memref_slice %arg4[%arg1, %run_scoped3A_120, %dma_start3A_292, %dma_start3A_293] : memref<16x4x40x128xi32, #tpu.memory_space<hbm>> -> memref<1x1x40x128xi32, #tpu.memory_space<hbm>>
      %dma_start3A_295 = tpu.memref_squeeze %dma_start3A_294 : memref<1x1x40x128xi32, #tpu.memory_space<hbm>> -> memref<40x128xi32, #tpu.memory_space<hbm>>
      %dma_start3A_296 = arith.constant 0 : i32
      %dma_start3A_297 = arith.constant 0 : i32
      %dma_start3A_298 = tpu.memref_slice %arg4[%arg1, %run_scoped3A_120, %dma_start3A_296, %dma_start3A_297] : memref<16x4x40x128xi32, #tpu.memory_space<hbm>> -> memref<1x1x40x128xi32, #tpu.memory_space<hbm>>
      %dma_start3A_299 = tpu.memref_squeeze %dma_start3A_298 : memref<1x1x40x128xi32, #tpu.memory_space<hbm>> -> memref<40x128xi32, #tpu.memory_space<hbm>>
      tpu.enqueue_dma source(%dma_start3A_299 : memref<40x128xi32, #tpu.memory_space<hbm>>) target(%arg7 : memref<40x128xi32, #tpu.memory_space<vmem>>) target_semaphore(%run_scoped3A_291 : memref<!tpu.dma_semaphore, #tpu.memory_space<semaphore_mem>>)
      %dma_wait3A = arith.constant 0 : i32
      %dma_wait3A_300 = arith.constant 0 : i32
      %dma_wait3A_301 = tpu.memref_slice %arg4[%arg1, %run_scoped3A_120, %dma_wait3A, %dma_wait3A_300] : memref<16x4x40x128xi32, #tpu.memory_space<hbm>> -> memref<1x1x40x128xi32, #tpu.memory_space<hbm>>
      %dma_wait3A_302 = tpu.memref_squeeze %dma_wait3A_301 : memref<1x1x40x128xi32, #tpu.memory_space<hbm>> -> memref<40x128xi32, #tpu.memory_space<hbm>>
      %dma_wait3A_303 = arith.constant 0 : i32
      %dma_wait3A_304 = arith.constant 0 : i32
      %dma_wait3A_305 = tpu.memref_slice %arg4[%arg1, %run_scoped3A_120, %dma_wait3A_303, %dma_wait3A_304] : memref<16x4x40x128xi32, #tpu.memory_space<hbm>> -> memref<1x1x40x128xi32, #tpu.memory_space<hbm>>
      %dma_wait3A_306 = tpu.memref_squeeze %dma_wait3A_305 : memref<1x1x40x128xi32, #tpu.memory_space<hbm>> -> memref<40x128xi32, #tpu.memory_space<hbm>>
      tpu.wait_dma2 semaphore(%run_scoped3A_291 : memref<!tpu.dma_semaphore, #tpu.memory_space<semaphore_mem>>) src(%dma_wait3A_306 : memref<40x128xi32, #tpu.memory_space<hbm>>) dst(%arg7 : memref<40x128xi32, #tpu.memory_space<vmem>>)
      tpu.yield
    }) : () -> ()
    %dma_start3A_121 = arith.constant 0 : i32
    %dma_start3A_122 = arith.constant 0 : i32
    %dma_start3A_123 = arith.constant 0 : i32
    %dma_start3A_124 = arith.constant 0 : i32
    %dma_start3A_125 = tpu.memref_slice %arg8[%dma_start3A_122, %dma_start3A_123, %dma_start3A_124] : memref<4x128x64xbf16, #tpu.memory_space<vmem>> -> memref<1x128x64xbf16, #tpu.memory_space<vmem>>
    %dma_start3A_126 = tpu.memref_squeeze %dma_start3A_125 : memref<1x128x64xbf16, #tpu.memory_space<vmem>> -> memref<128x64xbf16, #tpu.memory_space<vmem>>
    %dma_start3A_127 = arith.constant 0 : i32
    %dma_start3A_128 = tpu.memref_slice %arg6[%dma_start3A_121, %dma_start3A_127] : memref<40x128xi32, #tpu.memory_space<vmem>> -> memref<1x128xi32, #tpu.memory_space<vmem>>
    %dma_start3A_129 = tpu.memref_squeeze %dma_start3A_128 : memref<1x128xi32, #tpu.memory_space<vmem>> -> memref<128xi32, #tpu.memory_space<vmem>>
    %dma_start3A_130 = arith.constant 0 : i32
    %dma_start3A_131 = arith.constant 0 : i32
    %dma_start3A_132 = tpu.memref_slice %arg11[%dma_start3A_130, %dma_start3A_131] : memref<10112x64xbf16, #tpu.memory_space<vmem_shared>> -> memref<10112x64xbf16, #tpu.memory_space<vmem_shared>>
    tpu.enqueue_indirect_dma source(%dma_start3A_132 : memref<10112x64xbf16, #tpu.memory_space<vmem_shared>>) target(%dma_start3A_126 : memref<128x64xbf16, #tpu.memory_space<vmem>>) offsets(%dma_start3A_129 : memref<128xi32, #tpu.memory_space<vmem>>) semaphore(%arg12 : memref<!tpu.dma_semaphore, #tpu.memory_space<semaphore_mem>>)
    %dma_start3A_133 = arith.constant 1 : i32
    %dma_start3A_134 = arith.constant 1 : i32
    %dma_start3A_135 = arith.constant 0 : i32
    %dma_start3A_136 = arith.constant 0 : i32
    %dma_start3A_137 = tpu.memref_slice %arg8[%dma_start3A_134, %dma_start3A_135, %dma_start3A_136] : memref<4x128x64xbf16, #tpu.memory_space<vmem>> -> memref<1x128x64xbf16, #tpu.memory_space<vmem>>
    %dma_start3A_138 = tpu.memref_squeeze %dma_start3A_137 : memref<1x128x64xbf16, #tpu.memory_space<vmem>> -> memref<128x64xbf16, #tpu.memory_space<vmem>>
    %dma_start3A_139 = arith.constant 0 : i32
    %dma_start3A_140 = tpu.memref_slice %arg6[%dma_start3A_133, %dma_start3A_139] : memref<40x128xi32, #tpu.memory_space<vmem>> -> memref<1x128xi32, #tpu.memory_space<vmem>>
    %dma_start3A_141 = tpu.memref_squeeze %dma_start3A_140 : memref<1x128xi32, #tpu.memory_space<vmem>> -> memref<128xi32, #tpu.memory_space<vmem>>
    %dma_start3A_142 = arith.constant 0 : i32
    %dma_start3A_143 = arith.constant 0 : i32
    %dma_start3A_144 = tpu.memref_slice %arg11[%dma_start3A_142, %dma_start3A_143] : memref<10112x64xbf16, #tpu.memory_space<vmem_shared>> -> memref<10112x64xbf16, #tpu.memory_space<vmem_shared>>
    tpu.enqueue_indirect_dma source(%dma_start3A_144 : memref<10112x64xbf16, #tpu.memory_space<vmem_shared>>) target(%dma_start3A_138 : memref<128x64xbf16, #tpu.memory_space<vmem>>) offsets(%dma_start3A_141 : memref<128xi32, #tpu.memory_space<vmem>>) semaphore(%arg13 : memref<!tpu.dma_semaphore, #tpu.memory_space<semaphore_mem>>)
    %dma_start3A_145 = arith.constant 2 : i32
    %dma_start3A_146 = arith.constant 2 : i32
    %dma_start3A_147 = arith.constant 0 : i32
    %dma_start3A_148 = arith.constant 0 : i32
    %dma_start3A_149 = tpu.memref_slice %arg8[%dma_start3A_146, %dma_start3A_147, %dma_start3A_148] : memref<4x128x64xbf16, #tpu.memory_space<vmem>> -> memref<1x128x64xbf16, #tpu.memory_space<vmem>>
    %dma_start3A_150 = tpu.memref_squeeze %dma_start3A_149 : memref<1x128x64xbf16, #tpu.memory_space<vmem>> -> memref<128x64xbf16, #tpu.memory_space<vmem>>
    %dma_start3A_151 = arith.constant 0 : i32
    %dma_start3A_152 = tpu.memref_slice %arg6[%dma_start3A_145, %dma_start3A_151] : memref<40x128xi32, #tpu.memory_space<vmem>> -> memref<1x128xi32, #tpu.memory_space<vmem>>
    %dma_start3A_153 = tpu.memref_squeeze %dma_start3A_152 : memref<1x128xi32, #tpu.memory_space<vmem>> -> memref<128xi32, #tpu.memory_space<vmem>>
    %dma_start3A_154 = arith.constant 0 : i32
    %dma_start3A_155 = arith.constant 0 : i32
    %dma_start3A_156 = tpu.memref_slice %arg11[%dma_start3A_154, %dma_start3A_155] : memref<10112x64xbf16, #tpu.memory_space<vmem_shared>> -> memref<10112x64xbf16, #tpu.memory_space<vmem_shared>>
    tpu.enqueue_indirect_dma source(%dma_start3A_156 : memref<10112x64xbf16, #tpu.memory_space<vmem_shared>>) target(%dma_start3A_150 : memref<128x64xbf16, #tpu.memory_space<vmem>>) offsets(%dma_start3A_153 : memref<128xi32, #tpu.memory_space<vmem>>) semaphore(%arg14 : memref<!tpu.dma_semaphore, #tpu.memory_space<semaphore_mem>>)
    %scan3A_157 = arith.constant 0 : i32
    %scan3A_158 = arith.constant 10 : i32
    %scan3A_159 = arith.addi %scan3A_157, %scan3A_158 : i32
    %scan3A_160 = arith.constant 1 : i32
    scf.for %scan3A_291 = %scan3A_157 to %scan3A_159 step %scan3A_160  : i32 {
      %mul3A_292 = arith.constant 4 : i32
      %mul3A_293 = arith.muli %scan3A_291, %mul3A_292 : i32
      %add3A_294 = arith.constant 0 : i32
      %add3A_295 = arith.addi %mul3A_293, %add3A_294 : i32
      %dma_wait3A = arith.constant 0 : i32
      %dma_wait3A_296 = arith.constant 0 : i32
      %dma_wait3A_297 = arith.constant 0 : i32
      %dma_wait3A_298 = tpu.memref_slice %arg8[%dma_wait3A, %dma_wait3A_296, %dma_wait3A_297] : memref<4x128x64xbf16, #tpu.memory_space<vmem>> -> memref<1x128x64xbf16, #tpu.memory_space<vmem>>
      %dma_wait3A_299 = tpu.memref_squeeze %dma_wait3A_298 : memref<1x128x64xbf16, #tpu.memory_space<vmem>> -> memref<128x64xbf16, #tpu.memory_space<vmem>>
      %dma_wait3A_300 = arith.constant 0 : i32
      %dma_wait3A_301 = tpu.memref_slice %arg6[%add3A_295, %dma_wait3A_300] : memref<40x128xi32, #tpu.memory_space<vmem>> -> memref<1x128xi32, #tpu.memory_space<vmem>>
      %dma_wait3A_302 = tpu.memref_squeeze %dma_wait3A_301 : memref<1x128xi32, #tpu.memory_space<vmem>> -> memref<128xi32, #tpu.memory_space<vmem>>
      %dma_wait3A_303 = arith.constant 0 : i32
      %dma_wait3A_304 = arith.constant 0 : i32
      %dma_wait3A_305 = tpu.memref_slice %arg11[%dma_wait3A_303, %dma_wait3A_304] : memref<10112x64xbf16, #tpu.memory_space<vmem_shared>> -> memref<10112x64xbf16, #tpu.memory_space<vmem_shared>>
      tpu.wait_indirect_dma semaphore(%arg12 : memref<!tpu.dma_semaphore, #tpu.memory_space<semaphore_mem>>) src(%dma_wait3A_305 : memref<10112x64xbf16, #tpu.memory_space<vmem_shared>>) dst(%dma_wait3A_299 : memref<128x64xbf16, #tpu.memory_space<vmem>>)
      %run_scoped3A_306 = arith.constant 0 : i32
      "tpu.region"() ({
        %run_scoped3A_387 = tpu.sem_alloc : memref<!tpu.dma_semaphore, #tpu.memory_space<semaphore_mem>>
        %dma_start3A_388 = arith.constant 0 : i32
        %dma_start3A_389 = arith.constant 0 : i32
        %dma_start3A_390 = tpu.memref_slice %arg8[%run_scoped3A_306, %dma_start3A_388, %dma_start3A_389] : memref<4x128x64xbf16, #tpu.memory_space<vmem>> -> memref<1x128x64xbf16, #tpu.memory_space<vmem>>
        %dma_start3A_391 = tpu.memref_squeeze %dma_start3A_390 : memref<1x128x64xbf16, #tpu.memory_space<vmem>> -> memref<128x64xbf16, #tpu.memory_space<vmem>>
        %dma_start3A_392 = arith.constant 0 : i32
        %dma_start3A_393 = tpu.memref_slice %arg7[%add3A_295, %dma_start3A_392] : memref<40x128xi32, #tpu.memory_space<vmem>> -> memref<1x128xi32, #tpu.memory_space<vmem>>
        %dma_start3A_394 = tpu.memref_squeeze %dma_start3A_393 : memref<1x128xi32, #tpu.memory_space<vmem>> -> memref<128xi32, #tpu.memory_space<vmem>>
        %dma_start3A_395 = arith.constant 0 : i32
        %dma_start3A_396 = arith.constant 0 : i32
        %dma_start3A_397 = tpu.memref_slice %arg9[%dma_start3A_395, %dma_start3A_396] : memref<10112x64xbf16, #tpu.memory_space<vmem_shared>> -> memref<10112x64xbf16, #tpu.memory_space<vmem_shared>>
        tpu.enqueue_indirect_dma source(%dma_start3A_391 : memref<128x64xbf16, #tpu.memory_space<vmem>>) target(%dma_start3A_397 : memref<10112x64xbf16, #tpu.memory_space<vmem_shared>>) offsets(%dma_start3A_394 : memref<128xi32, #tpu.memory_space<vmem>>) semaphore(%run_scoped3A_387 : memref<!tpu.dma_semaphore, #tpu.memory_space<semaphore_mem>>) {add = true}
        %dma_wait3A_398 = arith.constant 0 : i32
        %dma_wait3A_399 = arith.constant 0 : i32
        %dma_wait3A_400 = tpu.memref_slice %arg8[%run_scoped3A_306, %dma_wait3A_398, %dma_wait3A_399] : memref<4x128x64xbf16, #tpu.memory_space<vmem>> -> memref<1x128x64xbf16, #tpu.memory_space<vmem>>
        %dma_wait3A_401 = tpu.memref_squeeze %dma_wait3A_400 : memref<1x128x64xbf16, #tpu.memory_space<vmem>> -> memref<128x64xbf16, #tpu.memory_space<vmem>>
        %dma_wait3A_402 = arith.constant 0 : i32
        %dma_wait3A_403 = tpu.memref_slice %arg7[%add3A_295, %dma_wait3A_402] : memref<40x128xi32, #tpu.memory_space<vmem>> -> memref<1x128xi32, #tpu.memory_space<vmem>>
        %dma_wait3A_404 = tpu.memref_squeeze %dma_wait3A_403 : memref<1x128xi32, #tpu.memory_space<vmem>> -> memref<128xi32, #tpu.memory_space<vmem>>
        %dma_wait3A_405 = arith.constant 0 : i32
        %dma_wait3A_406 = arith.constant 0 : i32
        %dma_wait3A_407 = tpu.memref_slice %arg9[%dma_wait3A_405, %dma_wait3A_406] : memref<10112x64xbf16, #tpu.memory_space<vmem_shared>> -> memref<10112x64xbf16, #tpu.memory_space<vmem_shared>>
        tpu.wait_indirect_dma semaphore(%run_scoped3A_387 : memref<!tpu.dma_semaphore, #tpu.memory_space<semaphore_mem>>) src(%dma_wait3A_401 : memref<128x64xbf16, #tpu.memory_space<vmem>>) dst(%dma_wait3A_407 : memref<10112x64xbf16, #tpu.memory_space<vmem_shared>>)
        tpu.yield
      }) : () -> ()
      %add3A_307 = arith.constant 4 : i32
      %add3A_308 = arith.addi %add3A_295, %add3A_307 : i32
      %sub3A = arith.constant 1 : i32
      %sub3A_309 = arith.subi %add3A_308, %sub3A : i32
      %lt3A = arith.constant 40 : i32
      %lt3A_310 = arith.cmpi slt, %sub3A_309, %lt3A : i32
      %convert_element_type3A = arith.extui %lt3A_310 : i1 to i32
      %cond3A = arith.constant 0 : i32
      %cond3A_311 = arith.cmpi ne, %convert_element_type3A, %cond3A : i32
      scf.if %cond3A_311 {
        %dma_start3A_387 = arith.constant 3 : i32
        %dma_start3A_388 = arith.constant 0 : i32
        %dma_start3A_389 = arith.constant 0 : i32
        %dma_start3A_390 = tpu.memref_slice %arg8[%dma_start3A_387, %dma_start3A_388, %dma_start3A_389] : memref<4x128x64xbf16, #tpu.memory_space<vmem>> -> memref<1x128x64xbf16, #tpu.memory_space<vmem>>
        %dma_start3A_391 = tpu.memref_squeeze %dma_start3A_390 : memref<1x128x64xbf16, #tpu.memory_space<vmem>> -> memref<128x64xbf16, #tpu.memory_space<vmem>>
        %dma_start3A_392 = arith.constant 0 : i32
        %dma_start3A_393 = tpu.memref_slice %arg6[%sub3A_309, %dma_start3A_392] : memref<40x128xi32, #tpu.memory_space<vmem>> -> memref<1x128xi32, #tpu.memory_space<vmem>>
        %dma_start3A_394 = tpu.memref_squeeze %dma_start3A_393 : memref<1x128xi32, #tpu.memory_space<vmem>> -> memref<128xi32, #tpu.memory_space<vmem>>
        %dma_start3A_395 = arith.constant 0 : i32
        %dma_start3A_396 = arith.constant 0 : i32
        %dma_start3A_397 = tpu.memref_slice %arg11[%dma_start3A_395, %dma_start3A_396] : memref<10112x64xbf16, #tpu.memory_space<vmem_shared>> -> memref<10112x64xbf16, #tpu.memory_space<vmem_shared>>
        tpu.enqueue_indirect_dma source(%dma_start3A_397 : memref<10112x64xbf16, #tpu.memory_space<vmem_shared>>) target(%dma_start3A_391 : memref<128x64xbf16, #tpu.memory_space<vmem>>) offsets(%dma_start3A_394 : memref<128xi32, #tpu.memory_space<vmem>>) semaphore(%arg15 : memref<!tpu.dma_semaphore, #tpu.memory_space<semaphore_mem>>)
      } else {
      }
      %mul3A_312 = arith.constant 4 : i32
      %mul3A_313 = arith.muli %scan3A_291, %mul3A_312 : i32
      %add3A_314 = arith.constant 1 : i32
      %add3A_315 = arith.addi %mul3A_313, %add3A_314 : i32
      %dma_wait3A_316 = arith.constant 1 : i32
      %dma_wait3A_317 = arith.constant 0 : i32
      %dma_wait3A_318 = arith.constant 0 : i32
      %dma_wait3A_319 = tpu.memref_slice %arg8[%dma_wait3A_316, %dma_wait3A_317, %dma_wait3A_318] : memref<4x128x64xbf16, #tpu.memory_space<vmem>> -> memref<1x128x64xbf16, #tpu.memory_space<vmem>>
      %dma_wait3A_320 = tpu.memref_squeeze %dma_wait3A_319 : memref<1x128x64xbf16, #tpu.memory_space<vmem>> -> memref<128x64xbf16, #tpu.memory_space<vmem>>
      %dma_wait3A_321 = arith.constant 0 : i32
      %dma_wait3A_322 = tpu.memref_slice %arg6[%add3A_315, %dma_wait3A_321] : memref<40x128xi32, #tpu.memory_space<vmem>> -> memref<1x128xi32, #tpu.memory_space<vmem>>
      %dma_wait3A_323 = tpu.memref_squeeze %dma_wait3A_322 : memref<1x128xi32, #tpu.memory_space<vmem>> -> memref<128xi32, #tpu.memory_space<vmem>>
      %dma_wait3A_324 = arith.constant 0 : i32
      %dma_wait3A_325 = arith.constant 0 : i32
      %dma_wait3A_326 = tpu.memref_slice %arg11[%dma_wait3A_324, %dma_wait3A_325] : memref<10112x64xbf16, #tpu.memory_space<vmem_shared>> -> memref<10112x64xbf16, #tpu.memory_space<vmem_shared>>
      tpu.wait_indirect_dma semaphore(%arg13 : memref<!tpu.dma_semaphore, #tpu.memory_space<semaphore_mem>>) src(%dma_wait3A_326 : memref<10112x64xbf16, #tpu.memory_space<vmem_shared>>) dst(%dma_wait3A_320 : memref<128x64xbf16, #tpu.memory_space<vmem>>)
      %run_scoped3A_327 = arith.constant 1 : i32
      "tpu.region"() ({
        %run_scoped3A_387 = tpu.sem_alloc : memref<!tpu.dma_semaphore, #tpu.memory_space<semaphore_mem>>
        %dma_start3A_388 = arith.constant 0 : i32
        %dma_start3A_389 = arith.constant 0 : i32
        %dma_start3A_390 = tpu.memref_slice %arg8[%run_scoped3A_327, %dma_start3A_388, %dma_start3A_389] : memref<4x128x64xbf16, #tpu.memory_space<vmem>> -> memref<1x128x64xbf16, #tpu.memory_space<vmem>>
        %dma_start3A_391 = tpu.memref_squeeze %dma_start3A_390 : memref<1x128x64xbf16, #tpu.memory_space<vmem>> -> memref<128x64xbf16, #tpu.memory_space<vmem>>
        %dma_start3A_392 = arith.constant 0 : i32
        %dma_start3A_393 = tpu.memref_slice %arg7[%add3A_315, %dma_start3A_392] : memref<40x128xi32, #tpu.memory_space<vmem>> -> memref<1x128xi32, #tpu.memory_space<vmem>>
        %dma_start3A_394 = tpu.memref_squeeze %dma_start3A_393 : memref<1x128xi32, #tpu.memory_space<vmem>> -> memref<128xi32, #tpu.memory_space<vmem>>
        %dma_start3A_395 = arith.constant 0 : i32
        %dma_start3A_396 = arith.constant 0 : i32
        %dma_start3A_397 = tpu.memref_slice %arg10[%dma_start3A_395, %dma_start3A_396] : memref<10112x64xbf16, #tpu.memory_space<vmem_shared>> -> memref<10112x64xbf16, #tpu.memory_space<vmem_shared>>
        tpu.enqueue_indirect_dma source(%dma_start3A_391 : memref<128x64xbf16, #tpu.memory_space<vmem>>) target(%dma_start3A_397 : memref<10112x64xbf16, #tpu.memory_space<vmem_shared>>) offsets(%dma_start3A_394 : memref<128xi32, #tpu.memory_space<vmem>>) semaphore(%run_scoped3A_387 : memref<!tpu.dma_semaphore, #tpu.memory_space<semaphore_mem>>) {add = true}
        %dma_wait3A_398 = arith.constant 0 : i32
        %dma_wait3A_399 = arith.constant 0 : i32
        %dma_wait3A_400 = tpu.memref_slice %arg8[%run_scoped3A_327, %dma_wait3A_398, %dma_wait3A_399] : memref<4x128x64xbf16, #tpu.memory_space<vmem>> -> memref<1x128x64xbf16, #tpu.memory_space<vmem>>
        %dma_wait3A_401 = tpu.memref_squeeze %dma_wait3A_400 : memref<1x128x64xbf16, #tpu.memory_space<vmem>> -> memref<128x64xbf16, #tpu.memory_space<vmem>>
        %dma_wait3A_402 = arith.constant 0 : i32
        %dma_wait3A_403 = tpu.memref_slice %arg7[%add3A_315, %dma_wait3A_402] : memref<40x128xi32, #tpu.memory_space<vmem>> -> memref<1x128xi32, #tpu.memory_space<vmem>>
        %dma_wait3A_404 = tpu.memref_squeeze %dma_wait3A_403 : memref<1x128xi32, #tpu.memory_space<vmem>> -> memref<128xi32, #tpu.memory_space<vmem>>
        %dma_wait3A_405 = arith.constant 0 : i32
        %dma_wait3A_406 = arith.constant 0 : i32
        %dma_wait3A_407 = tpu.memref_slice %arg10[%dma_wait3A_405, %dma_wait3A_406] : memref<10112x64xbf16, #tpu.memory_space<vmem_shared>> -> memref<10112x64xbf16, #tpu.memory_space<vmem_shared>>
        tpu.wait_indirect_dma semaphore(%run_scoped3A_387 : memref<!tpu.dma_semaphore, #tpu.memory_space<semaphore_mem>>) src(%dma_wait3A_401 : memref<128x64xbf16, #tpu.memory_space<vmem>>) dst(%dma_wait3A_407 : memref<10112x64xbf16, #tpu.memory_space<vmem_shared>>)
        tpu.yield
      }) : () -> ()
      %add3A_328 = arith.constant 4 : i32
      %add3A_329 = arith.addi %add3A_315, %add3A_328 : i32
      %sub3A_330 = arith.constant 1 : i32
      %sub3A_331 = arith.subi %add3A_329, %sub3A_330 : i32
      %lt3A_332 = arith.constant 40 : i32
      %lt3A_333 = arith.cmpi slt, %sub3A_331, %lt3A_332 : i32
      %convert_element_type3A_334 = arith.extui %lt3A_333 : i1 to i32
      %cond3A_335 = arith.constant 0 : i32
      %cond3A_336 = arith.cmpi ne, %convert_element_type3A_334, %cond3A_335 : i32
      scf.if %cond3A_336 {
        %dma_start3A_387 = arith.constant 0 : i32
        %dma_start3A_388 = arith.constant 0 : i32
        %dma_start3A_389 = arith.constant 0 : i32
        %dma_start3A_390 = tpu.memref_slice %arg8[%dma_start3A_387, %dma_start3A_388, %dma_start3A_389] : memref<4x128x64xbf16, #tpu.memory_space<vmem>> -> memref<1x128x64xbf16, #tpu.memory_space<vmem>>
        %dma_start3A_391 = tpu.memref_squeeze %dma_start3A_390 : memref<1x128x64xbf16, #tpu.memory_space<vmem>> -> memref<128x64xbf16, #tpu.memory_space<vmem>>
        %dma_start3A_392 = arith.constant 0 : i32
        %dma_start3A_393 = tpu.memref_slice %arg6[%sub3A_331, %dma_start3A_392] : memref<40x128xi32, #tpu.memory_space<vmem>> -> memref<1x128xi32, #tpu.memory_space<vmem>>
        %dma_start3A_394 = tpu.memref_squeeze %dma_start3A_393 : memref<1x128xi32, #tpu.memory_space<vmem>> -> memref<128xi32, #tpu.memory_space<vmem>>
        %dma_start3A_395 = arith.constant 0 : i32
        %dma_start3A_396 = arith.constant 0 : i32
        %dma_start3A_397 = tpu.memref_slice %arg11[%dma_start3A_395, %dma_start3A_396] : memref<10112x64xbf16, #tpu.memory_space<vmem_shared>> -> memref<10112x64xbf16, #tpu.memory_space<vmem_shared>>
        tpu.enqueue_indirect_dma source(%dma_start3A_397 : memref<10112x64xbf16, #tpu.memory_space<vmem_shared>>) target(%dma_start3A_391 : memref<128x64xbf16, #tpu.memory_space<vmem>>) offsets(%dma_start3A_394 : memref<128xi32, #tpu.memory_space<vmem>>) semaphore(%arg12 : memref<!tpu.dma_semaphore, #tpu.memory_space<semaphore_mem>>)
      } else {
      }
      %mul3A_337 = arith.constant 4 : i32
      %mul3A_338 = arith.muli %scan3A_291, %mul3A_337 : i32
      %add3A_339 = arith.constant 2 : i32
      %add3A_340 = arith.addi %mul3A_338, %add3A_339 : i32
      %dma_wait3A_341 = arith.constant 2 : i32
      %dma_wait3A_342 = arith.constant 0 : i32
      %dma_wait3A_343 = arith.constant 0 : i32
      %dma_wait3A_344 = tpu.memref_slice %arg8[%dma_wait3A_341, %dma_wait3A_342, %dma_wait3A_343] : memref<4x128x64xbf16, #tpu.memory_space<vmem>> -> memref<1x128x64xbf16, #tpu.memory_space<vmem>>
      %dma_wait3A_345 = tpu.memref_squeeze %dma_wait3A_344 : memref<1x128x64xbf16, #tpu.memory_space<vmem>> -> memref<128x64xbf16, #tpu.memory_space<vmem>>
      %dma_wait3A_346 = arith.constant 0 : i32
      %dma_wait3A_347 = tpu.memref_slice %arg6[%add3A_340, %dma_wait3A_346] : memref<40x128xi32, #tpu.memory_space<vmem>> -> memref<1x128xi32, #tpu.memory_space<vmem>>
      %dma_wait3A_348 = tpu.memref_squeeze %dma_wait3A_347 : memref<1x128xi32, #tpu.memory_space<vmem>> -> memref<128xi32, #tpu.memory_space<vmem>>
      %dma_wait3A_349 = arith.constant 0 : i32
      %dma_wait3A_350 = arith.constant 0 : i32
      %dma_wait3A_351 = tpu.memref_slice %arg11[%dma_wait3A_349, %dma_wait3A_350] : memref<10112x64xbf16, #tpu.memory_space<vmem_shared>> -> memref<10112x64xbf16, #tpu.memory_space<vmem_shared>>
      tpu.wait_indirect_dma semaphore(%arg14 : memref<!tpu.dma_semaphore, #tpu.memory_space<semaphore_mem>>) src(%dma_wait3A_351 : memref<10112x64xbf16, #tpu.memory_space<vmem_shared>>) dst(%dma_wait3A_345 : memref<128x64xbf16, #tpu.memory_space<vmem>>)
      %run_scoped3A_352 = arith.constant 2 : i32
      "tpu.region"() ({
        %run_scoped3A_387 = tpu.sem_alloc : memref<!tpu.dma_semaphore, #tpu.memory_space<semaphore_mem>>
        %dma_start3A_388 = arith.constant 0 : i32
        %dma_start3A_389 = arith.constant 0 : i32
        %dma_start3A_390 = tpu.memref_slice %arg8[%run_scoped3A_352, %dma_start3A_388, %dma_start3A_389] : memref<4x128x64xbf16, #tpu.memory_space<vmem>> -> memref<1x128x64xbf16, #tpu.memory_space<vmem>>
        %dma_start3A_391 = tpu.memref_squeeze %dma_start3A_390 : memref<1x128x64xbf16, #tpu.memory_space<vmem>> -> memref<128x64xbf16, #tpu.memory_space<vmem>>
        %dma_start3A_392 = arith.constant 0 : i32
        %dma_start3A_393 = tpu.memref_slice %arg7[%add3A_340, %dma_start3A_392] : memref<40x128xi32, #tpu.memory_space<vmem>> -> memref<1x128xi32, #tpu.memory_space<vmem>>
        %dma_start3A_394 = tpu.memref_squeeze %dma_start3A_393 : memref<1x128xi32, #tpu.memory_space<vmem>> -> memref<128xi32, #tpu.memory_space<vmem>>
        %dma_start3A_395 = arith.constant 0 : i32
        %dma_start3A_396 = arith.constant 0 : i32
        %dma_start3A_397 = tpu.memref_slice %arg9[%dma_start3A_395, %dma_start3A_396] : memref<10112x64xbf16, #tpu.memory_space<vmem_shared>> -> memref<10112x64xbf16, #tpu.memory_space<vmem_shared>>
        tpu.enqueue_indirect_dma source(%dma_start3A_391 : memref<128x64xbf16, #tpu.memory_space<vmem>>) target(%dma_start3A_397 : memref<10112x64xbf16, #tpu.memory_space<vmem_shared>>) offsets(%dma_start3A_394 : memref<128xi32, #tpu.memory_space<vmem>>) semaphore(%run_scoped3A_387 : memref<!tpu.dma_semaphore, #tpu.memory_space<semaphore_mem>>) {add = true}
        %dma_wait3A_398 = arith.constant 0 : i32
        %dma_wait3A_399 = arith.constant 0 : i32
        %dma_wait3A_400 = tpu.memref_slice %arg8[%run_scoped3A_352, %dma_wait3A_398, %dma_wait3A_399] : memref<4x128x64xbf16, #tpu.memory_space<vmem>> -> memref<1x128x64xbf16, #tpu.memory_space<vmem>>
        %dma_wait3A_401 = tpu.memref_squeeze %dma_wait3A_400 : memref<1x128x64xbf16, #tpu.memory_space<vmem>> -> memref<128x64xbf16, #tpu.memory_space<vmem>>
        %dma_wait3A_402 = arith.constant 0 : i32
        %dma_wait3A_403 = tpu.memref_slice %arg7[%add3A_340, %dma_wait3A_402] : memref<40x128xi32, #tpu.memory_space<vmem>> -> memref<1x128xi32, #tpu.memory_space<vmem>>
        %dma_wait3A_404 = tpu.memref_squeeze %dma_wait3A_403 : memref<1x128xi32, #tpu.memory_space<vmem>> -> memref<128xi32, #tpu.memory_space<vmem>>
        %dma_wait3A_405 = arith.constant 0 : i32
        %dma_wait3A_406 = arith.constant 0 : i32
        %dma_wait3A_407 = tpu.memref_slice %arg9[%dma_wait3A_405, %dma_wait3A_406] : memref<10112x64xbf16, #tpu.memory_space<vmem_shared>> -> memref<10112x64xbf16, #tpu.memory_space<vmem_shared>>
        tpu.wait_indirect_dma semaphore(%run_scoped3A_387 : memref<!tpu.dma_semaphore, #tpu.memory_space<semaphore_mem>>) src(%dma_wait3A_401 : memref<128x64xbf16, #tpu.memory_space<vmem>>) dst(%dma_wait3A_407 : memref<10112x64xbf16, #tpu.memory_space<vmem_shared>>)
        tpu.yield
      }) : () -> ()
      %add3A_353 = arith.constant 4 : i32
      %add3A_354 = arith.addi %add3A_340, %add3A_353 : i32
      %sub3A_355 = arith.constant 1 : i32
      %sub3A_356 = arith.subi %add3A_354, %sub3A_355 : i32
      %lt3A_357 = arith.constant 40 : i32
      %lt3A_358 = arith.cmpi slt, %sub3A_356, %lt3A_357 : i32
      %convert_element_type3A_359 = arith.extui %lt3A_358 : i1 to i32
      %cond3A_360 = arith.constant 0 : i32
      %cond3A_361 = arith.cmpi ne, %convert_element_type3A_359, %cond3A_360 : i32
      scf.if %cond3A_361 {
        %dma_start3A_387 = arith.constant 1 : i32
        %dma_start3A_388 = arith.constant 0 : i32
        %dma_start3A_389 = arith.constant 0 : i32
        %dma_start3A_390 = tpu.memref_slice %arg8[%dma_start3A_387, %dma_start3A_388, %dma_start3A_389] : memref<4x128x64xbf16, #tpu.memory_space<vmem>> -> memref<1x128x64xbf16, #tpu.memory_space<vmem>>
        %dma_start3A_391 = tpu.memref_squeeze %dma_start3A_390 : memref<1x128x64xbf16, #tpu.memory_space<vmem>> -> memref<128x64xbf16, #tpu.memory_space<vmem>>
        %dma_start3A_392 = arith.constant 0 : i32
        %dma_start3A_393 = tpu.memref_slice %arg6[%sub3A_356, %dma_start3A_392] : memref<40x128xi32, #tpu.memory_space<vmem>> -> memref<1x128xi32, #tpu.memory_space<vmem>>
        %dma_start3A_394 = tpu.memref_squeeze %dma_start3A_393 : memref<1x128xi32, #tpu.memory_space<vmem>> -> memref<128xi32, #tpu.memory_space<vmem>>
        %dma_start3A_395 = arith.constant 0 : i32
        %dma_start3A_396 = arith.constant 0 : i32
        %dma_start3A_397 = tpu.memref_slice %arg11[%dma_start3A_395, %dma_start3A_396] : memref<10112x64xbf16, #tpu.memory_space<vmem_shared>> -> memref<10112x64xbf16, #tpu.memory_space<vmem_shared>>
        tpu.enqueue_indirect_dma source(%dma_start3A_397 : memref<10112x64xbf16, #tpu.memory_space<vmem_shared>>) target(%dma_start3A_391 : memref<128x64xbf16, #tpu.memory_space<vmem>>) offsets(%dma_start3A_394 : memref<128xi32, #tpu.memory_space<vmem>>) semaphore(%arg13 : memref<!tpu.dma_semaphore, #tpu.memory_space<semaphore_mem>>)
      } else {
      }
      %mul3A_362 = arith.constant 4 : i32
      %mul3A_363 = arith.muli %scan3A_291, %mul3A_362 : i32
      %add3A_364 = arith.constant 3 : i32
      %add3A_365 = arith.addi %mul3A_363, %add3A_364 : i32
      %dma_wait3A_366 = arith.constant 3 : i32
      %dma_wait3A_367 = arith.constant 0 : i32
      %dma_wait3A_368 = arith.constant 0 : i32
      %dma_wait3A_369 = tpu.memref_slice %arg8[%dma_wait3A_366, %dma_wait3A_367, %dma_wait3A_368] : memref<4x128x64xbf16, #tpu.memory_space<vmem>> -> memref<1x128x64xbf16, #tpu.memory_space<vmem>>
      %dma_wait3A_370 = tpu.memref_squeeze %dma_wait3A_369 : memref<1x128x64xbf16, #tpu.memory_space<vmem>> -> memref<128x64xbf16, #tpu.memory_space<vmem>>
      %dma_wait3A_371 = arith.constant 0 : i32
      %dma_wait3A_372 = tpu.memref_slice %arg6[%add3A_365, %dma_wait3A_371] : memref<40x128xi32, #tpu.memory_space<vmem>> -> memref<1x128xi32, #tpu.memory_space<vmem>>
      %dma_wait3A_373 = tpu.memref_squeeze %dma_wait3A_372 : memref<1x128xi32, #tpu.memory_space<vmem>> -> memref<128xi32, #tpu.memory_space<vmem>>
      %dma_wait3A_374 = arith.constant 0 : i32
      %dma_wait3A_375 = arith.constant 0 : i32
      %dma_wait3A_376 = tpu.memref_slice %arg11[%dma_wait3A_374, %dma_wait3A_375] : memref<10112x64xbf16, #tpu.memory_space<vmem_shared>> -> memref<10112x64xbf16, #tpu.memory_space<vmem_shared>>
      tpu.wait_indirect_dma semaphore(%arg15 : memref<!tpu.dma_semaphore, #tpu.memory_space<semaphore_mem>>) src(%dma_wait3A_376 : memref<10112x64xbf16, #tpu.memory_space<vmem_shared>>) dst(%dma_wait3A_370 : memref<128x64xbf16, #tpu.memory_space<vmem>>)
      %run_scoped3A_377 = arith.constant 3 : i32
      "tpu.region"() ({
        %run_scoped3A_387 = tpu.sem_alloc : memref<!tpu.dma_semaphore, #tpu.memory_space<semaphore_mem>>
        %dma_start3A_388 = arith.constant 0 : i32
        %dma_start3A_389 = arith.constant 0 : i32
        %dma_start3A_390 = tpu.memref_slice %arg8[%run_scoped3A_377, %dma_start3A_388, %dma_start3A_389] : memref<4x128x64xbf16, #tpu.memory_space<vmem>> -> memref<1x128x64xbf16, #tpu.memory_space<vmem>>
        %dma_start3A_391 = tpu.memref_squeeze %dma_start3A_390 : memref<1x128x64xbf16, #tpu.memory_space<vmem>> -> memref<128x64xbf16, #tpu.memory_space<vmem>>
        %dma_start3A_392 = arith.constant 0 : i32
        %dma_start3A_393 = tpu.memref_slice %arg7[%add3A_365, %dma_start3A_392] : memref<40x128xi32, #tpu.memory_space<vmem>> -> memref<1x128xi32, #tpu.memory_space<vmem>>
        %dma_start3A_394 = tpu.memref_squeeze %dma_start3A_393 : memref<1x128xi32, #tpu.memory_space<vmem>> -> memref<128xi32, #tpu.memory_space<vmem>>
        %dma_start3A_395 = arith.constant 0 : i32
        %dma_start3A_396 = arith.constant 0 : i32
        %dma_start3A_397 = tpu.memref_slice %arg10[%dma_start3A_395, %dma_start3A_396] : memref<10112x64xbf16, #tpu.memory_space<vmem_shared>> -> memref<10112x64xbf16, #tpu.memory_space<vmem_shared>>
        tpu.enqueue_indirect_dma source(%dma_start3A_391 : memref<128x64xbf16, #tpu.memory_space<vmem>>) target(%dma_start3A_397 : memref<10112x64xbf16, #tpu.memory_space<vmem_shared>>) offsets(%dma_start3A_394 : memref<128xi32, #tpu.memory_space<vmem>>) semaphore(%run_scoped3A_387 : memref<!tpu.dma_semaphore, #tpu.memory_space<semaphore_mem>>) {add = true}
        %dma_wait3A_398 = arith.constant 0 : i32
        %dma_wait3A_399 = arith.constant 0 : i32
        %dma_wait3A_400 = tpu.memref_slice %arg8[%run_scoped3A_377, %dma_wait3A_398, %dma_wait3A_399] : memref<4x128x64xbf16, #tpu.memory_space<vmem>> -> memref<1x128x64xbf16, #tpu.memory_space<vmem>>
        %dma_wait3A_401 = tpu.memref_squeeze %dma_wait3A_400 : memref<1x128x64xbf16, #tpu.memory_space<vmem>> -> memref<128x64xbf16, #tpu.memory_space<vmem>>
        %dma_wait3A_402 = arith.constant 0 : i32
        %dma_wait3A_403 = tpu.memref_slice %arg7[%add3A_365, %dma_wait3A_402] : memref<40x128xi32, #tpu.memory_space<vmem>> -> memref<1x128xi32, #tpu.memory_space<vmem>>
        %dma_wait3A_404 = tpu.memref_squeeze %dma_wait3A_403 : memref<1x128xi32, #tpu.memory_space<vmem>> -> memref<128xi32, #tpu.memory_space<vmem>>
        %dma_wait3A_405 = arith.constant 0 : i32
        %dma_wait3A_406 = arith.constant 0 : i32
        %dma_wait3A_407 = tpu.memref_slice %arg10[%dma_wait3A_405, %dma_wait3A_406] : memref<10112x64xbf16, #tpu.memory_space<vmem_shared>> -> memref<10112x64xbf16, #tpu.memory_space<vmem_shared>>
        tpu.wait_indirect_dma semaphore(%run_scoped3A_387 : memref<!tpu.dma_semaphore, #tpu.memory_space<semaphore_mem>>) src(%dma_wait3A_401 : memref<128x64xbf16, #tpu.memory_space<vmem>>) dst(%dma_wait3A_407 : memref<10112x64xbf16, #tpu.memory_space<vmem_shared>>)
        tpu.yield
      }) : () -> ()
      %add3A_378 = arith.constant 4 : i32
      %add3A_379 = arith.addi %add3A_365, %add3A_378 : i32
      %sub3A_380 = arith.constant 1 : i32
      %sub3A_381 = arith.subi %add3A_379, %sub3A_380 : i32
      %lt3A_382 = arith.constant 40 : i32
      %lt3A_383 = arith.cmpi slt, %sub3A_381, %lt3A_382 : i32
      %convert_element_type3A_384 = arith.extui %lt3A_383 : i1 to i32
      %cond3A_385 = arith.constant 0 : i32
      %cond3A_386 = arith.cmpi ne, %convert_element_type3A_384, %cond3A_385 : i32
      scf.if %cond3A_386 {
        %dma_start3A_387 = arith.constant 2 : i32
        %dma_start3A_388 = arith.constant 0 : i32
        %dma_start3A_389 = arith.constant 0 : i32
        %dma_start3A_390 = tpu.memref_slice %arg8[%dma_start3A_387, %dma_start3A_388, %dma_start3A_389] : memref<4x128x64xbf16, #tpu.memory_space<vmem>> -> memref<1x128x64xbf16, #tpu.memory_space<vmem>>
        %dma_start3A_391 = tpu.memref_squeeze %dma_start3A_390 : memref<1x128x64xbf16, #tpu.memory_space<vmem>> -> memref<128x64xbf16, #tpu.memory_space<vmem>>
        %dma_start3A_392 = arith.constant 0 : i32
        %dma_start3A_393 = tpu.memref_slice %arg6[%sub3A_381, %dma_start3A_392] : memref<40x128xi32, #tpu.memory_space<vmem>> -> memref<1x128xi32, #tpu.memory_space<vmem>>
        %dma_start3A_394 = tpu.memref_squeeze %dma_start3A_393 : memref<1x128xi32, #tpu.memory_space<vmem>> -> memref<128xi32, #tpu.memory_space<vmem>>
        %dma_start3A_395 = arith.constant 0 : i32
        %dma_start3A_396 = arith.constant 0 : i32
        %dma_start3A_397 = tpu.memref_slice %arg11[%dma_start3A_395, %dma_start3A_396] : memref<10112x64xbf16, #tpu.memory_space<vmem_shared>> -> memref<10112x64xbf16, #tpu.memory_space<vmem_shared>>
        tpu.enqueue_indirect_dma source(%dma_start3A_397 : memref<10112x64xbf16, #tpu.memory_space<vmem_shared>>) target(%dma_start3A_391 : memref<128x64xbf16, #tpu.memory_space<vmem>>) offsets(%dma_start3A_394 : memref<128xi32, #tpu.memory_space<vmem>>) semaphore(%arg14 : memref<!tpu.dma_semaphore, #tpu.memory_space<semaphore_mem>>)
      } else {
      }
    }
    %scan3A_161 = arith.constant 10 : i32
    %run_scoped3A_162 = arith.constant 3 : i32
    "tpu.region"() ({
      %run_scoped3A_291 = tpu.sem_alloc : memref<!tpu.dma_semaphore, #tpu.memory_space<semaphore_mem>>
      %dma_start3A_292 = arith.constant 0 : i32
      %dma_start3A_293 = arith.constant 0 : i32
      %dma_start3A_294 = tpu.memref_slice %arg3[%arg1, %run_scoped3A_162, %dma_start3A_292, %dma_start3A_293] : memref<16x4x40x128xi32, #tpu.memory_space<hbm>> -> memref<1x1x40x128xi32, #tpu.memory_space<hbm>>
      %dma_start3A_295 = tpu.memref_squeeze %dma_start3A_294 : memref<1x1x40x128xi32, #tpu.memory_space<hbm>> -> memref<40x128xi32, #tpu.memory_space<hbm>>
      %dma_start3A_296 = arith.constant 0 : i32
      %dma_start3A_297 = arith.constant 0 : i32
      %dma_start3A_298 = tpu.memref_slice %arg3[%arg1, %run_scoped3A_162, %dma_start3A_296, %dma_start3A_297] : memref<16x4x40x128xi32, #tpu.memory_space<hbm>> -> memref<1x1x40x128xi32, #tpu.memory_space<hbm>>
      %dma_start3A_299 = tpu.memref_squeeze %dma_start3A_298 : memref<1x1x40x128xi32, #tpu.memory_space<hbm>> -> memref<40x128xi32, #tpu.memory_space<hbm>>
      tpu.enqueue_dma source(%dma_start3A_299 : memref<40x128xi32, #tpu.memory_space<hbm>>) target(%arg6 : memref<40x128xi32, #tpu.memory_space<vmem>>) target_semaphore(%run_scoped3A_291 : memref<!tpu.dma_semaphore, #tpu.memory_space<semaphore_mem>>)
      %dma_wait3A = arith.constant 0 : i32
      %dma_wait3A_300 = arith.constant 0 : i32
      %dma_wait3A_301 = tpu.memref_slice %arg3[%arg1, %run_scoped3A_162, %dma_wait3A, %dma_wait3A_300] : memref<16x4x40x128xi32, #tpu.memory_space<hbm>> -> memref<1x1x40x128xi32, #tpu.memory_space<hbm>>
      %dma_wait3A_302 = tpu.memref_squeeze %dma_wait3A_301 : memref<1x1x40x128xi32, #tpu.memory_space<hbm>> -> memref<40x128xi32, #tpu.memory_space<hbm>>
      %dma_wait3A_303 = arith.constant 0 : i32
      %dma_wait3A_304 = arith.constant 0 : i32
      %dma_wait3A_305 = tpu.memref_slice %arg3[%arg1, %run_scoped3A_162, %dma_wait3A_303, %dma_wait3A_304] : memref<16x4x40x128xi32, #tpu.memory_space<hbm>> -> memref<1x1x40x128xi32, #tpu.memory_space<hbm>>
      %dma_wait3A_306 = tpu.memref_squeeze %dma_wait3A_305 : memref<1x1x40x128xi32, #tpu.memory_space<hbm>> -> memref<40x128xi32, #tpu.memory_space<hbm>>
      tpu.wait_dma2 semaphore(%run_scoped3A_291 : memref<!tpu.dma_semaphore, #tpu.memory_space<semaphore_mem>>) src(%dma_wait3A_306 : memref<40x128xi32, #tpu.memory_space<hbm>>) dst(%arg6 : memref<40x128xi32, #tpu.memory_space<vmem>>)
      tpu.yield
    }) : () -> ()
    %run_scoped3A_163 = arith.constant 3 : i32
    "tpu.region"() ({
      %run_scoped3A_291 = tpu.sem_alloc : memref<!tpu.dma_semaphore, #tpu.memory_space<semaphore_mem>>
      %dma_start3A_292 = arith.constant 0 : i32
      %dma_start3A_293 = arith.constant 0 : i32
      %dma_start3A_294 = tpu.memref_slice %arg4[%arg1, %run_scoped3A_163, %dma_start3A_292, %dma_start3A_293] : memref<16x4x40x128xi32, #tpu.memory_space<hbm>> -> memref<1x1x40x128xi32, #tpu.memory_space<hbm>>
      %dma_start3A_295 = tpu.memref_squeeze %dma_start3A_294 : memref<1x1x40x128xi32, #tpu.memory_space<hbm>> -> memref<40x128xi32, #tpu.memory_space<hbm>>
      %dma_start3A_296 = arith.constant 0 : i32
      %dma_start3A_297 = arith.constant 0 : i32
      %dma_start3A_298 = tpu.memref_slice %arg4[%arg1, %run_scoped3A_163, %dma_start3A_296, %dma_start3A_297] : memref<16x4x40x128xi32, #tpu.memory_space<hbm>> -> memref<1x1x40x128xi32, #tpu.memory_space<hbm>>
      %dma_start3A_299 = tpu.memref_squeeze %dma_start3A_298 : memref<1x1x40x128xi32, #tpu.memory_space<hbm>> -> memref<40x128xi32, #tpu.memory_space<hbm>>
      tpu.enqueue_dma source(%dma_start3A_299 : memref<40x128xi32, #tpu.memory_space<hbm>>) target(%arg7 : memref<40x128xi32, #tpu.memory_space<vmem>>) target_semaphore(%run_scoped3A_291 : memref<!tpu.dma_semaphore, #tpu.memory_space<semaphore_mem>>)
      %dma_wait3A = arith.constant 0 : i32
      %dma_wait3A_300 = arith.constant 0 : i32
      %dma_wait3A_301 = tpu.memref_slice %arg4[%arg1, %run_scoped3A_163, %dma_wait3A, %dma_wait3A_300] : memref<16x4x40x128xi32, #tpu.memory_space<hbm>> -> memref<1x1x40x128xi32, #tpu.memory_space<hbm>>
      %dma_wait3A_302 = tpu.memref_squeeze %dma_wait3A_301 : memref<1x1x40x128xi32, #tpu.memory_space<hbm>> -> memref<40x128xi32, #tpu.memory_space<hbm>>
      %dma_wait3A_303 = arith.constant 0 : i32
      %dma_wait3A_304 = arith.constant 0 : i32
      %dma_wait3A_305 = tpu.memref_slice %arg4[%arg1, %run_scoped3A_163, %dma_wait3A_303, %dma_wait3A_304] : memref<16x4x40x128xi32, #tpu.memory_space<hbm>> -> memref<1x1x40x128xi32, #tpu.memory_space<hbm>>
      %dma_wait3A_306 = tpu.memref_squeeze %dma_wait3A_305 : memref<1x1x40x128xi32, #tpu.memory_space<hbm>> -> memref<40x128xi32, #tpu.memory_space<hbm>>
      tpu.wait_dma2 semaphore(%run_scoped3A_291 : memref<!tpu.dma_semaphore, #tpu.memory_space<semaphore_mem>>) src(%dma_wait3A_306 : memref<40x128xi32, #tpu.memory_space<hbm>>) dst(%arg7 : memref<40x128xi32, #tpu.memory_space<vmem>>)
      tpu.yield
    }) : () -> ()
    %dma_start3A_164 = arith.constant 0 : i32
    %dma_start3A_165 = arith.constant 0 : i32
    %dma_start3A_166 = arith.constant 0 : i32
    %dma_start3A_167 = arith.constant 0 : i32
    %dma_start3A_168 = tpu.memref_slice %arg8[%dma_start3A_165, %dma_start3A_166, %dma_start3A_167] : memref<4x128x64xbf16, #tpu.memory_space<vmem>> -> memref<1x128x64xbf16, #tpu.memory_space<vmem>>
    %dma_start3A_169 = tpu.memref_squeeze %dma_start3A_168 : memref<1x128x64xbf16, #tpu.memory_space<vmem>> -> memref<128x64xbf16, #tpu.memory_space<vmem>>
    %dma_start3A_170 = arith.constant 0 : i32
    %dma_start3A_171 = tpu.memref_slice %arg6[%dma_start3A_164, %dma_start3A_170] : memref<40x128xi32, #tpu.memory_space<vmem>> -> memref<1x128xi32, #tpu.memory_space<vmem>>
    %dma_start3A_172 = tpu.memref_squeeze %dma_start3A_171 : memref<1x128xi32, #tpu.memory_space<vmem>> -> memref<128xi32, #tpu.memory_space<vmem>>
    %dma_start3A_173 = arith.constant 0 : i32
    %dma_start3A_174 = arith.constant 0 : i32
    %dma_start3A_175 = tpu.memref_slice %arg11[%dma_start3A_173, %dma_start3A_174] : memref<10112x64xbf16, #tpu.memory_space<vmem_shared>> -> memref<10112x64xbf16, #tpu.memory_space<vmem_shared>>
    tpu.enqueue_indirect_dma source(%dma_start3A_175 : memref<10112x64xbf16, #tpu.memory_space<vmem_shared>>) target(%dma_start3A_169 : memref<128x64xbf16, #tpu.memory_space<vmem>>) offsets(%dma_start3A_172 : memref<128xi32, #tpu.memory_space<vmem>>) semaphore(%arg12 : memref<!tpu.dma_semaphore, #tpu.memory_space<semaphore_mem>>)
    %dma_start3A_176 = arith.constant 1 : i32
    %dma_start3A_177 = arith.constant 1 : i32
    %dma_start3A_178 = arith.constant 0 : i32
    %dma_start3A_179 = arith.constant 0 : i32
    %dma_start3A_180 = tpu.memref_slice %arg8[%dma_start3A_177, %dma_start3A_178, %dma_start3A_179] : memref<4x128x64xbf16, #tpu.memory_space<vmem>> -> memref<1x128x64xbf16, #tpu.memory_space<vmem>>
    %dma_start3A_181 = tpu.memref_squeeze %dma_start3A_180 : memref<1x128x64xbf16, #tpu.memory_space<vmem>> -> memref<128x64xbf16, #tpu.memory_space<vmem>>
    %dma_start3A_182 = arith.constant 0 : i32
    %dma_start3A_183 = tpu.memref_slice %arg6[%dma_start3A_176, %dma_start3A_182] : memref<40x128xi32, #tpu.memory_space<vmem>> -> memref<1x128xi32, #tpu.memory_space<vmem>>
    %dma_start3A_184 = tpu.memref_squeeze %dma_start3A_183 : memref<1x128xi32, #tpu.memory_space<vmem>> -> memref<128xi32, #tpu.memory_space<vmem>>
    %dma_start3A_185 = arith.constant 0 : i32
    %dma_start3A_186 = arith.constant 0 : i32
    %dma_start3A_187 = tpu.memref_slice %arg11[%dma_start3A_185, %dma_start3A_186] : memref<10112x64xbf16, #tpu.memory_space<vmem_shared>> -> memref<10112x64xbf16, #tpu.memory_space<vmem_shared>>
    tpu.enqueue_indirect_dma source(%dma_start3A_187 : memref<10112x64xbf16, #tpu.memory_space<vmem_shared>>) target(%dma_start3A_181 : memref<128x64xbf16, #tpu.memory_space<vmem>>) offsets(%dma_start3A_184 : memref<128xi32, #tpu.memory_space<vmem>>) semaphore(%arg13 : memref<!tpu.dma_semaphore, #tpu.memory_space<semaphore_mem>>)
    %dma_start3A_188 = arith.constant 2 : i32
    %dma_start3A_189 = arith.constant 2 : i32
    %dma_start3A_190 = arith.constant 0 : i32
    %dma_start3A_191 = arith.constant 0 : i32
    %dma_start3A_192 = tpu.memref_slice %arg8[%dma_start3A_189, %dma_start3A_190, %dma_start3A_191] : memref<4x128x64xbf16, #tpu.memory_space<vmem>> -> memref<1x128x64xbf16, #tpu.memory_space<vmem>>
    %dma_start3A_193 = tpu.memref_squeeze %dma_start3A_192 : memref<1x128x64xbf16, #tpu.memory_space<vmem>> -> memref<128x64xbf16, #tpu.memory_space<vmem>>
    %dma_start3A_194 = arith.constant 0 : i32
    %dma_start3A_195 = tpu.memref_slice %arg6[%dma_start3A_188, %dma_start3A_194] : memref<40x128xi32, #tpu.memory_space<vmem>> -> memref<1x128xi32, #tpu.memory_space<vmem>>
    %dma_start3A_196 = tpu.memref_squeeze %dma_start3A_195 : memref<1x128xi32, #tpu.memory_space<vmem>> -> memref<128xi32, #tpu.memory_space<vmem>>
    %dma_start3A_197 = arith.constant 0 : i32
    %dma_start3A_198 = arith.constant 0 : i32
    %dma_start3A_199 = tpu.memref_slice %arg11[%dma_start3A_197, %dma_start3A_198] : memref<10112x64xbf16, #tpu.memory_space<vmem_shared>> -> memref<10112x64xbf16, #tpu.memory_space<vmem_shared>>
    tpu.enqueue_indirect_dma source(%dma_start3A_199 : memref<10112x64xbf16, #tpu.memory_space<vmem_shared>>) target(%dma_start3A_193 : memref<128x64xbf16, #tpu.memory_space<vmem>>) offsets(%dma_start3A_196 : memref<128xi32, #tpu.memory_space<vmem>>) semaphore(%arg14 : memref<!tpu.dma_semaphore, #tpu.memory_space<semaphore_mem>>)
    %scan3A_200 = arith.constant 0 : i32
    %scan3A_201 = arith.constant 10 : i32
    %scan3A_202 = arith.addi %scan3A_200, %scan3A_201 : i32
    %scan3A_203 = arith.constant 1 : i32
    scf.for %scan3A_291 = %scan3A_200 to %scan3A_202 step %scan3A_203  : i32 {
      %mul3A_292 = arith.constant 4 : i32
      %mul3A_293 = arith.muli %scan3A_291, %mul3A_292 : i32
      %add3A_294 = arith.constant 0 : i32
      %add3A_295 = arith.addi %mul3A_293, %add3A_294 : i32
      %dma_wait3A = arith.constant 0 : i32
      %dma_wait3A_296 = arith.constant 0 : i32
      %dma_wait3A_297 = arith.constant 0 : i32
      %dma_wait3A_298 = tpu.memref_slice %arg8[%dma_wait3A, %dma_wait3A_296, %dma_wait3A_297] : memref<4x128x64xbf16, #tpu.memory_space<vmem>> -> memref<1x128x64xbf16, #tpu.memory_space<vmem>>
      %dma_wait3A_299 = tpu.memref_squeeze %dma_wait3A_298 : memref<1x128x64xbf16, #tpu.memory_space<vmem>> -> memref<128x64xbf16, #tpu.memory_space<vmem>>
      %dma_wait3A_300 = arith.constant 0 : i32
      %dma_wait3A_301 = tpu.memref_slice %arg6[%add3A_295, %dma_wait3A_300] : memref<40x128xi32, #tpu.memory_space<vmem>> -> memref<1x128xi32, #tpu.memory_space<vmem>>
      %dma_wait3A_302 = tpu.memref_squeeze %dma_wait3A_301 : memref<1x128xi32, #tpu.memory_space<vmem>> -> memref<128xi32, #tpu.memory_space<vmem>>
      %dma_wait3A_303 = arith.constant 0 : i32
      %dma_wait3A_304 = arith.constant 0 : i32
      %dma_wait3A_305 = tpu.memref_slice %arg11[%dma_wait3A_303, %dma_wait3A_304] : memref<10112x64xbf16, #tpu.memory_space<vmem_shared>> -> memref<10112x64xbf16, #tpu.memory_space<vmem_shared>>
      tpu.wait_indirect_dma semaphore(%arg12 : memref<!tpu.dma_semaphore, #tpu.memory_space<semaphore_mem>>) src(%dma_wait3A_305 : memref<10112x64xbf16, #tpu.memory_space<vmem_shared>>) dst(%dma_wait3A_299 : memref<128x64xbf16, #tpu.memory_space<vmem>>)
      %run_scoped3A_306 = arith.constant 0 : i32
      "tpu.region"() ({
        %run_scoped3A_387 = tpu.sem_alloc : memref<!tpu.dma_semaphore, #tpu.memory_space<semaphore_mem>>
        %dma_start3A_388 = arith.constant 0 : i32
        %dma_start3A_389 = arith.constant 0 : i32
        %dma_start3A_390 = tpu.memref_slice %arg8[%run_scoped3A_306, %dma_start3A_388, %dma_start3A_389] : memref<4x128x64xbf16, #tpu.memory_space<vmem>> -> memref<1x128x64xbf16, #tpu.memory_space<vmem>>
        %dma_start3A_391 = tpu.memref_squeeze %dma_start3A_390 : memref<1x128x64xbf16, #tpu.memory_space<vmem>> -> memref<128x64xbf16, #tpu.memory_space<vmem>>
        %dma_start3A_392 = arith.constant 0 : i32
        %dma_start3A_393 = tpu.memref_slice %arg7[%add3A_295, %dma_start3A_392] : memref<40x128xi32, #tpu.memory_space<vmem>> -> memref<1x128xi32, #tpu.memory_space<vmem>>
        %dma_start3A_394 = tpu.memref_squeeze %dma_start3A_393 : memref<1x128xi32, #tpu.memory_space<vmem>> -> memref<128xi32, #tpu.memory_space<vmem>>
        %dma_start3A_395 = arith.constant 0 : i32
        %dma_start3A_396 = arith.constant 0 : i32
        %dma_start3A_397 = tpu.memref_slice %arg9[%dma_start3A_395, %dma_start3A_396] : memref<10112x64xbf16, #tpu.memory_space<vmem_shared>> -> memref<10112x64xbf16, #tpu.memory_space<vmem_shared>>
        tpu.enqueue_indirect_dma source(%dma_start3A_391 : memref<128x64xbf16, #tpu.memory_space<vmem>>) target(%dma_start3A_397 : memref<10112x64xbf16, #tpu.memory_space<vmem_shared>>) offsets(%dma_start3A_394 : memref<128xi32, #tpu.memory_space<vmem>>) semaphore(%run_scoped3A_387 : memref<!tpu.dma_semaphore, #tpu.memory_space<semaphore_mem>>) {add = true}
        %dma_wait3A_398 = arith.constant 0 : i32
        %dma_wait3A_399 = arith.constant 0 : i32
        %dma_wait3A_400 = tpu.memref_slice %arg8[%run_scoped3A_306, %dma_wait3A_398, %dma_wait3A_399] : memref<4x128x64xbf16, #tpu.memory_space<vmem>> -> memref<1x128x64xbf16, #tpu.memory_space<vmem>>
        %dma_wait3A_401 = tpu.memref_squeeze %dma_wait3A_400 : memref<1x128x64xbf16, #tpu.memory_space<vmem>> -> memref<128x64xbf16, #tpu.memory_space<vmem>>
        %dma_wait3A_402 = arith.constant 0 : i32
        %dma_wait3A_403 = tpu.memref_slice %arg7[%add3A_295, %dma_wait3A_402] : memref<40x128xi32, #tpu.memory_space<vmem>> -> memref<1x128xi32, #tpu.memory_space<vmem>>
        %dma_wait3A_404 = tpu.memref_squeeze %dma_wait3A_403 : memref<1x128xi32, #tpu.memory_space<vmem>> -> memref<128xi32, #tpu.memory_space<vmem>>
        %dma_wait3A_405 = arith.constant 0 : i32
        %dma_wait3A_406 = arith.constant 0 : i32
        %dma_wait3A_407 = tpu.memref_slice %arg9[%dma_wait3A_405, %dma_wait3A_406] : memref<10112x64xbf16, #tpu.memory_space<vmem_shared>> -> memref<10112x64xbf16, #tpu.memory_space<vmem_shared>>
        tpu.wait_indirect_dma semaphore(%run_scoped3A_387 : memref<!tpu.dma_semaphore, #tpu.memory_space<semaphore_mem>>) src(%dma_wait3A_401 : memref<128x64xbf16, #tpu.memory_space<vmem>>) dst(%dma_wait3A_407 : memref<10112x64xbf16, #tpu.memory_space<vmem_shared>>)
        tpu.yield
      }) : () -> ()
      %add3A_307 = arith.constant 4 : i32
      %add3A_308 = arith.addi %add3A_295, %add3A_307 : i32
      %sub3A = arith.constant 1 : i32
      %sub3A_309 = arith.subi %add3A_308, %sub3A : i32
      %lt3A = arith.constant 40 : i32
      %lt3A_310 = arith.cmpi slt, %sub3A_309, %lt3A : i32
      %convert_element_type3A = arith.extui %lt3A_310 : i1 to i32
      %cond3A = arith.constant 0 : i32
      %cond3A_311 = arith.cmpi ne, %convert_element_type3A, %cond3A : i32
      scf.if %cond3A_311 {
        %dma_start3A_387 = arith.constant 3 : i32
        %dma_start3A_388 = arith.constant 0 : i32
        %dma_start3A_389 = arith.constant 0 : i32
        %dma_start3A_390 = tpu.memref_slice %arg8[%dma_start3A_387, %dma_start3A_388, %dma_start3A_389] : memref<4x128x64xbf16, #tpu.memory_space<vmem>> -> memref<1x128x64xbf16, #tpu.memory_space<vmem>>
        %dma_start3A_391 = tpu.memref_squeeze %dma_start3A_390 : memref<1x128x64xbf16, #tpu.memory_space<vmem>> -> memref<128x64xbf16, #tpu.memory_space<vmem>>
        %dma_start3A_392 = arith.constant 0 : i32
        %dma_start3A_393 = tpu.memref_slice %arg6[%sub3A_309, %dma_start3A_392] : memref<40x128xi32, #tpu.memory_space<vmem>> -> memref<1x128xi32, #tpu.memory_space<vmem>>
        %dma_start3A_394 = tpu.memref_squeeze %dma_start3A_393 : memref<1x128xi32, #tpu.memory_space<vmem>> -> memref<128xi32, #tpu.memory_space<vmem>>
        %dma_start3A_395 = arith.constant 0 : i32
        %dma_start3A_396 = arith.constant 0 : i32
        %dma_start3A_397 = tpu.memref_slice %arg11[%dma_start3A_395, %dma_start3A_396] : memref<10112x64xbf16, #tpu.memory_space<vmem_shared>> -> memref<10112x64xbf16, #tpu.memory_space<vmem_shared>>
        tpu.enqueue_indirect_dma source(%dma_start3A_397 : memref<10112x64xbf16, #tpu.memory_space<vmem_shared>>) target(%dma_start3A_391 : memref<128x64xbf16, #tpu.memory_space<vmem>>) offsets(%dma_start3A_394 : memref<128xi32, #tpu.memory_space<vmem>>) semaphore(%arg15 : memref<!tpu.dma_semaphore, #tpu.memory_space<semaphore_mem>>)
      } else {
      }
      %mul3A_312 = arith.constant 4 : i32
      %mul3A_313 = arith.muli %scan3A_291, %mul3A_312 : i32
      %add3A_314 = arith.constant 1 : i32
      %add3A_315 = arith.addi %mul3A_313, %add3A_314 : i32
      %dma_wait3A_316 = arith.constant 1 : i32
      %dma_wait3A_317 = arith.constant 0 : i32
      %dma_wait3A_318 = arith.constant 0 : i32
      %dma_wait3A_319 = tpu.memref_slice %arg8[%dma_wait3A_316, %dma_wait3A_317, %dma_wait3A_318] : memref<4x128x64xbf16, #tpu.memory_space<vmem>> -> memref<1x128x64xbf16, #tpu.memory_space<vmem>>
      %dma_wait3A_320 = tpu.memref_squeeze %dma_wait3A_319 : memref<1x128x64xbf16, #tpu.memory_space<vmem>> -> memref<128x64xbf16, #tpu.memory_space<vmem>>
      %dma_wait3A_321 = arith.constant 0 : i32
      %dma_wait3A_322 = tpu.memref_slice %arg6[%add3A_315, %dma_wait3A_321] : memref<40x128xi32, #tpu.memory_space<vmem>> -> memref<1x128xi32, #tpu.memory_space<vmem>>
      %dma_wait3A_323 = tpu.memref_squeeze %dma_wait3A_322 : memref<1x128xi32, #tpu.memory_space<vmem>> -> memref<128xi32, #tpu.memory_space<vmem>>
      %dma_wait3A_324 = arith.constant 0 : i32
      %dma_wait3A_325 = arith.constant 0 : i32
      %dma_wait3A_326 = tpu.memref_slice %arg11[%dma_wait3A_324, %dma_wait3A_325] : memref<10112x64xbf16, #tpu.memory_space<vmem_shared>> -> memref<10112x64xbf16, #tpu.memory_space<vmem_shared>>
      tpu.wait_indirect_dma semaphore(%arg13 : memref<!tpu.dma_semaphore, #tpu.memory_space<semaphore_mem>>) src(%dma_wait3A_326 : memref<10112x64xbf16, #tpu.memory_space<vmem_shared>>) dst(%dma_wait3A_320 : memref<128x64xbf16, #tpu.memory_space<vmem>>)
      %run_scoped3A_327 = arith.constant 1 : i32
      "tpu.region"() ({
        %run_scoped3A_387 = tpu.sem_alloc : memref<!tpu.dma_semaphore, #tpu.memory_space<semaphore_mem>>
        %dma_start3A_388 = arith.constant 0 : i32
        %dma_start3A_389 = arith.constant 0 : i32
        %dma_start3A_390 = tpu.memref_slice %arg8[%run_scoped3A_327, %dma_start3A_388, %dma_start3A_389] : memref<4x128x64xbf16, #tpu.memory_space<vmem>> -> memref<1x128x64xbf16, #tpu.memory_space<vmem>>
        %dma_start3A_391 = tpu.memref_squeeze %dma_start3A_390 : memref<1x128x64xbf16, #tpu.memory_space<vmem>> -> memref<128x64xbf16, #tpu.memory_space<vmem>>
        %dma_start3A_392 = arith.constant 0 : i32
        %dma_start3A_393 = tpu.memref_slice %arg7[%add3A_315, %dma_start3A_392] : memref<40x128xi32, #tpu.memory_space<vmem>> -> memref<1x128xi32, #tpu.memory_space<vmem>>
        %dma_start3A_394 = tpu.memref_squeeze %dma_start3A_393 : memref<1x128xi32, #tpu.memory_space<vmem>> -> memref<128xi32, #tpu.memory_space<vmem>>
        %dma_start3A_395 = arith.constant 0 : i32
        %dma_start3A_396 = arith.constant 0 : i32
        %dma_start3A_397 = tpu.memref_slice %arg10[%dma_start3A_395, %dma_start3A_396] : memref<10112x64xbf16, #tpu.memory_space<vmem_shared>> -> memref<10112x64xbf16, #tpu.memory_space<vmem_shared>>
        tpu.enqueue_indirect_dma source(%dma_start3A_391 : memref<128x64xbf16, #tpu.memory_space<vmem>>) target(%dma_start3A_397 : memref<10112x64xbf16, #tpu.memory_space<vmem_shared>>) offsets(%dma_start3A_394 : memref<128xi32, #tpu.memory_space<vmem>>) semaphore(%run_scoped3A_387 : memref<!tpu.dma_semaphore, #tpu.memory_space<semaphore_mem>>) {add = true}
        %dma_wait3A_398 = arith.constant 0 : i32
        %dma_wait3A_399 = arith.constant 0 : i32
        %dma_wait3A_400 = tpu.memref_slice %arg8[%run_scoped3A_327, %dma_wait3A_398, %dma_wait3A_399] : memref<4x128x64xbf16, #tpu.memory_space<vmem>> -> memref<1x128x64xbf16, #tpu.memory_space<vmem>>
        %dma_wait3A_401 = tpu.memref_squeeze %dma_wait3A_400 : memref<1x128x64xbf16, #tpu.memory_space<vmem>> -> memref<128x64xbf16, #tpu.memory_space<vmem>>
        %dma_wait3A_402 = arith.constant 0 : i32
        %dma_wait3A_403 = tpu.memref_slice %arg7[%add3A_315, %dma_wait3A_402] : memref<40x128xi32, #tpu.memory_space<vmem>> -> memref<1x128xi32, #tpu.memory_space<vmem>>
        %dma_wait3A_404 = tpu.memref_squeeze %dma_wait3A_403 : memref<1x128xi32, #tpu.memory_space<vmem>> -> memref<128xi32, #tpu.memory_space<vmem>>
        %dma_wait3A_405 = arith.constant 0 : i32
        %dma_wait3A_406 = arith.constant 0 : i32
        %dma_wait3A_407 = tpu.memref_slice %arg10[%dma_wait3A_405, %dma_wait3A_406] : memref<10112x64xbf16, #tpu.memory_space<vmem_shared>> -> memref<10112x64xbf16, #tpu.memory_space<vmem_shared>>
        tpu.wait_indirect_dma semaphore(%run_scoped3A_387 : memref<!tpu.dma_semaphore, #tpu.memory_space<semaphore_mem>>) src(%dma_wait3A_401 : memref<128x64xbf16, #tpu.memory_space<vmem>>) dst(%dma_wait3A_407 : memref<10112x64xbf16, #tpu.memory_space<vmem_shared>>)
        tpu.yield
      }) : () -> ()
      %add3A_328 = arith.constant 4 : i32
      %add3A_329 = arith.addi %add3A_315, %add3A_328 : i32
      %sub3A_330 = arith.constant 1 : i32
      %sub3A_331 = arith.subi %add3A_329, %sub3A_330 : i32
      %lt3A_332 = arith.constant 40 : i32
      %lt3A_333 = arith.cmpi slt, %sub3A_331, %lt3A_332 : i32
      %convert_element_type3A_334 = arith.extui %lt3A_333 : i1 to i32
      %cond3A_335 = arith.constant 0 : i32
      %cond3A_336 = arith.cmpi ne, %convert_element_type3A_334, %cond3A_335 : i32
      scf.if %cond3A_336 {
        %dma_start3A_387 = arith.constant 0 : i32
        %dma_start3A_388 = arith.constant 0 : i32
        %dma_start3A_389 = arith.constant 0 : i32
        %dma_start3A_390 = tpu.memref_slice %arg8[%dma_start3A_387, %dma_start3A_388, %dma_start3A_389] : memref<4x128x64xbf16, #tpu.memory_space<vmem>> -> memref<1x128x64xbf16, #tpu.memory_space<vmem>>
        %dma_start3A_391 = tpu.memref_squeeze %dma_start3A_390 : memref<1x128x64xbf16, #tpu.memory_space<vmem>> -> memref<128x64xbf16, #tpu.memory_space<vmem>>
        %dma_start3A_392 = arith.constant 0 : i32
        %dma_start3A_393 = tpu.memref_slice %arg6[%sub3A_331, %dma_start3A_392] : memref<40x128xi32, #tpu.memory_space<vmem>> -> memref<1x128xi32, #tpu.memory_space<vmem>>
        %dma_start3A_394 = tpu.memref_squeeze %dma_start3A_393 : memref<1x128xi32, #tpu.memory_space<vmem>> -> memref<128xi32, #tpu.memory_space<vmem>>
        %dma_start3A_395 = arith.constant 0 : i32
        %dma_start3A_396 = arith.constant 0 : i32
        %dma_start3A_397 = tpu.memref_slice %arg11[%dma_start3A_395, %dma_start3A_396] : memref<10112x64xbf16, #tpu.memory_space<vmem_shared>> -> memref<10112x64xbf16, #tpu.memory_space<vmem_shared>>
        tpu.enqueue_indirect_dma source(%dma_start3A_397 : memref<10112x64xbf16, #tpu.memory_space<vmem_shared>>) target(%dma_start3A_391 : memref<128x64xbf16, #tpu.memory_space<vmem>>) offsets(%dma_start3A_394 : memref<128xi32, #tpu.memory_space<vmem>>) semaphore(%arg12 : memref<!tpu.dma_semaphore, #tpu.memory_space<semaphore_mem>>)
      } else {
      }
      %mul3A_337 = arith.constant 4 : i32
      %mul3A_338 = arith.muli %scan3A_291, %mul3A_337 : i32
      %add3A_339 = arith.constant 2 : i32
      %add3A_340 = arith.addi %mul3A_338, %add3A_339 : i32
      %dma_wait3A_341 = arith.constant 2 : i32
      %dma_wait3A_342 = arith.constant 0 : i32
      %dma_wait3A_343 = arith.constant 0 : i32
      %dma_wait3A_344 = tpu.memref_slice %arg8[%dma_wait3A_341, %dma_wait3A_342, %dma_wait3A_343] : memref<4x128x64xbf16, #tpu.memory_space<vmem>> -> memref<1x128x64xbf16, #tpu.memory_space<vmem>>
      %dma_wait3A_345 = tpu.memref_squeeze %dma_wait3A_344 : memref<1x128x64xbf16, #tpu.memory_space<vmem>> -> memref<128x64xbf16, #tpu.memory_space<vmem>>
      %dma_wait3A_346 = arith.constant 0 : i32
      %dma_wait3A_347 = tpu.memref_slice %arg6[%add3A_340, %dma_wait3A_346] : memref<40x128xi32, #tpu.memory_space<vmem>> -> memref<1x128xi32, #tpu.memory_space<vmem>>
      %dma_wait3A_348 = tpu.memref_squeeze %dma_wait3A_347 : memref<1x128xi32, #tpu.memory_space<vmem>> -> memref<128xi32, #tpu.memory_space<vmem>>
      %dma_wait3A_349 = arith.constant 0 : i32
      %dma_wait3A_350 = arith.constant 0 : i32
      %dma_wait3A_351 = tpu.memref_slice %arg11[%dma_wait3A_349, %dma_wait3A_350] : memref<10112x64xbf16, #tpu.memory_space<vmem_shared>> -> memref<10112x64xbf16, #tpu.memory_space<vmem_shared>>
      tpu.wait_indirect_dma semaphore(%arg14 : memref<!tpu.dma_semaphore, #tpu.memory_space<semaphore_mem>>) src(%dma_wait3A_351 : memref<10112x64xbf16, #tpu.memory_space<vmem_shared>>) dst(%dma_wait3A_345 : memref<128x64xbf16, #tpu.memory_space<vmem>>)
      %run_scoped3A_352 = arith.constant 2 : i32
      "tpu.region"() ({
        %run_scoped3A_387 = tpu.sem_alloc : memref<!tpu.dma_semaphore, #tpu.memory_space<semaphore_mem>>
        %dma_start3A_388 = arith.constant 0 : i32
        %dma_start3A_389 = arith.constant 0 : i32
        %dma_start3A_390 = tpu.memref_slice %arg8[%run_scoped3A_352, %dma_start3A_388, %dma_start3A_389] : memref<4x128x64xbf16, #tpu.memory_space<vmem>> -> memref<1x128x64xbf16, #tpu.memory_space<vmem>>
        %dma_start3A_391 = tpu.memref_squeeze %dma_start3A_390 : memref<1x128x64xbf16, #tpu.memory_space<vmem>> -> memref<128x64xbf16, #tpu.memory_space<vmem>>
        %dma_start3A_392 = arith.constant 0 : i32
        %dma_start3A_393 = tpu.memref_slice %arg7[%add3A_340, %dma_start3A_392] : memref<40x128xi32, #tpu.memory_space<vmem>> -> memref<1x128xi32, #tpu.memory_space<vmem>>
        %dma_start3A_394 = tpu.memref_squeeze %dma_start3A_393 : memref<1x128xi32, #tpu.memory_space<vmem>> -> memref<128xi32, #tpu.memory_space<vmem>>
        %dma_start3A_395 = arith.constant 0 : i32
        %dma_start3A_396 = arith.constant 0 : i32
        %dma_start3A_397 = tpu.memref_slice %arg9[%dma_start3A_395, %dma_start3A_396] : memref<10112x64xbf16, #tpu.memory_space<vmem_shared>> -> memref<10112x64xbf16, #tpu.memory_space<vmem_shared>>
        tpu.enqueue_indirect_dma source(%dma_start3A_391 : memref<128x64xbf16, #tpu.memory_space<vmem>>) target(%dma_start3A_397 : memref<10112x64xbf16, #tpu.memory_space<vmem_shared>>) offsets(%dma_start3A_394 : memref<128xi32, #tpu.memory_space<vmem>>) semaphore(%run_scoped3A_387 : memref<!tpu.dma_semaphore, #tpu.memory_space<semaphore_mem>>) {add = true}
        %dma_wait3A_398 = arith.constant 0 : i32
        %dma_wait3A_399 = arith.constant 0 : i32
        %dma_wait3A_400 = tpu.memref_slice %arg8[%run_scoped3A_352, %dma_wait3A_398, %dma_wait3A_399] : memref<4x128x64xbf16, #tpu.memory_space<vmem>> -> memref<1x128x64xbf16, #tpu.memory_space<vmem>>
        %dma_wait3A_401 = tpu.memref_squeeze %dma_wait3A_400 : memref<1x128x64xbf16, #tpu.memory_space<vmem>> -> memref<128x64xbf16, #tpu.memory_space<vmem>>
        %dma_wait3A_402 = arith.constant 0 : i32
        %dma_wait3A_403 = tpu.memref_slice %arg7[%add3A_340, %dma_wait3A_402] : memref<40x128xi32, #tpu.memory_space<vmem>> -> memref<1x128xi32, #tpu.memory_space<vmem>>
        %dma_wait3A_404 = tpu.memref_squeeze %dma_wait3A_403 : memref<1x128xi32, #tpu.memory_space<vmem>> -> memref<128xi32, #tpu.memory_space<vmem>>
        %dma_wait3A_405 = arith.constant 0 : i32
        %dma_wait3A_406 = arith.constant 0 : i32
        %dma_wait3A_407 = tpu.memref_slice %arg9[%dma_wait3A_405, %dma_wait3A_406] : memref<10112x64xbf16, #tpu.memory_space<vmem_shared>> -> memref<10112x64xbf16, #tpu.memory_space<vmem_shared>>
        tpu.wait_indirect_dma semaphore(%run_scoped3A_387 : memref<!tpu.dma_semaphore, #tpu.memory_space<semaphore_mem>>) src(%dma_wait3A_401 : memref<128x64xbf16, #tpu.memory_space<vmem>>) dst(%dma_wait3A_407 : memref<10112x64xbf16, #tpu.memory_space<vmem_shared>>)
        tpu.yield
      }) : () -> ()
      %add3A_353 = arith.constant 4 : i32
      %add3A_354 = arith.addi %add3A_340, %add3A_353 : i32
      %sub3A_355 = arith.constant 1 : i32
      %sub3A_356 = arith.subi %add3A_354, %sub3A_355 : i32
      %lt3A_357 = arith.constant 40 : i32
      %lt3A_358 = arith.cmpi slt, %sub3A_356, %lt3A_357 : i32
      %convert_element_type3A_359 = arith.extui %lt3A_358 : i1 to i32
      %cond3A_360 = arith.constant 0 : i32
      %cond3A_361 = arith.cmpi ne, %convert_element_type3A_359, %cond3A_360 : i32
      scf.if %cond3A_361 {
        %dma_start3A_387 = arith.constant 1 : i32
        %dma_start3A_388 = arith.constant 0 : i32
        %dma_start3A_389 = arith.constant 0 : i32
        %dma_start3A_390 = tpu.memref_slice %arg8[%dma_start3A_387, %dma_start3A_388, %dma_start3A_389] : memref<4x128x64xbf16, #tpu.memory_space<vmem>> -> memref<1x128x64xbf16, #tpu.memory_space<vmem>>
        %dma_start3A_391 = tpu.memref_squeeze %dma_start3A_390 : memref<1x128x64xbf16, #tpu.memory_space<vmem>> -> memref<128x64xbf16, #tpu.memory_space<vmem>>
        %dma_start3A_392 = arith.constant 0 : i32
        %dma_start3A_393 = tpu.memref_slice %arg6[%sub3A_356, %dma_start3A_392] : memref<40x128xi32, #tpu.memory_space<vmem>> -> memref<1x128xi32, #tpu.memory_space<vmem>>
        %dma_start3A_394 = tpu.memref_squeeze %dma_start3A_393 : memref<1x128xi32, #tpu.memory_space<vmem>> -> memref<128xi32, #tpu.memory_space<vmem>>
        %dma_start3A_395 = arith.constant 0 : i32
        %dma_start3A_396 = arith.constant 0 : i32
        %dma_start3A_397 = tpu.memref_slice %arg11[%dma_start3A_395, %dma_start3A_396] : memref<10112x64xbf16, #tpu.memory_space<vmem_shared>> -> memref<10112x64xbf16, #tpu.memory_space<vmem_shared>>
        tpu.enqueue_indirect_dma source(%dma_start3A_397 : memref<10112x64xbf16, #tpu.memory_space<vmem_shared>>) target(%dma_start3A_391 : memref<128x64xbf16, #tpu.memory_space<vmem>>) offsets(%dma_start3A_394 : memref<128xi32, #tpu.memory_space<vmem>>) semaphore(%arg13 : memref<!tpu.dma_semaphore, #tpu.memory_space<semaphore_mem>>)
      } else {
      }
      %mul3A_362 = arith.constant 4 : i32
      %mul3A_363 = arith.muli %scan3A_291, %mul3A_362 : i32
      %add3A_364 = arith.constant 3 : i32
      %add3A_365 = arith.addi %mul3A_363, %add3A_364 : i32
      %dma_wait3A_366 = arith.constant 3 : i32
      %dma_wait3A_367 = arith.constant 0 : i32
      %dma_wait3A_368 = arith.constant 0 : i32
      %dma_wait3A_369 = tpu.memref_slice %arg8[%dma_wait3A_366, %dma_wait3A_367, %dma_wait3A_368] : memref<4x128x64xbf16, #tpu.memory_space<vmem>> -> memref<1x128x64xbf16, #tpu.memory_space<vmem>>
      %dma_wait3A_370 = tpu.memref_squeeze %dma_wait3A_369 : memref<1x128x64xbf16, #tpu.memory_space<vmem>> -> memref<128x64xbf16, #tpu.memory_space<vmem>>
      %dma_wait3A_371 = arith.constant 0 : i32
      %dma_wait3A_372 = tpu.memref_slice %arg6[%add3A_365, %dma_wait3A_371] : memref<40x128xi32, #tpu.memory_space<vmem>> -> memref<1x128xi32, #tpu.memory_space<vmem>>
      %dma_wait3A_373 = tpu.memref_squeeze %dma_wait3A_372 : memref<1x128xi32, #tpu.memory_space<vmem>> -> memref<128xi32, #tpu.memory_space<vmem>>
      %dma_wait3A_374 = arith.constant 0 : i32
      %dma_wait3A_375 = arith.constant 0 : i32
      %dma_wait3A_376 = tpu.memref_slice %arg11[%dma_wait3A_374, %dma_wait3A_375] : memref<10112x64xbf16, #tpu.memory_space<vmem_shared>> -> memref<10112x64xbf16, #tpu.memory_space<vmem_shared>>
      tpu.wait_indirect_dma semaphore(%arg15 : memref<!tpu.dma_semaphore, #tpu.memory_space<semaphore_mem>>) src(%dma_wait3A_376 : memref<10112x64xbf16, #tpu.memory_space<vmem_shared>>) dst(%dma_wait3A_370 : memref<128x64xbf16, #tpu.memory_space<vmem>>)
      %run_scoped3A_377 = arith.constant 3 : i32
      "tpu.region"() ({
        %run_scoped3A_387 = tpu.sem_alloc : memref<!tpu.dma_semaphore, #tpu.memory_space<semaphore_mem>>
        %dma_start3A_388 = arith.constant 0 : i32
        %dma_start3A_389 = arith.constant 0 : i32
        %dma_start3A_390 = tpu.memref_slice %arg8[%run_scoped3A_377, %dma_start3A_388, %dma_start3A_389] : memref<4x128x64xbf16, #tpu.memory_space<vmem>> -> memref<1x128x64xbf16, #tpu.memory_space<vmem>>
        %dma_start3A_391 = tpu.memref_squeeze %dma_start3A_390 : memref<1x128x64xbf16, #tpu.memory_space<vmem>> -> memref<128x64xbf16, #tpu.memory_space<vmem>>
        %dma_start3A_392 = arith.constant 0 : i32
        %dma_start3A_393 = tpu.memref_slice %arg7[%add3A_365, %dma_start3A_392] : memref<40x128xi32, #tpu.memory_space<vmem>> -> memref<1x128xi32, #tpu.memory_space<vmem>>
        %dma_start3A_394 = tpu.memref_squeeze %dma_start3A_393 : memref<1x128xi32, #tpu.memory_space<vmem>> -> memref<128xi32, #tpu.memory_space<vmem>>
        %dma_start3A_395 = arith.constant 0 : i32
        %dma_start3A_396 = arith.constant 0 : i32
        %dma_start3A_397 = tpu.memref_slice %arg10[%dma_start3A_395, %dma_start3A_396] : memref<10112x64xbf16, #tpu.memory_space<vmem_shared>> -> memref<10112x64xbf16, #tpu.memory_space<vmem_shared>>
        tpu.enqueue_indirect_dma source(%dma_start3A_391 : memref<128x64xbf16, #tpu.memory_space<vmem>>) target(%dma_start3A_397 : memref<10112x64xbf16, #tpu.memory_space<vmem_shared>>) offsets(%dma_start3A_394 : memref<128xi32, #tpu.memory_space<vmem>>) semaphore(%run_scoped3A_387 : memref<!tpu.dma_semaphore, #tpu.memory_space<semaphore_mem>>) {add = true}
        %dma_wait3A_398 = arith.constant 0 : i32
        %dma_wait3A_399 = arith.constant 0 : i32
        %dma_wait3A_400 = tpu.memref_slice %arg8[%run_scoped3A_377, %dma_wait3A_398, %dma_wait3A_399] : memref<4x128x64xbf16, #tpu.memory_space<vmem>> -> memref<1x128x64xbf16, #tpu.memory_space<vmem>>
        %dma_wait3A_401 = tpu.memref_squeeze %dma_wait3A_400 : memref<1x128x64xbf16, #tpu.memory_space<vmem>> -> memref<128x64xbf16, #tpu.memory_space<vmem>>
        %dma_wait3A_402 = arith.constant 0 : i32
        %dma_wait3A_403 = tpu.memref_slice %arg7[%add3A_365, %dma_wait3A_402] : memref<40x128xi32, #tpu.memory_space<vmem>> -> memref<1x128xi32, #tpu.memory_space<vmem>>
        %dma_wait3A_404 = tpu.memref_squeeze %dma_wait3A_403 : memref<1x128xi32, #tpu.memory_space<vmem>> -> memref<128xi32, #tpu.memory_space<vmem>>
        %dma_wait3A_405 = arith.constant 0 : i32
        %dma_wait3A_406 = arith.constant 0 : i32
        %dma_wait3A_407 = tpu.memref_slice %arg10[%dma_wait3A_405, %dma_wait3A_406] : memref<10112x64xbf16, #tpu.memory_space<vmem_shared>> -> memref<10112x64xbf16, #tpu.memory_space<vmem_shared>>
        tpu.wait_indirect_dma semaphore(%run_scoped3A_387 : memref<!tpu.dma_semaphore, #tpu.memory_space<semaphore_mem>>) src(%dma_wait3A_401 : memref<128x64xbf16, #tpu.memory_space<vmem>>) dst(%dma_wait3A_407 : memref<10112x64xbf16, #tpu.memory_space<vmem_shared>>)
        tpu.yield
      }) : () -> ()
      %add3A_378 = arith.constant 4 : i32
      %add3A_379 = arith.addi %add3A_365, %add3A_378 : i32
      %sub3A_380 = arith.constant 1 : i32
      %sub3A_381 = arith.subi %add3A_379, %sub3A_380 : i32
      %lt3A_382 = arith.constant 40 : i32
      %lt3A_383 = arith.cmpi slt, %sub3A_381, %lt3A_382 : i32
      %convert_element_type3A_384 = arith.extui %lt3A_383 : i1 to i32
      %cond3A_385 = arith.constant 0 : i32
      %cond3A_386 = arith.cmpi ne, %convert_element_type3A_384, %cond3A_385 : i32
      scf.if %cond3A_386 {
        %dma_start3A_387 = arith.constant 2 : i32
        %dma_start3A_388 = arith.constant 0 : i32
        %dma_start3A_389 = arith.constant 0 : i32
        %dma_start3A_390 = tpu.memref_slice %arg8[%dma_start3A_387, %dma_start3A_388, %dma_start3A_389] : memref<4x128x64xbf16, #tpu.memory_space<vmem>> -> memref<1x128x64xbf16, #tpu.memory_space<vmem>>
        %dma_start3A_391 = tpu.memref_squeeze %dma_start3A_390 : memref<1x128x64xbf16, #tpu.memory_space<vmem>> -> memref<128x64xbf16, #tpu.memory_space<vmem>>
        %dma_start3A_392 = arith.constant 0 : i32
        %dma_start3A_393 = tpu.memref_slice %arg6[%sub3A_381, %dma_start3A_392] : memref<40x128xi32, #tpu.memory_space<vmem>> -> memref<1x128xi32, #tpu.memory_space<vmem>>
        %dma_start3A_394 = tpu.memref_squeeze %dma_start3A_393 : memref<1x128xi32, #tpu.memory_space<vmem>> -> memref<128xi32, #tpu.memory_space<vmem>>
        %dma_start3A_395 = arith.constant 0 : i32
        %dma_start3A_396 = arith.constant 0 : i32
        %dma_start3A_397 = tpu.memref_slice %arg11[%dma_start3A_395, %dma_start3A_396] : memref<10112x64xbf16, #tpu.memory_space<vmem_shared>> -> memref<10112x64xbf16, #tpu.memory_space<vmem_shared>>
        tpu.enqueue_indirect_dma source(%dma_start3A_397 : memref<10112x64xbf16, #tpu.memory_space<vmem_shared>>) target(%dma_start3A_391 : memref<128x64xbf16, #tpu.memory_space<vmem>>) offsets(%dma_start3A_394 : memref<128xi32, #tpu.memory_space<vmem>>) semaphore(%arg14 : memref<!tpu.dma_semaphore, #tpu.memory_space<semaphore_mem>>)
      } else {
      }
    }
    %scan3A_204 = arith.constant 10 : i32
    %barrier3A_205 = arith.constant 0 : index
    tpu.barrier barrier_id(%barrier3A_205)
    %add3A_206 = arith.constant 0 : i32
    %add3A_207 = arith.addi %mul3A_1, %add3A_206 : i32
    %run_scoped3A_208 = arith.constant 0 : i32
    "tpu.region"() ({
      %run_scoped3A_291 = tpu.sem_alloc : memref<!tpu.dma_semaphore, #tpu.memory_space<semaphore_mem>>
      %dma_start3A_292 = arith.constant 0 : i32
      %dma_start3A_293 = arith.constant 0 : i32
      %dma_start3A_294 = tpu.memref_slice %arg8[%run_scoped3A_208, %dma_start3A_292, %dma_start3A_293] : memref<4x128x64xbf16, #tpu.memory_space<vmem>> -> memref<1x128x64xbf16, #tpu.memory_space<vmem>>
      %dma_start3A_295 = tpu.memref_squeeze %dma_start3A_294 : memref<1x128x64xbf16, #tpu.memory_space<vmem>> -> memref<128x64xbf16, #tpu.memory_space<vmem>>
      %dma_start3A_296 = arith.constant 0 : i32
      %dma_start3A_297 = tpu.memref_slice %arg9[%add3A_207, %dma_start3A_296] : memref<10112x64xbf16, #tpu.memory_space<vmem_shared>> -> memref<128x64xbf16, #tpu.memory_space<vmem_shared>>
      %dma_start3A_298 = arith.constant 0 : i32
      %dma_start3A_299 = arith.constant 0 : i32
      %dma_start3A_300 = tpu.memref_slice %arg8[%run_scoped3A_208, %dma_start3A_298, %dma_start3A_299] : memref<4x128x64xbf16, #tpu.memory_space<vmem>> -> memref<1x128x64xbf16, #tpu.memory_space<vmem>>
      %dma_start3A_301 = tpu.memref_squeeze %dma_start3A_300 : memref<1x128x64xbf16, #tpu.memory_space<vmem>> -> memref<128x64xbf16, #tpu.memory_space<vmem>>
      %dma_start3A_302 = arith.constant 0 : i32
      %dma_start3A_303 = tpu.memref_slice %arg9[%add3A_207, %dma_start3A_302] : memref<10112x64xbf16, #tpu.memory_space<vmem_shared>> -> memref<128x64xbf16, #tpu.memory_space<vmem_shared>>
      tpu.enqueue_dma source(%dma_start3A_303 : memref<128x64xbf16, #tpu.memory_space<vmem_shared>>) target(%dma_start3A_301 : memref<128x64xbf16, #tpu.memory_space<vmem>>) target_semaphore(%run_scoped3A_291 : memref<!tpu.dma_semaphore, #tpu.memory_space<semaphore_mem>>)
      %dma_wait3A = arith.constant 0 : i32
      %dma_wait3A_304 = arith.constant 0 : i32
      %dma_wait3A_305 = tpu.memref_slice %arg8[%run_scoped3A_208, %dma_wait3A, %dma_wait3A_304] : memref<4x128x64xbf16, #tpu.memory_space<vmem>> -> memref<1x128x64xbf16, #tpu.memory_space<vmem>>
      %dma_wait3A_306 = tpu.memref_squeeze %dma_wait3A_305 : memref<1x128x64xbf16, #tpu.memory_space<vmem>> -> memref<128x64xbf16, #tpu.memory_space<vmem>>
      %dma_wait3A_307 = arith.constant 0 : i32
      %dma_wait3A_308 = tpu.memref_slice %arg9[%add3A_207, %dma_wait3A_307] : memref<10112x64xbf16, #tpu.memory_space<vmem_shared>> -> memref<128x64xbf16, #tpu.memory_space<vmem_shared>>
      %dma_wait3A_309 = arith.constant 0 : i32
      %dma_wait3A_310 = arith.constant 0 : i32
      %dma_wait3A_311 = tpu.memref_slice %arg8[%run_scoped3A_208, %dma_wait3A_309, %dma_wait3A_310] : memref<4x128x64xbf16, #tpu.memory_space<vmem>> -> memref<1x128x64xbf16, #tpu.memory_space<vmem>>
      %dma_wait3A_312 = tpu.memref_squeeze %dma_wait3A_311 : memref<1x128x64xbf16, #tpu.memory_space<vmem>> -> memref<128x64xbf16, #tpu.memory_space<vmem>>
      %dma_wait3A_313 = arith.constant 0 : i32
      %dma_wait3A_314 = tpu.memref_slice %arg9[%add3A_207, %dma_wait3A_313] : memref<10112x64xbf16, #tpu.memory_space<vmem_shared>> -> memref<128x64xbf16, #tpu.memory_space<vmem_shared>>
      tpu.wait_dma2 semaphore(%run_scoped3A_291 : memref<!tpu.dma_semaphore, #tpu.memory_space<semaphore_mem>>) src(%dma_wait3A_314 : memref<128x64xbf16, #tpu.memory_space<vmem_shared>>) dst(%dma_wait3A_312 : memref<128x64xbf16, #tpu.memory_space<vmem>>)
      tpu.yield
    }) : () -> ()
    %add3A_209 = arith.constant 0 : i32
    %add3A_210 = arith.addi %mul3A_1, %add3A_209 : i32
    %run_scoped3A_211 = arith.constant 1 : i32
    "tpu.region"() ({
      %run_scoped3A_291 = tpu.sem_alloc : memref<!tpu.dma_semaphore, #tpu.memory_space<semaphore_mem>>
      %dma_start3A_292 = arith.constant 0 : i32
      %dma_start3A_293 = arith.constant 0 : i32
      %dma_start3A_294 = tpu.memref_slice %arg8[%run_scoped3A_211, %dma_start3A_292, %dma_start3A_293] : memref<4x128x64xbf16, #tpu.memory_space<vmem>> -> memref<1x128x64xbf16, #tpu.memory_space<vmem>>
      %dma_start3A_295 = tpu.memref_squeeze %dma_start3A_294 : memref<1x128x64xbf16, #tpu.memory_space<vmem>> -> memref<128x64xbf16, #tpu.memory_space<vmem>>
      %dma_start3A_296 = arith.constant 0 : i32
      %dma_start3A_297 = tpu.memref_slice %arg10[%add3A_210, %dma_start3A_296] : memref<10112x64xbf16, #tpu.memory_space<vmem_shared>> -> memref<128x64xbf16, #tpu.memory_space<vmem_shared>>
      %dma_start3A_298 = arith.constant 0 : i32
      %dma_start3A_299 = arith.constant 0 : i32
      %dma_start3A_300 = tpu.memref_slice %arg8[%run_scoped3A_211, %dma_start3A_298, %dma_start3A_299] : memref<4x128x64xbf16, #tpu.memory_space<vmem>> -> memref<1x128x64xbf16, #tpu.memory_space<vmem>>
      %dma_start3A_301 = tpu.memref_squeeze %dma_start3A_300 : memref<1x128x64xbf16, #tpu.memory_space<vmem>> -> memref<128x64xbf16, #tpu.memory_space<vmem>>
      %dma_start3A_302 = arith.constant 0 : i32
      %dma_start3A_303 = tpu.memref_slice %arg10[%add3A_210, %dma_start3A_302] : memref<10112x64xbf16, #tpu.memory_space<vmem_shared>> -> memref<128x64xbf16, #tpu.memory_space<vmem_shared>>
      tpu.enqueue_dma source(%dma_start3A_303 : memref<128x64xbf16, #tpu.memory_space<vmem_shared>>) target(%dma_start3A_301 : memref<128x64xbf16, #tpu.memory_space<vmem>>) target_semaphore(%run_scoped3A_291 : memref<!tpu.dma_semaphore, #tpu.memory_space<semaphore_mem>>)
      %dma_wait3A = arith.constant 0 : i32
      %dma_wait3A_304 = arith.constant 0 : i32
      %dma_wait3A_305 = tpu.memref_slice %arg8[%run_scoped3A_211, %dma_wait3A, %dma_wait3A_304] : memref<4x128x64xbf16, #tpu.memory_space<vmem>> -> memref<1x128x64xbf16, #tpu.memory_space<vmem>>
      %dma_wait3A_306 = tpu.memref_squeeze %dma_wait3A_305 : memref<1x128x64xbf16, #tpu.memory_space<vmem>> -> memref<128x64xbf16, #tpu.memory_space<vmem>>
      %dma_wait3A_307 = arith.constant 0 : i32
      %dma_wait3A_308 = tpu.memref_slice %arg10[%add3A_210, %dma_wait3A_307] : memref<10112x64xbf16, #tpu.memory_space<vmem_shared>> -> memref<128x64xbf16, #tpu.memory_space<vmem_shared>>
      %dma_wait3A_309 = arith.constant 0 : i32
      %dma_wait3A_310 = arith.constant 0 : i32
      %dma_wait3A_311 = tpu.memref_slice %arg8[%run_scoped3A_211, %dma_wait3A_309, %dma_wait3A_310] : memref<4x128x64xbf16, #tpu.memory_space<vmem>> -> memref<1x128x64xbf16, #tpu.memory_space<vmem>>
      %dma_wait3A_312 = tpu.memref_squeeze %dma_wait3A_311 : memref<1x128x64xbf16, #tpu.memory_space<vmem>> -> memref<128x64xbf16, #tpu.memory_space<vmem>>
      %dma_wait3A_313 = arith.constant 0 : i32
      %dma_wait3A_314 = tpu.memref_slice %arg10[%add3A_210, %dma_wait3A_313] : memref<10112x64xbf16, #tpu.memory_space<vmem_shared>> -> memref<128x64xbf16, #tpu.memory_space<vmem_shared>>
      tpu.wait_dma2 semaphore(%run_scoped3A_291 : memref<!tpu.dma_semaphore, #tpu.memory_space<semaphore_mem>>) src(%dma_wait3A_314 : memref<128x64xbf16, #tpu.memory_space<vmem_shared>>) dst(%dma_wait3A_312 : memref<128x64xbf16, #tpu.memory_space<vmem>>)
      tpu.yield
    }) : () -> ()
    %add3A_212 = arith.constant 0 : i32
    %add3A_213 = arith.addi %mul3A_1, %add3A_212 : i32
    %run_scoped3A_214 = arith.constant 2 : i32
    "tpu.region"() ({
      %run_scoped3A_291 = tpu.sem_alloc : memref<!tpu.dma_semaphore, #tpu.memory_space<semaphore_mem>>
      %dma_start3A_292 = arith.constant 0 : i32
      %dma_start3A_293 = arith.constant 0 : i32
      %dma_start3A_294 = tpu.memref_slice %arg8[%run_scoped3A_214, %dma_start3A_292, %dma_start3A_293] : memref<4x128x64xbf16, #tpu.memory_space<vmem>> -> memref<1x128x64xbf16, #tpu.memory_space<vmem>>
      %dma_start3A_295 = tpu.memref_squeeze %dma_start3A_294 : memref<1x128x64xbf16, #tpu.memory_space<vmem>> -> memref<128x64xbf16, #tpu.memory_space<vmem>>
      %dma_start3A_296 = arith.constant 0 : i32
      %dma_start3A_297 = tpu.memref_slice %arg11[%add3A_213, %dma_start3A_296] : memref<10112x64xbf16, #tpu.memory_space<vmem_shared>> -> memref<128x64xbf16, #tpu.memory_space<vmem_shared>>
      %dma_start3A_298 = arith.constant 0 : i32
      %dma_start3A_299 = arith.constant 0 : i32
      %dma_start3A_300 = tpu.memref_slice %arg8[%run_scoped3A_214, %dma_start3A_298, %dma_start3A_299] : memref<4x128x64xbf16, #tpu.memory_space<vmem>> -> memref<1x128x64xbf16, #tpu.memory_space<vmem>>
      %dma_start3A_301 = tpu.memref_squeeze %dma_start3A_300 : memref<1x128x64xbf16, #tpu.memory_space<vmem>> -> memref<128x64xbf16, #tpu.memory_space<vmem>>
      %dma_start3A_302 = arith.constant 0 : i32
      %dma_start3A_303 = tpu.memref_slice %arg11[%add3A_213, %dma_start3A_302] : memref<10112x64xbf16, #tpu.memory_space<vmem_shared>> -> memref<128x64xbf16, #tpu.memory_space<vmem_shared>>
      tpu.enqueue_dma source(%dma_start3A_303 : memref<128x64xbf16, #tpu.memory_space<vmem_shared>>) target(%dma_start3A_301 : memref<128x64xbf16, #tpu.memory_space<vmem>>) target_semaphore(%run_scoped3A_291 : memref<!tpu.dma_semaphore, #tpu.memory_space<semaphore_mem>>)
      %dma_wait3A = arith.constant 0 : i32
      %dma_wait3A_304 = arith.constant 0 : i32
      %dma_wait3A_305 = tpu.memref_slice %arg8[%run_scoped3A_214, %dma_wait3A, %dma_wait3A_304] : memref<4x128x64xbf16, #tpu.memory_space<vmem>> -> memref<1x128x64xbf16, #tpu.memory_space<vmem>>
      %dma_wait3A_306 = tpu.memref_squeeze %dma_wait3A_305 : memref<1x128x64xbf16, #tpu.memory_space<vmem>> -> memref<128x64xbf16, #tpu.memory_space<vmem>>
      %dma_wait3A_307 = arith.constant 0 : i32
      %dma_wait3A_308 = tpu.memref_slice %arg11[%add3A_213, %dma_wait3A_307] : memref<10112x64xbf16, #tpu.memory_space<vmem_shared>> -> memref<128x64xbf16, #tpu.memory_space<vmem_shared>>
      %dma_wait3A_309 = arith.constant 0 : i32
      %dma_wait3A_310 = arith.constant 0 : i32
      %dma_wait3A_311 = tpu.memref_slice %arg8[%run_scoped3A_214, %dma_wait3A_309, %dma_wait3A_310] : memref<4x128x64xbf16, #tpu.memory_space<vmem>> -> memref<1x128x64xbf16, #tpu.memory_space<vmem>>
      %dma_wait3A_312 = tpu.memref_squeeze %dma_wait3A_311 : memref<1x128x64xbf16, #tpu.memory_space<vmem>> -> memref<128x64xbf16, #tpu.memory_space<vmem>>
      %dma_wait3A_313 = arith.constant 0 : i32
      %dma_wait3A_314 = tpu.memref_slice %arg11[%add3A_213, %dma_wait3A_313] : memref<10112x64xbf16, #tpu.memory_space<vmem_shared>> -> memref<128x64xbf16, #tpu.memory_space<vmem_shared>>
      tpu.wait_dma2 semaphore(%run_scoped3A_291 : memref<!tpu.dma_semaphore, #tpu.memory_space<semaphore_mem>>) src(%dma_wait3A_314 : memref<128x64xbf16, #tpu.memory_space<vmem_shared>>) dst(%dma_wait3A_312 : memref<128x64xbf16, #tpu.memory_space<vmem>>)
      tpu.yield
    }) : () -> ()
    %scan3A_215 = arith.constant 0 : i32
    %scan3A_216 = arith.constant 128 : i32
    %scan3A_217 = arith.addi %scan3A_215, %scan3A_216 : i32
    %scan3A_218 = arith.constant 1 : i32
    scf.for %scan3A_291 = %scan3A_215 to %scan3A_217 step %scan3A_218  : i32 {
      %scan3A_292 = arith.constant 0 : i32
      %mul3A_293 = arith.constant 2 : i32
      %mul3A_294 = arith.muli %scan3A_292, %mul3A_293 : i32
      %mul3A_295 = arith.constant 16 : i32
      %mul3A_296 = arith.muli %mul3A_294, %mul3A_295 : i32
      %get3A = arith.constant 0 : i32
      %get3A_297 = arith.index_cast %get3A : i32 to index
      %get3A_298 = arith.index_cast %scan3A_291 : i32 to index
      %get3A_299 = arith.index_cast %mul3A_296 : i32 to index
      %get3A_300 = tpu.vector_load %arg8[%get3A_297, %get3A_298, %get3A_299] {strides = array<i32>} : memref<4x128x64xbf16, #tpu.memory_space<vmem>>, vector<32xbf16>,
      %mul3A_301 = arith.constant 2 : i32
      %mul3A_302 = arith.muli %scan3A_292, %mul3A_301 : i32
      %mul3A_303 = arith.constant 16 : i32
      %mul3A_304 = arith.muli %mul3A_302, %mul3A_303 : i32
      %get3A_305 = arith.constant 1 : i32
      %get3A_306 = arith.index_cast %get3A_305 : i32 to index
      %get3A_307 = arith.index_cast %scan3A_291 : i32 to index
      %get3A_308 = arith.index_cast %mul3A_304 : i32 to index
      %get3A_309 = tpu.vector_load %arg8[%get3A_306, %get3A_307, %get3A_308] {strides = array<i32>} : memref<4x128x64xbf16, #tpu.memory_space<vmem>>, vector<32xbf16>,
      %add3A_310 = arith.addf %get3A_300, %get3A_309 : vector<32xbf16>
      %mul3A_311 = arith.constant 2 : i32
      %mul3A_312 = arith.muli %scan3A_292, %mul3A_311 : i32
      %mul3A_313 = arith.constant 16 : i32
      %mul3A_314 = arith.muli %mul3A_312, %mul3A_313 : i32
      %get3A_315 = arith.constant 2 : i32
      %get3A_316 = arith.index_cast %get3A_315 : i32 to index
      %get3A_317 = arith.index_cast %scan3A_291 : i32 to index
      %get3A_318 = arith.index_cast %mul3A_314 : i32 to index
      %get3A_319 = tpu.vector_load %arg8[%get3A_316, %get3A_317, %get3A_318] {strides = array<i32>} : memref<4x128x64xbf16, #tpu.memory_space<vmem>>, vector<32xbf16>,
      %add3A_320 = arith.addf %add3A_310, %get3A_319 : vector<32xbf16>
      %mul3A_321 = arith.constant 2 : i32
      %mul3A_322 = arith.muli %scan3A_292, %mul3A_321 : i32
      %mul3A_323 = arith.constant 16 : i32
      %mul3A_324 = arith.muli %mul3A_322, %mul3A_323 : i32
      %swap3A = arith.constant 0 : i32
      %swap3A_325 = arith.index_cast %swap3A : i32 to index
      %swap3A_326 = arith.index_cast %scan3A_291 : i32 to index
      %swap3A_327 = arith.index_cast %mul3A_324 : i32 to index
      %swap3A_328 = tpu.vector_load %arg8[%swap3A_325, %swap3A_326, %swap3A_327] {strides = array<i32>} : memref<4x128x64xbf16, #tpu.memory_space<vmem>>, vector<32xbf16>,
      tpu.vector_store %arg8[%swap3A_325, %swap3A_326, %swap3A_327], %add3A_320 {strides = array<i32>} : memref<4x128x64xbf16, #tpu.memory_space<vmem>>, vector<32xbf16>,
      %scan3A_329 = arith.constant 1 : i32
      %mul3A_330 = arith.constant 2 : i32
      %mul3A_331 = arith.muli %scan3A_329, %mul3A_330 : i32
      %mul3A_332 = arith.constant 16 : i32
      %mul3A_333 = arith.muli %mul3A_331, %mul3A_332 : i32
      %get3A_334 = arith.constant 0 : i32
      %get3A_335 = arith.index_cast %get3A_334 : i32 to index
      %get3A_336 = arith.index_cast %scan3A_291 : i32 to index
      %get3A_337 = arith.index_cast %mul3A_333 : i32 to index
      %get3A_338 = tpu.vector_load %arg8[%get3A_335, %get3A_336, %get3A_337] {strides = array<i32>} : memref<4x128x64xbf16, #tpu.memory_space<vmem>>, vector<32xbf16>,
      %mul3A_339 = arith.constant 2 : i32
      %mul3A_340 = arith.muli %scan3A_329, %mul3A_339 : i32
      %mul3A_341 = arith.constant 16 : i32
      %mul3A_342 = arith.muli %mul3A_340, %mul3A_341 : i32
      %get3A_343 = arith.constant 1 : i32
      %get3A_344 = arith.index_cast %get3A_343 : i32 to index
      %get3A_345 = arith.index_cast %scan3A_291 : i32 to index
      %get3A_346 = arith.index_cast %mul3A_342 : i32 to index
      %get3A_347 = tpu.vector_load %arg8[%get3A_344, %get3A_345, %get3A_346] {strides = array<i32>} : memref<4x128x64xbf16, #tpu.memory_space<vmem>>, vector<32xbf16>,
      %add3A_348 = arith.addf %get3A_338, %get3A_347 : vector<32xbf16>
      %mul3A_349 = arith.constant 2 : i32
      %mul3A_350 = arith.muli %scan3A_329, %mul3A_349 : i32
      %mul3A_351 = arith.constant 16 : i32
      %mul3A_352 = arith.muli %mul3A_350, %mul3A_351 : i32
      %get3A_353 = arith.constant 2 : i32
      %get3A_354 = arith.index_cast %get3A_353 : i32 to index
      %get3A_355 = arith.index_cast %scan3A_291 : i32 to index
      %get3A_356 = arith.index_cast %mul3A_352 : i32 to index
      %get3A_357 = tpu.vector_load %arg8[%get3A_354, %get3A_355, %get3A_356] {strides = array<i32>} : memref<4x128x64xbf16, #tpu.memory_space<vmem>>, vector<32xbf16>,
      %add3A_358 = arith.addf %add3A_348, %get3A_357 : vector<32xbf16>
      %mul3A_359 = arith.constant 2 : i32
      %mul3A_360 = arith.muli %scan3A_329, %mul3A_359 : i32
      %mul3A_361 = arith.constant 16 : i32
      %mul3A_362 = arith.muli %mul3A_360, %mul3A_361 : i32
      %swap3A_363 = arith.constant 0 : i32
      %swap3A_364 = arith.index_cast %swap3A_363 : i32 to index
      %swap3A_365 = arith.index_cast %scan3A_291 : i32 to index
      %swap3A_366 = arith.index_cast %mul3A_362 : i32 to index
      %swap3A_367 = tpu.vector_load %arg8[%swap3A_364, %swap3A_365, %swap3A_366] {strides = array<i32>} : memref<4x128x64xbf16, #tpu.memory_space<vmem>>, vector<32xbf16>,
      tpu.vector_store %arg8[%swap3A_364, %swap3A_365, %swap3A_366], %add3A_358 {strides = array<i32>} : memref<4x128x64xbf16, #tpu.memory_space<vmem>>, vector<32xbf16>,
      %scan3A_368 = arith.constant 2 : i32
    }
    %scan3A_219 = arith.constant 128 : i32
    %add3A_220 = arith.constant 0 : i32
    %add3A_221 = arith.addi %mul3A_1, %add3A_220 : i32
    %run_scoped3A_222 = arith.constant 0 : i32
    "tpu.region"() ({
      %run_scoped3A_291 = tpu.sem_alloc : memref<!tpu.dma_semaphore, #tpu.memory_space<semaphore_mem>>
      %dma_start3A_292 = arith.constant 0 : i32
      %dma_start3A_293 = arith.constant 0 : i32
      %dma_start3A_294 = tpu.memref_slice %arg8[%run_scoped3A_222, %dma_start3A_292, %dma_start3A_293] : memref<4x128x64xbf16, #tpu.memory_space<vmem>> -> memref<1x128x64xbf16, #tpu.memory_space<vmem>>
      %dma_start3A_295 = tpu.memref_squeeze %dma_start3A_294 : memref<1x128x64xbf16, #tpu.memory_space<vmem>> -> memref<128x64xbf16, #tpu.memory_space<vmem>>
      %dma_start3A_296 = arith.constant 0 : i32
      %dma_start3A_297 = tpu.memref_slice %arg5[%arg0, %add3A_221, %dma_start3A_296] : memref<2x10112x64xbf16, #tpu.memory_space<hbm>> -> memref<1x128x64xbf16, #tpu.memory_space<hbm>>
      %dma_start3A_298 = tpu.memref_squeeze %dma_start3A_297 : memref<1x128x64xbf16, #tpu.memory_space<hbm>> -> memref<128x64xbf16, #tpu.memory_space<hbm>>
      %dma_start3A_299 = arith.constant 0 : i32
      %dma_start3A_300 = tpu.memref_slice %arg5[%arg0, %add3A_221, %dma_start3A_299] : memref<2x10112x64xbf16, #tpu.memory_space<hbm>> -> memref<1x128x64xbf16, #tpu.memory_space<hbm>>
      %dma_start3A_301 = tpu.memref_squeeze %dma_start3A_300 : memref<1x128x64xbf16, #tpu.memory_space<hbm>> -> memref<128x64xbf16, #tpu.memory_space<hbm>>
      %dma_start3A_302 = arith.constant 0 : i32
      %dma_start3A_303 = arith.constant 0 : i32
      %dma_start3A_304 = tpu.memref_slice %arg8[%run_scoped3A_222, %dma_start3A_302, %dma_start3A_303] : memref<4x128x64xbf16, #tpu.memory_space<vmem>> -> memref<1x128x64xbf16, #tpu.memory_space<vmem>>
      %dma_start3A_305 = tpu.memref_squeeze %dma_start3A_304 : memref<1x128x64xbf16, #tpu.memory_space<vmem>> -> memref<128x64xbf16, #tpu.memory_space<vmem>>
      tpu.enqueue_dma source(%dma_start3A_305 : memref<128x64xbf16, #tpu.memory_space<vmem>>) target(%dma_start3A_301 : memref<128x64xbf16, #tpu.memory_space<hbm>>) target_semaphore(%run_scoped3A_291 : memref<!tpu.dma_semaphore, #tpu.memory_space<semaphore_mem>>)
      %dma_wait3A = arith.constant 0 : i32
      %dma_wait3A_306 = arith.constant 0 : i32
      %dma_wait3A_307 = tpu.memref_slice %arg8[%run_scoped3A_222, %dma_wait3A, %dma_wait3A_306] : memref<4x128x64xbf16, #tpu.memory_space<vmem>> -> memref<1x128x64xbf16, #tpu.memory_space<vmem>>
      %dma_wait3A_308 = tpu.memref_squeeze %dma_wait3A_307 : memref<1x128x64xbf16, #tpu.memory_space<vmem>> -> memref<128x64xbf16, #tpu.memory_space<vmem>>
      %dma_wait3A_309 = arith.constant 0 : i32
      %dma_wait3A_310 = tpu.memref_slice %arg5[%arg0, %add3A_221, %dma_wait3A_309] : memref<2x10112x64xbf16, #tpu.memory_space<hbm>> -> memref<1x128x64xbf16, #tpu.memory_space<hbm>>
      %dma_wait3A_311 = tpu.memref_squeeze %dma_wait3A_310 : memref<1x128x64xbf16, #tpu.memory_space<hbm>> -> memref<128x64xbf16, #tpu.memory_space<hbm>>
      %dma_wait3A_312 = arith.constant 0 : i32
      %dma_wait3A_313 = tpu.memref_slice %arg5[%arg0, %add3A_221, %dma_wait3A_312] : memref<2x10112x64xbf16, #tpu.memory_space<hbm>> -> memref<1x128x64xbf16, #tpu.memory_space<hbm>>
      %dma_wait3A_314 = tpu.memref_squeeze %dma_wait3A_313 : memref<1x128x64xbf16, #tpu.memory_space<hbm>> -> memref<128x64xbf16, #tpu.memory_space<hbm>>
      %dma_wait3A_315 = arith.constant 0 : i32
      %dma_wait3A_316 = arith.constant 0 : i32
      %dma_wait3A_317 = tpu.memref_slice %arg8[%run_scoped3A_222, %dma_wait3A_315, %dma_wait3A_316] : memref<4x128x64xbf16, #tpu.memory_space<vmem>> -> memref<1x128x64xbf16, #tpu.memory_space<vmem>>
      %dma_wait3A_318 = tpu.memref_squeeze %dma_wait3A_317 : memref<1x128x64xbf16, #tpu.memory_space<vmem>> -> memref<128x64xbf16, #tpu.memory_space<vmem>>
      tpu.wait_dma2 semaphore(%run_scoped3A_291 : memref<!tpu.dma_semaphore, #tpu.memory_space<semaphore_mem>>) src(%dma_wait3A_318 : memref<128x64xbf16, #tpu.memory_space<vmem>>) dst(%dma_wait3A_314 : memref<128x64xbf16, #tpu.memory_space<hbm>>)
      tpu.yield
    }) : () -> ()
    %add3A_223 = arith.constant 128 : i32
    %add3A_224 = arith.addi %mul3A_1, %add3A_223 : i32
    %run_scoped3A_225 = arith.constant 0 : i32
    "tpu.region"() ({
      %run_scoped3A_291 = tpu.sem_alloc : memref<!tpu.dma_semaphore, #tpu.memory_space<semaphore_mem>>
      %dma_start3A_292 = arith.constant 0 : i32
      %dma_start3A_293 = arith.constant 0 : i32
      %dma_start3A_294 = tpu.memref_slice %arg8[%run_scoped3A_225, %dma_start3A_292, %dma_start3A_293] : memref<4x128x64xbf16, #tpu.memory_space<vmem>> -> memref<1x128x64xbf16, #tpu.memory_space<vmem>>
      %dma_start3A_295 = tpu.memref_squeeze %dma_start3A_294 : memref<1x128x64xbf16, #tpu.memory_space<vmem>> -> memref<128x64xbf16, #tpu.memory_space<vmem>>
      %dma_start3A_296 = arith.constant 0 : i32
      %dma_start3A_297 = tpu.memref_slice %arg9[%add3A_224, %dma_start3A_296] : memref<10112x64xbf16, #tpu.memory_space<vmem_shared>> -> memref<128x64xbf16, #tpu.memory_space<vmem_shared>>
      %dma_start3A_298 = arith.constant 0 : i32
      %dma_start3A_299 = arith.constant 0 : i32
      %dma_start3A_300 = tpu.memref_slice %arg8[%run_scoped3A_225, %dma_start3A_298, %dma_start3A_299] : memref<4x128x64xbf16, #tpu.memory_space<vmem>> -> memref<1x128x64xbf16, #tpu.memory_space<vmem>>
      %dma_start3A_301 = tpu.memref_squeeze %dma_start3A_300 : memref<1x128x64xbf16, #tpu.memory_space<vmem>> -> memref<128x64xbf16, #tpu.memory_space<vmem>>
      %dma_start3A_302 = arith.constant 0 : i32
      %dma_start3A_303 = tpu.memref_slice %arg9[%add3A_224, %dma_start3A_302] : memref<10112x64xbf16, #tpu.memory_space<vmem_shared>> -> memref<128x64xbf16, #tpu.memory_space<vmem_shared>>
      tpu.enqueue_dma source(%dma_start3A_303 : memref<128x64xbf16, #tpu.memory_space<vmem_shared>>) target(%dma_start3A_301 : memref<128x64xbf16, #tpu.memory_space<vmem>>) target_semaphore(%run_scoped3A_291 : memref<!tpu.dma_semaphore, #tpu.memory_space<semaphore_mem>>)
      %dma_wait3A = arith.constant 0 : i32
      %dma_wait3A_304 = arith.constant 0 : i32
      %dma_wait3A_305 = tpu.memref_slice %arg8[%run_scoped3A_225, %dma_wait3A, %dma_wait3A_304] : memref<4x128x64xbf16, #tpu.memory_space<vmem>> -> memref<1x128x64xbf16, #tpu.memory_space<vmem>>
      %dma_wait3A_306 = tpu.memref_squeeze %dma_wait3A_305 : memref<1x128x64xbf16, #tpu.memory_space<vmem>> -> memref<128x64xbf16, #tpu.memory_space<vmem>>
      %dma_wait3A_307 = arith.constant 0 : i32
      %dma_wait3A_308 = tpu.memref_slice %arg9[%add3A_224, %dma_wait3A_307] : memref<10112x64xbf16, #tpu.memory_space<vmem_shared>> -> memref<128x64xbf16, #tpu.memory_space<vmem_shared>>
      %dma_wait3A_309 = arith.constant 0 : i32
      %dma_wait3A_310 = arith.constant 0 : i32
      %dma_wait3A_311 = tpu.memref_slice %arg8[%run_scoped3A_225, %dma_wait3A_309, %dma_wait3A_310] : memref<4x128x64xbf16, #tpu.memory_space<vmem>> -> memref<1x128x64xbf16, #tpu.memory_space<vmem>>
      %dma_wait3A_312 = tpu.memref_squeeze %dma_wait3A_311 : memref<1x128x64xbf16, #tpu.memory_space<vmem>> -> memref<128x64xbf16, #tpu.memory_space<vmem>>
      %dma_wait3A_313 = arith.constant 0 : i32
      %dma_wait3A_314 = tpu.memref_slice %arg9[%add3A_224, %dma_wait3A_313] : memref<10112x64xbf16, #tpu.memory_space<vmem_shared>> -> memref<128x64xbf16, #tpu.memory_space<vmem_shared>>
      tpu.wait_dma2 semaphore(%run_scoped3A_291 : memref<!tpu.dma_semaphore, #tpu.memory_space<semaphore_mem>>) src(%dma_wait3A_314 : memref<128x64xbf16, #tpu.memory_space<vmem_shared>>) dst(%dma_wait3A_312 : memref<128x64xbf16, #tpu.memory_space<vmem>>)
      tpu.yield
    }) : () -> ()
    %add3A_226 = arith.constant 128 : i32
    %add3A_227 = arith.addi %mul3A_1, %add3A_226 : i32
    %run_scoped3A_228 = arith.constant 1 : i32
    "tpu.region"() ({
      %run_scoped3A_291 = tpu.sem_alloc : memref<!tpu.dma_semaphore, #tpu.memory_space<semaphore_mem>>
      %dma_start3A_292 = arith.constant 0 : i32
      %dma_start3A_293 = arith.constant 0 : i32
      %dma_start3A_294 = tpu.memref_slice %arg8[%run_scoped3A_228, %dma_start3A_292, %dma_start3A_293] : memref<4x128x64xbf16, #tpu.memory_space<vmem>> -> memref<1x128x64xbf16, #tpu.memory_space<vmem>>
      %dma_start3A_295 = tpu.memref_squeeze %dma_start3A_294 : memref<1x128x64xbf16, #tpu.memory_space<vmem>> -> memref<128x64xbf16, #tpu.memory_space<vmem>>
      %dma_start3A_296 = arith.constant 0 : i32
      %dma_start3A_297 = tpu.memref_slice %arg10[%add3A_227, %dma_start3A_296] : memref<10112x64xbf16, #tpu.memory_space<vmem_shared>> -> memref<128x64xbf16, #tpu.memory_space<vmem_shared>>
      %dma_start3A_298 = arith.constant 0 : i32
      %dma_start3A_299 = arith.constant 0 : i32
      %dma_start3A_300 = tpu.memref_slice %arg8[%run_scoped3A_228, %dma_start3A_298, %dma_start3A_299] : memref<4x128x64xbf16, #tpu.memory_space<vmem>> -> memref<1x128x64xbf16, #tpu.memory_space<vmem>>
      %dma_start3A_301 = tpu.memref_squeeze %dma_start3A_300 : memref<1x128x64xbf16, #tpu.memory_space<vmem>> -> memref<128x64xbf16, #tpu.memory_space<vmem>>
      %dma_start3A_302 = arith.constant 0 : i32
      %dma_start3A_303 = tpu.memref_slice %arg10[%add3A_227, %dma_start3A_302] : memref<10112x64xbf16, #tpu.memory_space<vmem_shared>> -> memref<128x64xbf16, #tpu.memory_space<vmem_shared>>
      tpu.enqueue_dma source(%dma_start3A_303 : memref<128x64xbf16, #tpu.memory_space<vmem_shared>>) target(%dma_start3A_301 : memref<128x64xbf16, #tpu.memory_space<vmem>>) target_semaphore(%run_scoped3A_291 : memref<!tpu.dma_semaphore, #tpu.memory_space<semaphore_mem>>)
      %dma_wait3A = arith.constant 0 : i32
      %dma_wait3A_304 = arith.constant 0 : i32
      %dma_wait3A_305 = tpu.memref_slice %arg8[%run_scoped3A_228, %dma_wait3A, %dma_wait3A_304] : memref<4x128x64xbf16, #tpu.memory_space<vmem>> -> memref<1x128x64xbf16, #tpu.memory_space<vmem>>
      %dma_wait3A_306 = tpu.memref_squeeze %dma_wait3A_305 : memref<1x128x64xbf16, #tpu.memory_space<vmem>> -> memref<128x64xbf16, #tpu.memory_space<vmem>>
      %dma_wait3A_307 = arith.constant 0 : i32
      %dma_wait3A_308 = tpu.memref_slice %arg10[%add3A_227, %dma_wait3A_307] : memref<10112x64xbf16, #tpu.memory_space<vmem_shared>> -> memref<128x64xbf16, #tpu.memory_space<vmem_shared>>
      %dma_wait3A_309 = arith.constant 0 : i32
      %dma_wait3A_310 = arith.constant 0 : i32
      %dma_wait3A_311 = tpu.memref_slice %arg8[%run_scoped3A_228, %dma_wait3A_309, %dma_wait3A_310] : memref<4x128x64xbf16, #tpu.memory_space<vmem>> -> memref<1x128x64xbf16, #tpu.memory_space<vmem>>
      %dma_wait3A_312 = tpu.memref_squeeze %dma_wait3A_311 : memref<1x128x64xbf16, #tpu.memory_space<vmem>> -> memref<128x64xbf16, #tpu.memory_space<vmem>>
      %dma_wait3A_313 = arith.constant 0 : i32
      %dma_wait3A_314 = tpu.memref_slice %arg10[%add3A_227, %dma_wait3A_313] : memref<10112x64xbf16, #tpu.memory_space<vmem_shared>> -> memref<128x64xbf16, #tpu.memory_space<vmem_shared>>
      tpu.wait_dma2 semaphore(%run_scoped3A_291 : memref<!tpu.dma_semaphore, #tpu.memory_space<semaphore_mem>>) src(%dma_wait3A_314 : memref<128x64xbf16, #tpu.memory_space<vmem_shared>>) dst(%dma_wait3A_312 : memref<128x64xbf16, #tpu.memory_space<vmem>>)
      tpu.yield
    }) : () -> ()
    %add3A_229 = arith.constant 128 : i32
    %add3A_230 = arith.addi %mul3A_1, %add3A_229 : i32
    %run_scoped3A_231 = arith.constant 2 : i32
    "tpu.region"() ({
      %run_scoped3A_291 = tpu.sem_alloc : memref<!tpu.dma_semaphore, #tpu.memory_space<semaphore_mem>>
      %dma_start3A_292 = arith.constant 0 : i32
      %dma_start3A_293 = arith.constant 0 : i32
      %dma_start3A_294 = tpu.memref_slice %arg8[%run_scoped3A_231, %dma_start3A_292, %dma_start3A_293] : memref<4x128x64xbf16, #tpu.memory_space<vmem>> -> memref<1x128x64xbf16, #tpu.memory_space<vmem>>
      %dma_start3A_295 = tpu.memref_squeeze %dma_start3A_294 : memref<1x128x64xbf16, #tpu.memory_space<vmem>> -> memref<128x64xbf16, #tpu.memory_space<vmem>>
      %dma_start3A_296 = arith.constant 0 : i32
      %dma_start3A_297 = tpu.memref_slice %arg11[%add3A_230, %dma_start3A_296] : memref<10112x64xbf16, #tpu.memory_space<vmem_shared>> -> memref<128x64xbf16, #tpu.memory_space<vmem_shared>>
      %dma_start3A_298 = arith.constant 0 : i32
      %dma_start3A_299 = arith.constant 0 : i32
      %dma_start3A_300 = tpu.memref_slice %arg8[%run_scoped3A_231, %dma_start3A_298, %dma_start3A_299] : memref<4x128x64xbf16, #tpu.memory_space<vmem>> -> memref<1x128x64xbf16, #tpu.memory_space<vmem>>
      %dma_start3A_301 = tpu.memref_squeeze %dma_start3A_300 : memref<1x128x64xbf16, #tpu.memory_space<vmem>> -> memref<128x64xbf16, #tpu.memory_space<vmem>>
      %dma_start3A_302 = arith.constant 0 : i32
      %dma_start3A_303 = tpu.memref_slice %arg11[%add3A_230, %dma_start3A_302] : memref<10112x64xbf16, #tpu.memory_space<vmem_shared>> -> memref<128x64xbf16, #tpu.memory_space<vmem_shared>>
      tpu.enqueue_dma source(%dma_start3A_303 : memref<128x64xbf16, #tpu.memory_space<vmem_shared>>) target(%dma_start3A_301 : memref<128x64xbf16, #tpu.memory_space<vmem>>) target_semaphore(%run_scoped3A_291 : memref<!tpu.dma_semaphore, #tpu.memory_space<semaphore_mem>>)
      %dma_wait3A = arith.constant 0 : i32
      %dma_wait3A_304 = arith.constant 0 : i32
      %dma_wait3A_305 = tpu.memref_slice %arg8[%run_scoped3A_231, %dma_wait3A, %dma_wait3A_304] : memref<4x128x64xbf16, #tpu.memory_space<vmem>> -> memref<1x128x64xbf16, #tpu.memory_space<vmem>>
      %dma_wait3A_306 = tpu.memref_squeeze %dma_wait3A_305 : memref<1x128x64xbf16, #tpu.memory_space<vmem>> -> memref<128x64xbf16, #tpu.memory_space<vmem>>
      %dma_wait3A_307 = arith.constant 0 : i32
      %dma_wait3A_308 = tpu.memref_slice %arg11[%add3A_230, %dma_wait3A_307] : memref<10112x64xbf16, #tpu.memory_space<vmem_shared>> -> memref<128x64xbf16, #tpu.memory_space<vmem_shared>>
      %dma_wait3A_309 = arith.constant 0 : i32
      %dma_wait3A_310 = arith.constant 0 : i32
      %dma_wait3A_311 = tpu.memref_slice %arg8[%run_scoped3A_231, %dma_wait3A_309, %dma_wait3A_310] : memref<4x128x64xbf16, #tpu.memory_space<vmem>> -> memref<1x128x64xbf16, #tpu.memory_space<vmem>>
      %dma_wait3A_312 = tpu.memref_squeeze %dma_wait3A_311 : memref<1x128x64xbf16, #tpu.memory_space<vmem>> -> memref<128x64xbf16, #tpu.memory_space<vmem>>
      %dma_wait3A_313 = arith.constant 0 : i32
      %dma_wait3A_314 = tpu.memref_slice %arg11[%add3A_230, %dma_wait3A_313] : memref<10112x64xbf16, #tpu.memory_space<vmem_shared>> -> memref<128x64xbf16, #tpu.memory_space<vmem_shared>>
      tpu.wait_dma2 semaphore(%run_scoped3A_291 : memref<!tpu.dma_semaphore, #tpu.memory_space<semaphore_mem>>) src(%dma_wait3A_314 : memref<128x64xbf16, #tpu.memory_space<vmem_shared>>) dst(%dma_wait3A_312 : memref<128x64xbf16, #tpu.memory_space<vmem>>)
      tpu.yield
    }) : () -> ()
    %scan3A_232 = arith.constant 0 : i32
    %scan3A_233 = arith.constant 128 : i32
    %scan3A_234 = arith.addi %scan3A_232, %scan3A_233 : i32
    %scan3A_235 = arith.constant 1 : i32
    scf.for %scan3A_291 = %scan3A_232 to %scan3A_234 step %scan3A_235  : i32 {
      %scan3A_292 = arith.constant 0 : i32
      %mul3A_293 = arith.constant 2 : i32
      %mul3A_294 = arith.muli %scan3A_292, %mul3A_293 : i32
      %mul3A_295 = arith.constant 16 : i32
      %mul3A_296 = arith.muli %mul3A_294, %mul3A_295 : i32
      %get3A = arith.constant 0 : i32
      %get3A_297 = arith.index_cast %get3A : i32 to index
      %get3A_298 = arith.index_cast %scan3A_291 : i32 to index
      %get3A_299 = arith.index_cast %mul3A_296 : i32 to index
      %get3A_300 = tpu.vector_load %arg8[%get3A_297, %get3A_298, %get3A_299] {strides = array<i32>} : memref<4x128x64xbf16, #tpu.memory_space<vmem>>, vector<32xbf16>,
      %mul3A_301 = arith.constant 2 : i32
      %mul3A_302 = arith.muli %scan3A_292, %mul3A_301 : i32
      %mul3A_303 = arith.constant 16 : i32
      %mul3A_304 = arith.muli %mul3A_302, %mul3A_303 : i32
      %get3A_305 = arith.constant 1 : i32
      %get3A_306 = arith.index_cast %get3A_305 : i32 to index
      %get3A_307 = arith.index_cast %scan3A_291 : i32 to index
      %get3A_308 = arith.index_cast %mul3A_304 : i32 to index
      %get3A_309 = tpu.vector_load %arg8[%get3A_306, %get3A_307, %get3A_308] {strides = array<i32>} : memref<4x128x64xbf16, #tpu.memory_space<vmem>>, vector<32xbf16>,
      %add3A_310 = arith.addf %get3A_300, %get3A_309 : vector<32xbf16>
      %mul3A_311 = arith.constant 2 : i32
      %mul3A_312 = arith.muli %scan3A_292, %mul3A_311 : i32
      %mul3A_313 = arith.constant 16 : i32
      %mul3A_314 = arith.muli %mul3A_312, %mul3A_313 : i32
      %get3A_315 = arith.constant 2 : i32
      %get3A_316 = arith.index_cast %get3A_315 : i32 to index
      %get3A_317 = arith.index_cast %scan3A_291 : i32 to index
      %get3A_318 = arith.index_cast %mul3A_314 : i32 to index
      %get3A_319 = tpu.vector_load %arg8[%get3A_316, %get3A_317, %get3A_318] {strides = array<i32>} : memref<4x128x64xbf16, #tpu.memory_space<vmem>>, vector<32xbf16>,
      %add3A_320 = arith.addf %add3A_310, %get3A_319 : vector<32xbf16>
      %mul3A_321 = arith.constant 2 : i32
      %mul3A_322 = arith.muli %scan3A_292, %mul3A_321 : i32
      %mul3A_323 = arith.constant 16 : i32
      %mul3A_324 = arith.muli %mul3A_322, %mul3A_323 : i32
      %swap3A = arith.constant 0 : i32
      %swap3A_325 = arith.index_cast %swap3A : i32 to index
      %swap3A_326 = arith.index_cast %scan3A_291 : i32 to index
      %swap3A_327 = arith.index_cast %mul3A_324 : i32 to index
      %swap3A_328 = tpu.vector_load %arg8[%swap3A_325, %swap3A_326, %swap3A_327] {strides = array<i32>} : memref<4x128x64xbf16, #tpu.memory_space<vmem>>, vector<32xbf16>,
      tpu.vector_store %arg8[%swap3A_325, %swap3A_326, %swap3A_327], %add3A_320 {strides = array<i32>} : memref<4x128x64xbf16, #tpu.memory_space<vmem>>, vector<32xbf16>,
      %scan3A_329 = arith.constant 1 : i32
      %mul3A_330 = arith.constant 2 : i32
      %mul3A_331 = arith.muli %scan3A_329, %mul3A_330 : i32
      %mul3A_332 = arith.constant 16 : i32
      %mul3A_333 = arith.muli %mul3A_331, %mul3A_332 : i32
      %get3A_334 = arith.constant 0 : i32
      %get3A_335 = arith.index_cast %get3A_334 : i32 to index
      %get3A_336 = arith.index_cast %scan3A_291 : i32 to index
      %get3A_337 = arith.index_cast %mul3A_333 : i32 to index
      %get3A_338 = tpu.vector_load %arg8[%get3A_335, %get3A_336, %get3A_337] {strides = array<i32>} : memref<4x128x64xbf16, #tpu.memory_space<vmem>>, vector<32xbf16>,
      %mul3A_339 = arith.constant 2 : i32
      %mul3A_340 = arith.muli %scan3A_329, %mul3A_339 : i32
      %mul3A_341 = arith.constant 16 : i32
      %mul3A_342 = arith.muli %mul3A_340, %mul3A_341 : i32
      %get3A_343 = arith.constant 1 : i32
      %get3A_344 = arith.index_cast %get3A_343 : i32 to index
      %get3A_345 = arith.index_cast %scan3A_291 : i32 to index
      %get3A_346 = arith.index_cast %mul3A_342 : i32 to index
      %get3A_347 = tpu.vector_load %arg8[%get3A_344, %get3A_345, %get3A_346] {strides = array<i32>} : memref<4x128x64xbf16, #tpu.memory_space<vmem>>, vector<32xbf16>,
      %add3A_348 = arith.addf %get3A_338, %get3A_347 : vector<32xbf16>
      %mul3A_349 = arith.constant 2 : i32
      %mul3A_350 = arith.muli %scan3A_329, %mul3A_349 : i32
      %mul3A_351 = arith.constant 16 : i32
      %mul3A_352 = arith.muli %mul3A_350, %mul3A_351 : i32
      %get3A_353 = arith.constant 2 : i32
      %get3A_354 = arith.index_cast %get3A_353 : i32 to index
      %get3A_355 = arith.index_cast %scan3A_291 : i32 to index
      %get3A_356 = arith.index_cast %mul3A_352 : i32 to index
      %get3A_357 = tpu.vector_load %arg8[%get3A_354, %get3A_355, %get3A_356] {strides = array<i32>} : memref<4x128x64xbf16, #tpu.memory_space<vmem>>, vector<32xbf16>,
      %add3A_358 = arith.addf %add3A_348, %get3A_357 : vector<32xbf16>
      %mul3A_359 = arith.constant 2 : i32
      %mul3A_360 = arith.muli %scan3A_329, %mul3A_359 : i32
      %mul3A_361 = arith.constant 16 : i32
      %mul3A_362 = arith.muli %mul3A_360, %mul3A_361 : i32
      %swap3A_363 = arith.constant 0 : i32
      %swap3A_364 = arith.index_cast %swap3A_363 : i32 to index
      %swap3A_365 = arith.index_cast %scan3A_291 : i32 to index
      %swap3A_366 = arith.index_cast %mul3A_362 : i32 to index
      %swap3A_367 = tpu.vector_load %arg8[%swap3A_364, %swap3A_365, %swap3A_366] {strides = array<i32>} : memref<4x128x64xbf16, #tpu.memory_space<vmem>>, vector<32xbf16>,
      tpu.vector_store %arg8[%swap3A_364, %swap3A_365, %swap3A_366], %add3A_358 {strides = array<i32>} : memref<4x128x64xbf16, #tpu.memory_space<vmem>>, vector<32xbf16>,
      %scan3A_368 = arith.constant 2 : i32
    }
    %scan3A_236 = arith.constant 128 : i32
    %add3A_237 = arith.constant 128 : i32
    %add3A_238 = arith.addi %mul3A_1, %add3A_237 : i32
    %run_scoped3A_239 = arith.constant 0 : i32
    "tpu.region"() ({
      %run_scoped3A_291 = tpu.sem_alloc : memref<!tpu.dma_semaphore, #tpu.memory_space<semaphore_mem>>
      %dma_start3A_292 = arith.constant 0 : i32
      %dma_start3A_293 = arith.constant 0 : i32
      %dma_start3A_294 = tpu.memref_slice %arg8[%run_scoped3A_239, %dma_start3A_292, %dma_start3A_293] : memref<4x128x64xbf16, #tpu.memory_space<vmem>> -> memref<1x128x64xbf16, #tpu.memory_space<vmem>>
      %dma_start3A_295 = tpu.memref_squeeze %dma_start3A_294 : memref<1x128x64xbf16, #tpu.memory_space<vmem>> -> memref<128x64xbf16, #tpu.memory_space<vmem>>
      %dma_start3A_296 = arith.constant 0 : i32
      %dma_start3A_297 = tpu.memref_slice %arg5[%arg0, %add3A_238, %dma_start3A_296] : memref<2x10112x64xbf16, #tpu.memory_space<hbm>> -> memref<1x128x64xbf16, #tpu.memory_space<hbm>>
      %dma_start3A_298 = tpu.memref_squeeze %dma_start3A_297 : memref<1x128x64xbf16, #tpu.memory_space<hbm>> -> memref<128x64xbf16, #tpu.memory_space<hbm>>
      %dma_start3A_299 = arith.constant 0 : i32
      %dma_start3A_300 = tpu.memref_slice %arg5[%arg0, %add3A_238, %dma_start3A_299] : memref<2x10112x64xbf16, #tpu.memory_space<hbm>> -> memref<1x128x64xbf16, #tpu.memory_space<hbm>>
      %dma_start3A_301 = tpu.memref_squeeze %dma_start3A_300 : memref<1x128x64xbf16, #tpu.memory_space<hbm>> -> memref<128x64xbf16, #tpu.memory_space<hbm>>
      %dma_start3A_302 = arith.constant 0 : i32
      %dma_start3A_303 = arith.constant 0 : i32
      %dma_start3A_304 = tpu.memref_slice %arg8[%run_scoped3A_239, %dma_start3A_302, %dma_start3A_303] : memref<4x128x64xbf16, #tpu.memory_space<vmem>> -> memref<1x128x64xbf16, #tpu.memory_space<vmem>>
      %dma_start3A_305 = tpu.memref_squeeze %dma_start3A_304 : memref<1x128x64xbf16, #tpu.memory_space<vmem>> -> memref<128x64xbf16, #tpu.memory_space<vmem>>
      tpu.enqueue_dma source(%dma_start3A_305 : memref<128x64xbf16, #tpu.memory_space<vmem>>) target(%dma_start3A_301 : memref<128x64xbf16, #tpu.memory_space<hbm>>) target_semaphore(%run_scoped3A_291 : memref<!tpu.dma_semaphore, #tpu.memory_space<semaphore_mem>>)
      %dma_wait3A = arith.constant 0 : i32
      %dma_wait3A_306 = arith.constant 0 : i32
      %dma_wait3A_307 = tpu.memref_slice %arg8[%run_scoped3A_239, %dma_wait3A, %dma_wait3A_306] : memref<4x128x64xbf16, #tpu.memory_space<vmem>> -> memref<1x128x64xbf16, #tpu.memory_space<vmem>>
      %dma_wait3A_308 = tpu.memref_squeeze %dma_wait3A_307 : memref<1x128x64xbf16, #tpu.memory_space<vmem>> -> memref<128x64xbf16, #tpu.memory_space<vmem>>
      %dma_wait3A_309 = arith.constant 0 : i32
      %dma_wait3A_310 = tpu.memref_slice %arg5[%arg0, %add3A_238, %dma_wait3A_309] : memref<2x10112x64xbf16, #tpu.memory_space<hbm>> -> memref<1x128x64xbf16, #tpu.memory_space<hbm>>
      %dma_wait3A_311 = tpu.memref_squeeze %dma_wait3A_310 : memref<1x128x64xbf16, #tpu.memory_space<hbm>> -> memref<128x64xbf16, #tpu.memory_space<hbm>>
      %dma_wait3A_312 = arith.constant 0 : i32
      %dma_wait3A_313 = tpu.memref_slice %arg5[%arg0, %add3A_238, %dma_wait3A_312] : memref<2x10112x64xbf16, #tpu.memory_space<hbm>> -> memref<1x128x64xbf16, #tpu.memory_space<hbm>>
      %dma_wait3A_314 = tpu.memref_squeeze %dma_wait3A_313 : memref<1x128x64xbf16, #tpu.memory_space<hbm>> -> memref<128x64xbf16, #tpu.memory_space<hbm>>
      %dma_wait3A_315 = arith.constant 0 : i32
      %dma_wait3A_316 = arith.constant 0 : i32
      %dma_wait3A_317 = tpu.memref_slice %arg8[%run_scoped3A_239, %dma_wait3A_315, %dma_wait3A_316] : memref<4x128x64xbf16, #tpu.memory_space<vmem>> -> memref<1x128x64xbf16, #tpu.memory_space<vmem>>
      %dma_wait3A_318 = tpu.memref_squeeze %dma_wait3A_317 : memref<1x128x64xbf16, #tpu.memory_space<vmem>> -> memref<128x64xbf16, #tpu.memory_space<vmem>>
      tpu.wait_dma2 semaphore(%run_scoped3A_291 : memref<!tpu.dma_semaphore, #tpu.memory_space<semaphore_mem>>) src(%dma_wait3A_318 : memref<128x64xbf16, #tpu.memory_space<vmem>>) dst(%dma_wait3A_314 : memref<128x64xbf16, #tpu.memory_space<hbm>>)
      tpu.yield
    }) : () -> ()
    %add3A_240 = arith.constant 256 : i32
    %add3A_241 = arith.addi %mul3A_1, %add3A_240 : i32
    %run_scoped3A_242 = arith.constant 0 : i32
    "tpu.region"() ({
      %run_scoped3A_291 = tpu.sem_alloc : memref<!tpu.dma_semaphore, #tpu.memory_space<semaphore_mem>>
      %dma_start3A_292 = arith.constant 0 : i32
      %dma_start3A_293 = arith.constant 0 : i32
      %dma_start3A_294 = tpu.memref_slice %arg8[%run_scoped3A_242, %dma_start3A_292, %dma_start3A_293] : memref<4x128x64xbf16, #tpu.memory_space<vmem>> -> memref<1x128x64xbf16, #tpu.memory_space<vmem>>
      %dma_start3A_295 = tpu.memref_squeeze %dma_start3A_294 : memref<1x128x64xbf16, #tpu.memory_space<vmem>> -> memref<128x64xbf16, #tpu.memory_space<vmem>>
      %dma_start3A_296 = arith.constant 0 : i32
      %dma_start3A_297 = tpu.memref_slice %arg9[%add3A_241, %dma_start3A_296] : memref<10112x64xbf16, #tpu.memory_space<vmem_shared>> -> memref<128x64xbf16, #tpu.memory_space<vmem_shared>>
      %dma_start3A_298 = arith.constant 0 : i32
      %dma_start3A_299 = arith.constant 0 : i32
      %dma_start3A_300 = tpu.memref_slice %arg8[%run_scoped3A_242, %dma_start3A_298, %dma_start3A_299] : memref<4x128x64xbf16, #tpu.memory_space<vmem>> -> memref<1x128x64xbf16, #tpu.memory_space<vmem>>
      %dma_start3A_301 = tpu.memref_squeeze %dma_start3A_300 : memref<1x128x64xbf16, #tpu.memory_space<vmem>> -> memref<128x64xbf16, #tpu.memory_space<vmem>>
      %dma_start3A_302 = arith.constant 0 : i32
      %dma_start3A_303 = tpu.memref_slice %arg9[%add3A_241, %dma_start3A_302] : memref<10112x64xbf16, #tpu.memory_space<vmem_shared>> -> memref<128x64xbf16, #tpu.memory_space<vmem_shared>>
      tpu.enqueue_dma source(%dma_start3A_303 : memref<128x64xbf16, #tpu.memory_space<vmem_shared>>) target(%dma_start3A_301 : memref<128x64xbf16, #tpu.memory_space<vmem>>) target_semaphore(%run_scoped3A_291 : memref<!tpu.dma_semaphore, #tpu.memory_space<semaphore_mem>>)
      %dma_wait3A = arith.constant 0 : i32
      %dma_wait3A_304 = arith.constant 0 : i32
      %dma_wait3A_305 = tpu.memref_slice %arg8[%run_scoped3A_242, %dma_wait3A, %dma_wait3A_304] : memref<4x128x64xbf16, #tpu.memory_space<vmem>> -> memref<1x128x64xbf16, #tpu.memory_space<vmem>>
      %dma_wait3A_306 = tpu.memref_squeeze %dma_wait3A_305 : memref<1x128x64xbf16, #tpu.memory_space<vmem>> -> memref<128x64xbf16, #tpu.memory_space<vmem>>
      %dma_wait3A_307 = arith.constant 0 : i32
      %dma_wait3A_308 = tpu.memref_slice %arg9[%add3A_241, %dma_wait3A_307] : memref<10112x64xbf16, #tpu.memory_space<vmem_shared>> -> memref<128x64xbf16, #tpu.memory_space<vmem_shared>>
      %dma_wait3A_309 = arith.constant 0 : i32
      %dma_wait3A_310 = arith.constant 0 : i32
      %dma_wait3A_311 = tpu.memref_slice %arg8[%run_scoped3A_242, %dma_wait3A_309, %dma_wait3A_310] : memref<4x128x64xbf16, #tpu.memory_space<vmem>> -> memref<1x128x64xbf16, #tpu.memory_space<vmem>>
      %dma_wait3A_312 = tpu.memref_squeeze %dma_wait3A_311 : memref<1x128x64xbf16, #tpu.memory_space<vmem>> -> memref<128x64xbf16, #tpu.memory_space<vmem>>
      %dma_wait3A_313 = arith.constant 0 : i32
      %dma_wait3A_314 = tpu.memref_slice %arg9[%add3A_241, %dma_wait3A_313] : memref<10112x64xbf16, #tpu.memory_space<vmem_shared>> -> memref<128x64xbf16, #tpu.memory_space<vmem_shared>>
      tpu.wait_dma2 semaphore(%run_scoped3A_291 : memref<!tpu.dma_semaphore, #tpu.memory_space<semaphore_mem>>) src(%dma_wait3A_314 : memref<128x64xbf16, #tpu.memory_space<vmem_shared>>) dst(%dma_wait3A_312 : memref<128x64xbf16, #tpu.memory_space<vmem>>)
      tpu.yield
    }) : () -> ()
    %add3A_243 = arith.constant 256 : i32
    %add3A_244 = arith.addi %mul3A_1, %add3A_243 : i32
    %run_scoped3A_245 = arith.constant 1 : i32
    "tpu.region"() ({
      %run_scoped3A_291 = tpu.sem_alloc : memref<!tpu.dma_semaphore, #tpu.memory_space<semaphore_mem>>
      %dma_start3A_292 = arith.constant 0 : i32
      %dma_start3A_293 = arith.constant 0 : i32
      %dma_start3A_294 = tpu.memref_slice %arg8[%run_scoped3A_245, %dma_start3A_292, %dma_start3A_293] : memref<4x128x64xbf16, #tpu.memory_space<vmem>> -> memref<1x128x64xbf16, #tpu.memory_space<vmem>>
      %dma_start3A_295 = tpu.memref_squeeze %dma_start3A_294 : memref<1x128x64xbf16, #tpu.memory_space<vmem>> -> memref<128x64xbf16, #tpu.memory_space<vmem>>
      %dma_start3A_296 = arith.constant 0 : i32
      %dma_start3A_297 = tpu.memref_slice %arg10[%add3A_244, %dma_start3A_296] : memref<10112x64xbf16, #tpu.memory_space<vmem_shared>> -> memref<128x64xbf16, #tpu.memory_space<vmem_shared>>
      %dma_start3A_298 = arith.constant 0 : i32
      %dma_start3A_299 = arith.constant 0 : i32
      %dma_start3A_300 = tpu.memref_slice %arg8[%run_scoped3A_245, %dma_start3A_298, %dma_start3A_299] : memref<4x128x64xbf16, #tpu.memory_space<vmem>> -> memref<1x128x64xbf16, #tpu.memory_space<vmem>>
      %dma_start3A_301 = tpu.memref_squeeze %dma_start3A_300 : memref<1x128x64xbf16, #tpu.memory_space<vmem>> -> memref<128x64xbf16, #tpu.memory_space<vmem>>
      %dma_start3A_302 = arith.constant 0 : i32
      %dma_start3A_303 = tpu.memref_slice %arg10[%add3A_244, %dma_start3A_302] : memref<10112x64xbf16, #tpu.memory_space<vmem_shared>> -> memref<128x64xbf16, #tpu.memory_space<vmem_shared>>
      tpu.enqueue_dma source(%dma_start3A_303 : memref<128x64xbf16, #tpu.memory_space<vmem_shared>>) target(%dma_start3A_301 : memref<128x64xbf16, #tpu.memory_space<vmem>>) target_semaphore(%run_scoped3A_291 : memref<!tpu.dma_semaphore, #tpu.memory_space<semaphore_mem>>)
      %dma_wait3A = arith.constant 0 : i32
      %dma_wait3A_304 = arith.constant 0 : i32
      %dma_wait3A_305 = tpu.memref_slice %arg8[%run_scoped3A_245, %dma_wait3A, %dma_wait3A_304] : memref<4x128x64xbf16, #tpu.memory_space<vmem>> -> memref<1x128x64xbf16, #tpu.memory_space<vmem>>
      %dma_wait3A_306 = tpu.memref_squeeze %dma_wait3A_305 : memref<1x128x64xbf16, #tpu.memory_space<vmem>> -> memref<128x64xbf16, #tpu.memory_space<vmem>>
      %dma_wait3A_307 = arith.constant 0 : i32
      %dma_wait3A_308 = tpu.memref_slice %arg10[%add3A_244, %dma_wait3A_307] : memref<10112x64xbf16, #tpu.memory_space<vmem_shared>> -> memref<128x64xbf16, #tpu.memory_space<vmem_shared>>
      %dma_wait3A_309 = arith.constant 0 : i32
      %dma_wait3A_310 = arith.constant 0 : i32
      %dma_wait3A_311 = tpu.memref_slice %arg8[%run_scoped3A_245, %dma_wait3A_309, %dma_wait3A_310] : memref<4x128x64xbf16, #tpu.memory_space<vmem>> -> memref<1x128x64xbf16, #tpu.memory_space<vmem>>
      %dma_wait3A_312 = tpu.memref_squeeze %dma_wait3A_311 : memref<1x128x64xbf16, #tpu.memory_space<vmem>> -> memref<128x64xbf16, #tpu.memory_space<vmem>>
      %dma_wait3A_313 = arith.constant 0 : i32
      %dma_wait3A_314 = tpu.memref_slice %arg10[%add3A_244, %dma_wait3A_313] : memref<10112x64xbf16, #tpu.memory_space<vmem_shared>> -> memref<128x64xbf16, #tpu.memory_space<vmem_shared>>
      tpu.wait_dma2 semaphore(%run_scoped3A_291 : memref<!tpu.dma_semaphore, #tpu.memory_space<semaphore_mem>>) src(%dma_wait3A_314 : memref<128x64xbf16, #tpu.memory_space<vmem_shared>>) dst(%dma_wait3A_312 : memref<128x64xbf16, #tpu.memory_space<vmem>>)
      tpu.yield
    }) : () -> ()
    %add3A_246 = arith.constant 256 : i32
    %add3A_247 = arith.addi %mul3A_1, %add3A_246 : i32
    %run_scoped3A_248 = arith.constant 2 : i32
    "tpu.region"() ({
      %run_scoped3A_291 = tpu.sem_alloc : memref<!tpu.dma_semaphore, #tpu.memory_space<semaphore_mem>>
      %dma_start3A_292 = arith.constant 0 : i32
      %dma_start3A_293 = arith.constant 0 : i32
      %dma_start3A_294 = tpu.memref_slice %arg8[%run_scoped3A_248, %dma_start3A_292, %dma_start3A_293] : memref<4x128x64xbf16, #tpu.memory_space<vmem>> -> memref<1x128x64xbf16, #tpu.memory_space<vmem>>
      %dma_start3A_295 = tpu.memref_squeeze %dma_start3A_294 : memref<1x128x64xbf16, #tpu.memory_space<vmem>> -> memref<128x64xbf16, #tpu.memory_space<vmem>>
      %dma_start3A_296 = arith.constant 0 : i32
      %dma_start3A_297 = tpu.memref_slice %arg11[%add3A_247, %dma_start3A_296] : memref<10112x64xbf16, #tpu.memory_space<vmem_shared>> -> memref<128x64xbf16, #tpu.memory_space<vmem_shared>>
      %dma_start3A_298 = arith.constant 0 : i32
      %dma_start3A_299 = arith.constant 0 : i32
      %dma_start3A_300 = tpu.memref_slice %arg8[%run_scoped3A_248, %dma_start3A_298, %dma_start3A_299] : memref<4x128x64xbf16, #tpu.memory_space<vmem>> -> memref<1x128x64xbf16, #tpu.memory_space<vmem>>
      %dma_start3A_301 = tpu.memref_squeeze %dma_start3A_300 : memref<1x128x64xbf16, #tpu.memory_space<vmem>> -> memref<128x64xbf16, #tpu.memory_space<vmem>>
      %dma_start3A_302 = arith.constant 0 : i32
      %dma_start3A_303 = tpu.memref_slice %arg11[%add3A_247, %dma_start3A_302] : memref<10112x64xbf16, #tpu.memory_space<vmem_shared>> -> memref<128x64xbf16, #tpu.memory_space<vmem_shared>>
      tpu.enqueue_dma source(%dma_start3A_303 : memref<128x64xbf16, #tpu.memory_space<vmem_shared>>) target(%dma_start3A_301 : memref<128x64xbf16, #tpu.memory_space<vmem>>) target_semaphore(%run_scoped3A_291 : memref<!tpu.dma_semaphore, #tpu.memory_space<semaphore_mem>>)
      %dma_wait3A = arith.constant 0 : i32
      %dma_wait3A_304 = arith.constant 0 : i32
      %dma_wait3A_305 = tpu.memref_slice %arg8[%run_scoped3A_248, %dma_wait3A, %dma_wait3A_304] : memref<4x128x64xbf16, #tpu.memory_space<vmem>> -> memref<1x128x64xbf16, #tpu.memory_space<vmem>>
      %dma_wait3A_306 = tpu.memref_squeeze %dma_wait3A_305 : memref<1x128x64xbf16, #tpu.memory_space<vmem>> -> memref<128x64xbf16, #tpu.memory_space<vmem>>
      %dma_wait3A_307 = arith.constant 0 : i32
      %dma_wait3A_308 = tpu.memref_slice %arg11[%add3A_247, %dma_wait3A_307] : memref<10112x64xbf16, #tpu.memory_space<vmem_shared>> -> memref<128x64xbf16, #tpu.memory_space<vmem_shared>>
      %dma_wait3A_309 = arith.constant 0 : i32
      %dma_wait3A_310 = arith.constant 0 : i32
      %dma_wait3A_311 = tpu.memref_slice %arg8[%run_scoped3A_248, %dma_wait3A_309, %dma_wait3A_310] : memref<4x128x64xbf16, #tpu.memory_space<vmem>> -> memref<1x128x64xbf16, #tpu.memory_space<vmem>>
      %dma_wait3A_312 = tpu.memref_squeeze %dma_wait3A_311 : memref<1x128x64xbf16, #tpu.memory_space<vmem>> -> memref<128x64xbf16, #tpu.memory_space<vmem>>
      %dma_wait3A_313 = arith.constant 0 : i32
      %dma_wait3A_314 = tpu.memref_slice %arg11[%add3A_247, %dma_wait3A_313] : memref<10112x64xbf16, #tpu.memory_space<vmem_shared>> -> memref<128x64xbf16, #tpu.memory_space<vmem_shared>>
      tpu.wait_dma2 semaphore(%run_scoped3A_291 : memref<!tpu.dma_semaphore, #tpu.memory_space<semaphore_mem>>) src(%dma_wait3A_314 : memref<128x64xbf16, #tpu.memory_space<vmem_shared>>) dst(%dma_wait3A_312 : memref<128x64xbf16, #tpu.memory_space<vmem>>)
      tpu.yield
    }) : () -> ()
    %scan3A_249 = arith.constant 0 : i32
    %scan3A_250 = arith.constant 128 : i32
    %scan3A_251 = arith.addi %scan3A_249, %scan3A_250 : i32
    %scan3A_252 = arith.constant 1 : i32
    scf.for %scan3A_291 = %scan3A_249 to %scan3A_251 step %scan3A_252  : i32 {
      %scan3A_292 = arith.constant 0 : i32
      %mul3A_293 = arith.constant 2 : i32
      %mul3A_294 = arith.muli %scan3A_292, %mul3A_293 : i32
      %mul3A_295 = arith.constant 16 : i32
      %mul3A_296 = arith.muli %mul3A_294, %mul3A_295 : i32
      %get3A = arith.constant 0 : i32
      %get3A_297 = arith.index_cast %get3A : i32 to index
      %get3A_298 = arith.index_cast %scan3A_291 : i32 to index
      %get3A_299 = arith.index_cast %mul3A_296 : i32 to index
      %get3A_300 = tpu.vector_load %arg8[%get3A_297, %get3A_298, %get3A_299] {strides = array<i32>} : memref<4x128x64xbf16, #tpu.memory_space<vmem>>, vector<32xbf16>,
      %mul3A_301 = arith.constant 2 : i32
      %mul3A_302 = arith.muli %scan3A_292, %mul3A_301 : i32
      %mul3A_303 = arith.constant 16 : i32
      %mul3A_304 = arith.muli %mul3A_302, %mul3A_303 : i32
      %get3A_305 = arith.constant 1 : i32
      %get3A_306 = arith.index_cast %get3A_305 : i32 to index
      %get3A_307 = arith.index_cast %scan3A_291 : i32 to index
      %get3A_308 = arith.index_cast %mul3A_304 : i32 to index
      %get3A_309 = tpu.vector_load %arg8[%get3A_306, %get3A_307, %get3A_308] {strides = array<i32>} : memref<4x128x64xbf16, #tpu.memory_space<vmem>>, vector<32xbf16>,
      %add3A_310 = arith.addf %get3A_300, %get3A_309 : vector<32xbf16>
      %mul3A_311 = arith.constant 2 : i32
      %mul3A_312 = arith.muli %scan3A_292, %mul3A_311 : i32
      %mul3A_313 = arith.constant 16 : i32
      %mul3A_314 = arith.muli %mul3A_312, %mul3A_313 : i32
      %get3A_315 = arith.constant 2 : i32
      %get3A_316 = arith.index_cast %get3A_315 : i32 to index
      %get3A_317 = arith.index_cast %scan3A_291 : i32 to index
      %get3A_318 = arith.index_cast %mul3A_314 : i32 to index
      %get3A_319 = tpu.vector_load %arg8[%get3A_316, %get3A_317, %get3A_318] {strides = array<i32>} : memref<4x128x64xbf16, #tpu.memory_space<vmem>>, vector<32xbf16>,
      %add3A_320 = arith.addf %add3A_310, %get3A_319 : vector<32xbf16>
      %mul3A_321 = arith.constant 2 : i32
      %mul3A_322 = arith.muli %scan3A_292, %mul3A_321 : i32
      %mul3A_323 = arith.constant 16 : i32
      %mul3A_324 = arith.muli %mul3A_322, %mul3A_323 : i32
      %swap3A = arith.constant 0 : i32
      %swap3A_325 = arith.index_cast %swap3A : i32 to index
      %swap3A_326 = arith.index_cast %scan3A_291 : i32 to index
      %swap3A_327 = arith.index_cast %mul3A_324 : i32 to index
      %swap3A_328 = tpu.vector_load %arg8[%swap3A_325, %swap3A_326, %swap3A_327] {strides = array<i32>} : memref<4x128x64xbf16, #tpu.memory_space<vmem>>, vector<32xbf16>,
      tpu.vector_store %arg8[%swap3A_325, %swap3A_326, %swap3A_327], %add3A_320 {strides = array<i32>} : memref<4x128x64xbf16, #tpu.memory_space<vmem>>, vector<32xbf16>,
      %scan3A_329 = arith.constant 1 : i32
      %mul3A_330 = arith.constant 2 : i32
      %mul3A_331 = arith.muli %scan3A_329, %mul3A_330 : i32
      %mul3A_332 = arith.constant 16 : i32
      %mul3A_333 = arith.muli %mul3A_331, %mul3A_332 : i32
      %get3A_334 = arith.constant 0 : i32
      %get3A_335 = arith.index_cast %get3A_334 : i32 to index
      %get3A_336 = arith.index_cast %scan3A_291 : i32 to index
      %get3A_337 = arith.index_cast %mul3A_333 : i32 to index
      %get3A_338 = tpu.vector_load %arg8[%get3A_335, %get3A_336, %get3A_337] {strides = array<i32>} : memref<4x128x64xbf16, #tpu.memory_space<vmem>>, vector<32xbf16>,
      %mul3A_339 = arith.constant 2 : i32
      %mul3A_340 = arith.muli %scan3A_329, %mul3A_339 : i32
      %mul3A_341 = arith.constant 16 : i32
      %mul3A_342 = arith.muli %mul3A_340, %mul3A_341 : i32
      %get3A_343 = arith.constant 1 : i32
      %get3A_344 = arith.index_cast %get3A_343 : i32 to index
      %get3A_345 = arith.index_cast %scan3A_291 : i32 to index
      %get3A_346 = arith.index_cast %mul3A_342 : i32 to index
      %get3A_347 = tpu.vector_load %arg8[%get3A_344, %get3A_345, %get3A_346] {strides = array<i32>} : memref<4x128x64xbf16, #tpu.memory_space<vmem>>, vector<32xbf16>,
      %add3A_348 = arith.addf %get3A_338, %get3A_347 : vector<32xbf16>
      %mul3A_349 = arith.constant 2 : i32
      %mul3A_350 = arith.muli %scan3A_329, %mul3A_349 : i32
      %mul3A_351 = arith.constant 16 : i32
      %mul3A_352 = arith.muli %mul3A_350, %mul3A_351 : i32
      %get3A_353 = arith.constant 2 : i32
      %get3A_354 = arith.index_cast %get3A_353 : i32 to index
      %get3A_355 = arith.index_cast %scan3A_291 : i32 to index
      %get3A_356 = arith.index_cast %mul3A_352 : i32 to index
      %get3A_357 = tpu.vector_load %arg8[%get3A_354, %get3A_355, %get3A_356] {strides = array<i32>} : memref<4x128x64xbf16, #tpu.memory_space<vmem>>, vector<32xbf16>,
      %add3A_358 = arith.addf %add3A_348, %get3A_357 : vector<32xbf16>
      %mul3A_359 = arith.constant 2 : i32
      %mul3A_360 = arith.muli %scan3A_329, %mul3A_359 : i32
      %mul3A_361 = arith.constant 16 : i32
      %mul3A_362 = arith.muli %mul3A_360, %mul3A_361 : i32
      %swap3A_363 = arith.constant 0 : i32
      %swap3A_364 = arith.index_cast %swap3A_363 : i32 to index
      %swap3A_365 = arith.index_cast %scan3A_291 : i32 to index
      %swap3A_366 = arith.index_cast %mul3A_362 : i32 to index
      %swap3A_367 = tpu.vector_load %arg8[%swap3A_364, %swap3A_365, %swap3A_366] {strides = array<i32>} : memref<4x128x64xbf16, #tpu.memory_space<vmem>>, vector<32xbf16>,
      tpu.vector_store %arg8[%swap3A_364, %swap3A_365, %swap3A_366], %add3A_358 {strides = array<i32>} : memref<4x128x64xbf16, #tpu.memory_space<vmem>>, vector<32xbf16>,
      %scan3A_368 = arith.constant 2 : i32
    }
    %scan3A_253 = arith.constant 128 : i32
    %add3A_254 = arith.constant 256 : i32
    %add3A_255 = arith.addi %mul3A_1, %add3A_254 : i32
    %run_scoped3A_256 = arith.constant 0 : i32
    "tpu.region"() ({
      %run_scoped3A_291 = tpu.sem_alloc : memref<!tpu.dma_semaphore, #tpu.memory_space<semaphore_mem>>
      %dma_start3A_292 = arith.constant 0 : i32
      %dma_start3A_293 = arith.constant 0 : i32
      %dma_start3A_294 = tpu.memref_slice %arg8[%run_scoped3A_256, %dma_start3A_292, %dma_start3A_293] : memref<4x128x64xbf16, #tpu.memory_space<vmem>> -> memref<1x128x64xbf16, #tpu.memory_space<vmem>>
      %dma_start3A_295 = tpu.memref_squeeze %dma_start3A_294 : memref<1x128x64xbf16, #tpu.memory_space<vmem>> -> memref<128x64xbf16, #tpu.memory_space<vmem>>
      %dma_start3A_296 = arith.constant 0 : i32
      %dma_start3A_297 = tpu.memref_slice %arg5[%arg0, %add3A_255, %dma_start3A_296] : memref<2x10112x64xbf16, #tpu.memory_space<hbm>> -> memref<1x128x64xbf16, #tpu.memory_space<hbm>>
      %dma_start3A_298 = tpu.memref_squeeze %dma_start3A_297 : memref<1x128x64xbf16, #tpu.memory_space<hbm>> -> memref<128x64xbf16, #tpu.memory_space<hbm>>
      %dma_start3A_299 = arith.constant 0 : i32
      %dma_start3A_300 = tpu.memref_slice %arg5[%arg0, %add3A_255, %dma_start3A_299] : memref<2x10112x64xbf16, #tpu.memory_space<hbm>> -> memref<1x128x64xbf16, #tpu.memory_space<hbm>>
      %dma_start3A_301 = tpu.memref_squeeze %dma_start3A_300 : memref<1x128x64xbf16, #tpu.memory_space<hbm>> -> memref<128x64xbf16, #tpu.memory_space<hbm>>
      %dma_start3A_302 = arith.constant 0 : i32
      %dma_start3A_303 = arith.constant 0 : i32
      %dma_start3A_304 = tpu.memref_slice %arg8[%run_scoped3A_256, %dma_start3A_302, %dma_start3A_303] : memref<4x128x64xbf16, #tpu.memory_space<vmem>> -> memref<1x128x64xbf16, #tpu.memory_space<vmem>>
      %dma_start3A_305 = tpu.memref_squeeze %dma_start3A_304 : memref<1x128x64xbf16, #tpu.memory_space<vmem>> -> memref<128x64xbf16, #tpu.memory_space<vmem>>
      tpu.enqueue_dma source(%dma_start3A_305 : memref<128x64xbf16, #tpu.memory_space<vmem>>) target(%dma_start3A_301 : memref<128x64xbf16, #tpu.memory_space<hbm>>) target_semaphore(%run_scoped3A_291 : memref<!tpu.dma_semaphore, #tpu.memory_space<semaphore_mem>>)
      %dma_wait3A = arith.constant 0 : i32
      %dma_wait3A_306 = arith.constant 0 : i32
      %dma_wait3A_307 = tpu.memref_slice %arg8[%run_scoped3A_256, %dma_wait3A, %dma_wait3A_306] : memref<4x128x64xbf16, #tpu.memory_space<vmem>> -> memref<1x128x64xbf16, #tpu.memory_space<vmem>>
      %dma_wait3A_308 = tpu.memref_squeeze %dma_wait3A_307 : memref<1x128x64xbf16, #tpu.memory_space<vmem>> -> memref<128x64xbf16, #tpu.memory_space<vmem>>
      %dma_wait3A_309 = arith.constant 0 : i32
      %dma_wait3A_310 = tpu.memref_slice %arg5[%arg0, %add3A_255, %dma_wait3A_309] : memref<2x10112x64xbf16, #tpu.memory_space<hbm>> -> memref<1x128x64xbf16, #tpu.memory_space<hbm>>
      %dma_wait3A_311 = tpu.memref_squeeze %dma_wait3A_310 : memref<1x128x64xbf16, #tpu.memory_space<hbm>> -> memref<128x64xbf16, #tpu.memory_space<hbm>>
      %dma_wait3A_312 = arith.constant 0 : i32
      %dma_wait3A_313 = tpu.memref_slice %arg5[%arg0, %add3A_255, %dma_wait3A_312] : memref<2x10112x64xbf16, #tpu.memory_space<hbm>> -> memref<1x128x64xbf16, #tpu.memory_space<hbm>>
      %dma_wait3A_314 = tpu.memref_squeeze %dma_wait3A_313 : memref<1x128x64xbf16, #tpu.memory_space<hbm>> -> memref<128x64xbf16, #tpu.memory_space<hbm>>
      %dma_wait3A_315 = arith.constant 0 : i32
      %dma_wait3A_316 = arith.constant 0 : i32
      %dma_wait3A_317 = tpu.memref_slice %arg8[%run_scoped3A_256, %dma_wait3A_315, %dma_wait3A_316] : memref<4x128x64xbf16, #tpu.memory_space<vmem>> -> memref<1x128x64xbf16, #tpu.memory_space<vmem>>
      %dma_wait3A_318 = tpu.memref_squeeze %dma_wait3A_317 : memref<1x128x64xbf16, #tpu.memory_space<vmem>> -> memref<128x64xbf16, #tpu.memory_space<vmem>>
      tpu.wait_dma2 semaphore(%run_scoped3A_291 : memref<!tpu.dma_semaphore, #tpu.memory_space<semaphore_mem>>) src(%dma_wait3A_318 : memref<128x64xbf16, #tpu.memory_space<vmem>>) dst(%dma_wait3A_314 : memref<128x64xbf16, #tpu.memory_space<hbm>>)
      tpu.yield
    }) : () -> ()
    %add3A_257 = arith.constant 384 : i32
    %add3A_258 = arith.addi %mul3A_1, %add3A_257 : i32
    %run_scoped3A_259 = arith.constant 0 : i32
    "tpu.region"() ({
      %run_scoped3A_291 = tpu.sem_alloc : memref<!tpu.dma_semaphore, #tpu.memory_space<semaphore_mem>>
      %dma_start3A_292 = arith.constant 0 : i32
      %dma_start3A_293 = arith.constant 0 : i32
      %dma_start3A_294 = tpu.memref_slice %arg8[%run_scoped3A_259, %dma_start3A_292, %dma_start3A_293] : memref<4x128x64xbf16, #tpu.memory_space<vmem>> -> memref<1x128x64xbf16, #tpu.memory_space<vmem>>
      %dma_start3A_295 = tpu.memref_squeeze %dma_start3A_294 : memref<1x128x64xbf16, #tpu.memory_space<vmem>> -> memref<128x64xbf16, #tpu.memory_space<vmem>>
      %dma_start3A_296 = arith.constant 0 : i32
      %dma_start3A_297 = tpu.memref_slice %arg9[%add3A_258, %dma_start3A_296] : memref<10112x64xbf16, #tpu.memory_space<vmem_shared>> -> memref<128x64xbf16, #tpu.memory_space<vmem_shared>>
      %dma_start3A_298 = arith.constant 0 : i32
      %dma_start3A_299 = arith.constant 0 : i32
      %dma_start3A_300 = tpu.memref_slice %arg8[%run_scoped3A_259, %dma_start3A_298, %dma_start3A_299] : memref<4x128x64xbf16, #tpu.memory_space<vmem>> -> memref<1x128x64xbf16, #tpu.memory_space<vmem>>
      %dma_start3A_301 = tpu.memref_squeeze %dma_start3A_300 : memref<1x128x64xbf16, #tpu.memory_space<vmem>> -> memref<128x64xbf16, #tpu.memory_space<vmem>>
      %dma_start3A_302 = arith.constant 0 : i32
      %dma_start3A_303 = tpu.memref_slice %arg9[%add3A_258, %dma_start3A_302] : memref<10112x64xbf16, #tpu.memory_space<vmem_shared>> -> memref<128x64xbf16, #tpu.memory_space<vmem_shared>>
      tpu.enqueue_dma source(%dma_start3A_303 : memref<128x64xbf16, #tpu.memory_space<vmem_shared>>) target(%dma_start3A_301 : memref<128x64xbf16, #tpu.memory_space<vmem>>) target_semaphore(%run_scoped3A_291 : memref<!tpu.dma_semaphore, #tpu.memory_space<semaphore_mem>>)
      %dma_wait3A = arith.constant 0 : i32
      %dma_wait3A_304 = arith.constant 0 : i32
      %dma_wait3A_305 = tpu.memref_slice %arg8[%run_scoped3A_259, %dma_wait3A, %dma_wait3A_304] : memref<4x128x64xbf16, #tpu.memory_space<vmem>> -> memref<1x128x64xbf16, #tpu.memory_space<vmem>>
      %dma_wait3A_306 = tpu.memref_squeeze %dma_wait3A_305 : memref<1x128x64xbf16, #tpu.memory_space<vmem>> -> memref<128x64xbf16, #tpu.memory_space<vmem>>
      %dma_wait3A_307 = arith.constant 0 : i32
      %dma_wait3A_308 = tpu.memref_slice %arg9[%add3A_258, %dma_wait3A_307] : memref<10112x64xbf16, #tpu.memory_space<vmem_shared>> -> memref<128x64xbf16, #tpu.memory_space<vmem_shared>>
      %dma_wait3A_309 = arith.constant 0 : i32
      %dma_wait3A_310 = arith.constant 0 : i32
      %dma_wait3A_311 = tpu.memref_slice %arg8[%run_scoped3A_259, %dma_wait3A_309, %dma_wait3A_310] : memref<4x128x64xbf16, #tpu.memory_space<vmem>> -> memref<1x128x64xbf16, #tpu.memory_space<vmem>>
      %dma_wait3A_312 = tpu.memref_squeeze %dma_wait3A_311 : memref<1x128x64xbf16, #tpu.memory_space<vmem>> -> memref<128x64xbf16, #tpu.memory_space<vmem>>
      %dma_wait3A_313 = arith.constant 0 : i32
      %dma_wait3A_314 = tpu.memref_slice %arg9[%add3A_258, %dma_wait3A_313] : memref<10112x64xbf16, #tpu.memory_space<vmem_shared>> -> memref<128x64xbf16, #tpu.memory_space<vmem_shared>>
      tpu.wait_dma2 semaphore(%run_scoped3A_291 : memref<!tpu.dma_semaphore, #tpu.memory_space<semaphore_mem>>) src(%dma_wait3A_314 : memref<128x64xbf16, #tpu.memory_space<vmem_shared>>) dst(%dma_wait3A_312 : memref<128x64xbf16, #tpu.memory_space<vmem>>)
      tpu.yield
    }) : () -> ()
    %add3A_260 = arith.constant 384 : i32
    %add3A_261 = arith.addi %mul3A_1, %add3A_260 : i32
    %run_scoped3A_262 = arith.constant 1 : i32
    "tpu.region"() ({
      %run_scoped3A_291 = tpu.sem_alloc : memref<!tpu.dma_semaphore, #tpu.memory_space<semaphore_mem>>
      %dma_start3A_292 = arith.constant 0 : i32
      %dma_start3A_293 = arith.constant 0 : i32
      %dma_start3A_294 = tpu.memref_slice %arg8[%run_scoped3A_262, %dma_start3A_292, %dma_start3A_293] : memref<4x128x64xbf16, #tpu.memory_space<vmem>> -> memref<1x128x64xbf16, #tpu.memory_space<vmem>>
      %dma_start3A_295 = tpu.memref_squeeze %dma_start3A_294 : memref<1x128x64xbf16, #tpu.memory_space<vmem>> -> memref<128x64xbf16, #tpu.memory_space<vmem>>
      %dma_start3A_296 = arith.constant 0 : i32
      %dma_start3A_297 = tpu.memref_slice %arg10[%add3A_261, %dma_start3A_296] : memref<10112x64xbf16, #tpu.memory_space<vmem_shared>> -> memref<128x64xbf16, #tpu.memory_space<vmem_shared>>
      %dma_start3A_298 = arith.constant 0 : i32
      %dma_start3A_299 = arith.constant 0 : i32
      %dma_start3A_300 = tpu.memref_slice %arg8[%run_scoped3A_262, %dma_start3A_298, %dma_start3A_299] : memref<4x128x64xbf16, #tpu.memory_space<vmem>> -> memref<1x128x64xbf16, #tpu.memory_space<vmem>>
      %dma_start3A_301 = tpu.memref_squeeze %dma_start3A_300 : memref<1x128x64xbf16, #tpu.memory_space<vmem>> -> memref<128x64xbf16, #tpu.memory_space<vmem>>
      %dma_start3A_302 = arith.constant 0 : i32
      %dma_start3A_303 = tpu.memref_slice %arg10[%add3A_261, %dma_start3A_302] : memref<10112x64xbf16, #tpu.memory_space<vmem_shared>> -> memref<128x64xbf16, #tpu.memory_space<vmem_shared>>
      tpu.enqueue_dma source(%dma_start3A_303 : memref<128x64xbf16, #tpu.memory_space<vmem_shared>>) target(%dma_start3A_301 : memref<128x64xbf16, #tpu.memory_space<vmem>>) target_semaphore(%run_scoped3A_291 : memref<!tpu.dma_semaphore, #tpu.memory_space<semaphore_mem>>)
      %dma_wait3A = arith.constant 0 : i32
      %dma_wait3A_304 = arith.constant 0 : i32
      %dma_wait3A_305 = tpu.memref_slice %arg8[%run_scoped3A_262, %dma_wait3A, %dma_wait3A_304] : memref<4x128x64xbf16, #tpu.memory_space<vmem>> -> memref<1x128x64xbf16, #tpu.memory_space<vmem>>
      %dma_wait3A_306 = tpu.memref_squeeze %dma_wait3A_305 : memref<1x128x64xbf16, #tpu.memory_space<vmem>> -> memref<128x64xbf16, #tpu.memory_space<vmem>>
      %dma_wait3A_307 = arith.constant 0 : i32
      %dma_wait3A_308 = tpu.memref_slice %arg10[%add3A_261, %dma_wait3A_307] : memref<10112x64xbf16, #tpu.memory_space<vmem_shared>> -> memref<128x64xbf16, #tpu.memory_space<vmem_shared>>
      %dma_wait3A_309 = arith.constant 0 : i32
      %dma_wait3A_310 = arith.constant 0 : i32
      %dma_wait3A_311 = tpu.memref_slice %arg8[%run_scoped3A_262, %dma_wait3A_309, %dma_wait3A_310] : memref<4x128x64xbf16, #tpu.memory_space<vmem>> -> memref<1x128x64xbf16, #tpu.memory_space<vmem>>
      %dma_wait3A_312 = tpu.memref_squeeze %dma_wait3A_311 : memref<1x128x64xbf16, #tpu.memory_space<vmem>> -> memref<128x64xbf16, #tpu.memory_space<vmem>>
      %dma_wait3A_313 = arith.constant 0 : i32
      %dma_wait3A_314 = tpu.memref_slice %arg10[%add3A_261, %dma_wait3A_313] : memref<10112x64xbf16, #tpu.memory_space<vmem_shared>> -> memref<128x64xbf16, #tpu.memory_space<vmem_shared>>
      tpu.wait_dma2 semaphore(%run_scoped3A_291 : memref<!tpu.dma_semaphore, #tpu.memory_space<semaphore_mem>>) src(%dma_wait3A_314 : memref<128x64xbf16, #tpu.memory_space<vmem_shared>>) dst(%dma_wait3A_312 : memref<128x64xbf16, #tpu.memory_space<vmem>>)
      tpu.yield
    }) : () -> ()
    %add3A_263 = arith.constant 384 : i32
    %add3A_264 = arith.addi %mul3A_1, %add3A_263 : i32
    %run_scoped3A_265 = arith.constant 2 : i32
    "tpu.region"() ({
      %run_scoped3A_291 = tpu.sem_alloc : memref<!tpu.dma_semaphore, #tpu.memory_space<semaphore_mem>>
      %dma_start3A_292 = arith.constant 0 : i32
      %dma_start3A_293 = arith.constant 0 : i32
      %dma_start3A_294 = tpu.memref_slice %arg8[%run_scoped3A_265, %dma_start3A_292, %dma_start3A_293] : memref<4x128x64xbf16, #tpu.memory_space<vmem>> -> memref<1x128x64xbf16, #tpu.memory_space<vmem>>
      %dma_start3A_295 = tpu.memref_squeeze %dma_start3A_294 : memref<1x128x64xbf16, #tpu.memory_space<vmem>> -> memref<128x64xbf16, #tpu.memory_space<vmem>>
      %dma_start3A_296 = arith.constant 0 : i32
      %dma_start3A_297 = tpu.memref_slice %arg11[%add3A_264, %dma_start3A_296] : memref<10112x64xbf16, #tpu.memory_space<vmem_shared>> -> memref<128x64xbf16, #tpu.memory_space<vmem_shared>>
      %dma_start3A_298 = arith.constant 0 : i32
      %dma_start3A_299 = arith.constant 0 : i32
      %dma_start3A_300 = tpu.memref_slice %arg8[%run_scoped3A_265, %dma_start3A_298, %dma_start3A_299] : memref<4x128x64xbf16, #tpu.memory_space<vmem>> -> memref<1x128x64xbf16, #tpu.memory_space<vmem>>
      %dma_start3A_301 = tpu.memref_squeeze %dma_start3A_300 : memref<1x128x64xbf16, #tpu.memory_space<vmem>> -> memref<128x64xbf16, #tpu.memory_space<vmem>>
      %dma_start3A_302 = arith.constant 0 : i32
      %dma_start3A_303 = tpu.memref_slice %arg11[%add3A_264, %dma_start3A_302] : memref<10112x64xbf16, #tpu.memory_space<vmem_shared>> -> memref<128x64xbf16, #tpu.memory_space<vmem_shared>>
      tpu.enqueue_dma source(%dma_start3A_303 : memref<128x64xbf16, #tpu.memory_space<vmem_shared>>) target(%dma_start3A_301 : memref<128x64xbf16, #tpu.memory_space<vmem>>) target_semaphore(%run_scoped3A_291 : memref<!tpu.dma_semaphore, #tpu.memory_space<semaphore_mem>>)
      %dma_wait3A = arith.constant 0 : i32
      %dma_wait3A_304 = arith.constant 0 : i32
      %dma_wait3A_305 = tpu.memref_slice %arg8[%run_scoped3A_265, %dma_wait3A, %dma_wait3A_304] : memref<4x128x64xbf16, #tpu.memory_space<vmem>> -> memref<1x128x64xbf16, #tpu.memory_space<vmem>>
      %dma_wait3A_306 = tpu.memref_squeeze %dma_wait3A_305 : memref<1x128x64xbf16, #tpu.memory_space<vmem>> -> memref<128x64xbf16, #tpu.memory_space<vmem>>
      %dma_wait3A_307 = arith.constant 0 : i32
      %dma_wait3A_308 = tpu.memref_slice %arg11[%add3A_264, %dma_wait3A_307] : memref<10112x64xbf16, #tpu.memory_space<vmem_shared>> -> memref<128x64xbf16, #tpu.memory_space<vmem_shared>>
      %dma_wait3A_309 = arith.constant 0 : i32
      %dma_wait3A_310 = arith.constant 0 : i32
      %dma_wait3A_311 = tpu.memref_slice %arg8[%run_scoped3A_265, %dma_wait3A_309, %dma_wait3A_310] : memref<4x128x64xbf16, #tpu.memory_space<vmem>> -> memref<1x128x64xbf16, #tpu.memory_space<vmem>>
      %dma_wait3A_312 = tpu.memref_squeeze %dma_wait3A_311 : memref<1x128x64xbf16, #tpu.memory_space<vmem>> -> memref<128x64xbf16, #tpu.memory_space<vmem>>
      %dma_wait3A_313 = arith.constant 0 : i32
      %dma_wait3A_314 = tpu.memref_slice %arg11[%add3A_264, %dma_wait3A_313] : memref<10112x64xbf16, #tpu.memory_space<vmem_shared>> -> memref<128x64xbf16, #tpu.memory_space<vmem_shared>>
      tpu.wait_dma2 semaphore(%run_scoped3A_291 : memref<!tpu.dma_semaphore, #tpu.memory_space<semaphore_mem>>) src(%dma_wait3A_314 : memref<128x64xbf16, #tpu.memory_space<vmem_shared>>) dst(%dma_wait3A_312 : memref<128x64xbf16, #tpu.memory_space<vmem>>)
      tpu.yield
    }) : () -> ()
    %scan3A_266 = arith.constant 0 : i32
    %scan3A_267 = arith.constant 128 : i32
    %scan3A_268 = arith.addi %scan3A_266, %scan3A_267 : i32
    %scan3A_269 = arith.constant 1 : i32
    scf.for %scan3A_291 = %scan3A_266 to %scan3A_268 step %scan3A_269  : i32 {
      %scan3A_292 = arith.constant 0 : i32
      %mul3A_293 = arith.constant 2 : i32
      %mul3A_294 = arith.muli %scan3A_292, %mul3A_293 : i32
      %mul3A_295 = arith.constant 16 : i32
      %mul3A_296 = arith.muli %mul3A_294, %mul3A_295 : i32
      %get3A = arith.constant 0 : i32
      %get3A_297 = arith.index_cast %get3A : i32 to index
      %get3A_298 = arith.index_cast %scan3A_291 : i32 to index
      %get3A_299 = arith.index_cast %mul3A_296 : i32 to index
      %get3A_300 = tpu.vector_load %arg8[%get3A_297, %get3A_298, %get3A_299] {strides = array<i32>} : memref<4x128x64xbf16, #tpu.memory_space<vmem>>, vector<32xbf16>,
      %mul3A_301 = arith.constant 2 : i32
      %mul3A_302 = arith.muli %scan3A_292, %mul3A_301 : i32
      %mul3A_303 = arith.constant 16 : i32
      %mul3A_304 = arith.muli %mul3A_302, %mul3A_303 : i32
      %get3A_305 = arith.constant 1 : i32
      %get3A_306 = arith.index_cast %get3A_305 : i32 to index
      %get3A_307 = arith.index_cast %scan3A_291 : i32 to index
      %get3A_308 = arith.index_cast %mul3A_304 : i32 to index
      %get3A_309 = tpu.vector_load %arg8[%get3A_306, %get3A_307, %get3A_308] {strides = array<i32>} : memref<4x128x64xbf16, #tpu.memory_space<vmem>>, vector<32xbf16>,
      %add3A_310 = arith.addf %get3A_300, %get3A_309 : vector<32xbf16>
      %mul3A_311 = arith.constant 2 : i32
      %mul3A_312 = arith.muli %scan3A_292, %mul3A_311 : i32
      %mul3A_313 = arith.constant 16 : i32
      %mul3A_314 = arith.muli %mul3A_312, %mul3A_313 : i32
      %get3A_315 = arith.constant 2 : i32
      %get3A_316 = arith.index_cast %get3A_315 : i32 to index
      %get3A_317 = arith.index_cast %scan3A_291 : i32 to index
      %get3A_318 = arith.index_cast %mul3A_314 : i32 to index
      %get3A_319 = tpu.vector_load %arg8[%get3A_316, %get3A_317, %get3A_318] {strides = array<i32>} : memref<4x128x64xbf16, #tpu.memory_space<vmem>>, vector<32xbf16>,
      %add3A_320 = arith.addf %add3A_310, %get3A_319 : vector<32xbf16>
      %mul3A_321 = arith.constant 2 : i32
      %mul3A_322 = arith.muli %scan3A_292, %mul3A_321 : i32
      %mul3A_323 = arith.constant 16 : i32
      %mul3A_324 = arith.muli %mul3A_322, %mul3A_323 : i32
      %swap3A = arith.constant 0 : i32
      %swap3A_325 = arith.index_cast %swap3A : i32 to index
      %swap3A_326 = arith.index_cast %scan3A_291 : i32 to index
      %swap3A_327 = arith.index_cast %mul3A_324 : i32 to index
      %swap3A_328 = tpu.vector_load %arg8[%swap3A_325, %swap3A_326, %swap3A_327] {strides = array<i32>} : memref<4x128x64xbf16, #tpu.memory_space<vmem>>, vector<32xbf16>,
      tpu.vector_store %arg8[%swap3A_325, %swap3A_326, %swap3A_327], %add3A_320 {strides = array<i32>} : memref<4x128x64xbf16, #tpu.memory_space<vmem>>, vector<32xbf16>,
      %scan3A_329 = arith.constant 1 : i32
      %mul3A_330 = arith.constant 2 : i32
      %mul3A_331 = arith.muli %scan3A_329, %mul3A_330 : i32
      %mul3A_332 = arith.constant 16 : i32
      %mul3A_333 = arith.muli %mul3A_331, %mul3A_332 : i32
      %get3A_334 = arith.constant 0 : i32
      %get3A_335 = arith.index_cast %get3A_334 : i32 to index
      %get3A_336 = arith.index_cast %scan3A_291 : i32 to index
      %get3A_337 = arith.index_cast %mul3A_333 : i32 to index
      %get3A_338 = tpu.vector_load %arg8[%get3A_335, %get3A_336, %get3A_337] {strides = array<i32>} : memref<4x128x64xbf16, #tpu.memory_space<vmem>>, vector<32xbf16>,
      %mul3A_339 = arith.constant 2 : i32
      %mul3A_340 = arith.muli %scan3A_329, %mul3A_339 : i32
      %mul3A_341 = arith.constant 16 : i32
      %mul3A_342 = arith.muli %mul3A_340, %mul3A_341 : i32
      %get3A_343 = arith.constant 1 : i32
      %get3A_344 = arith.index_cast %get3A_343 : i32 to index
      %get3A_345 = arith.index_cast %scan3A_291 : i32 to index
      %get3A_346 = arith.index_cast %mul3A_342 : i32 to index
      %get3A_347 = tpu.vector_load %arg8[%get3A_344, %get3A_345, %get3A_346] {strides = array<i32>} : memref<4x128x64xbf16, #tpu.memory_space<vmem>>, vector<32xbf16>,
      %add3A_348 = arith.addf %get3A_338, %get3A_347 : vector<32xbf16>
      %mul3A_349 = arith.constant 2 : i32
      %mul3A_350 = arith.muli %scan3A_329, %mul3A_349 : i32
      %mul3A_351 = arith.constant 16 : i32
      %mul3A_352 = arith.muli %mul3A_350, %mul3A_351 : i32
      %get3A_353 = arith.constant 2 : i32
      %get3A_354 = arith.index_cast %get3A_353 : i32 to index
      %get3A_355 = arith.index_cast %scan3A_291 : i32 to index
      %get3A_356 = arith.index_cast %mul3A_352 : i32 to index
      %get3A_357 = tpu.vector_load %arg8[%get3A_354, %get3A_355, %get3A_356] {strides = array<i32>} : memref<4x128x64xbf16, #tpu.memory_space<vmem>>, vector<32xbf16>,
      %add3A_358 = arith.addf %add3A_348, %get3A_357 : vector<32xbf16>
      %mul3A_359 = arith.constant 2 : i32
      %mul3A_360 = arith.muli %scan3A_329, %mul3A_359 : i32
      %mul3A_361 = arith.constant 16 : i32
      %mul3A_362 = arith.muli %mul3A_360, %mul3A_361 : i32
      %swap3A_363 = arith.constant 0 : i32
      %swap3A_364 = arith.index_cast %swap3A_363 : i32 to index
      %swap3A_365 = arith.index_cast %scan3A_291 : i32 to index
      %swap3A_366 = arith.index_cast %mul3A_362 : i32 to index
      %swap3A_367 = tpu.vector_load %arg8[%swap3A_364, %swap3A_365, %swap3A_366] {strides = array<i32>} : memref<4x128x64xbf16, #tpu.memory_space<vmem>>, vector<32xbf16>,
      tpu.vector_store %arg8[%swap3A_364, %swap3A_365, %swap3A_366], %add3A_358 {strides = array<i32>} : memref<4x128x64xbf16, #tpu.memory_space<vmem>>, vector<32xbf16>,
      %scan3A_368 = arith.constant 2 : i32
    }
    %scan3A_270 = arith.constant 128 : i32
    %add3A_271 = arith.constant 384 : i32
    %add3A_272 = arith.addi %mul3A_1, %add3A_271 : i32
    %run_scoped3A_273 = arith.constant 0 : i32
    "tpu.region"() ({
      %run_scoped3A_291 = tpu.sem_alloc : memref<!tpu.dma_semaphore, #tpu.memory_space<semaphore_mem>>
      %dma_start3A_292 = arith.constant 0 : i32
      %dma_start3A_293 = arith.constant 0 : i32
      %dma_start3A_294 = tpu.memref_slice %arg8[%run_scoped3A_273, %dma_start3A_292, %dma_start3A_293] : memref<4x128x64xbf16, #tpu.memory_space<vmem>> -> memref<1x128x64xbf16, #tpu.memory_space<vmem>>
      %dma_start3A_295 = tpu.memref_squeeze %dma_start3A_294 : memref<1x128x64xbf16, #tpu.memory_space<vmem>> -> memref<128x64xbf16, #tpu.memory_space<vmem>>
      %dma_start3A_296 = arith.constant 0 : i32
      %dma_start3A_297 = tpu.memref_slice %arg5[%arg0, %add3A_272, %dma_start3A_296] : memref<2x10112x64xbf16, #tpu.memory_space<hbm>> -> memref<1x128x64xbf16, #tpu.memory_space<hbm>>
      %dma_start3A_298 = tpu.memref_squeeze %dma_start3A_297 : memref<1x128x64xbf16, #tpu.memory_space<hbm>> -> memref<128x64xbf16, #tpu.memory_space<hbm>>
      %dma_start3A_299 = arith.constant 0 : i32
      %dma_start3A_300 = tpu.memref_slice %arg5[%arg0, %add3A_272, %dma_start3A_299] : memref<2x10112x64xbf16, #tpu.memory_space<hbm>> -> memref<1x128x64xbf16, #tpu.memory_space<hbm>>
      %dma_start3A_301 = tpu.memref_squeeze %dma_start3A_300 : memref<1x128x64xbf16, #tpu.memory_space<hbm>> -> memref<128x64xbf16, #tpu.memory_space<hbm>>
      %dma_start3A_302 = arith.constant 0 : i32
      %dma_start3A_303 = arith.constant 0 : i32
      %dma_start3A_304 = tpu.memref_slice %arg8[%run_scoped3A_273, %dma_start3A_302, %dma_start3A_303] : memref<4x128x64xbf16, #tpu.memory_space<vmem>> -> memref<1x128x64xbf16, #tpu.memory_space<vmem>>
      %dma_start3A_305 = tpu.memref_squeeze %dma_start3A_304 : memref<1x128x64xbf16, #tpu.memory_space<vmem>> -> memref<128x64xbf16, #tpu.memory_space<vmem>>
      tpu.enqueue_dma source(%dma_start3A_305 : memref<128x64xbf16, #tpu.memory_space<vmem>>) target(%dma_start3A_301 : memref<128x64xbf16, #tpu.memory_space<hbm>>) target_semaphore(%run_scoped3A_291 : memref<!tpu.dma_semaphore, #tpu.memory_space<semaphore_mem>>)
      %dma_wait3A = arith.constant 0 : i32
      %dma_wait3A_306 = arith.constant 0 : i32
      %dma_wait3A_307 = tpu.memref_slice %arg8[%run_scoped3A_273, %dma_wait3A, %dma_wait3A_306] : memref<4x128x64xbf16, #tpu.memory_space<vmem>> -> memref<1x128x64xbf16, #tpu.memory_space<vmem>>
      %dma_wait3A_308 = tpu.memref_squeeze %dma_wait3A_307 : memref<1x128x64xbf16, #tpu.memory_space<vmem>> -> memref<128x64xbf16, #tpu.memory_space<vmem>>
      %dma_wait3A_309 = arith.constant 0 : i32
      %dma_wait3A_310 = tpu.memref_slice %arg5[%arg0, %add3A_272, %dma_wait3A_309] : memref<2x10112x64xbf16, #tpu.memory_space<hbm>> -> memref<1x128x64xbf16, #tpu.memory_space<hbm>>
      %dma_wait3A_311 = tpu.memref_squeeze %dma_wait3A_310 : memref<1x128x64xbf16, #tpu.memory_space<hbm>> -> memref<128x64xbf16, #tpu.memory_space<hbm>>
      %dma_wait3A_312 = arith.constant 0 : i32
      %dma_wait3A_313 = tpu.memref_slice %arg5[%arg0, %add3A_272, %dma_wait3A_312] : memref<2x10112x64xbf16, #tpu.memory_space<hbm>> -> memref<1x128x64xbf16, #tpu.memory_space<hbm>>
      %dma_wait3A_314 = tpu.memref_squeeze %dma_wait3A_313 : memref<1x128x64xbf16, #tpu.memory_space<hbm>> -> memref<128x64xbf16, #tpu.memory_space<hbm>>
      %dma_wait3A_315 = arith.constant 0 : i32
      %dma_wait3A_316 = arith.constant 0 : i32
      %dma_wait3A_317 = tpu.memref_slice %arg8[%run_scoped3A_273, %dma_wait3A_315, %dma_wait3A_316] : memref<4x128x64xbf16, #tpu.memory_space<vmem>> -> memref<1x128x64xbf16, #tpu.memory_space<vmem>>
      %dma_wait3A_318 = tpu.memref_squeeze %dma_wait3A_317 : memref<1x128x64xbf16, #tpu.memory_space<vmem>> -> memref<128x64xbf16, #tpu.memory_space<vmem>>
      tpu.wait_dma2 semaphore(%run_scoped3A_291 : memref<!tpu.dma_semaphore, #tpu.memory_space<semaphore_mem>>) src(%dma_wait3A_318 : memref<128x64xbf16, #tpu.memory_space<vmem>>) dst(%dma_wait3A_314 : memref<128x64xbf16, #tpu.memory_space<hbm>>)
      tpu.yield
    }) : () -> ()
    %add3A_274 = arith.constant 512 : i32
    %add3A_275 = arith.addi %mul3A_1, %add3A_274 : i32
    %run_scoped3A_276 = arith.constant 0 : i32
    "tpu.region"() ({
      %run_scoped3A_291 = tpu.sem_alloc : memref<!tpu.dma_semaphore, #tpu.memory_space<semaphore_mem>>
      %dma_start3A_292 = arith.constant 0 : i32
      %dma_start3A_293 = arith.constant 0 : i32
      %dma_start3A_294 = tpu.memref_slice %arg8[%run_scoped3A_276, %dma_start3A_292, %dma_start3A_293] : memref<4x128x64xbf16, #tpu.memory_space<vmem>> -> memref<1x120x64xbf16, #tpu.memory_space<vmem>>
      %dma_start3A_295 = tpu.memref_squeeze %dma_start3A_294 : memref<1x120x64xbf16, #tpu.memory_space<vmem>> -> memref<120x64xbf16, #tpu.memory_space<vmem>>
      %dma_start3A_296 = arith.constant 0 : i32
      %dma_start3A_297 = tpu.memref_slice %arg9[%add3A_275, %dma_start3A_296] : memref<10112x64xbf16, #tpu.memory_space<vmem_shared>> -> memref<120x64xbf16, #tpu.memory_space<vmem_shared>>
      %dma_start3A_298 = arith.constant 0 : i32
      %dma_start3A_299 = arith.constant 0 : i32
      %dma_start3A_300 = tpu.memref_slice %arg8[%run_scoped3A_276, %dma_start3A_298, %dma_start3A_299] : memref<4x128x64xbf16, #tpu.memory_space<vmem>> -> memref<1x120x64xbf16, #tpu.memory_space<vmem>>
      %dma_start3A_301 = tpu.memref_squeeze %dma_start3A_300 : memref<1x120x64xbf16, #tpu.memory_space<vmem>> -> memref<120x64xbf16, #tpu.memory_space<vmem>>
      %dma_start3A_302 = arith.constant 0 : i32
      %dma_start3A_303 = tpu.memref_slice %arg9[%add3A_275, %dma_start3A_302] : memref<10112x64xbf16, #tpu.memory_space<vmem_shared>> -> memref<120x64xbf16, #tpu.memory_space<vmem_shared>>
      tpu.enqueue_dma source(%dma_start3A_303 : memref<120x64xbf16, #tpu.memory_space<vmem_shared>>) target(%dma_start3A_301 : memref<120x64xbf16, #tpu.memory_space<vmem>>) target_semaphore(%run_scoped3A_291 : memref<!tpu.dma_semaphore, #tpu.memory_space<semaphore_mem>>)
      %dma_wait3A = arith.constant 0 : i32
      %dma_wait3A_304 = arith.constant 0 : i32
      %dma_wait3A_305 = tpu.memref_slice %arg8[%run_scoped3A_276, %dma_wait3A, %dma_wait3A_304] : memref<4x128x64xbf16, #tpu.memory_space<vmem>> -> memref<1x120x64xbf16, #tpu.memory_space<vmem>>
      %dma_wait3A_306 = tpu.memref_squeeze %dma_wait3A_305 : memref<1x120x64xbf16, #tpu.memory_space<vmem>> -> memref<120x64xbf16, #tpu.memory_space<vmem>>
      %dma_wait3A_307 = arith.constant 0 : i32
      %dma_wait3A_308 = tpu.memref_slice %arg9[%add3A_275, %dma_wait3A_307] : memref<10112x64xbf16, #tpu.memory_space<vmem_shared>> -> memref<120x64xbf16, #tpu.memory_space<vmem_shared>>
      %dma_wait3A_309 = arith.constant 0 : i32
      %dma_wait3A_310 = arith.constant 0 : i32
      %dma_wait3A_311 = tpu.memref_slice %arg8[%run_scoped3A_276, %dma_wait3A_309, %dma_wait3A_310] : memref<4x128x64xbf16, #tpu.memory_space<vmem>> -> memref<1x120x64xbf16, #tpu.memory_space<vmem>>
      %dma_wait3A_312 = tpu.memref_squeeze %dma_wait3A_311 : memref<1x120x64xbf16, #tpu.memory_space<vmem>> -> memref<120x64xbf16, #tpu.memory_space<vmem>>
      %dma_wait3A_313 = arith.constant 0 : i32
      %dma_wait3A_314 = tpu.memref_slice %arg9[%add3A_275, %dma_wait3A_313] : memref<10112x64xbf16, #tpu.memory_space<vmem_shared>> -> memref<120x64xbf16, #tpu.memory_space<vmem_shared>>
      tpu.wait_dma2 semaphore(%run_scoped3A_291 : memref<!tpu.dma_semaphore, #tpu.memory_space<semaphore_mem>>) src(%dma_wait3A_314 : memref<120x64xbf16, #tpu.memory_space<vmem_shared>>) dst(%dma_wait3A_312 : memref<120x64xbf16, #tpu.memory_space<vmem>>)
      tpu.yield
    }) : () -> ()
    %add3A_277 = arith.constant 512 : i32
    %add3A_278 = arith.addi %mul3A_1, %add3A_277 : i32
    %run_scoped3A_279 = arith.constant 1 : i32
    "tpu.region"() ({
      %run_scoped3A_291 = tpu.sem_alloc : memref<!tpu.dma_semaphore, #tpu.memory_space<semaphore_mem>>
      %dma_start3A_292 = arith.constant 0 : i32
      %dma_start3A_293 = arith.constant 0 : i32
      %dma_start3A_294 = tpu.memref_slice %arg8[%run_scoped3A_279, %dma_start3A_292, %dma_start3A_293] : memref<4x128x64xbf16, #tpu.memory_space<vmem>> -> memref<1x120x64xbf16, #tpu.memory_space<vmem>>
      %dma_start3A_295 = tpu.memref_squeeze %dma_start3A_294 : memref<1x120x64xbf16, #tpu.memory_space<vmem>> -> memref<120x64xbf16, #tpu.memory_space<vmem>>
      %dma_start3A_296 = arith.constant 0 : i32
      %dma_start3A_297 = tpu.memref_slice %arg10[%add3A_278, %dma_start3A_296] : memref<10112x64xbf16, #tpu.memory_space<vmem_shared>> -> memref<120x64xbf16, #tpu.memory_space<vmem_shared>>
      %dma_start3A_298 = arith.constant 0 : i32
      %dma_start3A_299 = arith.constant 0 : i32
      %dma_start3A_300 = tpu.memref_slice %arg8[%run_scoped3A_279, %dma_start3A_298, %dma_start3A_299] : memref<4x128x64xbf16, #tpu.memory_space<vmem>> -> memref<1x120x64xbf16, #tpu.memory_space<vmem>>
      %dma_start3A_301 = tpu.memref_squeeze %dma_start3A_300 : memref<1x120x64xbf16, #tpu.memory_space<vmem>> -> memref<120x64xbf16, #tpu.memory_space<vmem>>
      %dma_start3A_302 = arith.constant 0 : i32
      %dma_start3A_303 = tpu.memref_slice %arg10[%add3A_278, %dma_start3A_302] : memref<10112x64xbf16, #tpu.memory_space<vmem_shared>> -> memref<120x64xbf16, #tpu.memory_space<vmem_shared>>
      tpu.enqueue_dma source(%dma_start3A_303 : memref<120x64xbf16, #tpu.memory_space<vmem_shared>>) target(%dma_start3A_301 : memref<120x64xbf16, #tpu.memory_space<vmem>>) target_semaphore(%run_scoped3A_291 : memref<!tpu.dma_semaphore, #tpu.memory_space<semaphore_mem>>)
      %dma_wait3A = arith.constant 0 : i32
      %dma_wait3A_304 = arith.constant 0 : i32
      %dma_wait3A_305 = tpu.memref_slice %arg8[%run_scoped3A_279, %dma_wait3A, %dma_wait3A_304] : memref<4x128x64xbf16, #tpu.memory_space<vmem>> -> memref<1x120x64xbf16, #tpu.memory_space<vmem>>
      %dma_wait3A_306 = tpu.memref_squeeze %dma_wait3A_305 : memref<1x120x64xbf16, #tpu.memory_space<vmem>> -> memref<120x64xbf16, #tpu.memory_space<vmem>>
      %dma_wait3A_307 = arith.constant 0 : i32
      %dma_wait3A_308 = tpu.memref_slice %arg10[%add3A_278, %dma_wait3A_307] : memref<10112x64xbf16, #tpu.memory_space<vmem_shared>> -> memref<120x64xbf16, #tpu.memory_space<vmem_shared>>
      %dma_wait3A_309 = arith.constant 0 : i32
      %dma_wait3A_310 = arith.constant 0 : i32
      %dma_wait3A_311 = tpu.memref_slice %arg8[%run_scoped3A_279, %dma_wait3A_309, %dma_wait3A_310] : memref<4x128x64xbf16, #tpu.memory_space<vmem>> -> memref<1x120x64xbf16, #tpu.memory_space<vmem>>
      %dma_wait3A_312 = tpu.memref_squeeze %dma_wait3A_311 : memref<1x120x64xbf16, #tpu.memory_space<vmem>> -> memref<120x64xbf16, #tpu.memory_space<vmem>>
      %dma_wait3A_313 = arith.constant 0 : i32
      %dma_wait3A_314 = tpu.memref_slice %arg10[%add3A_278, %dma_wait3A_313] : memref<10112x64xbf16, #tpu.memory_space<vmem_shared>> -> memref<120x64xbf16, #tpu.memory_space<vmem_shared>>
      tpu.wait_dma2 semaphore(%run_scoped3A_291 : memref<!tpu.dma_semaphore, #tpu.memory_space<semaphore_mem>>) src(%dma_wait3A_314 : memref<120x64xbf16, #tpu.memory_space<vmem_shared>>) dst(%dma_wait3A_312 : memref<120x64xbf16, #tpu.memory_space<vmem>>)
      tpu.yield
    }) : () -> ()
    %add3A_280 = arith.constant 512 : i32
    %add3A_281 = arith.addi %mul3A_1, %add3A_280 : i32
    %run_scoped3A_282 = arith.constant 2 : i32
    "tpu.region"() ({
      %run_scoped3A_291 = tpu.sem_alloc : memref<!tpu.dma_semaphore, #tpu.memory_space<semaphore_mem>>
      %dma_start3A_292 = arith.constant 0 : i32
      %dma_start3A_293 = arith.constant 0 : i32
      %dma_start3A_294 = tpu.memref_slice %arg8[%run_scoped3A_282, %dma_start3A_292, %dma_start3A_293] : memref<4x128x64xbf16, #tpu.memory_space<vmem>> -> memref<1x120x64xbf16, #tpu.memory_space<vmem>>
      %dma_start3A_295 = tpu.memref_squeeze %dma_start3A_294 : memref<1x120x64xbf16, #tpu.memory_space<vmem>> -> memref<120x64xbf16, #tpu.memory_space<vmem>>
      %dma_start3A_296 = arith.constant 0 : i32
      %dma_start3A_297 = tpu.memref_slice %arg11[%add3A_281, %dma_start3A_296] : memref<10112x64xbf16, #tpu.memory_space<vmem_shared>> -> memref<120x64xbf16, #tpu.memory_space<vmem_shared>>
      %dma_start3A_298 = arith.constant 0 : i32
      %dma_start3A_299 = arith.constant 0 : i32
      %dma_start3A_300 = tpu.memref_slice %arg8[%run_scoped3A_282, %dma_start3A_298, %dma_start3A_299] : memref<4x128x64xbf16, #tpu.memory_space<vmem>> -> memref<1x120x64xbf16, #tpu.memory_space<vmem>>
      %dma_start3A_301 = tpu.memref_squeeze %dma_start3A_300 : memref<1x120x64xbf16, #tpu.memory_space<vmem>> -> memref<120x64xbf16, #tpu.memory_space<vmem>>
      %dma_start3A_302 = arith.constant 0 : i32
      %dma_start3A_303 = tpu.memref_slice %arg11[%add3A_281, %dma_start3A_302] : memref<10112x64xbf16, #tpu.memory_space<vmem_shared>> -> memref<120x64xbf16, #tpu.memory_space<vmem_shared>>
      tpu.enqueue_dma source(%dma_start3A_303 : memref<120x64xbf16, #tpu.memory_space<vmem_shared>>) target(%dma_start3A_301 : memref<120x64xbf16, #tpu.memory_space<vmem>>) target_semaphore(%run_scoped3A_291 : memref<!tpu.dma_semaphore, #tpu.memory_space<semaphore_mem>>)
      %dma_wait3A = arith.constant 0 : i32
      %dma_wait3A_304 = arith.constant 0 : i32
      %dma_wait3A_305 = tpu.memref_slice %arg8[%run_scoped3A_282, %dma_wait3A, %dma_wait3A_304] : memref<4x128x64xbf16, #tpu.memory_space<vmem>> -> memref<1x120x64xbf16, #tpu.memory_space<vmem>>
      %dma_wait3A_306 = tpu.memref_squeeze %dma_wait3A_305 : memref<1x120x64xbf16, #tpu.memory_space<vmem>> -> memref<120x64xbf16, #tpu.memory_space<vmem>>
      %dma_wait3A_307 = arith.constant 0 : i32
      %dma_wait3A_308 = tpu.memref_slice %arg11[%add3A_281, %dma_wait3A_307] : memref<10112x64xbf16, #tpu.memory_space<vmem_shared>> -> memref<120x64xbf16, #tpu.memory_space<vmem_shared>>
      %dma_wait3A_309 = arith.constant 0 : i32
      %dma_wait3A_310 = arith.constant 0 : i32
      %dma_wait3A_311 = tpu.memref_slice %arg8[%run_scoped3A_282, %dma_wait3A_309, %dma_wait3A_310] : memref<4x128x64xbf16, #tpu.memory_space<vmem>> -> memref<1x120x64xbf16, #tpu.memory_space<vmem>>
      %dma_wait3A_312 = tpu.memref_squeeze %dma_wait3A_311 : memref<1x120x64xbf16, #tpu.memory_space<vmem>> -> memref<120x64xbf16, #tpu.memory_space<vmem>>
      %dma_wait3A_313 = arith.constant 0 : i32
      %dma_wait3A_314 = tpu.memref_slice %arg11[%add3A_281, %dma_wait3A_313] : memref<10112x64xbf16, #tpu.memory_space<vmem_shared>> -> memref<120x64xbf16, #tpu.memory_space<vmem_shared>>
      tpu.wait_dma2 semaphore(%run_scoped3A_291 : memref<!tpu.dma_semaphore, #tpu.memory_space<semaphore_mem>>) src(%dma_wait3A_314 : memref<120x64xbf16, #tpu.memory_space<vmem_shared>>) dst(%dma_wait3A_312 : memref<120x64xbf16, #tpu.memory_space<vmem>>)
      tpu.yield
    }) : () -> ()
    %scan3A_283 = arith.constant 0 : i32
    %scan3A_284 = arith.constant 120 : i32
    %scan3A_285 = arith.addi %scan3A_283, %scan3A_284 : i32
    %scan3A_286 = arith.constant 1 : i32
    scf.for %scan3A_291 = %scan3A_283 to %scan3A_285 step %scan3A_286  : i32 {
      %scan3A_292 = arith.constant 0 : i32
      %mul3A_293 = arith.constant 2 : i32
      %mul3A_294 = arith.muli %scan3A_292, %mul3A_293 : i32
      %mul3A_295 = arith.constant 16 : i32
      %mul3A_296 = arith.muli %mul3A_294, %mul3A_295 : i32
      %get3A = arith.constant 0 : i32
      %get3A_297 = arith.index_cast %get3A : i32 to index
      %get3A_298 = arith.index_cast %scan3A_291 : i32 to index
      %get3A_299 = arith.index_cast %mul3A_296 : i32 to index
      %get3A_300 = tpu.vector_load %arg8[%get3A_297, %get3A_298, %get3A_299] {strides = array<i32>} : memref<4x128x64xbf16, #tpu.memory_space<vmem>>, vector<32xbf16>,
      %mul3A_301 = arith.constant 2 : i32
      %mul3A_302 = arith.muli %scan3A_292, %mul3A_301 : i32
      %mul3A_303 = arith.constant 16 : i32
      %mul3A_304 = arith.muli %mul3A_302, %mul3A_303 : i32
      %get3A_305 = arith.constant 1 : i32
      %get3A_306 = arith.index_cast %get3A_305 : i32 to index
      %get3A_307 = arith.index_cast %scan3A_291 : i32 to index
      %get3A_308 = arith.index_cast %mul3A_304 : i32 to index
      %get3A_309 = tpu.vector_load %arg8[%get3A_306, %get3A_307, %get3A_308] {strides = array<i32>} : memref<4x128x64xbf16, #tpu.memory_space<vmem>>, vector<32xbf16>,
      %add3A_310 = arith.addf %get3A_300, %get3A_309 : vector<32xbf16>
      %mul3A_311 = arith.constant 2 : i32
      %mul3A_312 = arith.muli %scan3A_292, %mul3A_311 : i32
      %mul3A_313 = arith.constant 16 : i32
      %mul3A_314 = arith.muli %mul3A_312, %mul3A_313 : i32
      %get3A_315 = arith.constant 2 : i32
      %get3A_316 = arith.index_cast %get3A_315 : i32 to index
      %get3A_317 = arith.index_cast %scan3A_291 : i32 to index
      %get3A_318 = arith.index_cast %mul3A_314 : i32 to index
      %get3A_319 = tpu.vector_load %arg8[%get3A_316, %get3A_317, %get3A_318] {strides = array<i32>} : memref<4x128x64xbf16, #tpu.memory_space<vmem>>, vector<32xbf16>,
      %add3A_320 = arith.addf %add3A_310, %get3A_319 : vector<32xbf16>
      %mul3A_321 = arith.constant 2 : i32
      %mul3A_322 = arith.muli %scan3A_292, %mul3A_321 : i32
      %mul3A_323 = arith.constant 16 : i32
      %mul3A_324 = arith.muli %mul3A_322, %mul3A_323 : i32
      %swap3A = arith.constant 0 : i32
      %swap3A_325 = arith.index_cast %swap3A : i32 to index
      %swap3A_326 = arith.index_cast %scan3A_291 : i32 to index
      %swap3A_327 = arith.index_cast %mul3A_324 : i32 to index
      %swap3A_328 = tpu.vector_load %arg8[%swap3A_325, %swap3A_326, %swap3A_327] {strides = array<i32>} : memref<4x128x64xbf16, #tpu.memory_space<vmem>>, vector<32xbf16>,
      tpu.vector_store %arg8[%swap3A_325, %swap3A_326, %swap3A_327], %add3A_320 {strides = array<i32>} : memref<4x128x64xbf16, #tpu.memory_space<vmem>>, vector<32xbf16>,
      %scan3A_329 = arith.constant 1 : i32
      %mul3A_330 = arith.constant 2 : i32
      %mul3A_331 = arith.muli %scan3A_329, %mul3A_330 : i32
      %mul3A_332 = arith.constant 16 : i32
      %mul3A_333 = arith.muli %mul3A_331, %mul3A_332 : i32
      %get3A_334 = arith.constant 0 : i32
      %get3A_335 = arith.index_cast %get3A_334 : i32 to index
      %get3A_336 = arith.index_cast %scan3A_291 : i32 to index
      %get3A_337 = arith.index_cast %mul3A_333 : i32 to index
      %get3A_338 = tpu.vector_load %arg8[%get3A_335, %get3A_336, %get3A_337] {strides = array<i32>} : memref<4x128x64xbf16, #tpu.memory_space<vmem>>, vector<32xbf16>,
      %mul3A_339 = arith.constant 2 : i32
      %mul3A_340 = arith.muli %scan3A_329, %mul3A_339 : i32
      %mul3A_341 = arith.constant 16 : i32
      %mul3A_342 = arith.muli %mul3A_340, %mul3A_341 : i32
      %get3A_343 = arith.constant 1 : i32
      %get3A_344 = arith.index_cast %get3A_343 : i32 to index
      %get3A_345 = arith.index_cast %scan3A_291 : i32 to index
      %get3A_346 = arith.index_cast %mul3A_342 : i32 to index
      %get3A_347 = tpu.vector_load %arg8[%get3A_344, %get3A_345, %get3A_346] {strides = array<i32>} : memref<4x128x64xbf16, #tpu.memory_space<vmem>>, vector<32xbf16>,
      %add3A_348 = arith.addf %get3A_338, %get3A_347 : vector<32xbf16>
      %mul3A_349 = arith.constant 2 : i32
      %mul3A_350 = arith.muli %scan3A_329, %mul3A_349 : i32
      %mul3A_351 = arith.constant 16 : i32
      %mul3A_352 = arith.muli %mul3A_350, %mul3A_351 : i32
      %get3A_353 = arith.constant 2 : i32
      %get3A_354 = arith.index_cast %get3A_353 : i32 to index
      %get3A_355 = arith.index_cast %scan3A_291 : i32 to index
      %get3A_356 = arith.index_cast %mul3A_352 : i32 to index
      %get3A_357 = tpu.vector_load %arg8[%get3A_354, %get3A_355, %get3A_356] {strides = array<i32>} : memref<4x128x64xbf16, #tpu.memory_space<vmem>>, vector<32xbf16>,
      %add3A_358 = arith.addf %add3A_348, %get3A_357 : vector<32xbf16>
      %mul3A_359 = arith.constant 2 : i32
      %mul3A_360 = arith.muli %scan3A_329, %mul3A_359 : i32
      %mul3A_361 = arith.constant 16 : i32
      %mul3A_362 = arith.muli %mul3A_360, %mul3A_361 : i32
      %swap3A_363 = arith.constant 0 : i32
      %swap3A_364 = arith.index_cast %swap3A_363 : i32 to index
      %swap3A_365 = arith.index_cast %scan3A_291 : i32 to index
      %swap3A_366 = arith.index_cast %mul3A_362 : i32 to index
      %swap3A_367 = tpu.vector_load %arg8[%swap3A_364, %swap3A_365, %swap3A_366] {strides = array<i32>} : memref<4x128x64xbf16, #tpu.memory_space<vmem>>, vector<32xbf16>,
      tpu.vector_store %arg8[%swap3A_364, %swap3A_365, %swap3A_366], %add3A_358 {strides = array<i32>} : memref<4x128x64xbf16, #tpu.memory_space<vmem>>, vector<32xbf16>,
      %scan3A_368 = arith.constant 2 : i32
    }
    %scan3A_287 = arith.constant 120 : i32
    %add3A_288 = arith.constant 512 : i32
    %add3A_289 = arith.addi %mul3A_1, %add3A_288 : i32
    %run_scoped3A_290 = arith.constant 0 : i32
    "tpu.region"() ({
      %run_scoped3A_291 = tpu.sem_alloc : memref<!tpu.dma_semaphore, #tpu.memory_space<semaphore_mem>>
      %dma_start3A_292 = arith.constant 0 : i32
      %dma_start3A_293 = arith.constant 0 : i32
      %dma_start3A_294 = tpu.memref_slice %arg8[%run_scoped3A_290, %dma_start3A_292, %dma_start3A_293] : memref<4x128x64xbf16, #tpu.memory_space<vmem>> -> memref<1x120x64xbf16, #tpu.memory_space<vmem>>
      %dma_start3A_295 = tpu.memref_squeeze %dma_start3A_294 : memref<1x120x64xbf16, #tpu.memory_space<vmem>> -> memref<120x64xbf16, #tpu.memory_space<vmem>>
      %dma_start3A_296 = arith.constant 0 : i32
      %dma_start3A_297 = tpu.memref_slice %arg5[%arg0, %add3A_289, %dma_start3A_296] : memref<2x10112x64xbf16, #tpu.memory_space<hbm>> -> memref<1x120x64xbf16, #tpu.memory_space<hbm>>
      %dma_start3A_298 = tpu.memref_squeeze %dma_start3A_297 : memref<1x120x64xbf16, #tpu.memory_space<hbm>> -> memref<120x64xbf16, #tpu.memory_space<hbm>>
      %dma_start3A_299 = arith.constant 0 : i32
      %dma_start3A_300 = tpu.memref_slice %arg5[%arg0, %add3A_289, %dma_start3A_299] : memref<2x10112x64xbf16, #tpu.memory_space<hbm>> -> memref<1x120x64xbf16, #tpu.memory_space<hbm>>
      %dma_start3A_301 = tpu.memref_squeeze %dma_start3A_300 : memref<1x120x64xbf16, #tpu.memory_space<hbm>> -> memref<120x64xbf16, #tpu.memory_space<hbm>>
      %dma_start3A_302 = arith.constant 0 : i32
      %dma_start3A_303 = arith.constant 0 : i32
      %dma_start3A_304 = tpu.memref_slice %arg8[%run_scoped3A_290, %dma_start3A_302, %dma_start3A_303] : memref<4x128x64xbf16, #tpu.memory_space<vmem>> -> memref<1x120x64xbf16, #tpu.memory_space<vmem>>
      %dma_start3A_305 = tpu.memref_squeeze %dma_start3A_304 : memref<1x120x64xbf16, #tpu.memory_space<vmem>> -> memref<120x64xbf16, #tpu.memory_space<vmem>>
      tpu.enqueue_dma source(%dma_start3A_305 : memref<120x64xbf16, #tpu.memory_space<vmem>>) target(%dma_start3A_301 : memref<120x64xbf16, #tpu.memory_space<hbm>>) target_semaphore(%run_scoped3A_291 : memref<!tpu.dma_semaphore, #tpu.memory_space<semaphore_mem>>)
      %dma_wait3A = arith.constant 0 : i32
      %dma_wait3A_306 = arith.constant 0 : i32
      %dma_wait3A_307 = tpu.memref_slice %arg8[%run_scoped3A_290, %dma_wait3A, %dma_wait3A_306] : memref<4x128x64xbf16, #tpu.memory_space<vmem>> -> memref<1x120x64xbf16, #tpu.memory_space<vmem>>
      %dma_wait3A_308 = tpu.memref_squeeze %dma_wait3A_307 : memref<1x120x64xbf16, #tpu.memory_space<vmem>> -> memref<120x64xbf16, #tpu.memory_space<vmem>>
      %dma_wait3A_309 = arith.constant 0 : i32
      %dma_wait3A_310 = tpu.memref_slice %arg5[%arg0, %add3A_289, %dma_wait3A_309] : memref<2x10112x64xbf16, #tpu.memory_space<hbm>> -> memref<1x120x64xbf16, #tpu.memory_space<hbm>>
      %dma_wait3A_311 = tpu.memref_squeeze %dma_wait3A_310 : memref<1x120x64xbf16, #tpu.memory_space<hbm>> -> memref<120x64xbf16, #tpu.memory_space<hbm>>
      %dma_wait3A_312 = arith.constant 0 : i32
      %dma_wait3A_313 = tpu.memref_slice %arg5[%arg0, %add3A_289, %dma_wait3A_312] : memref<2x10112x64xbf16, #tpu.memory_space<hbm>> -> memref<1x120x64xbf16, #tpu.memory_space<hbm>>
      %dma_wait3A_314 = tpu.memref_squeeze %dma_wait3A_313 : memref<1x120x64xbf16, #tpu.memory_space<hbm>> -> memref<120x64xbf16, #tpu.memory_space<hbm>>
      %dma_wait3A_315 = arith.constant 0 : i32
      %dma_wait3A_316 = arith.constant 0 : i32
      %dma_wait3A_317 = tpu.memref_slice %arg8[%run_scoped3A_290, %dma_wait3A_315, %dma_wait3A_316] : memref<4x128x64xbf16, #tpu.memory_space<vmem>> -> memref<1x120x64xbf16, #tpu.memory_space<vmem>>
      %dma_wait3A_318 = tpu.memref_squeeze %dma_wait3A_317 : memref<1x120x64xbf16, #tpu.memory_space<vmem>> -> memref<120x64xbf16, #tpu.memory_space<vmem>>
      tpu.wait_dma2 semaphore(%run_scoped3A_291 : memref<!tpu.dma_semaphore, #tpu.memory_space<semaphore_mem>>) src(%dma_wait3A_318 : memref<120x64xbf16, #tpu.memory_space<vmem>>) dst(%dma_wait3A_314 : memref<120x64xbf16, #tpu.memory_space<hbm>>)
      tpu.yield
    }) : () -> ()
    return
  }
}

module attributes {stable_mosaic.version = 14 : i64} {
  func.func @_scale_body(%arg0: memref<10000x32xi32, #tpu.memory_space<vmem>>, %arg1: memref<10000x128xf32, #tpu.memory_space<vmem>>, %arg2: memref<2x10112x64xbf16, #tpu.memory_space<vmem>>) attributes {dimension_semantics = [], scalar_prefetch = 0 : i64, scratch_operands = 0 : i64, tpu.core_type = #tpu.core_type<tc>} {
    %get3A = arith.constant 0 : index
    %get3A_0 = arith.constant 0 : index
    %get3A_1 = vector.load %arg0[%get3A, %get3A_0] : memref<10000x32xi32, #tpu.memory_space<vmem>>, vector<10000x32xi32>
    %reduce_sum3A = arith.constant dense<0> : vector<10000xi32>
    %reduce_sum3A_2 = vector.multi_reduction <add>, %get3A_1, %reduce_sum3A [1] : vector<10000x32xi32> to vector<10000xi32>
    %broadcast_in_dim3A = vector.shape_cast %reduce_sum3A_2 : vector<10000xi32> to vector<10000x1xi32>
    %convert_element_type3A = arith.sitofp %broadcast_in_dim3A : vector<10000x1xi32> to vector<10000x1xf32>
    %add3A = arith.constant 1.000000e+00 : f32
    %add3A_3 = vector.broadcast %add3A : f32 to vector<10000x1xf32>
    %add3A_4 = arith.addf %convert_element_type3A, %add3A_3 : vector<10000x1xf32>
    %rsqrt3A = math.rsqrt %add3A_4 : vector<10000x1xf32>
    %get3A_5 = arith.constant 0 : index
    %get3A_6 = arith.constant 0 : index
    %get3A_7 = vector.load %arg1[%get3A_5, %get3A_6] : memref<10000x128xf32, #tpu.memory_space<vmem>>, vector<10000x64xf32>
    %mul3A = vector.broadcast %rsqrt3A : vector<10000x1xf32> to vector<10000x64xf32>
    %mul3A_8 = arith.mulf %get3A_7, %mul3A : vector<10000x64xf32>
    %convert_element_type3A_9 = arith.truncf %mul3A_8 : vector<10000x64xf32> to vector<10000x64xbf16>
    %swap3A = arith.constant 0 : index
    %swap3A_10 = arith.constant 0 : index
    %swap3A_11 = arith.constant 0 : index
    %swap3A_12 = vector.load %arg2[%swap3A, %swap3A_10, %swap3A_11] : memref<2x10112x64xbf16, #tpu.memory_space<vmem>>, vector<1x10000x64xbf16>
    %swap3A_13 = vector.shape_cast %swap3A_12 : vector<1x10000x64xbf16> to vector<10000x64xbf16>
    %swap3A_14 = vector.shape_cast %convert_element_type3A_9 : vector<10000x64xbf16> to vector<1x10000x64xbf16>
    tpu.vector_store %arg2[%swap3A, %swap3A_10, %swap3A_11], %swap3A_14 {strides = array<i32>} : memref<2x10112x64xbf16, #tpu.memory_space<vmem>>, vector<1x10000x64xbf16>,
    %get3A_15 = arith.constant 0 : index
    %get3A_16 = arith.constant 64 : index
    %get3A_17 = vector.load %arg1[%get3A_15, %get3A_16] : memref<10000x128xf32, #tpu.memory_space<vmem>>, vector<10000x64xf32>
    %mul3A_18 = vector.broadcast %rsqrt3A : vector<10000x1xf32> to vector<10000x64xf32>
    %mul3A_19 = arith.mulf %get3A_17, %mul3A_18 : vector<10000x64xf32>
    %convert_element_type3A_20 = arith.truncf %mul3A_19 : vector<10000x64xf32> to vector<10000x64xbf16>
    %swap3A_21 = arith.constant 1 : index
    %swap3A_22 = arith.constant 0 : index
    %swap3A_23 = arith.constant 0 : index
    %swap3A_24 = vector.load %arg2[%swap3A_21, %swap3A_22, %swap3A_23] : memref<2x10112x64xbf16, #tpu.memory_space<vmem>>, vector<1x10000x64xbf16>
    %swap3A_25 = vector.shape_cast %swap3A_24 : vector<1x10000x64xbf16> to vector<10000x64xbf16>
    %swap3A_26 = vector.shape_cast %convert_element_type3A_20 : vector<10000x64xbf16> to vector<1x10000x64xbf16>
    tpu.vector_store %arg2[%swap3A_21, %swap3A_22, %swap3A_23], %swap3A_26 {strides = array<i32>} : memref<2x10112x64xbf16, #tpu.memory_space<vmem>>, vector<1x10000x64xbf16>,
    return
  }
}

module attributes {stable_mosaic.version = 14 : i64} {
  func.func @_final_body(%arg0: memref<2x10112x64xbf16, #tpu.memory_space<vmem>>, %arg1: memref<10000x32xi32, #tpu.memory_space<vmem>>, %arg2: memref<128x128xf32, #tpu.memory_space<vmem>>, %arg3: memref<1x128xf32, #tpu.memory_space<vmem>>, %arg4: memref<128x128xf32, #tpu.memory_space<vmem>>, %arg5: memref<1x128xf32, #tpu.memory_space<vmem>>, %arg6: memref<10000x128xf32, #tpu.memory_space<vmem>>) attributes {dimension_semantics = [], scalar_prefetch = 0 : i64, scratch_operands = 0 : i64, tpu.core_type = #tpu.core_type<tc>} {
    %get3A = arith.constant 0 : index
    %get3A_0 = arith.constant 0 : index
    %get3A_1 = vector.load %arg1[%get3A, %get3A_0] : memref<10000x32xi32, #tpu.memory_space<vmem>>, vector<10000x32xi32>
    %reduce_sum3A = arith.constant dense<0> : vector<10000xi32>
    %reduce_sum3A_2 = vector.multi_reduction <add>, %get3A_1, %reduce_sum3A [1] : vector<10000x32xi32> to vector<10000xi32>
    %broadcast_in_dim3A = vector.shape_cast %reduce_sum3A_2 : vector<10000xi32> to vector<10000x1xi32>
    %convert_element_type3A = arith.sitofp %broadcast_in_dim3A : vector<10000x1xi32> to vector<10000x1xf32>
    %add3A = arith.constant 1.000000e+00 : f32
    %add3A_3 = vector.broadcast %add3A : f32 to vector<10000x1xf32>
    %add3A_4 = arith.addf %convert_element_type3A, %add3A_3 : vector<10000x1xf32>
    %rsqrt3A = math.rsqrt %add3A_4 : vector<10000x1xf32>
    %get3A_5 = arith.constant 0 : index
    %get3A_6 = arith.constant 0 : index
    %get3A_7 = arith.constant 0 : index
    %get3A_8 = vector.load %arg0[%get3A_5, %get3A_6, %get3A_7] : memref<2x10112x64xbf16, #tpu.memory_space<vmem>>, vector<1x10112x64xbf16>
    %get3A_9 = vector.shape_cast %get3A_8 : vector<1x10112x64xbf16> to vector<10112x64xbf16>
    %slice3A = vector.extract_strided_slice %get3A_9 {offsets = [0, 0], sizes = [10000, 64], strides = [1, 1]} : vector<10112x64xbf16> to vector<10000x64xbf16>
    %convert_element_type3A_10 = arith.extf %slice3A : vector<10000x64xbf16> to vector<10000x64xf32>
    %get3A_11 = arith.constant 1 : index
    %get3A_12 = arith.constant 0 : index
    %get3A_13 = arith.constant 0 : index
    %get3A_14 = vector.load %arg0[%get3A_11, %get3A_12, %get3A_13] : memref<2x10112x64xbf16, #tpu.memory_space<vmem>>, vector<1x10112x64xbf16>
    %get3A_15 = vector.shape_cast %get3A_14 : vector<1x10112x64xbf16> to vector<10112x64xbf16>
    %slice3A_16 = vector.extract_strided_slice %get3A_15 {offsets = [0, 0], sizes = [10000, 64], strides = [1, 1]} : vector<10112x64xbf16> to vector<10000x64xbf16>
    %convert_element_type3A_17 = arith.extf %slice3A_16 : vector<10000x64xbf16> to vector<10000x64xf32>
    %concatenate3A = tpu.concatenate %convert_element_type3A_10, %convert_element_type3A_17 in 1 : vector<10000x64xf32>, vector<10000x64xf32> -> vector<10000x128xf32>
    %mul3A = vector.broadcast %rsqrt3A : vector<10000x1xf32> to vector<10000x128xf32>
    %mul3A_18 = arith.mulf %concatenate3A, %mul3A : vector<10000x128xf32>
    %get3A_19 = arith.constant 0 : index
    %get3A_20 = arith.constant 0 : index
    %get3A_21 = vector.load %arg2[%get3A_19, %get3A_20] : memref<128x128xf32, #tpu.memory_space<vmem>>, vector<128x128xf32>
    %dot_general3A = arith.constant dense<0.000000e+00> : vector<10000x128xf32>
    %dot_general3A_22 = tpu.matmul %mul3A_18, %get3A_21, %dot_general3A {dimension_numbers = #tpu.dot_dimension_numbers<[1], [0], [0], [1], [0, 0, 1, 1], [], []>, transpose_lhs_hint = false} : vector<10000x128xf32>, vector<128x128xf32>, vector<10000x128xf32> -> vector<10000x128xf32>
    %get3A_23 = arith.constant 0 : index
    %get3A_24 = arith.constant 0 : index
    %get3A_25 = vector.load %arg3[%get3A_23, %get3A_24] : memref<1x128xf32, #tpu.memory_space<vmem>>, vector<1x128xf32>
    %add3A_26 = vector.broadcast %get3A_25 : vector<1x128xf32> to vector<10000x128xf32>
    %add3A_27 = arith.addf %dot_general3A_22, %add3A_26 : vector<10000x128xf32>
    %get3A_28 = arith.constant 0 : index
    %get3A_29 = arith.constant 0 : index
    %get3A_30 = vector.load %arg4[%get3A_28, %get3A_29] : memref<128x128xf32, #tpu.memory_space<vmem>>, vector<128x128xf32>
    %dot_general3A_31 = arith.constant dense<0.000000e+00> : vector<10000x128xf32>
    %dot_general3A_32 = tpu.matmul %add3A_27, %get3A_30, %dot_general3A_31 {dimension_numbers = #tpu.dot_dimension_numbers<[1], [0], [0], [1], [0, 0, 1, 1], [], []>, transpose_lhs_hint = false} : vector<10000x128xf32>, vector<128x128xf32>, vector<10000x128xf32> -> vector<10000x128xf32>
    %get3A_33 = arith.constant 0 : index
    %get3A_34 = arith.constant 0 : index
    %get3A_35 = vector.load %arg5[%get3A_33, %get3A_34] : memref<1x128xf32, #tpu.memory_space<vmem>>, vector<1x128xf32>
    %add3A_36 = vector.broadcast %get3A_35 : vector<1x128xf32> to vector<10000x128xf32>
    %add3A_37 = arith.addf %dot_general3A_32, %add3A_36 : vector<10000x128xf32>
    %swap3A = arith.constant 0 : index
    %swap3A_38 = arith.constant 0 : index
    %swap3A_39 = vector.load %arg6[%swap3A, %swap3A_38] : memref<10000x128xf32, #tpu.memory_space<vmem>>, vector<10000x128xf32>
    tpu.vector_store %arg6[%swap3A, %swap3A_38], %add3A_37 {strides = array<i32>} : memref<10000x128xf32, #tpu.memory_space<vmem>>, vector<10000x128xf32>,
    return
  }
}

</mosaic_0001>

<sc_bundles>
// kernel: kernel.6.cloned.1.call-start
scs
__scs_entry_jumppad:
0x0: {  	(pc) =	sbr.rel $0x88, $3  }
0x1: {  	(tag) =	ssettag $0x0;
	lr =	simm.s32 $0x1  }
0x2: {  	[smem:$0x3F9B] =	sst lr;
	_ =	strace $0xD0000000  }
0x3: {  	_ = 	snop  }
0x4: {  	_ = 	snop  }
0x5: {  	_ = 	snop  }
0x6: {  	_ = 	snop  }
0x7: {  	_ = 	snop  }
__scs_overlays_trampoline_lowered:
0x8: {  	[smem:$0x3FAA] =	sst s0  }
0x9: {  	[smem:$0x3FAB] =	sst s1  }
0xa: {  	[smem:$0x3FAC] =	sst s2  }
0xb: {  	[smem:$0x3FAD] =	sst s3  }
0xc: {  	[smem:$0x3FAE] =	sst s4  }
0xd: {  	[smem:$0x3FAF] =	sst s5  }
0xe: {  	[smem:$0x3FB0] =	sst s6  }
0xf: {  	[smem:$0x3FB1] =	sst s7  }
0x10: {  	[smem:$0x3FB2] =	sst s8  }
0x11: {  	[smem:$0x3FB3] =	sst s9;
	s0 =	simm.s32 @!p0 $0x0  }
0x12: {  	s1 =	sld [smem:$0x3F99];
	s0 =	simm.s32 @p0 $0x1  }
0x13: {  	[smem:$0x3FB4] =	sst s0;
	s0 =	simm.s32 @!p1 $0x0  }
0x14: {  	s2 =	sld [smem:$0x3F98];
	s0 =	simm.s32 @p1 $0x1  }
0x15: {  	[smem:$0x3FB5] =	sst s0;
	s0 =	simm.s32 @!p2 $0x0  }
0x16: {  	s3 =	sld [smem:$0x3FDB];
	s0 =	simm.s32 @p2 $0x1  }
0x17: {  	s4 =	simm.s32 $0x1BF5;
	[smem:$0x3FB7] =	sst s0  }
0x18: {  	s0 =	sld [smem:$0x3F9A];
	_ =	swait.ge [sflag:s4], $0x0  }
0x19: {  	s7 =	sld [smem:$0x3F9B]  }
0x1a: {  	s8 =	sadd.s32 $0xFFFFE003, lr  }
0x1b: {  	s9 =	sadd.s32 $0xFFFFFEF7, lr;
	s5 =	simm.s32 $0xFFFFFFFF;
	p2 =	slt.u32 s8, $0xFFFFF086  }
0x1c: {  	p1 =	slt.u32 s9, $0xF7A;
	s5 =	simm.s32 @!p2 $0x0  }
0x1d: {  	s5 =	simm.s32 @p1 $0x1;
	p0 =	seq.s32 s7, s2  }
0x1e: {  	s7 =	smul.u32 @!p0 $0xF7A, s2;
	p2 =	seq.s32 @!p0 s5, $0x0  }
0x1f: {  	s9 =	smul.u32 $0xF7A, s1;
	s8 =	simm.s32 @!p0 $0x1BF5;
	p2 =	por !p2, p0  }
0x20: {  	[sflag:s8] =	ssyncset.s32 @!p0 $0xFFFFF086;
	s6 =	sadd.s32 @!p0 s3, s7;
	s7 =	simm.s32 @!p0 $0x108  }
0x21: {  	s3 =	sadd.s32 s3, s9;
	s6 =	sadd.s32 @!p0 $0x88, s6;
	s7 =	simm.s32 @p2 $0x1082  }
0x22: {  	[simem:s7], [sflag:s8] =	dma.local @!p0 [hbm:s6], $0xF7A  }
0x23: {  	s9 =	sor.u32 $0xD0000000, s2;
	s6 =	simm.s32 $0x108;
	_ =	swait.ge @!p0 [sflag:s8], $0x0  }
0x24: {  	s3 =	sadd.s32 $0x88, s3;
	s6 =	simm.s32 @!p1 $0x1082;
	[sflag:s4] =	ssyncset.s32 $0xFFFFF086  }
0x25: {  	[simem:s6], [sflag:s4] =	dma.local [hbm:s3], $0xF7A  }
0x26: {  	[smem:$0x3F9B] =	sst s1;
	(tag) =	ssettag s2;
	_ =	strace s9  }
0x27: {  	s1 =	sld [smem:$0x3FAB]  }
0x28: {  	s2 =	sld [smem:$0x3FAC]  }
0x29: {  	s4 =	sld [smem:$0x3FAE]  }
0x2a: {  	p0 =	seq.s32 s5, $0x0;
	s5 =	sld [smem:$0x3FAF]  }
0x2b: {  	s6 =	sld [smem:$0x3FB0]  }
0x2c: {  	s7 =	sld [smem:$0x3FB1]  }
0x2d: {  	s3 =	simm.s32 $0x108;
	s8 =	sld [smem:$0x3FB2]  }
0x2e: {  	s3 =	simm.s32 @!p0 $0x1082;
	s9 =	sld [smem:$0x3FB3]  }
0x2f: {  	lr =	sadd.s32 s0, s3;
	s0 =	sld [smem:$0x3FAA]  }
0x30: {  	s3 =	sld [smem:$0x3FAD]  }
0x31: {  	[smem:$0x3FB6] =	sst s10  }
0x32: {  	s10 =	sld [smem:$0x3FB4];
	_ =	sdelay $0x3  }
0x33: {  	p0 =	seq.s32 s10, $0x1;
	s10 =	sld [smem:$0x3FB6];
	_ =	sdelay $0x3  }
0x34: {  	[smem:$0x3FB6] =	sst s10  }
0x35: {  	s10 =	sld [smem:$0x3FB5];
	_ =	sdelay $0x3  }
0x36: {  	p1 =	seq.s32 s10, $0x1;
	s10 =	sld [smem:$0x3FB6];
	_ =	sdelay $0x3  }
0x37: {  	[smem:$0x3FB6] =	sst s10  }
0x38: {  	s10 =	sld [smem:$0x3FB7]  }
0x39: {  	_ = 	snop;
	(pc) =	sbr.ind lr, $3  }
0x3a: {  	_ = 	snop  }
0x3b: {  	_ = 	snop  }
0x3c: {  	p2 =	seq.s32 s10, $0x1;
	s10 =	sld [smem:$0x3FB6]  }
0x3d: {  	_ =	shalt  }
0x3e: {  	_ =	shalt  }
0x3f: {  	_ =	shalt  }
0x40: {  	_ =	shalt  }
0x41: {  	_ =	shalt  }
0x42: {  	_ =	shalt  }
0x43: {  	_ =	shalt  }
0x44: {  	_ =	shalt  }
0x45: {  	_ =	shalt  }
0x46: {  	_ =	shalt  }
0x47: {  	_ =	shalt  }
0x48: {  	_ =	shalt  }
0x49: {  	_ =	shalt  }
0x4a: {  	_ =	shalt  }
0x4b: {  	_ =	shalt  }
0x4c: {  	_ =	shalt  }
0x4d: {  	_ =	shalt  }
0x4e: {  	_ =	shalt  }
0x4f: {  	_ =	shalt  }
0x50: {  	_ =	shalt  }
0x51: {  	_ =	shalt  }
0x52: {  	_ =	shalt  }
0x53: {  	_ =	shalt  }
0x54: {  	_ =	shalt  }
0x55: {  	_ =	shalt  }
0x56: {  	_ =	shalt  }
0x57: {  	_ =	shalt  }
0x58: {  	_ =	shalt  }
0x59: {  	_ =	shalt  }
0x5a: {  	_ =	shalt  }
0x5b: {  	_ =	shalt  }
0x5c: {  	_ =	shalt  }
0x5d: {  	_ =	shalt  }
0x5e: {  	_ =	shalt  }
0x5f: {  	_ =	shalt  }
0x60: {  	_ =	shalt  }
0x61: {  	_ =	shalt  }
0x62: {  	_ =	shalt  }
0x63: {  	_ =	shalt  }
0x64: {  	_ =	shalt  }
0x65: {  	_ =	shalt  }
0x66: {  	_ =	shalt  }
0x67: {  	_ =	shalt  }
0x68: {  	_ =	shalt  }
0x69: {  	_ =	shalt  }
0x6a: {  	_ =	shalt  }
0x6b: {  	_ =	shalt  }
0x6c: {  	_ =	shalt  }
0x6d: {  	_ =	shalt  }
0x6e: {  	_ =	shalt  }
0x6f: {  	_ =	shalt  }
0x70: {  	_ =	shalt  }
0x71: {  	_ =	shalt  }
0x72: {  	_ =	shalt  }
0x73: {  	_ =	shalt  }
0x74: {  	_ =	shalt  }
0x75: {  	_ =	shalt  }
0x76: {  	_ =	shalt  }
0x77: {  	_ =	shalt  }
0x78: {  	_ =	shalt  }
0x79: {  	_ =	shalt  }
0x7a: {  	_ =	shalt  }
0x7b: {  	_ =	shalt  }
0x7c: {  	_ =	shalt  }
0x7d: {  	_ =	shalt  }
0x7e: {  	_ =	shalt  }
0x7f: {  	_ =	shalt  }
0x80: {  	_ =	shalt  }
0x81: {  	_ =	shalt  }
0x82: {  	_ =	shalt  }
0x83: {  	_ =	shalt  }
0x84: {  	_ =	shalt  }
0x85: {  	_ =	shalt  }
0x86: {  	_ =	shalt  }
0x87: {  	_ =	shalt  }
.Lfunc_end0:
.L_simem_size_0:
called_computation_lowered:
.L_overlay_start_0:
0x88: {  	s2 =	sld [smem:$0x3FD9]  }
0x89: {  	s3 =	sld [smem:$0x3FFE];
	_ =	sdelay $0x1  }
0x8a: {  	s1 =	srdreg.scid  }
0x8b: {  	s0 =	sand.u32 $0x1, s1  }
0x8c: {  	s17 =	sshll.u32 s0, $0xA;
	s2 =	sadd.s32 s3, s2  }
0x8d: {  	s2 =	sadd.s32 s2, s17  }
0x8e: {  	[smem:$0x3FC2] =	sst s2  }
0x8f: {  	_ = 	snop  }
0x90: {  	s2 =	sld [smem:$0x3FD0];
	(tm) =	ssettm $0x1  }
0x91: {  	s18 =	sld [smem:$0x3FFB];
	_ =	sdelay $0x3  }
0x92: {  	_ =	strace s18  }
0x93: {  	s3 =	sld [smem:$0x3FFC];
	_ =	sdelay $0x3  }
0x94: {  	_ =	strace s3  }
0x95: {  	s3 =	sld [smem:$0x3FFD];
	_ =	sdelay $0x3  }
0x96: {  	_ =	strace s3  }
0x97: {  	_ =	strace $0x8FFFFFFF  }
0x98: {  	s19 =	sld [smem:$0x3FDB];
	_ =	sdelay $0x1  }
0x99: {  	s4 =	simm.s32 $_scs_section_size  }
0x9a: {  	s5 =	simm.s32 $_size__tile_overlayer_lowered;
	s6 =	simm.s32 $_tile_overlayer_lowered  }
0x9b: {  	s22 =	simm.s32 $0x1BFF;
	s21 =	sshll.u32 s6, $0x1;
	s3 =	sadd.s32 s4, s19  }
0x9c: {  	s7 =	simm.s32 $0x0;
	s20 =	sshll.u32 s5, $0x1;
	s5 =	sadd.s32 s21, s3  }
0x9d: {  	[timem:s7], [sflag:s22] =	dma.local [hbm:s5], s20  }
0x9e: {  	_ =	swait.ge [sflag:s22], s20  }
0x9f: {  	s4 =	ssub.s32 $0x0, s20;
	[sflag:s22] =	ssyncset.done $0x0  }
0xa0: {  	[sflag:s22] =	ssyncadd.s32 s4;
	_ =	sdelay $0x1  }
0xa1: {  	s23 =	simm.s32 $0x1B8B  }
0xa2: {  	_ =	swait.ge [sflag:s23], $0x1  }
0xa3: {  	[sflag:s23] =	ssyncset.done $0x0  }
0xa4: {  	s25 =	simm.s32 $0x1B8E;
	s24 =	sld [smem:$0x3FFE];
	[sflag:s23] =	ssyncadd.s32 $0xFFFFFFFF  }
0xa5: {  	s26 =	simm.s32 $execute0_lowered;
	[smem:$0x3FD2] =	sst s25  }
0xa6: {  	s5 =	sshll.u32 s26, $0x1;
	_ =	strace $0x80000046;
	[dreg:$0x1] =	wrdreg $0xFFFFFFFF  }
0xa7: {  	s28 =	simm.s32 $_size_execute0_lowered;
	s3 =	sadd.s32 s3, s5;
	[dreg:$0x0] =	wrdreg $0x0  }
0xa8: {  	s5 =	sshll.u32 s28, $0x1;
	[dreg:$0x2] =	wrdreg s3  }
0xa9: {  	[dreg:$0x3] =	wrdreg s5  }
0xaa: {  	[dreg:$0x4] =	wrdreg $0xC0  }
0xab: {  	_ =	task [dreg:s7], $0x5FFFF  }
0xac: {  	[dreg:$0x1] =	wrdreg $0xFFFFFFFF  }
0xad: {  	[dreg:$0x0] =	wrdreg $0x60  }
0xae: {  	[dreg:$0x2] =	wrdreg s24  }
0xaf: {  	[dreg:$0x3] =	wrdreg s2  }
0xb0: {  	[dreg:$0x4] =	wrdreg $0x9  }
0xb1: {  	_ =	task.clear_ibuf [dreg:s7], $0x5FFFF;
	_ =	strace $0x90000046  }
0xb2: {  	s29 =	simm.s32 $0x9;
	_ =	strace $0x80000048  }
0xb3: {  	_ =	swait.ge [sflag:s29], $0x1  }
0xb4: {  	[sflag:s29] =	ssyncadd.s32 $0xFFFFFFFF  }
0xb5: {  	_ =	strace $0x90000048  }
0xb6: {  	_ =	sfence  }
0xb7: {  	s30 =	sld [smem:$0x0];
	_ =	sdelay $0x2  }
0xb8: {  	s31 =	sshll.u32 s1, $0xD;
	s1 =	sshrl.u32 s1, $0x2  }
0xb9: {  	s3 =	sand.u32 $0x4000, s31;
	s1 =	sadd.s32 s1, s30  }
0xba: {  	s0 =	sor.u32 s3, s0;
	s1 =	sshll.u32 s1, $0x11  }
0xbb: {  	s0 =	sor.u32 s1, s0  }
0xbc: {  	s0 =	sadd.s32 $0x8F2B, s0  }
0xbd: {  	[sflag:s0] =	ssyncadd.remote.s32 $0x1  }
0xbe: {  	_ =	sfence.sel $0xFFFF  }
0xbf: {  	[dreg:$0x0] =	wrdreg $0xFFFFFFFF;
	(pc) =	sbr.abs _section_cstart, $3  }
0xc0: {  	[dreg:$0x1] =	wrdreg $0xFFFFFFFF  }
0xc1: {  	_ =	task.clear_ibuf [dreg:s7], $0x2FFFF;
	_ =	strace $0x9FFFFFFF  }
0xc2: {  	(tm) =	ssettm $0x7FFFFFFF  }
0xc3: {  	_ =	shalt  }
tec
execute0_lowered:
.L_overlay_start_1:
0x0: {  	(tag) =	ssettag $0x1  }
0x1: {  	s3 =	rddreg [dreg:$0x0]  }
0x2: {  	s5 =	rddreg [dreg:$0x1]  }
0x3: {  	s0 =	rddreg [dreg:$0x2];
	s2 =	simm.s32 $0x0  }
0x4: {  	s4 =	srdreg.scid;
	s1 =	stileid.u32;
	s11 =	simm.s32 $0x0  }
0x5: {  	[smem:$0x7FF] =	sst s2;
	s4 =	sand.u32 $0x1, s4;
	s6 =	smul.u32 $0x5000, s1  }
0x6: {  	s8 =	sshrl.u32 s1, $0x2;
	s9 =	sshll.u32 s1, $0x8;
	_ =	strace $0x80000047  }
0x7: {  	s7 =	smul.u32 $0x2800, s4;
	s10 =	sshll.u32 s4, $0x7;
	s9 =	sand.u32 $0x300, s9  }
0x8: {  	s8 =	smul.u32 $0x14000, s8;
	s4 =	ssub.s32 $0x2, s4;
	s29 =	sor.u32 s10, s9  }
0x9: {  	s30 =	sshrl.u32 s4, $0x1;
	s9 =	simm.s32 $0x80;
	s10 =	simm.s32 $0x400  }
0xa: {  	s6 =	sadd.s32 s7, s6;
	s7 =	sor.u32 s8, s29;
	s31 =	ssub.s32 s4, s30  }
0xb: {  	s8 =	simm.s32 $0x1400;
	s6 =	sshrl.u32 s6, $0x3;
	s7 =	sshrl.u32 s7, $0x3  }
0xc: {  	s6 =	sadd.s32 s6, s3;
	s5 =	sadd.s32 s5, s7;
	s7 =	simm.s32 $0x1  }
0xd: {  	v0 =	vimm.s32 $0x0;
	v1 =	vimm.s32 $0x1;
	s3 =	sadd.s32 $0x1000, s6;
	s4 =	sadd.s32 $0x1280, s6;
	s6 =	smax.u32 s31, $0x1  }
.LBB2_1:
0xe: {  	s12 =	simm.s32 $0x1440  }
0xf: {  	[tilespmem:s12+$0xFFFFFFC0] =	vst v0  }
0x10: {  	[tilespmem:s12+$0x30] =	vst v0  }
0x11: {  	[tilespmem:s12+$0x20] =	vst v0  }
0x12: {  	[tilespmem:s12+$0x10] =	vst v0  }
0x13: {  	[tilespmem:s12+$0x0] =	vst v0  }
0x14: {  	[tilespmem:s12+$0xFFFFFFF0] =	vst v0  }
0x15: {  	s13 =	simm.s32 $0x0;
	[tilespmem:s12+$0xFFFFFFE0] =	vst v0  }
.LBB2_2:
0x16: {  	s13 =	sadd.s32 $0x8, s13;
	[tilespmem:s12+$0xFFFFFFD0] =	vst v0;
	s12 =	sadd.s32 $0x80, s12  }
0x17: {  	[tilespmem:s12+$0xFFFFFFC0] =	vst v0;
	p0 =	slt.u32 s13, $0x278  }
0x18: {  	[tilespmem:s12+$0x30] =	vst v0  }
.Ltmp0:
0x19: {  	[tilespmem:s12+$0x20] =	vst v0;
	(pc) =	sbr.rel @p0 .LBB2_2-.Ltmp0, $4  }
0x1a: {  	[tilespmem:s12+$0x10] =	vst v0  }
0x1b: {  	[tilespmem:s12+$0x0] =	vst v0  }
0x1c: {  	[tilespmem:s12+$0xFFFFFFF0] =	vst v0  }
0x1d: {  	[tilespmem:s12+$0xFFFFFFE0] =	vst v0  }
0x1e: {  	[tilespmem:s12+$0xFFFFFFD0] =	vst v0  }
0x1f: {  	[tilespmem:s2], [sflag:$0x1] =	stream.linear.gather [hbm4b:s3+s2], $0x1400, $0x38;
	[tilespmem:$0x3C00] =	vst v63  }
0x20: {  	_ =	swait.ge [sflag:s7], $0x1400  }
0x21: {  	[sflag:s7] =	ssyncset.done $0x0  }
0x22: {  	s12 =	simm.s32 $0xFFFFFFF8;
	s13 =	simm.s32 $0x40;
	[sflag:s7] =	ssyncadd.s32 $0xFFFFEC00  }
.LBB2_4:
0x23: {  	v2 =	vld [tilespmem:s13+$0xFFFFFFC0];
	_ =	sdelay $0x7  }
0x24: {  	[tilespmem:v2+s8+$0x0] =	vst.idx.add.s32.msk $0xffff, v1  }
0x25: {  	v2 =	vld [tilespmem:s13+$0xFFFFFFD0];
	_ =	sdelay $0x7  }
0x26: {  	[tilespmem:v2+s8+$0x0] =	vst.idx.add.s32.msk $0xffff, v1  }
0x27: {  	v2 =	vld [tilespmem:s13+$0xFFFFFFE0];
	_ =	sdelay $0x7  }
0x28: {  	[tilespmem:v2+s8+$0x0] =	vst.idx.add.s32.msk $0xffff, v1  }
0x29: {  	v2 =	vld [tilespmem:s13+$0xFFFFFFF0];
	_ =	sdelay $0x7  }
0x2a: {  	[tilespmem:v2+s8+$0x0] =	vst.idx.add.s32.msk $0xffff, v1  }
0x2b: {  	v2 =	vld [tilespmem:s13+$0x0];
	_ =	sdelay $0x7  }
0x2c: {  	[tilespmem:v2+s8+$0x0] =	vst.idx.add.s32.msk $0xffff, v1  }
0x2d: {  	v2 =	vld [tilespmem:s13+$0x10];
	_ =	sdelay $0x7  }
0x2e: {  	[tilespmem:v2+s8+$0x0] =	vst.idx.add.s32.msk $0xffff, v1  }
0x2f: {  	v2 =	vld [tilespmem:s13+$0x20];
	_ =	sdelay $0x7  }
0x30: {  	[tilespmem:v2+s8+$0x0] =	vst.idx.add.s32.msk $0xffff, v1  }
0x31: {  	v2 =	vld [tilespmem:s13+$0x30];
	_ =	sdelay $0x1  }
0x32: {  	s12 =	sadd.s32 $0x8, s12  }
0x33: {  	p0 =	slt.u32 s12, $0x138  }
.Ltmp1:
0x34: {  	_ = 	snop;
	(pc) =	sbr.rel @p0 .LBB2_4-.Ltmp1, $2  }
0x35: {  	_ =	sdelay $0x2  }
0x36: {  	s13 =	sadd.s32 $0x80, s13;
	[tilespmem:v2+s8+$0x0] =	vst.idx.add.s32.msk $0xffff, v1  }
0x37: {  	[tilespmem:s2], [sflag:$0x1] =	stream.linear.gather [hbm4b:s4+s2], $0x1400, $0x38;
	[tilespmem:$0x3C00] =	vst v63  }
0x38: {  	_ =	swait.ge [sflag:s7], $0x1400  }
0x39: {  	[sflag:s7] =	ssyncset.done $0x0  }
0x3a: {  	s12 =	simm.s32 $0xFFFFFFF8;
	s13 =	simm.s32 $0x40;
	[sflag:s7] =	ssyncadd.s32 $0xFFFFEC00  }
.LBB2_6:
0x3b: {  	v2 =	vld [tilespmem:s13+$0xFFFFFFC0];
	_ =	sdelay $0x7  }
0x3c: {  	[tilespmem:v2+s8+$0x0] =	vst.idx.add.s32.msk $0xffff, v1  }
0x3d: {  	v2 =	vld [tilespmem:s13+$0xFFFFFFD0];
	_ =	sdelay $0x7  }
0x3e: {  	[tilespmem:v2+s8+$0x0] =	vst.idx.add.s32.msk $0xffff, v1  }
0x3f: {  	v2 =	vld [tilespmem:s13+$0xFFFFFFE0];
	_ =	sdelay $0x7  }
0x40: {  	[tilespmem:v2+s8+$0x0] =	vst.idx.add.s32.msk $0xffff, v1  }
0x41: {  	v2 =	vld [tilespmem:s13+$0xFFFFFFF0];
	_ =	sdelay $0x7  }
0x42: {  	[tilespmem:v2+s8+$0x0] =	vst.idx.add.s32.msk $0xffff, v1  }
0x43: {  	v2 =	vld [tilespmem:s13+$0x0];
	_ =	sdelay $0x7  }
0x44: {  	[tilespmem:v2+s8+$0x0] =	vst.idx.add.s32.msk $0xffff, v1  }
0x45: {  	v2 =	vld [tilespmem:s13+$0x10];
	_ =	sdelay $0x7  }
0x46: {  	[tilespmem:v2+s8+$0x0] =	vst.idx.add.s32.msk $0xffff, v1  }
0x47: {  	v2 =	vld [tilespmem:s13+$0x20];
	_ =	sdelay $0x7  }
0x48: {  	[tilespmem:v2+s8+$0x0] =	vst.idx.add.s32.msk $0xffff, v1  }
0x49: {  	v2 =	vld [tilespmem:s13+$0x30];
	_ =	sdelay $0x1  }
0x4a: {  	s12 =	sadd.s32 $0x8, s12  }
0x4b: {  	p0 =	slt.u32 s12, $0x138  }
.Ltmp2:
0x4c: {  	_ = 	snop;
	(pc) =	sbr.rel @p0 .LBB2_6-.Ltmp2, $2  }
0x4d: {  	_ =	sdelay $0x2  }
0x4e: {  	s13 =	sadd.s32 $0x80, s13;
	[tilespmem:v2+s8+$0x0] =	vst.idx.add.s32.msk $0xffff, v1  }
0x4f: {  	s11 =	sadd.s32 $0x1, s11  }
0x50: {  	p0 =	sne.s32 s11, s6  }
.Ltmp3:
0x51: {  	_ = 	snop;
	(pc) =	sbr.rel @p0 .LBB2_1-.Ltmp3, $4  }
0x52: {  	[hbm4b:s5+s9] =	stream.strided.scatter [tilespmem:s8], [sflag:$0x1], $0x2800, s10, s9, $0x38;
	[tilespmem:$0x3C00] =	vst v63  }
0x53: {  	_ =	swait.ge [sflag:s7], $0x2800  }
0x54: {  	[sflag:s7] =	ssyncset.done $0x0  }
0x55: {  	[sflag:s7] =	ssyncadd.s32 $0xFFFFD800  }
0x56: {  	_ =	sfence.sel $0x180000  }
0x57: {  	[bflag:$0x0] =	sbarrier.arrive $0xFFFF  }
0x58: {  	p0 =	sne.s32 s1, $0x0;
	_ =	strace $0x90000047  }
0x59: {  	s0 =	sadd.s32 @!p0 $0x100000, s0;
	[bflag:$0x2] =	sbarrier.arrive $0xFFFF  }
0x5a: {  	[sflag:s0] =	ssyncadd.tile.s32 @!p0 $0x1;
	_ =	shalt  }
.Lfunc_end2:
_tile_overlayer_lowered:
.L_overlay_start_2:
0x5b: {  	(tag) =	ssettag $0x2  }
0x5c: {  	s0 =	rddreg [dreg:$0x0];
	s2 =	stileid.u32  }
0x5d: {  	s1 =	rddreg [dreg:$0x1];
	p0 =	sne.s32 s2, $0x0  }
0x5e: {  	s3 =	rddreg [dreg:$0x2];
	[bflag:$0x3] =	sbarrier.arrive $0xFFFF;
	s2 =	simm.s32 @!p0 $0x1C01  }
0x5f: {  	[timem:s3], [sflag:s2] =	dma.local @!p0 [hbm:s0], s1  }
0x60: {  	s0 =	simm.s32 @!p0 $0x1  }
0x61: {  	_ =	swait.ge @!p0 [sflag:s0], s1  }
0x62: {  	s1 =	ssub.s32 @!p0 $0x0, s1;
	[sflag:s0] =	ssyncset.done @!p0 $0x0  }
0x63: {  	[sflag:s0] =	ssyncadd.s32 @!p0 s1  }
0x64: {  	[bflag:$0x3] =	sbarrier.arrive $0xFFFF  }
0x65: {  	_ =	shalt  }

// kernel: kernel.9.cloned.1.call-start
scs
__scs_entry_jumppad:
0x0: {  	(pc) =	sbr.rel $0x88, $3  }
0x1: {  	(tag) =	ssettag $0x0;
	lr =	simm.s32 $0x1  }
0x2: {  	[smem:$0x3F9B] =	sst lr;
	_ =	strace $0xD0000000  }
0x3: {  	_ = 	snop  }
0x4: {  	_ = 	snop  }
0x5: {  	_ = 	snop  }
0x6: {  	_ = 	snop  }
0x7: {  	_ = 	snop  }
__scs_overlays_trampoline_lowered:
0x8: {  	[smem:$0x3FAA] =	sst s0  }
0x9: {  	[smem:$0x3FAB] =	sst s1  }
0xa: {  	[smem:$0x3FAC] =	sst s2  }
0xb: {  	[smem:$0x3FAD] =	sst s3  }
0xc: {  	[smem:$0x3FAE] =	sst s4  }
0xd: {  	[smem:$0x3FAF] =	sst s5  }
0xe: {  	[smem:$0x3FB0] =	sst s6  }
0xf: {  	[smem:$0x3FB1] =	sst s7  }
0x10: {  	[smem:$0x3FB2] =	sst s8  }
0x11: {  	[smem:$0x3FB3] =	sst s9;
	s0 =	simm.s32 @!p0 $0x0  }
0x12: {  	s1 =	sld [smem:$0x3F99];
	s0 =	simm.s32 @p0 $0x1  }
0x13: {  	[smem:$0x3FB4] =	sst s0;
	s0 =	simm.s32 @!p1 $0x0  }
0x14: {  	s2 =	sld [smem:$0x3F98];
	s0 =	simm.s32 @p1 $0x1  }
0x15: {  	[smem:$0x3FB5] =	sst s0;
	s0 =	simm.s32 @!p2 $0x0  }
0x16: {  	s3 =	sld [smem:$0x3FDB];
	s0 =	simm.s32 @p2 $0x1  }
0x17: {  	s4 =	simm.s32 $0x1BF5;
	[smem:$0x3FB7] =	sst s0  }
0x18: {  	s0 =	sld [smem:$0x3F9A];
	_ =	swait.ge [sflag:s4], $0x0  }
0x19: {  	s7 =	sld [smem:$0x3F9B]  }
0x1a: {  	s8 =	sadd.s32 $0xFFFFE003, lr  }
0x1b: {  	s9 =	sadd.s32 $0xFFFFFEF7, lr;
	s5 =	simm.s32 $0xFFFFFFFF;
	p2 =	slt.u32 s8, $0xFFFFF086  }
0x1c: {  	p1 =	slt.u32 s9, $0xF7A;
	s5 =	simm.s32 @!p2 $0x0  }
0x1d: {  	s5 =	simm.s32 @p1 $0x1;
	p0 =	seq.s32 s7, s2  }
0x1e: {  	s7 =	smul.u32 @!p0 $0xF7A, s2;
	p2 =	seq.s32 @!p0 s5, $0x0  }
0x1f: {  	s9 =	smul.u32 $0xF7A, s1;
	s8 =	simm.s32 @!p0 $0x1BF5;
	p2 =	por !p2, p0  }
0x20: {  	[sflag:s8] =	ssyncset.s32 @!p0 $0xFFFFF086;
	s6 =	sadd.s32 @!p0 s3, s7;
	s7 =	simm.s32 @!p0 $0x108  }
0x21: {  	s3 =	sadd.s32 s3, s9;
	s6 =	sadd.s32 @!p0 $0x88, s6;
	s7 =	simm.s32 @p2 $0x1082  }
0x22: {  	[simem:s7], [sflag:s8] =	dma.local @!p0 [hbm:s6], $0xF7A  }
0x23: {  	s9 =	sor.u32 $0xD0000000, s2;
	s6 =	simm.s32 $0x108;
	_ =	swait.ge @!p0 [sflag:s8], $0x0  }
0x24: {  	s3 =	sadd.s32 $0x88, s3;
	s6 =	simm.s32 @!p1 $0x1082;
	[sflag:s4] =	ssyncset.s32 $0xFFFFF086  }
0x25: {  	[simem:s6], [sflag:s4] =	dma.local [hbm:s3], $0xF7A  }
0x26: {  	[smem:$0x3F9B] =	sst s1;
	(tag) =	ssettag s2;
	_ =	strace s9  }
0x27: {  	s1 =	sld [smem:$0x3FAB]  }
0x28: {  	s2 =	sld [smem:$0x3FAC]  }
0x29: {  	s4 =	sld [smem:$0x3FAE]  }
0x2a: {  	p0 =	seq.s32 s5, $0x0;
	s5 =	sld [smem:$0x3FAF]  }
0x2b: {  	s6 =	sld [smem:$0x3FB0]  }
0x2c: {  	s7 =	sld [smem:$0x3FB1]  }
0x2d: {  	s3 =	simm.s32 $0x108;
	s8 =	sld [smem:$0x3FB2]  }
0x2e: {  	s3 =	simm.s32 @!p0 $0x1082;
	s9 =	sld [smem:$0x3FB3]  }
0x2f: {  	lr =	sadd.s32 s0, s3;
	s0 =	sld [smem:$0x3FAA]  }
0x30: {  	s3 =	sld [smem:$0x3FAD]  }
0x31: {  	[smem:$0x3FB6] =	sst s10  }
0x32: {  	s10 =	sld [smem:$0x3FB4];
	_ =	sdelay $0x3  }
0x33: {  	p0 =	seq.s32 s10, $0x1;
	s10 =	sld [smem:$0x3FB6];
	_ =	sdelay $0x3  }
0x34: {  	[smem:$0x3FB6] =	sst s10  }
0x35: {  	s10 =	sld [smem:$0x3FB5];
	_ =	sdelay $0x3  }
0x36: {  	p1 =	seq.s32 s10, $0x1;
	s10 =	sld [smem:$0x3FB6];
	_ =	sdelay $0x3  }
0x37: {  	[smem:$0x3FB6] =	sst s10  }
0x38: {  	s10 =	sld [smem:$0x3FB7]  }
0x39: {  	_ = 	snop;
	(pc) =	sbr.ind lr, $3  }
0x3a: {  	_ = 	snop  }
0x3b: {  	_ = 	snop  }
0x3c: {  	p2 =	seq.s32 s10, $0x1;
	s10 =	sld [smem:$0x3FB6]  }
0x3d: {  	_ =	shalt  }
0x3e: {  	_ =	shalt  }
0x3f: {  	_ =	shalt  }
0x40: {  	_ =	shalt  }
0x41: {  	_ =	shalt  }
0x42: {  	_ =	shalt  }
0x43: {  	_ =	shalt  }
0x44: {  	_ =	shalt  }
0x45: {  	_ =	shalt  }
0x46: {  	_ =	shalt  }
0x47: {  	_ =	shalt  }
0x48: {  	_ =	shalt  }
0x49: {  	_ =	shalt  }
0x4a: {  	_ =	shalt  }
0x4b: {  	_ =	shalt  }
0x4c: {  	_ =	shalt  }
0x4d: {  	_ =	shalt  }
0x4e: {  	_ =	shalt  }
0x4f: {  	_ =	shalt  }
0x50: {  	_ =	shalt  }
0x51: {  	_ =	shalt  }
0x52: {  	_ =	shalt  }
0x53: {  	_ =	shalt  }
0x54: {  	_ =	shalt  }
0x55: {  	_ =	shalt  }
0x56: {  	_ =	shalt  }
0x57: {  	_ =	shalt  }
0x58: {  	_ =	shalt  }
0x59: {  	_ =	shalt  }
0x5a: {  	_ =	shalt  }
0x5b: {  	_ =	shalt  }
0x5c: {  	_ =	shalt  }
0x5d: {  	_ =	shalt  }
0x5e: {  	_ =	shalt  }
0x5f: {  	_ =	shalt  }
0x60: {  	_ =	shalt  }
0x61: {  	_ =	shalt  }
0x62: {  	_ =	shalt  }
0x63: {  	_ =	shalt  }
0x64: {  	_ =	shalt  }
0x65: {  	_ =	shalt  }
0x66: {  	_ =	shalt  }
0x67: {  	_ =	shalt  }
0x68: {  	_ =	shalt  }
0x69: {  	_ =	shalt  }
0x6a: {  	_ =	shalt  }
0x6b: {  	_ =	shalt  }
0x6c: {  	_ =	shalt  }
0x6d: {  	_ =	shalt  }
0x6e: {  	_ =	shalt  }
0x6f: {  	_ =	shalt  }
0x70: {  	_ =	shalt  }
0x71: {  	_ =	shalt  }
0x72: {  	_ =	shalt  }
0x73: {  	_ =	shalt  }
0x74: {  	_ =	shalt  }
0x75: {  	_ =	shalt  }
0x76: {  	_ =	shalt  }
0x77: {  	_ =	shalt  }
0x78: {  	_ =	shalt  }
0x79: {  	_ =	shalt  }
0x7a: {  	_ =	shalt  }
0x7b: {  	_ =	shalt  }
0x7c: {  	_ =	shalt  }
0x7d: {  	_ =	shalt  }
0x7e: {  	_ =	shalt  }
0x7f: {  	_ =	shalt  }
0x80: {  	_ =	shalt  }
0x81: {  	_ =	shalt  }
0x82: {  	_ =	shalt  }
0x83: {  	_ =	shalt  }
0x84: {  	_ =	shalt  }
0x85: {  	_ =	shalt  }
0x86: {  	_ =	shalt  }
0x87: {  	_ =	shalt  }
.Lfunc_end0:
.L_simem_size_0:
called_computation.1_lowered:
.L_overlay_start_0:
0x88: {  	s2 =	sld [smem:$0x3FD9]  }
0x89: {  	s3 =	sld [smem:$0x3FFE];
	_ =	sdelay $0x1  }
0x8a: {  	s1 =	srdreg.scid  }
0x8b: {  	s0 =	sand.u32 $0x1, s1  }
0x8c: {  	s17 =	sshll.u32 s0, $0xA;
	s2 =	sadd.s32 s3, s2  }
0x8d: {  	s2 =	sadd.s32 s2, s17  }
0x8e: {  	[smem:$0x3FC2] =	sst s2  }
0x8f: {  	_ = 	snop  }
0x90: {  	s2 =	sld [smem:$0x3FD0];
	(tm) =	ssettm $0x1  }
0x91: {  	s18 =	sld [smem:$0x3FFB];
	_ =	sdelay $0x3  }
0x92: {  	_ =	strace s18  }
0x93: {  	s3 =	sld [smem:$0x3FFC];
	_ =	sdelay $0x3  }
0x94: {  	_ =	strace s3  }
0x95: {  	s3 =	sld [smem:$0x3FFD];
	_ =	sdelay $0x3  }
0x96: {  	_ =	strace s3  }
0x97: {  	_ =	strace $0x8FFFFFFF  }
0x98: {  	s19 =	sld [smem:$0x3FDB];
	_ =	sdelay $0x1  }
0x99: {  	s4 =	simm.s32 $_scs_section_size  }
0x9a: {  	s5 =	simm.s32 $_size__tile_overlayer_lowered;
	s6 =	simm.s32 $_tile_overlayer_lowered  }
0x9b: {  	s22 =	simm.s32 $0x1BFF;
	s21 =	sshll.u32 s6, $0x1;
	s3 =	sadd.s32 s4, s19  }
0x9c: {  	s7 =	simm.s32 $0x0;
	s20 =	sshll.u32 s5, $0x1;
	s5 =	sadd.s32 s21, s3  }
0x9d: {  	[timem:s7], [sflag:s22] =	dma.local [hbm:s5], s20  }
0x9e: {  	_ =	swait.ge [sflag:s22], s20  }
0x9f: {  	s4 =	ssub.s32 $0x0, s20;
	[sflag:s22] =	ssyncset.done $0x0  }
0xa0: {  	[sflag:s22] =	ssyncadd.s32 s4;
	_ =	sdelay $0x1  }
0xa1: {  	s23 =	simm.s32 $0x1B8B  }
0xa2: {  	_ =	swait.ge [sflag:s23], $0x1  }
0xa3: {  	[sflag:s23] =	ssyncset.done $0x0  }
0xa4: {  	s25 =	simm.s32 $0x1B8E;
	s24 =	sld [smem:$0x3FFE];
	[sflag:s23] =	ssyncadd.s32 $0xFFFFFFFF  }
0xa5: {  	s26 =	simm.s32 $execute0_lowered;
	[smem:$0x3FD2] =	sst s25  }
0xa6: {  	s5 =	sshll.u32 s26, $0x1;
	_ =	strace $0x80000049;
	[dreg:$0x1] =	wrdreg $0xFFFFFFFF  }
0xa7: {  	s28 =	simm.s32 $_size_execute0_lowered;
	s3 =	sadd.s32 s3, s5;
	[dreg:$0x0] =	wrdreg $0x0  }
0xa8: {  	s5 =	sshll.u32 s28, $0x1;
	[dreg:$0x2] =	wrdreg s3  }
0xa9: {  	[dreg:$0x3] =	wrdreg s5  }
0xaa: {  	[dreg:$0x4] =	wrdreg $0xC0  }
0xab: {  	_ =	task [dreg:s7], $0x5FFFF  }
0xac: {  	[dreg:$0x1] =	wrdreg $0xFFFFFFFF  }
0xad: {  	[dreg:$0x0] =	wrdreg $0x60  }
0xae: {  	[dreg:$0x2] =	wrdreg s2  }
0xaf: {  	[dreg:$0x3] =	wrdreg s24  }
0xb0: {  	[dreg:$0x4] =	wrdreg $0x106000  }
0xb1: {  	[dreg:$0x5] =	wrdreg $0x68000  }
0xb2: {  	[dreg:$0x6] =	wrdreg $0xB7000  }
0xb3: {  	[dreg:$0x7] =	wrdreg $0x9  }
0xb4: {  	_ =	task.clear_ibuf [dreg:s7], $0x8FFFF;
	_ =	strace $0x90000049  }
0xb5: {  	s29 =	simm.s32 $0x9;
	_ =	strace $0x8000004B  }
0xb6: {  	_ =	swait.ge [sflag:s29], $0x1  }
0xb7: {  	[sflag:s29] =	ssyncadd.s32 $0xFFFFFFFF  }
0xb8: {  	_ =	strace $0x9000004B  }
0xb9: {  	_ =	sfence  }
0xba: {  	s30 =	sld [smem:$0x0];
	_ =	sdelay $0x2  }
0xbb: {  	s31 =	sshll.u32 s1, $0xD;
	s1 =	sshrl.u32 s1, $0x2  }
0xbc: {  	s3 =	sand.u32 $0x4000, s31;
	s1 =	sadd.s32 s1, s30  }
0xbd: {  	s0 =	sor.u32 s3, s0;
	s1 =	sshll.u32 s1, $0x11  }
0xbe: {  	s0 =	sor.u32 s1, s0  }
0xbf: {  	s0 =	sadd.s32 $0x8F2B, s0  }
0xc0: {  	[sflag:s0] =	ssyncadd.remote.s32 $0x1  }
0xc1: {  	_ =	sfence.sel $0xFFFF  }
0xc2: {  	[dreg:$0x0] =	wrdreg $0xFFFFFFFF;
	(pc) =	sbr.abs _section_cstart, $3  }
0xc3: {  	[dreg:$0x1] =	wrdreg $0xFFFFFFFF  }
0xc4: {  	_ =	task.clear_ibuf [dreg:s7], $0x2FFFF;
	_ =	strace $0x9FFFFFFF  }
0xc5: {  	(tm) =	ssettm $0x7FFFFFFF  }
tec
execute0_lowered:
.L_overlay_start_1:
0x0: {  	(tag) =	ssettag $0x1  }
0x1: {  	s0 =	rddreg [dreg:$0x0]  }
0x2: {  	s2 =	rddreg [dreg:$0x1]  }
0x3: {  	s1 =	rddreg [dreg:$0x2];
	s4 =	srdreg.scid  }
0x4: {  	s17 =	stileid.u32;
	s3 =	rddreg [dreg:$0x3]  }
0x5: {  	s30 =	simm.s32 $0x1380;
	s5 =	sand.u32 $0x1, s4;
	s6 =	smul.u32 $0x9E00, s17  }
0x6: {  	s4 =	rddreg [dreg:$0x4];
	s8 =	sadd.s32 $0xB000, s2;
	s12 =	smul.u32 $0x5000, s17  }
0x7: {  	s9 =	sadd.s32 $0x1000, s2;
	s7 =	smul.u32 $0x9E000, s5;
	s5 =	ssub.s32 $0x2, s5  }
0x8: {  	s2 =	sadd.s32 $0x15000, s2;
	s11 =	sshrl.u32 s5, $0x1;
	s18 =	sadd.s32 $0x2000, s6  }
0x9: {  	s19 =	sadd.s32 $0x4000, s6;
	s13 =	sadd.s32 $0x6000, s6;
	s12 =	sshrl.u32 s12, $0x3  }
0xa: {  	s14 =	sadd.s32 $0x8000, s6;
	s10 =	sadd.s32 s6, s7;
	s11 =	ssub.s32 s5, s11  }
0xb: {  	s15 =	sadd.s32 s8, s12;
	s20 =	sadd.s32 $0x280, s12;
	s16 =	sadd.s32 s9, s12  }
0xc: {  	s22 =	sadd.s32 $0x500, s12;
	s12 =	sadd.s32 $0x780, s12;
	s25 =	sadd.s32 s7, s18  }
0xd: {  	s26 =	sadd.s32 s7, s19;
	s5 =	sshrl.u32 s19, $0x1;
	[dreg:$0x7] =	wrdreg s15  }
0xe: {  	s10 =	sshrl.u32 s10, $0x4;
	[dreg:$0x8] =	wrdreg s16;
	s21 =	sadd.s32 s8, s20  }
0xf: {  	s15 =	sadd.s32 s9, s20;
	s23 =	sadd.s32 s8, s22;
	[dreg:$0x9] =	wrdreg s21  }
0x10: {  	s24 =	sadd.s32 s9, s22;
	s8 =	sadd.s32 s8, s12;
	[dreg:$0xa] =	wrdreg s15  }
0x11: {  	s9 =	sadd.s32 s9, s12;
	s12 =	simm.s32 $0x0;
	[dreg:$0xb] =	wrdreg s23  }
0x12: {  	s16 =	sshll.u32 s17, $0x6;
	s17 =	sshrl.u32 s13, $0x1;
	[dreg:$0xc] =	wrdreg s24  }
0x13: {  	s28 =	sadd.s32 s5, s3;
	s29 =	sadd.s32 s5, s4;
	[dreg:$0xd] =	wrdreg s8  }
0x14: {  	s22 =	sadd.s32 s5, s1;
	s0 =	sadd.s32 s0, s10;
	[dreg:$0xe] =	wrdreg s9  }
0x15: {  	s8 =	sshrl.u32 s25, $0x4;
	s10 =	sadd.s32 s2, s10;
	s9 =	sshrl.u32 s26, $0x4  }
0x16: {  	[smem:$0x7FF] =	sst s12;
	s15 =	sshrl.u32 s6, $0x1;
	s6 =	sor.u32 $0x1C05, s16  }
0x17: {  	s31 =	sadd.s32 s17, s3;
	s23 =	sadd.s32 s17, s1;
	s26 =	smax.u32 s11, $0x1  }
0x18: {  	s11 =	simm.s32 $0x80;
	[dreg:$0xf] =	wrdreg s10;
	s8 =	sadd.s32 s2, s8  }
0x19: {  	s10 =	sadd.s32 s7, s13;
	[dreg:$0x10] =	wrdreg s8;
	s8 =	sadd.s32 s2, s9  }
0x1a: {  	s7 =	sadd.s32 s7, s14;
	[dreg:$0x11] =	wrdreg s8;
	s8 =	sshrl.u32 s10, $0x4  }
0x1b: {  	[dreg:$0x6] =	wrdreg s0;
	s7 =	sshrl.u32 s7, $0x4;
	s8 =	sadd.s32 s2, s8  }
0x1c: {  	s12 =	simm.s32 $0x3800;
	s2 =	sadd.s32 s2, s7;
	[dreg:$0x12] =	wrdreg s8  }
0x1d: {  	s16 =	simm.s32 $0x5800;
	s0 =	sshrl.u32 s18, $0x1;
	[dreg:$0x13] =	wrdreg s2  }
0x1e: {  	s19 =	sadd.s32 s15, s1;
	_ =	strace $0x8000004A;
	[dreg:$0x14] =	wrdreg s6  }
0x1f: {  	s18 =	sshrl.u32 s14, $0x1;
	s20 =	sadd.s32 s15, s3;
	[dreg:$0x15] =	wrdreg s19  }
0x20: {  	s13 =	simm.s32 $0x100;
	s2 =	sadd.s32 s15, s4;
	[dreg:$0x16] =	wrdreg s20  }
0x21: {  	s14 =	simm.s32 $0x4800;
	s21 =	sadd.s32 s0, s3;
	[dreg:$0x17] =	wrdreg s2  }
0x22: {  	s25 =	sadd.s32 s0, s4;
	s0 =	sadd.s32 s0, s1;
	[dreg:$0x18] =	wrdreg s21  }
0x23: {  	s5 =	sadd.s32 s18, s4;
	s24 =	sadd.s32 s18, s1;
	[dreg:$0x19] =	wrdreg s0  }
0x24: {  	s9 =	simm.s32 $0x2800;
	s10 =	simm.s32 $0x1400;
	[dreg:$0x1a] =	wrdreg s22  }
0x25: {  	s7 =	simm.s32 $0x2780;
	s8 =	simm.s32 $0x5;
	[dreg:$0x1b] =	wrdreg s23  }
0x26: {  	s15 =	simm.s32 $0x1;
	s2 =	sadd.s32 s17, s4;
	[dreg:$0x1c] =	wrdreg s24  }
0x27: {  	s17 =	sadd.s32 s18, s3;
	[dreg:$0x1d] =	wrdreg s26;
	s18 =	simm.s32 $0x2  }
0x28: {  	s19 =	simm.s32 $0x3;
	s20 =	simm.s32 $0x4;
	s26 =	simm.s32 $0x2600  }
0x29: {  	v0 =	vimm.bf16 $0.0e+00;
	s0 =	simm.s32 $0x2680;
	s6 =	simm.s32 $0x2700;
	s21 =	simm.s32 $0x0  }
.LBB2_1:
0x2a: {  	s22 =	rddreg [dreg:$0x15]  }
0x2b: {  	s23 =	rddreg [dreg:$0x6]  }
0x2c: {  	s24 =	rddreg [dreg:$0x14];
	s22 =	sshrl.u32 s22, $0x3  }
0x2d: {  	[spmem:s22], [sflag:s24] =	dma.local [hbm:s23], $0x9E0  }
0x2e: {  	_ =	swait.ge [sflag:s8], $0x9E0  }
0x2f: {  	[sflag:s8] =	ssyncset.done $0x0  }
0x30: {  	s22 =	simm.s32 $0x80;
	s23 =	simm.s32 $0x0;
	[sflag:s8] =	ssyncadd.s32 $0xFFFFF620  }
.LBB2_2:
0x31: {  	p0 =	sne.s32 s22, $0x3F80;
	[tilespmem:s23+$0x2800] =	vst v0;
	s24 =	smov.u32 s22;
	s22 =	sadd.s32 $0x80, s22  }
.Ltmp0:
0x32: {  	[tilespmem:s23+$0x2810] =	vst v0;
	(pc) =	sbr.rel @p0 .LBB2_2-.Ltmp0, $2  }
0x33: {  	_ =	sdelay $0x2  }
0x34: {  	s23 =	sshra.s32 s24, $0x2  }
0x35: {  	[tilespmem:s23+$0x2800] =	vst v0  }
0x36: {  	[tilespmem:s23+$0x2810] =	vst v0;
	s22 =	rddreg [dreg:$0x16]  }
0x37: {  	[spmem:s22] =	stream.linear.scatter [tilespmem:s9], [sflag:$0x5], $0x1000, $0x38;
	[tilespmem:$0x15500] =	vst v63  }
0x38: {  	_ =	swait.ge [sflag:s8], $0x1000  }
0x39: {  	[sflag:s8] =	ssyncset.done $0x0  }
0x3a: {  	s24 =	rddreg [dreg:$0x18];
	[sflag:s8] =	ssyncadd.s32 $0xFFFFF000  }
0x3b: {  	[spmem:s24] =	stream.linear.scatter [tilespmem:s9], [sflag:$0x5], $0x1000, $0x38;
	[tilespmem:$0x15500] =	vst v63  }
0x3c: {  	_ =	swait.ge [sflag:s8], $0x1000  }
0x3d: {  	[sflag:s8] =	ssyncset.done $0x0  }
0x3e: {  	[sflag:s8] =	ssyncadd.s32 $0xFFFFF000  }
0x3f: {  	[spmem:s28] =	stream.linear.scatter [tilespmem:s9], [sflag:$0x5], $0x1000, $0x38;
	[tilespmem:$0x15500] =	vst v63  }
0x40: {  	_ =	swait.ge [sflag:s8], $0x1000  }
0x41: {  	[sflag:s8] =	ssyncset.done $0x0  }
0x42: {  	[sflag:s8] =	ssyncadd.s32 $0xFFFFF000  }
0x43: {  	[spmem:s31] =	stream.linear.scatter [tilespmem:s9], [sflag:$0x5], $0x1000, $0x38;
	[tilespmem:$0x15500] =	vst v63  }
0x44: {  	_ =	swait.ge [sflag:s8], $0x1000  }
0x45: {  	[sflag:s8] =	ssyncset.done $0x0  }
0x46: {  	[sflag:s8] =	ssyncadd.s32 $0xFFFFF000  }
0x47: {  	[spmem:s17] =	stream.linear.scatter [tilespmem:s9], [sflag:$0x5], $0xF00, $0x38;
	[tilespmem:$0x15500] =	vst v63  }
0x48: {  	_ =	swait.ge [sflag:s8], $0xF00  }
0x49: {  	[sflag:s8] =	ssyncset.done $0x0  }
0x4a: {  	s23 =	rddreg [dreg:$0x17];
	[sflag:s8] =	ssyncadd.s32 $0xFFFFF100  }
0x4b: {  	[spmem:s23] =	stream.linear.scatter [tilespmem:s9], [sflag:$0x5], $0x1000, $0x38;
	[tilespmem:$0x15500] =	vst v63  }
0x4c: {  	_ =	swait.ge [sflag:s8], $0x1000  }
0x4d: {  	[sflag:s8] =	ssyncset.done $0x0  }
0x4e: {  	[sflag:s8] =	ssyncadd.s32 $0xFFFFF000  }
0x4f: {  	[spmem:s25] =	stream.linear.scatter [tilespmem:s9], [sflag:$0x5], $0x1000, $0x38;
	[tilespmem:$0x15500] =	vst v63  }
0x50: {  	_ =	swait.ge [sflag:s8], $0x1000  }
0x51: {  	[sflag:s8] =	ssyncset.done $0x0  }
0x52: {  	[sflag:s8] =	ssyncadd.s32 $0xFFFFF000  }
0x53: {  	[spmem:s29] =	stream.linear.scatter [tilespmem:s9], [sflag:$0x5], $0x1000, $0x38;
	[tilespmem:$0x15500] =	vst v63  }
0x54: {  	_ =	swait.ge [sflag:s8], $0x1000  }
0x55: {  	[sflag:s8] =	ssyncset.done $0x0  }
0x56: {  	[sflag:s8] =	ssyncadd.s32 $0xFFFFF000  }
0x57: {  	[spmem:s2] =	stream.linear.scatter [tilespmem:s9], [sflag:$0x5], $0x1000, $0x38;
	[tilespmem:$0x15500] =	vst v63  }
0x58: {  	_ =	swait.ge [sflag:s8], $0x1000  }
0x59: {  	[sflag:s8] =	ssyncset.done $0x0  }
0x5a: {  	[sflag:s8] =	ssyncadd.s32 $0xFFFFF000  }
0x5b: {  	[spmem:s5] =	stream.linear.scatter [tilespmem:s9], [sflag:$0x5], $0xF00, $0x38;
	[tilespmem:$0x15500] =	vst v63  }
0x5c: {  	_ =	swait.ge [sflag:s8], $0xF00  }
0x5d: {  	[sflag:s8] =	ssyncset.done $0x0  }
0x5e: {  	[sflag:s8] =	ssyncadd.s32 $0xFFFFF100  }
0x5f: {  	[bflag:$0x0] =	sbarrier.arrive $0xFFFF  }
0x60: {  	s22 =	simm.s32 $0x0;
	s24 =	rddreg [dreg:$0x7]  }
0x61: {  	[tilespmem:s22], [sflag:$0x5] =	stream.linear.gather [hbm4b:s24+s22], $0x1400, $0x38;
	[tilespmem:$0x15500] =	vst v63  }
0x62: {  	_ =	swait.ge [sflag:s8], $0x1400  }
0x63: {  	[sflag:s8] =	ssyncset.done $0x0  }
0x64: {  	s24 =	rddreg [dreg:$0x8];
	[sflag:s8] =	ssyncadd.s32 $0xFFFFEC00  }
0x65: {  	[tilespmem:s10], [sflag:$0x5] =	stream.linear.gather [hbm4b:s24+s22], $0x1400, $0x38;
	[tilespmem:$0x15500] =	vst v63  }
0x66: {  	_ =	swait.ge [sflag:s8], $0x1400  }
0x67: {  	[sflag:s8] =	ssyncset.done $0x0  }
0x68: {  	[sflag:s8] =	ssyncadd.s32 $0xFFFFEC00  }
0x69: {  	[tilespmem:s9], [sflag:$0x1] =	stream.indirect.gather [spmem:s1], $0x20, s22, s11, $0xb8;
	[tilespmem:$0x15500] =	vst v63  }
0x6a: {  	_ = 	snop  }
0x6b: {  	[tilespmem:s12], [sflag:$0x2] =	stream.indirect.gather [spmem:s1], $0x20, s11, s11, $0xb8;
	[tilespmem:$0x15500] =	vst v63  }
0x6c: {  	_ = 	snop  }
0x6d: {  	[tilespmem:s14], [sflag:$0x3] =	stream.indirect.gather [spmem:s1], $0x20, s13, s11, $0xb8;
	[tilespmem:$0x15500] =	vst v63  }
0x6e: {  	_ =	swait.ge [sflag:s15], $0x1000  }
0x6f: {  	[sflag:s15] =	ssyncset.done $0x0  }
0x70: {  	s24 =	simm.s32 $0x1400;
	[sflag:s15] =	ssyncadd.s32 $0xFFFFF000  }
0x71: {  	[spmem:s3] =	stream.indirect.scatter.add.bf16 [tilespmem:s9], [sflag:$0x5], $0x20, s24, s11, $0xb8;
	[tilespmem:$0x15500] =	vst v63  }
0x72: {  	_ =	swait.ge [sflag:s8], $0x1000  }
0x73: {  	[sflag:s8] =	ssyncset.done $0x0  }
0x74: {  	s23 =	simm.s32 $0x180;
	[sflag:s8] =	ssyncadd.s32 $0xFFFFF000  }
0x75: {  	[tilespmem:s16], [sflag:$0x4] =	stream.indirect.gather [spmem:s1], $0x20, s23, s11, $0xb8;
	[tilespmem:$0x15500] =	vst v63  }
0x76: {  	_ =	swait.ge [sflag:s18], $0x1000  }
0x77: {  	[sflag:s18] =	ssyncset.done $0x0  }
0x78: {  	s24 =	simm.s32 $0x1480;
	[sflag:s18] =	ssyncadd.s32 $0xFFFFF000  }
0x79: {  	[spmem:s4] =	stream.indirect.scatter.add.bf16 [tilespmem:s12], [sflag:$0x5], $0x20, s24, s11, $0xb8;
	[tilespmem:$0x15500] =	vst v63  }
0x7a: {  	_ =	swait.ge [sflag:s8], $0x1000  }
0x7b: {  	[sflag:s8] =	ssyncset.done $0x0  }
0x7c: {  	s23 =	simm.s32 $0x200;
	[sflag:s8] =	ssyncadd.s32 $0xFFFFF000  }
0x7d: {  	[tilespmem:s9], [sflag:$0x1] =	stream.indirect.gather [spmem:s1], $0x20, s23, s11, $0xb8;
	[tilespmem:$0x15500] =	vst v63  }
0x7e: {  	_ =	swait.ge [sflag:s19], $0x1000  }
0x7f: {  	[sflag:s19] =	ssyncset.done $0x0  }
0x80: {  	s24 =	simm.s32 $0x1500;
	[sflag:s19] =	ssyncadd.s32 $0xFFFFF000  }
0x81: {  	[spmem:s3] =	stream.indirect.scatter.add.bf16 [tilespmem:s14], [sflag:$0x5], $0x20, s24, s11, $0xb8;
	[tilespmem:$0x15500] =	vst v63  }
0x82: {  	_ =	swait.ge [sflag:s8], $0x1000  }
0x83: {  	[sflag:s8] =	ssyncset.done $0x0  }
0x84: {  	s23 =	simm.s32 $0x280;
	[sflag:s8] =	ssyncadd.s32 $0xFFFFF000  }
0x85: {  	[tilespmem:s12], [sflag:$0x2] =	stream.indirect.gather [spmem:s1], $0x20, s23, s11, $0xb8;
	[tilespmem:$0x15500] =	vst v63  }
0x86: {  	_ =	swait.ge [sflag:s20], $0x1000  }
0x87: {  	[sflag:s20] =	ssyncset.done $0x0  }
0x88: {  	s24 =	simm.s32 $0x1580;
	[sflag:s20] =	ssyncadd.s32 $0xFFFFF000  }
0x89: {  	[spmem:s4] =	stream.indirect.scatter.add.bf16 [tilespmem:s16], [sflag:$0x5], $0x20, s24, s11, $0xb8;
	[tilespmem:$0x15500] =	vst v63  }
0x8a: {  	_ =	swait.ge [sflag:s8], $0x1000  }
0x8b: {  	[sflag:s8] =	ssyncset.done $0x0  }
0x8c: {  	s22 =	simm.s32 $0x800;
	s23 =	simm.s32 $0x300;
	[sflag:s8] =	ssyncadd.s32 $0xFFFFF000  }
.LBB2_4:
0x8d: {  	[tilespmem:s14], [sflag:$0x3] =	stream.indirect.gather [spmem:s1], $0x20, s23, s11, $0xb8;
	[tilespmem:$0x15500] =	vst v63  }
0x8e: {  	s23 =	smov.u32 s22  }
0x8f: {  	p0 =	sne.s32 s22, $0x4000;
	s22 =	sadd.s32 $0x800, s22;
	_ =	swait.ge [sflag:s15], $0x1000  }
0x90: {  	s23 =	sshra.s32 s23, $0x2;
	[sflag:s15] =	ssyncset.done $0x0  }
0x91: {  	s24 =	sadd.s32 $0x1400, s23;
	[sflag:s15] =	ssyncadd.s32 $0xFFFFF000  }
0x92: {  	[spmem:s3] =	stream.indirect.scatter.add.bf16 [tilespmem:s9], [sflag:$0x5], $0x20, s24, s11, $0xb8;
	[tilespmem:$0x15500] =	vst v63  }
0x93: {  	_ =	swait.ge [sflag:s8], $0x1000  }
0x94: {  	[sflag:s8] =	ssyncset.done $0x0  }
0x95: {  	s24 =	sadd.s32 $0x180, s23;
	[sflag:s8] =	ssyncadd.s32 $0xFFFFF000  }
0x96: {  	[tilespmem:s16], [sflag:$0x4] =	stream.indirect.gather [spmem:s1], $0x20, s24, s11, $0xb8;
	[tilespmem:$0x15500] =	vst v63  }
0x97: {  	_ =	swait.ge [sflag:s18], $0x1000  }
0x98: {  	[sflag:s18] =	ssyncset.done $0x0  }
0x99: {  	s24 =	sadd.s32 $0x1480, s23;
	[sflag:s18] =	ssyncadd.s32 $0xFFFFF000  }
0x9a: {  	[spmem:s4] =	stream.indirect.scatter.add.bf16 [tilespmem:s12], [sflag:$0x5], $0x20, s24, s11, $0xb8;
	[tilespmem:$0x15500] =	vst v63  }
0x9b: {  	_ =	swait.ge [sflag:s8], $0x1000  }
0x9c: {  	[sflag:s8] =	ssyncset.done $0x0  }
0x9d: {  	s24 =	sadd.s32 $0x200, s23;
	[sflag:s8] =	ssyncadd.s32 $0xFFFFF000  }
0x9e: {  	[tilespmem:s9], [sflag:$0x1] =	stream.indirect.gather [spmem:s1], $0x20, s24, s11, $0xb8;
	[tilespmem:$0x15500] =	vst v63  }
0x9f: {  	_ =	swait.ge [sflag:s19], $0x1000  }
0xa0: {  	[sflag:s19] =	ssyncset.done $0x0  }
0xa1: {  	s24 =	sadd.s32 $0x1500, s23;
	[sflag:s19] =	ssyncadd.s32 $0xFFFFF000  }
0xa2: {  	[spmem:s3] =	stream.indirect.scatter.add.bf16 [tilespmem:s14], [sflag:$0x5], $0x20, s24, s11, $0xb8;
	[tilespmem:$0x15500] =	vst v63  }
0xa3: {  	_ =	swait.ge [sflag:s8], $0x1000  }
0xa4: {  	[sflag:s8] =	ssyncset.done $0x0  }
0xa5: {  	s24 =	sadd.s32 $0x280, s23;
	[sflag:s8] =	ssyncadd.s32 $0xFFFFF000  }
0xa6: {  	[tilespmem:s12], [sflag:$0x2] =	stream.indirect.gather [spmem:s1], $0x20, s24, s11, $0xb8;
	[tilespmem:$0x15500] =	vst v63  }
0xa7: {  	_ =	swait.ge [sflag:s20], $0x1000  }
0xa8: {  	[sflag:s20] =	ssyncset.done $0x0  }
.Ltmp1:
0xa9: {  	s24 =	sadd.s32 $0x1580, s23;
	[sflag:s20] =	ssyncadd.s32 $0xFFFFF000;
	(pc) =	sbr.rel @p0 .LBB2_4-.Ltmp1, $4  }
0xaa: {  	[spmem:s4] =	stream.indirect.scatter.add.bf16 [tilespmem:s16], [sflag:$0x5], $0x20, s24, s11, $0xb8;
	[tilespmem:$0x15500] =	vst v63  }
0xab: {  	_ =	swait.ge [sflag:s8], $0x1000  }
0xac: {  	[sflag:s8] =	ssyncset.done $0x0  }
0xad: {  	s23 =	sadd.s32 $0x300, s23;
	[sflag:s8] =	ssyncadd.s32 $0xFFFFF000  }
0xae: {  	[tilespmem:s14], [sflag:$0x3] =	stream.indirect.gather [spmem:s1], $0x20, s23, s11, $0xb8;
	[tilespmem:$0x15500] =	vst v63  }
0xaf: {  	_ =	swait.ge [sflag:s15], $0x1000  }
0xb0: {  	[sflag:s15] =	ssyncset.done $0x0  }
0xb1: {  	[sflag:s15] =	ssyncadd.s32 $0xFFFFF000  }
0xb2: {  	[spmem:s3] =	stream.indirect.scatter.add.bf16 [tilespmem:s9], [sflag:$0x5], $0x20, s26, s11, $0xb8;
	[tilespmem:$0x15500] =	vst v63  }
0xb3: {  	_ =	swait.ge [sflag:s8], $0x1000  }
0xb4: {  	[sflag:s8] =	ssyncset.done $0x0  }
0xb5: {  	[sflag:s8] =	ssyncadd.s32 $0xFFFFF000  }
0xb6: {  	[tilespmem:s16], [sflag:$0x4] =	stream.indirect.gather [spmem:s1], $0x20, s30, s11, $0xb8;
	[tilespmem:$0x15500] =	vst v63  }
0xb7: {  	_ =	swait.ge [sflag:s18], $0x1000  }
0xb8: {  	[sflag:s18] =	ssyncset.done $0x0  }
0xb9: {  	[sflag:s18] =	ssyncadd.s32 $0xFFFFF000  }
0xba: {  	[spmem:s4] =	stream.indirect.scatter.add.bf16 [tilespmem:s12], [sflag:$0x5], $0x20, s0, s11, $0xb8;
	[tilespmem:$0x15500] =	vst v63  }
0xbb: {  	_ =	swait.ge [sflag:s8], $0x1000  }
0xbc: {  	[sflag:s8] =	ssyncset.done $0x0  }
0xbd: {  	[sflag:s8] =	ssyncadd.s32 $0xFFFFF000  }
0xbe: {  	_ =	swait.ge [sflag:s19], $0x1000  }
0xbf: {  	[sflag:s19] =	ssyncset.done $0x0  }
0xc0: {  	[sflag:s19] =	ssyncadd.s32 $0xFFFFF000  }
0xc1: {  	[spmem:s3] =	stream.indirect.scatter.add.bf16 [tilespmem:s14], [sflag:$0x5], $0x20, s6, s11, $0xb8;
	[tilespmem:$0x15500] =	vst v63  }
0xc2: {  	_ =	swait.ge [sflag:s8], $0x1000  }
0xc3: {  	[sflag:s8] =	ssyncset.done $0x0  }
0xc4: {  	[sflag:s8] =	ssyncadd.s32 $0xFFFFF000  }
0xc5: {  	_ =	swait.ge [sflag:s20], $0x1000  }
0xc6: {  	[sflag:s20] =	ssyncset.done $0x0  }
0xc7: {  	[sflag:s20] =	ssyncadd.s32 $0xFFFFF000  }
0xc8: {  	[spmem:s4] =	stream.indirect.scatter.add.bf16 [tilespmem:s16], [sflag:$0x5], $0x20, s7, s11, $0xb8;
	[tilespmem:$0x15500] =	vst v63  }
0xc9: {  	_ =	swait.ge [sflag:s8], $0x1000  }
0xca: {  	[sflag:s8] =	ssyncset.done $0x0  }
0xcb: {  	s22 =	simm.s32 $0x0;
	s24 =	rddreg [dreg:$0x9];
	[sflag:s8] =	ssyncadd.s32 $0xFFFFF000  }
0xcc: {  	[tilespmem:s22], [sflag:$0x5] =	stream.linear.gather [hbm4b:s24+s22], $0x1400, $0x38;
	[tilespmem:$0x15500] =	vst v63  }
0xcd: {  	_ =	swait.ge [sflag:s8], $0x1400  }
0xce: {  	[sflag:s8] =	ssyncset.done $0x0  }
0xcf: {  	s24 =	rddreg [dreg:$0xa];
	[sflag:s8] =	ssyncadd.s32 $0xFFFFEC00  }
0xd0: {  	[tilespmem:s10], [sflag:$0x5] =	stream.linear.gather [hbm4b:s24+s22], $0x1400, $0x38;
	[tilespmem:$0x15500] =	vst v63  }
0xd1: {  	_ =	swait.ge [sflag:s8], $0x1400  }
0xd2: {  	[sflag:s8] =	ssyncset.done $0x0  }
0xd3: {  	[sflag:s8] =	ssyncadd.s32 $0xFFFFEC00  }
0xd4: {  	[tilespmem:s9], [sflag:$0x1] =	stream.indirect.gather [spmem:s1], $0x20, s22, s11, $0xb8;
	[tilespmem:$0x15500] =	vst v63  }
0xd5: {  	_ = 	snop  }
0xd6: {  	[tilespmem:s12], [sflag:$0x2] =	stream.indirect.gather [spmem:s1], $0x20, s11, s11, $0xb8;
	[tilespmem:$0x15500] =	vst v63  }
0xd7: {  	_ = 	snop  }
0xd8: {  	[tilespmem:s14], [sflag:$0x3] =	stream.indirect.gather [spmem:s1], $0x20, s13, s11, $0xb8;
	[tilespmem:$0x15500] =	vst v63  }
0xd9: {  	_ =	swait.ge [sflag:s15], $0x1000  }
0xda: {  	[sflag:s15] =	ssyncset.done $0x0  }
0xdb: {  	s24 =	simm.s32 $0x1400;
	[sflag:s15] =	ssyncadd.s32 $0xFFFFF000  }
0xdc: {  	[spmem:s3] =	stream.indirect.scatter.add.bf16 [tilespmem:s9], [sflag:$0x5], $0x20, s24, s11, $0xb8;
	[tilespmem:$0x15500] =	vst v63  }
0xdd: {  	_ =	swait.ge [sflag:s8], $0x1000  }
0xde: {  	[sflag:s8] =	ssyncset.done $0x0  }
0xdf: {  	s23 =	simm.s32 $0x180;
	[sflag:s8] =	ssyncadd.s32 $0xFFFFF000  }
0xe0: {  	[tilespmem:s16], [sflag:$0x4] =	stream.indirect.gather [spmem:s1], $0x20, s23, s11, $0xb8;
	[tilespmem:$0x15500] =	vst v63  }
0xe1: {  	_ =	swait.ge [sflag:s18], $0x1000  }
0xe2: {  	[sflag:s18] =	ssyncset.done $0x0  }
0xe3: {  	s24 =	simm.s32 $0x1480;
	[sflag:s18] =	ssyncadd.s32 $0xFFFFF000  }
0xe4: {  	[spmem:s4] =	stream.indirect.scatter.add.bf16 [tilespmem:s12], [sflag:$0x5], $0x20, s24, s11, $0xb8;
	[tilespmem:$0x15500] =	vst v63  }
0xe5: {  	_ =	swait.ge [sflag:s8], $0x1000  }
0xe6: {  	[sflag:s8] =	ssyncset.done $0x0  }
0xe7: {  	s23 =	simm.s32 $0x200;
	[sflag:s8] =	ssyncadd.s32 $0xFFFFF000  }
0xe8: {  	[tilespmem:s9], [sflag:$0x1] =	stream.indirect.gather [spmem:s1], $0x20, s23, s11, $0xb8;
	[tilespmem:$0x15500] =	vst v63  }
0xe9: {  	_ =	swait.ge [sflag:s19], $0x1000  }
0xea: {  	[sflag:s19] =	ssyncset.done $0x0  }
0xeb: {  	s24 =	simm.s32 $0x1500;
	[sflag:s19] =	ssyncadd.s32 $0xFFFFF000  }
0xec: {  	[spmem:s3] =	stream.indirect.scatter.add.bf16 [tilespmem:s14], [sflag:$0x5], $0x20, s24, s11, $0xb8;
	[tilespmem:$0x15500] =	vst v63  }
0xed: {  	_ =	swait.ge [sflag:s8], $0x1000  }
0xee: {  	[sflag:s8] =	ssyncset.done $0x0  }
0xef: {  	s23 =	simm.s32 $0x280;
	[sflag:s8] =	ssyncadd.s32 $0xFFFFF000  }
0xf0: {  	[tilespmem:s12], [sflag:$0x2] =	stream.indirect.gather [spmem:s1], $0x20, s23, s11, $0xb8;
	[tilespmem:$0x15500] =	vst v63  }
0xf1: {  	_ =	swait.ge [sflag:s20], $0x1000  }
0xf2: {  	[sflag:s20] =	ssyncset.done $0x0  }
0xf3: {  	s24 =	simm.s32 $0x1580;
	[sflag:s20] =	ssyncadd.s32 $0xFFFFF000  }
0xf4: {  	[spmem:s4] =	stream.indirect.scatter.add.bf16 [tilespmem:s16], [sflag:$0x5], $0x20, s24, s11, $0xb8;
	[tilespmem:$0x15500] =	vst v63  }
0xf5: {  	_ =	swait.ge [sflag:s8], $0x1000  }
0xf6: {  	[sflag:s8] =	ssyncset.done $0x0  }
0xf7: {  	s22 =	simm.s32 $0x800;
	s23 =	simm.s32 $0x300;
	[sflag:s8] =	ssyncadd.s32 $0xFFFFF000  }
.LBB2_6:
0xf8: {  	[tilespmem:s14], [sflag:$0x3] =	stream.indirect.gather [spmem:s1], $0x20, s23, s11, $0xb8;
	[tilespmem:$0x15500] =	vst v63  }
0xf9: {  	s23 =	smov.u32 s22  }
0xfa: {  	p0 =	sne.s32 s22, $0x4000;
	s22 =	sadd.s32 $0x800, s22;
	_ =	swait.ge [sflag:s15], $0x1000  }
0xfb: {  	s23 =	sshra.s32 s23, $0x2;
	[sflag:s15] =	ssyncset.done $0x0  }
0xfc: {  	s24 =	sadd.s32 $0x1400, s23;
	[sflag:s15] =	ssyncadd.s32 $0xFFFFF000  }
0xfd: {  	[spmem:s3] =	stream.indirect.scatter.add.bf16 [tilespmem:s9], [sflag:$0x5], $0x20, s24, s11, $0xb8;
	[tilespmem:$0x15500] =	vst v63  }
0xfe: {  	_ =	swait.ge [sflag:s8], $0x1000  }
0xff: {  	[sflag:s8] =	ssyncset.done $0x0  }
0x100: {  	s24 =	sadd.s32 $0x180, s23;
	[sflag:s8] =	ssyncadd.s32 $0xFFFFF000  }
0x101: {  	[tilespmem:s16], [sflag:$0x4] =	stream.indirect.gather [spmem:s1], $0x20, s24, s11, $0xb8;
	[tilespmem:$0x15500] =	vst v63  }
0x102: {  	_ =	swait.ge [sflag:s18], $0x1000  }
0x103: {  	[sflag:s18] =	ssyncset.done $0x0  }
0x104: {  	s24 =	sadd.s32 $0x1480, s23;
	[sflag:s18] =	ssyncadd.s32 $0xFFFFF000  }
0x105: {  	[spmem:s4] =	stream.indirect.scatter.add.bf16 [tilespmem:s12], [sflag:$0x5], $0x20, s24, s11, $0xb8;
	[tilespmem:$0x15500] =	vst v63  }
0x106: {  	_ =	swait.ge [sflag:s8], $0x1000  }
0x107: {  	[sflag:s8] =	ssyncset.done $0x0  }
0x108: {  	s24 =	sadd.s32 $0x200, s23;
	[sflag:s8] =	ssyncadd.s32 $0xFFFFF000  }
0x109: {  	[tilespmem:s9], [sflag:$0x1] =	stream.indirect.gather [spmem:s1], $0x20, s24, s11, $0xb8;
	[tilespmem:$0x15500] =	vst v63  }
0x10a: {  	_ =	swait.ge [sflag:s19], $0x1000  }
0x10b: {  	[sflag:s19] =	ssyncset.done $0x0  }
0x10c: {  	s24 =	sadd.s32 $0x1500, s23;
	[sflag:s19] =	ssyncadd.s32 $0xFFFFF000  }
0x10d: {  	[spmem:s3] =	stream.indirect.scatter.add.bf16 [tilespmem:s14], [sflag:$0x5], $0x20, s24, s11, $0xb8;
	[tilespmem:$0x15500] =	vst v63  }
0x10e: {  	_ =	swait.ge [sflag:s8], $0x1000  }
0x10f: {  	[sflag:s8] =	ssyncset.done $0x0  }
0x110: {  	s24 =	sadd.s32 $0x280, s23;
	[sflag:s8] =	ssyncadd.s32 $0xFFFFF000  }
0x111: {  	[tilespmem:s12], [sflag:$0x2] =	stream.indirect.gather [spmem:s1], $0x20, s24, s11, $0xb8;
	[tilespmem:$0x15500] =	vst v63  }
0x112: {  	_ =	swait.ge [sflag:s20], $0x1000  }
0x113: {  	[sflag:s20] =	ssyncset.done $0x0  }
.Ltmp2:
0x114: {  	s24 =	sadd.s32 $0x1580, s23;
	[sflag:s20] =	ssyncadd.s32 $0xFFFFF000;
	(pc) =	sbr.rel @p0 .LBB2_6-.Ltmp2, $4  }
0x115: {  	[spmem:s4] =	stream.indirect.scatter.add.bf16 [tilespmem:s16], [sflag:$0x5], $0x20, s24, s11, $0xb8;
	[tilespmem:$0x15500] =	vst v63  }
0x116: {  	_ =	swait.ge [sflag:s8], $0x1000  }
0x117: {  	[sflag:s8] =	ssyncset.done $0x0  }
0x118: {  	s23 =	sadd.s32 $0x300, s23;
	[sflag:s8] =	ssyncadd.s32 $0xFFFFF000  }
0x119: {  	[tilespmem:s14], [sflag:$0x3] =	stream.indirect.gather [spmem:s1], $0x20, s23, s11, $0xb8;
	[tilespmem:$0x15500] =	vst v63  }
0x11a: {  	_ =	swait.ge [sflag:s15], $0x1000  }
0x11b: {  	[sflag:s15] =	ssyncset.done $0x0  }
0x11c: {  	[sflag:s15] =	ssyncadd.s32 $0xFFFFF000  }
0x11d: {  	[spmem:s3] =	stream.indirect.scatter.add.bf16 [tilespmem:s9], [sflag:$0x5], $0x20, s26, s11, $0xb8;
	[tilespmem:$0x15500] =	vst v63  }
0x11e: {  	_ =	swait.ge [sflag:s8], $0x1000  }
0x11f: {  	[sflag:s8] =	ssyncset.done $0x0  }
0x120: {  	[sflag:s8] =	ssyncadd.s32 $0xFFFFF000  }
0x121: {  	[tilespmem:s16], [sflag:$0x4] =	stream.indirect.gather [spmem:s1], $0x20, s30, s11, $0xb8;
	[tilespmem:$0x15500] =	vst v63  }
0x122: {  	_ =	swait.ge [sflag:s18], $0x1000  }
0x123: {  	[sflag:s18] =	ssyncset.done $0x0  }
0x124: {  	[sflag:s18] =	ssyncadd.s32 $0xFFFFF000  }
0x125: {  	[spmem:s4] =	stream.indirect.scatter.add.bf16 [tilespmem:s12], [sflag:$0x5], $0x20, s0, s11, $0xb8;
	[tilespmem:$0x15500] =	vst v63  }
0x126: {  	_ =	swait.ge [sflag:s8], $0x1000  }
0x127: {  	[sflag:s8] =	ssyncset.done $0x0  }
0x128: {  	[sflag:s8] =	ssyncadd.s32 $0xFFFFF000  }
0x129: {  	_ =	swait.ge [sflag:s19], $0x1000  }
0x12a: {  	[sflag:s19] =	ssyncset.done $0x0  }
0x12b: {  	[sflag:s19] =	ssyncadd.s32 $0xFFFFF000  }
0x12c: {  	[spmem:s3] =	stream.indirect.scatter.add.bf16 [tilespmem:s14], [sflag:$0x5], $0x20, s6, s11, $0xb8;
	[tilespmem:$0x15500] =	vst v63  }
0x12d: {  	_ =	swait.ge [sflag:s8], $0x1000  }
0x12e: {  	[sflag:s8] =	ssyncset.done $0x0  }
0x12f: {  	[sflag:s8] =	ssyncadd.s32 $0xFFFFF000  }
0x130: {  	_ =	swait.ge [sflag:s20], $0x1000  }
0x131: {  	[sflag:s20] =	ssyncset.done $0x0  }
0x132: {  	[sflag:s20] =	ssyncadd.s32 $0xFFFFF000  }
0x133: {  	[spmem:s4] =	stream.indirect.scatter.add.bf16 [tilespmem:s16], [sflag:$0x5], $0x20, s7, s11, $0xb8;
	[tilespmem:$0x15500] =	vst v63  }
0x134: {  	_ =	swait.ge [sflag:s8], $0x1000  }
0x135: {  	[sflag:s8] =	ssyncset.done $0x0  }
0x136: {  	s22 =	simm.s32 $0x0;
	s24 =	rddreg [dreg:$0xb];
	[sflag:s8] =	ssyncadd.s32 $0xFFFFF000  }
0x137: {  	[tilespmem:s22], [sflag:$0x5] =	stream.linear.gather [hbm4b:s24+s22], $0x1400, $0x38;
	[tilespmem:$0x15500] =	vst v63  }
0x138: {  	_ =	swait.ge [sflag:s8], $0x1400  }
0x139: {  	[sflag:s8] =	ssyncset.done $0x0  }
0x13a: {  	s24 =	rddreg [dreg:$0xc];
	[sflag:s8] =	ssyncadd.s32 $0xFFFFEC00  }
0x13b: {  	[tilespmem:s10], [sflag:$0x5] =	stream.linear.gather [hbm4b:s24+s22], $0x1400, $0x38;
	[tilespmem:$0x15500] =	vst v63  }
0x13c: {  	_ =	swait.ge [sflag:s8], $0x1400  }
0x13d: {  	[sflag:s8] =	ssyncset.done $0x0  }
0x13e: {  	[sflag:s8] =	ssyncadd.s32 $0xFFFFEC00  }
0x13f: {  	[tilespmem:s9], [sflag:$0x1] =	stream.indirect.gather [spmem:s1], $0x20, s22, s11, $0xb8;
	[tilespmem:$0x15500] =	vst v63  }
0x140: {  	_ = 	snop  }
0x141: {  	[tilespmem:s12], [sflag:$0x2] =	stream.indirect.gather [spmem:s1], $0x20, s11, s11, $0xb8;
	[tilespmem:$0x15500] =	vst v63  }
0x142: {  	_ = 	snop  }
0x143: {  	[tilespmem:s14], [sflag:$0x3] =	stream.indirect.gather [spmem:s1], $0x20, s13, s11, $0xb8;
	[tilespmem:$0x15500] =	vst v63  }
0x144: {  	_ =	swait.ge [sflag:s15], $0x1000  }
0x145: {  	[sflag:s15] =	ssyncset.done $0x0  }
0x146: {  	s24 =	simm.s32 $0x1400;
	[sflag:s15] =	ssyncadd.s32 $0xFFFFF000  }
0x147: {  	[spmem:s3] =	stream.indirect.scatter.add.bf16 [tilespmem:s9], [sflag:$0x5], $0x20, s24, s11, $0xb8;
	[tilespmem:$0x15500] =	vst v63  }
0x148: {  	_ =	swait.ge [sflag:s8], $0x1000  }
0x149: {  	[sflag:s8] =	ssyncset.done $0x0  }
0x14a: {  	s23 =	simm.s32 $0x180;
	[sflag:s8] =	ssyncadd.s32 $0xFFFFF000  }
0x14b: {  	[tilespmem:s16], [sflag:$0x4] =	stream.indirect.gather [spmem:s1], $0x20, s23, s11, $0xb8;
	[tilespmem:$0x15500] =	vst v63  }
0x14c: {  	_ =	swait.ge [sflag:s18], $0x1000  }
0x14d: {  	[sflag:s18] =	ssyncset.done $0x0  }
0x14e: {  	s24 =	simm.s32 $0x1480;
	[sflag:s18] =	ssyncadd.s32 $0xFFFFF000  }
0x14f: {  	[spmem:s4] =	stream.indirect.scatter.add.bf16 [tilespmem:s12], [sflag:$0x5], $0x20, s24, s11, $0xb8;
	[tilespmem:$0x15500] =	vst v63  }
0x150: {  	_ =	swait.ge [sflag:s8], $0x1000  }
0x151: {  	[sflag:s8] =	ssyncset.done $0x0  }
0x152: {  	s23 =	simm.s32 $0x200;
	[sflag:s8] =	ssyncadd.s32 $0xFFFFF000  }
0x153: {  	[tilespmem:s9], [sflag:$0x1] =	stream.indirect.gather [spmem:s1], $0x20, s23, s11, $0xb8;
	[tilespmem:$0x15500] =	vst v63  }
0x154: {  	_ =	swait.ge [sflag:s19], $0x1000  }
0x155: {  	[sflag:s19] =	ssyncset.done $0x0  }
0x156: {  	s24 =	simm.s32 $0x1500;
	[sflag:s19] =	ssyncadd.s32 $0xFFFFF000  }
0x157: {  	[spmem:s3] =	stream.indirect.scatter.add.bf16 [tilespmem:s14], [sflag:$0x5], $0x20, s24, s11, $0xb8;
	[tilespmem:$0x15500] =	vst v63  }
0x158: {  	_ =	swait.ge [sflag:s8], $0x1000  }
0x159: {  	[sflag:s8] =	ssyncset.done $0x0  }
0x15a: {  	s23 =	simm.s32 $0x280;
	[sflag:s8] =	ssyncadd.s32 $0xFFFFF000  }
0x15b: {  	[tilespmem:s12], [sflag:$0x2] =	stream.indirect.gather [spmem:s1], $0x20, s23, s11, $0xb8;
	[tilespmem:$0x15500] =	vst v63  }
0x15c: {  	_ =	swait.ge [sflag:s20], $0x1000  }
0x15d: {  	[sflag:s20] =	ssyncset.done $0x0  }
0x15e: {  	s24 =	simm.s32 $0x1580;
	[sflag:s20] =	ssyncadd.s32 $0xFFFFF000  }
0x15f: {  	[spmem:s4] =	stream.indirect.scatter.add.bf16 [tilespmem:s16], [sflag:$0x5], $0x20, s24, s11, $0xb8;
	[tilespmem:$0x15500] =	vst v63  }
0x160: {  	_ =	swait.ge [sflag:s8], $0x1000  }
0x161: {  	[sflag:s8] =	ssyncset.done $0x0  }
0x162: {  	s22 =	simm.s32 $0x800;
	s23 =	simm.s32 $0x300;
	[sflag:s8] =	ssyncadd.s32 $0xFFFFF000  }
.LBB2_8:
0x163: {  	[tilespmem:s14], [sflag:$0x3] =	stream.indirect.gather [spmem:s1], $0x20, s23, s11, $0xb8;
	[tilespmem:$0x15500] =	vst v63  }
0x164: {  	s23 =	smov.u32 s22  }
0x165: {  	p0 =	sne.s32 s22, $0x4000;
	s22 =	sadd.s32 $0x800, s22;
	_ =	swait.ge [sflag:s15], $0x1000  }
0x166: {  	s23 =	sshra.s32 s23, $0x2;
	[sflag:s15] =	ssyncset.done $0x0  }
0x167: {  	s24 =	sadd.s32 $0x1400, s23;
	[sflag:s15] =	ssyncadd.s32 $0xFFFFF000  }
0x168: {  	[spmem:s3] =	stream.indirect.scatter.add.bf16 [tilespmem:s9], [sflag:$0x5], $0x20, s24, s11, $0xb8;
	[tilespmem:$0x15500] =	vst v63  }
0x169: {  	_ =	swait.ge [sflag:s8], $0x1000  }
0x16a: {  	[sflag:s8] =	ssyncset.done $0x0  }
0x16b: {  	s24 =	sadd.s32 $0x180, s23;
	[sflag:s8] =	ssyncadd.s32 $0xFFFFF000  }
0x16c: {  	[tilespmem:s16], [sflag:$0x4] =	stream.indirect.gather [spmem:s1], $0x20, s24, s11, $0xb8;
	[tilespmem:$0x15500] =	vst v63  }
0x16d: {  	_ =	swait.ge [sflag:s18], $0x1000  }
0x16e: {  	[sflag:s18] =	ssyncset.done $0x0  }
0x16f: {  	s24 =	sadd.s32 $0x1480, s23;
	[sflag:s18] =	ssyncadd.s32 $0xFFFFF000  }
0x170: {  	[spmem:s4] =	stream.indirect.scatter.add.bf16 [tilespmem:s12], [sflag:$0x5], $0x20, s24, s11, $0xb8;
	[tilespmem:$0x15500] =	vst v63  }
0x171: {  	_ =	swait.ge [sflag:s8], $0x1000  }
0x172: {  	[sflag:s8] =	ssyncset.done $0x0  }
0x173: {  	s24 =	sadd.s32 $0x200, s23;
	[sflag:s8] =	ssyncadd.s32 $0xFFFFF000  }
0x174: {  	[tilespmem:s9], [sflag:$0x1] =	stream.indirect.gather [spmem:s1], $0x20, s24, s11, $0xb8;
	[tilespmem:$0x15500] =	vst v63  }
0x175: {  	_ =	swait.ge [sflag:s19], $0x1000  }
0x176: {  	[sflag:s19] =	ssyncset.done $0x0  }
0x177: {  	s24 =	sadd.s32 $0x1500, s23;
	[sflag:s19] =	ssyncadd.s32 $0xFFFFF000  }
0x178: {  	[spmem:s3] =	stream.indirect.scatter.add.bf16 [tilespmem:s14], [sflag:$0x5], $0x20, s24, s11, $0xb8;
	[tilespmem:$0x15500] =	vst v63  }
0x179: {  	_ =	swait.ge [sflag:s8], $0x1000  }
0x17a: {  	[sflag:s8] =	ssyncset.done $0x0  }
0x17b: {  	s24 =	sadd.s32 $0x280, s23;
	[sflag:s8] =	ssyncadd.s32 $0xFFFFF000  }
0x17c: {  	[tilespmem:s12], [sflag:$0x2] =	stream.indirect.gather [spmem:s1], $0x20, s24, s11, $0xb8;
	[tilespmem:$0x15500] =	vst v63  }
0x17d: {  	_ =	swait.ge [sflag:s20], $0x1000  }
0x17e: {  	[sflag:s20] =	ssyncset.done $0x0  }
.Ltmp3:
0x17f: {  	s24 =	sadd.s32 $0x1580, s23;
	[sflag:s20] =	ssyncadd.s32 $0xFFFFF000;
	(pc) =	sbr.rel @p0 .LBB2_8-.Ltmp3, $4  }
0x180: {  	[spmem:s4] =	stream.indirect.scatter.add.bf16 [tilespmem:s16], [sflag:$0x5], $0x20, s24, s11, $0xb8;
	[tilespmem:$0x15500] =	vst v63  }
0x181: {  	_ =	swait.ge [sflag:s8], $0x1000  }
0x182: {  	[sflag:s8] =	ssyncset.done $0x0  }
0x183: {  	s23 =	sadd.s32 $0x300, s23;
	[sflag:s8] =	ssyncadd.s32 $0xFFFFF000  }
0x184: {  	[tilespmem:s14], [sflag:$0x3] =	stream.indirect.gather [spmem:s1], $0x20, s23, s11, $0xb8;
	[tilespmem:$0x15500] =	vst v63  }
0x185: {  	_ =	swait.ge [sflag:s15], $0x1000  }
0x186: {  	[sflag:s15] =	ssyncset.done $0x0  }
0x187: {  	[sflag:s15] =	ssyncadd.s32 $0xFFFFF000  }
0x188: {  	[spmem:s3] =	stream.indirect.scatter.add.bf16 [tilespmem:s9], [sflag:$0x5], $0x20, s26, s11, $0xb8;
	[tilespmem:$0x15500] =	vst v63  }
0x189: {  	_ =	swait.ge [sflag:s8], $0x1000  }
0x18a: {  	[sflag:s8] =	ssyncset.done $0x0  }
0x18b: {  	[sflag:s8] =	ssyncadd.s32 $0xFFFFF000  }
0x18c: {  	[tilespmem:s16], [sflag:$0x4] =	stream.indirect.gather [spmem:s1], $0x20, s30, s11, $0xb8;
	[tilespmem:$0x15500] =	vst v63  }
0x18d: {  	_ =	swait.ge [sflag:s18], $0x1000  }
0x18e: {  	[sflag:s18] =	ssyncset.done $0x0  }
0x18f: {  	[sflag:s18] =	ssyncadd.s32 $0xFFFFF000  }
0x190: {  	[spmem:s4] =	stream.indirect.scatter.add.bf16 [tilespmem:s12], [sflag:$0x5], $0x20, s0, s11, $0xb8;
	[tilespmem:$0x15500] =	vst v63  }
0x191: {  	_ =	swait.ge [sflag:s8], $0x1000  }
0x192: {  	[sflag:s8] =	ssyncset.done $0x0  }
0x193: {  	[sflag:s8] =	ssyncadd.s32 $0xFFFFF000  }
0x194: {  	_ =	swait.ge [sflag:s19], $0x1000  }
0x195: {  	[sflag:s19] =	ssyncset.done $0x0  }
0x196: {  	[sflag:s19] =	ssyncadd.s32 $0xFFFFF000  }
0x197: {  	[spmem:s3] =	stream.indirect.scatter.add.bf16 [tilespmem:s14], [sflag:$0x5], $0x20, s6, s11, $0xb8;
	[tilespmem:$0x15500] =	vst v63  }
0x198: {  	_ =	swait.ge [sflag:s8], $0x1000  }
0x199: {  	[sflag:s8] =	ssyncset.done $0x0  }
0x19a: {  	[sflag:s8] =	ssyncadd.s32 $0xFFFFF000  }
0x19b: {  	_ =	swait.ge [sflag:s20], $0x1000  }
0x19c: {  	[sflag:s20] =	ssyncset.done $0x0  }
0x19d: {  	[sflag:s20] =	ssyncadd.s32 $0xFFFFF000  }
0x19e: {  	[spmem:s4] =	stream.indirect.scatter.add.bf16 [tilespmem:s16], [sflag:$0x5], $0x20, s7, s11, $0xb8;
	[tilespmem:$0x15500] =	vst v63  }
0x19f: {  	_ =	swait.ge [sflag:s8], $0x1000  }
0x1a0: {  	[sflag:s8] =	ssyncset.done $0x0  }
0x1a1: {  	s22 =	simm.s32 $0x0;
	s24 =	rddreg [dreg:$0xd];
	[sflag:s8] =	ssyncadd.s32 $0xFFFFF000  }
0x1a2: {  	[tilespmem:s22], [sflag:$0x5] =	stream.linear.gather [hbm4b:s24+s22], $0x1400, $0x38;
	[tilespmem:$0x15500] =	vst v63  }
0x1a3: {  	_ =	swait.ge [sflag:s8], $0x1400  }
0x1a4: {  	[sflag:s8] =	ssyncset.done $0x0  }
0x1a5: {  	s24 =	rddreg [dreg:$0xe];
	[sflag:s8] =	ssyncadd.s32 $0xFFFFEC00  }
0x1a6: {  	[tilespmem:s10], [sflag:$0x5] =	stream.linear.gather [hbm4b:s24+s22], $0x1400, $0x38;
	[tilespmem:$0x15500] =	vst v63  }
0x1a7: {  	_ =	swait.ge [sflag:s8], $0x1400  }
0x1a8: {  	[sflag:s8] =	ssyncset.done $0x0  }
0x1a9: {  	[sflag:s8] =	ssyncadd.s32 $0xFFFFEC00  }
0x1aa: {  	[tilespmem:s9], [sflag:$0x1] =	stream.indirect.gather [spmem:s1], $0x20, s22, s11, $0xb8;
	[tilespmem:$0x15500] =	vst v63  }
0x1ab: {  	_ = 	snop  }
0x1ac: {  	[tilespmem:s12], [sflag:$0x2] =	stream.indirect.gather [spmem:s1], $0x20, s11, s11, $0xb8;
	[tilespmem:$0x15500] =	vst v63  }
0x1ad: {  	_ = 	snop  }
0x1ae: {  	[tilespmem:s14], [sflag:$0x3] =	stream.indirect.gather [spmem:s1], $0x20, s13, s11, $0xb8;
	[tilespmem:$0x15500] =	vst v63  }
0x1af: {  	_ =	swait.ge [sflag:s15], $0x1000  }
0x1b0: {  	[sflag:s15] =	ssyncset.done $0x0  }
0x1b1: {  	s24 =	simm.s32 $0x1400;
	[sflag:s15] =	ssyncadd.s32 $0xFFFFF000  }
0x1b2: {  	[spmem:s3] =	stream.indirect.scatter.add.bf16 [tilespmem:s9], [sflag:$0x5], $0x20, s24, s11, $0xb8;
	[tilespmem:$0x15500] =	vst v63  }
0x1b3: {  	_ =	swait.ge [sflag:s8], $0x1000  }
0x1b4: {  	[sflag:s8] =	ssyncset.done $0x0  }
0x1b5: {  	s23 =	simm.s32 $0x180;
	[sflag:s8] =	ssyncadd.s32 $0xFFFFF000  }
0x1b6: {  	[tilespmem:s16], [sflag:$0x4] =	stream.indirect.gather [spmem:s1], $0x20, s23, s11, $0xb8;
	[tilespmem:$0x15500] =	vst v63  }
0x1b7: {  	_ =	swait.ge [sflag:s18], $0x1000  }
0x1b8: {  	[sflag:s18] =	ssyncset.done $0x0  }
0x1b9: {  	s24 =	simm.s32 $0x1480;
	[sflag:s18] =	ssyncadd.s32 $0xFFFFF000  }
0x1ba: {  	[spmem:s4] =	stream.indirect.scatter.add.bf16 [tilespmem:s12], [sflag:$0x5], $0x20, s24, s11, $0xb8;
	[tilespmem:$0x15500] =	vst v63  }
0x1bb: {  	_ =	swait.ge [sflag:s8], $0x1000  }
0x1bc: {  	[sflag:s8] =	ssyncset.done $0x0  }
0x1bd: {  	s23 =	simm.s32 $0x200;
	[sflag:s8] =	ssyncadd.s32 $0xFFFFF000  }
0x1be: {  	[tilespmem:s9], [sflag:$0x1] =	stream.indirect.gather [spmem:s1], $0x20, s23, s11, $0xb8;
	[tilespmem:$0x15500] =	vst v63  }
0x1bf: {  	_ =	swait.ge [sflag:s19], $0x1000  }
0x1c0: {  	[sflag:s19] =	ssyncset.done $0x0  }
0x1c1: {  	s24 =	simm.s32 $0x1500;
	[sflag:s19] =	ssyncadd.s32 $0xFFFFF000  }
0x1c2: {  	[spmem:s3] =	stream.indirect.scatter.add.bf16 [tilespmem:s14], [sflag:$0x5], $0x20, s24, s11, $0xb8;
	[tilespmem:$0x15500] =	vst v63  }
0x1c3: {  	_ =	swait.ge [sflag:s8], $0x1000  }
0x1c4: {  	[sflag:s8] =	ssyncset.done $0x0  }
0x1c5: {  	s23 =	simm.s32 $0x280;
	[sflag:s8] =	ssyncadd.s32 $0xFFFFF000  }
0x1c6: {  	[tilespmem:s12], [sflag:$0x2] =	stream.indirect.gather [spmem:s1], $0x20, s23, s11, $0xb8;
	[tilespmem:$0x15500] =	vst v63  }
0x1c7: {  	_ =	swait.ge [sflag:s20], $0x1000  }
0x1c8: {  	[sflag:s20] =	ssyncset.done $0x0  }
0x1c9: {  	s24 =	simm.s32 $0x1580;
	[sflag:s20] =	ssyncadd.s32 $0xFFFFF000  }
0x1ca: {  	[spmem:s4] =	stream.indirect.scatter.add.bf16 [tilespmem:s16], [sflag:$0x5], $0x20, s24, s11, $0xb8;
	[tilespmem:$0x15500] =	vst v63  }
0x1cb: {  	_ =	swait.ge [sflag:s8], $0x1000  }
0x1cc: {  	[sflag:s8] =	ssyncset.done $0x0  }
0x1cd: {  	s22 =	simm.s32 $0x800;
	s23 =	simm.s32 $0x300;
	[sflag:s8] =	ssyncadd.s32 $0xFFFFF000  }
.LBB2_10:
0x1ce: {  	[tilespmem:s14], [sflag:$0x3] =	stream.indirect.gather [spmem:s1], $0x20, s23, s11, $0xb8;
	[tilespmem:$0x15500] =	vst v63  }
0x1cf: {  	s23 =	smov.u32 s22  }
0x1d0: {  	p0 =	sne.s32 s22, $0x4000;
	s22 =	sadd.s32 $0x800, s22;
	_ =	swait.ge [sflag:s15], $0x1000  }
0x1d1: {  	s23 =	sshra.s32 s23, $0x2;
	[sflag:s15] =	ssyncset.done $0x0  }
0x1d2: {  	s24 =	sadd.s32 $0x1400, s23;
	[sflag:s15] =	ssyncadd.s32 $0xFFFFF000  }
0x1d3: {  	[spmem:s3] =	stream.indirect.scatter.add.bf16 [tilespmem:s9], [sflag:$0x5], $0x20, s24, s11, $0xb8;
	[tilespmem:$0x15500] =	vst v63  }
0x1d4: {  	_ =	swait.ge [sflag:s8], $0x1000  }
0x1d5: {  	[sflag:s8] =	ssyncset.done $0x0  }
0x1d6: {  	s24 =	sadd.s32 $0x180, s23;
	[sflag:s8] =	ssyncadd.s32 $0xFFFFF000  }
0x1d7: {  	[tilespmem:s16], [sflag:$0x4] =	stream.indirect.gather [spmem:s1], $0x20, s24, s11, $0xb8;
	[tilespmem:$0x15500] =	vst v63  }
0x1d8: {  	_ =	swait.ge [sflag:s18], $0x1000  }
0x1d9: {  	[sflag:s18] =	ssyncset.done $0x0  }
0x1da: {  	s24 =	sadd.s32 $0x1480, s23;
	[sflag:s18] =	ssyncadd.s32 $0xFFFFF000  }
0x1db: {  	[spmem:s4] =	stream.indirect.scatter.add.bf16 [tilespmem:s12], [sflag:$0x5], $0x20, s24, s11, $0xb8;
	[tilespmem:$0x15500] =	vst v63  }
0x1dc: {  	_ =	swait.ge [sflag:s8], $0x1000  }
0x1dd: {  	[sflag:s8] =	ssyncset.done $0x0  }
0x1de: {  	s24 =	sadd.s32 $0x200, s23;
	[sflag:s8] =	ssyncadd.s32 $0xFFFFF000  }
0x1df: {  	[tilespmem:s9], [sflag:$0x1] =	stream.indirect.gather [spmem:s1], $0x20, s24, s11, $0xb8;
	[tilespmem:$0x15500] =	vst v63  }
0x1e0: {  	_ =	swait.ge [sflag:s19], $0x1000  }
0x1e1: {  	[sflag:s19] =	ssyncset.done $0x0  }
0x1e2: {  	s24 =	sadd.s32 $0x1500, s23;
	[sflag:s19] =	ssyncadd.s32 $0xFFFFF000  }
0x1e3: {  	[spmem:s3] =	stream.indirect.scatter.add.bf16 [tilespmem:s14], [sflag:$0x5], $0x20, s24, s11, $0xb8;
	[tilespmem:$0x15500] =	vst v63  }
0x1e4: {  	_ =	swait.ge [sflag:s8], $0x1000  }
0x1e5: {  	[sflag:s8] =	ssyncset.done $0x0  }
0x1e6: {  	s24 =	sadd.s32 $0x280, s23;
	[sflag:s8] =	ssyncadd.s32 $0xFFFFF000  }
0x1e7: {  	[tilespmem:s12], [sflag:$0x2] =	stream.indirect.gather [spmem:s1], $0x20, s24, s11, $0xb8;
	[tilespmem:$0x15500] =	vst v63  }
0x1e8: {  	_ =	swait.ge [sflag:s20], $0x1000  }
0x1e9: {  	[sflag:s20] =	ssyncset.done $0x0  }
.Ltmp4:
0x1ea: {  	s24 =	sadd.s32 $0x1580, s23;
	[sflag:s20] =	ssyncadd.s32 $0xFFFFF000;
	(pc) =	sbr.rel @p0 .LBB2_10-.Ltmp4, $4  }
0x1eb: {  	[spmem:s4] =	stream.indirect.scatter.add.bf16 [tilespmem:s16], [sflag:$0x5], $0x20, s24, s11, $0xb8;
	[tilespmem:$0x15500] =	vst v63  }
0x1ec: {  	_ =	swait.ge [sflag:s8], $0x1000  }
0x1ed: {  	[sflag:s8] =	ssyncset.done $0x0  }
0x1ee: {  	s23 =	sadd.s32 $0x300, s23;
	[sflag:s8] =	ssyncadd.s32 $0xFFFFF000  }
0x1ef: {  	[tilespmem:s14], [sflag:$0x3] =	stream.indirect.gather [spmem:s1], $0x20, s23, s11, $0xb8;
	[tilespmem:$0x15500] =	vst v63  }
0x1f0: {  	_ =	swait.ge [sflag:s15], $0x1000  }
0x1f1: {  	[sflag:s15] =	ssyncset.done $0x0  }
0x1f2: {  	[sflag:s15] =	ssyncadd.s32 $0xFFFFF000  }
0x1f3: {  	[spmem:s3] =	stream.indirect.scatter.add.bf16 [tilespmem:s9], [sflag:$0x5], $0x20, s26, s11, $0xb8;
	[tilespmem:$0x15500] =	vst v63  }
0x1f4: {  	_ =	swait.ge [sflag:s8], $0x1000  }
0x1f5: {  	[sflag:s8] =	ssyncset.done $0x0  }
0x1f6: {  	[sflag:s8] =	ssyncadd.s32 $0xFFFFF000  }
0x1f7: {  	[tilespmem:s16], [sflag:$0x4] =	stream.indirect.gather [spmem:s1], $0x20, s30, s11, $0xb8;
	[tilespmem:$0x15500] =	vst v63  }
0x1f8: {  	_ =	swait.ge [sflag:s18], $0x1000  }
0x1f9: {  	[sflag:s18] =	ssyncset.done $0x0  }
0x1fa: {  	[sflag:s18] =	ssyncadd.s32 $0xFFFFF000  }
0x1fb: {  	[spmem:s4] =	stream.indirect.scatter.add.bf16 [tilespmem:s12], [sflag:$0x5], $0x20, s0, s11, $0xb8;
	[tilespmem:$0x15500] =	vst v63  }
0x1fc: {  	_ =	swait.ge [sflag:s8], $0x1000  }
0x1fd: {  	[sflag:s8] =	ssyncset.done $0x0  }
0x1fe: {  	[sflag:s8] =	ssyncadd.s32 $0xFFFFF000  }
0x1ff: {  	_ =	swait.ge [sflag:s19], $0x1000  }
0x200: {  	[sflag:s19] =	ssyncset.done $0x0  }
0x201: {  	[sflag:s19] =	ssyncadd.s32 $0xFFFFF000  }
0x202: {  	[spmem:s3] =	stream.indirect.scatter.add.bf16 [tilespmem:s14], [sflag:$0x5], $0x20, s6, s11, $0xb8;
	[tilespmem:$0x15500] =	vst v63  }
0x203: {  	_ =	swait.ge [sflag:s8], $0x1000  }
0x204: {  	[sflag:s8] =	ssyncset.done $0x0  }
0x205: {  	[sflag:s8] =	ssyncadd.s32 $0xFFFFF000  }
0x206: {  	_ =	swait.ge [sflag:s20], $0x1000  }
0x207: {  	[sflag:s20] =	ssyncset.done $0x0  }
0x208: {  	[sflag:s20] =	ssyncadd.s32 $0xFFFFF000  }
0x209: {  	[spmem:s4] =	stream.indirect.scatter.add.bf16 [tilespmem:s16], [sflag:$0x5], $0x20, s7, s11, $0xb8;
	[tilespmem:$0x15500] =	vst v63  }
0x20a: {  	_ =	swait.ge [sflag:s8], $0x1000  }
0x20b: {  	[sflag:s8] =	ssyncset.done $0x0  }
0x20c: {  	[sflag:s8] =	ssyncadd.s32 $0xFFFFF000  }
0x20d: {  	[bflag:$0x0] =	sbarrier.arrive $0xFFFF  }
0x20e: {  	s22 =	rddreg [dreg:$0x16]  }
0x20f: {  	[tilespmem:s9], [sflag:$0x5] =	stream.linear.gather [spmem:s22], $0x1000, $0x38;
	[tilespmem:$0x15500] =	vst v63  }
0x210: {  	_ =	swait.ge [sflag:s8], $0x1000  }
0x211: {  	[sflag:s8] =	ssyncset.done $0x0  }
0x212: {  	s23 =	rddreg [dreg:$0x17];
	[sflag:s8] =	ssyncadd.s32 $0xFFFFF000  }
0x213: {  	[tilespmem:s12], [sflag:$0x5] =	stream.linear.gather [spmem:s23], $0x1000, $0x38;
	[tilespmem:$0x15500] =	vst v63  }
0x214: {  	_ =	swait.ge [sflag:s8], $0x1000  }
0x215: {  	[sflag:s8] =	ssyncset.done $0x0  }
0x216: {  	s24 =	rddreg [dreg:$0x15];
	[sflag:s8] =	ssyncadd.s32 $0xFFFFF000  }
0x217: {  	[tilespmem:s14], [sflag:$0x5] =	stream.linear.gather [spmem:s24], $0x1000, $0x38;
	[tilespmem:$0x15500] =	vst v63  }
0x218: {  	_ =	swait.ge [sflag:s8], $0x1000  }
0x219: {  	[sflag:s8] =	ssyncset.done $0x0  }
0x21a: {  	s22 =	simm.s32 $0x0;
	[sflag:s8] =	ssyncadd.s32 $0xFFFFF000  }
0x21b: {  	v1 =	vld [tilespmem:s22+$0x3800]  }
0x21c: {  	v2 =	vld [tilespmem:s22+$0x3810]  }
0x21d: {  	s23 =	simm.s32 $0x80;
	v3 =	vld [tilespmem:s22+$0x2800]  }
.LBB2_12:
0x21e: {  	p0 =	sne.s32 s23, $0x3F80;
	v4 =	vld [tilespmem:s22+$0x2810]  }
0x21f: {  	v5 =	vld [tilespmem:s22+$0x4800]  }
0x220: {  	v6 =	vld [tilespmem:s22+$0x4810];
	_ =	sdelay $0x1  }
0x221: {  	v1 =	vadd.bf16 v1, v3  }
.Ltmp5:
0x222: {  	v2 =	vadd.bf16 v2, v4;
	(pc) =	sbr.rel @p0 .LBB2_12-.Ltmp5, $4  }
0x223: {  	s24 =	sshra.s32 s23, $0x2;
	v3 =	vadd.bf16 v5, v1  }
0x224: {  	v1 =	vld [tilespmem:s24+$0x3800];
	v4 =	vadd.bf16 v6, v2  }
0x225: {  	v2 =	vld [tilespmem:s24+$0x3810];
	[tilespmem:s22+$0x2800] =	vst v3  }
0x226: {  	s23 =	sadd.s32 $0x80, s23;
	v3 =	vld [tilespmem:s24+$0x2800];
	[tilespmem:s22+$0x2810] =	vst v4;
	s22 =	smov.u32 s24  }
0x227: {  	v4 =	vld [tilespmem:s22+$0x2810]  }
0x228: {  	v5 =	vld [tilespmem:s22+$0x4800]  }
0x229: {  	v6 =	vld [tilespmem:s22+$0x4810];
	_ =	sdelay $0x1  }
0x22a: {  	v1 =	vadd.bf16 v1, v3  }
0x22b: {  	v2 =	vadd.bf16 v2, v4  }
0x22c: {  	v1 =	vadd.bf16 v5, v1  }
0x22d: {  	v2 =	vadd.bf16 v6, v2  }
0x22e: {  	[tilespmem:s22+$0x2800] =	vst v1  }
0x22f: {  	s24 =	simm.s32 $0x0;
	s23 =	rddreg [dreg:$0xf];
	[tilespmem:s22+$0x2810] =	vst v2  }
0x230: {  	[hbm4b:s23+s24] =	stream.linear.scatter [tilespmem:s9], [sflag:$0x5], $0x1000, $0x38;
	[tilespmem:$0x15500] =	vst v63  }
0x231: {  	_ =	swait.ge [sflag:s8], $0x1000  }
0x232: {  	[sflag:s8] =	ssyncset.done $0x0  }
0x233: {  	s23 =	rddreg [dreg:$0x18];
	[sflag:s8] =	ssyncadd.s32 $0xFFFFF000  }
0x234: {  	[tilespmem:s9], [sflag:$0x5] =	stream.linear.gather [spmem:s23], $0x1000, $0x38;
	[tilespmem:$0x15500] =	vst v63  }
0x235: {  	_ =	swait.ge [sflag:s8], $0x1000  }
0x236: {  	[sflag:s8] =	ssyncset.done $0x0  }
0x237: {  	[sflag:s8] =	ssyncadd.s32 $0xFFFFF000  }
0x238: {  	[tilespmem:s12], [sflag:$0x5] =	stream.linear.gather [spmem:s25], $0x1000, $0x38;
	[tilespmem:$0x15500] =	vst v63  }
0x239: {  	_ =	swait.ge [sflag:s8], $0x1000  }
0x23a: {  	[sflag:s8] =	ssyncset.done $0x0  }
0x23b: {  	s24 =	rddreg [dreg:$0x19];
	[sflag:s8] =	ssyncadd.s32 $0xFFFFF000  }
0x23c: {  	[tilespmem:s14], [sflag:$0x5] =	stream.linear.gather [spmem:s24], $0x1000, $0x38;
	[tilespmem:$0x15500] =	vst v63  }
0x23d: {  	_ =	swait.ge [sflag:s8], $0x1000  }
0x23e: {  	[sflag:s8] =	ssyncset.done $0x0  }
0x23f: {  	s22 =	simm.s32 $0x0;
	[sflag:s8] =	ssyncadd.s32 $0xFFFFF000  }
0x240: {  	v1 =	vld [tilespmem:s22+$0x3800]  }
0x241: {  	v2 =	vld [tilespmem:s22+$0x3810]  }
0x242: {  	s23 =	simm.s32 $0x80;
	v3 =	vld [tilespmem:s22+$0x2800]  }
.LBB2_14:
0x243: {  	p0 =	sne.s32 s23, $0x3F80;
	v4 =	vld [tilespmem:s22+$0x2810]  }
0x244: {  	v5 =	vld [tilespmem:s22+$0x4800]  }
0x245: {  	v6 =	vld [tilespmem:s22+$0x4810];
	_ =	sdelay $0x1  }
0x246: {  	v1 =	vadd.bf16 v1, v3  }
.Ltmp6:
0x247: {  	v2 =	vadd.bf16 v2, v4;
	(pc) =	sbr.rel @p0 .LBB2_14-.Ltmp6, $4  }
0x248: {  	s24 =	sshra.s32 s23, $0x2;
	v3 =	vadd.bf16 v5, v1  }
0x249: {  	v1 =	vld [tilespmem:s24+$0x3800];
	v4 =	vadd.bf16 v6, v2  }
0x24a: {  	v2 =	vld [tilespmem:s24+$0x3810];
	[tilespmem:s22+$0x2800] =	vst v3  }
0x24b: {  	s23 =	sadd.s32 $0x80, s23;
	v3 =	vld [tilespmem:s24+$0x2800];
	[tilespmem:s22+$0x2810] =	vst v4;
	s22 =	smov.u32 s24  }
0x24c: {  	v4 =	vld [tilespmem:s22+$0x2810]  }
0x24d: {  	v5 =	vld [tilespmem:s22+$0x4800]  }
0x24e: {  	v6 =	vld [tilespmem:s22+$0x4810];
	_ =	sdelay $0x1  }
0x24f: {  	v1 =	vadd.bf16 v1, v3  }
0x250: {  	v2 =	vadd.bf16 v2, v4  }
0x251: {  	v1 =	vadd.bf16 v5, v1  }
0x252: {  	v2 =	vadd.bf16 v6, v2  }
0x253: {  	[tilespmem:s22+$0x2800] =	vst v1  }
0x254: {  	s24 =	simm.s32 $0x0;
	s23 =	rddreg [dreg:$0x10];
	[tilespmem:s22+$0x2810] =	vst v2  }
0x255: {  	[hbm4b:s23+s24] =	stream.linear.scatter [tilespmem:s9], [sflag:$0x5], $0x1000, $0x38;
	[tilespmem:$0x15500] =	vst v63  }
0x256: {  	_ =	swait.ge [sflag:s8], $0x1000  }
0x257: {  	[sflag:s8] =	ssyncset.done $0x0  }
0x258: {  	[sflag:s8] =	ssyncadd.s32 $0xFFFFF000  }
0x259: {  	[tilespmem:s9], [sflag:$0x5] =	stream.linear.gather [spmem:s28], $0x1000, $0x38;
	[tilespmem:$0x15500] =	vst v63  }
0x25a: {  	_ =	swait.ge [sflag:s8], $0x1000  }
0x25b: {  	[sflag:s8] =	ssyncset.done $0x0  }
0x25c: {  	[sflag:s8] =	ssyncadd.s32 $0xFFFFF000  }
0x25d: {  	[tilespmem:s12], [sflag:$0x5] =	stream.linear.gather [spmem:s29], $0x1000, $0x38;
	[tilespmem:$0x15500] =	vst v63  }
0x25e: {  	_ =	swait.ge [sflag:s8], $0x1000  }
0x25f: {  	[sflag:s8] =	ssyncset.done $0x0  }
0x260: {  	s24 =	rddreg [dreg:$0x1a];
	[sflag:s8] =	ssyncadd.s32 $0xFFFFF000  }
0x261: {  	[tilespmem:s14], [sflag:$0x5] =	stream.linear.gather [spmem:s24], $0x1000, $0x38;
	[tilespmem:$0x15500] =	vst v63  }
0x262: {  	_ =	swait.ge [sflag:s8], $0x1000  }
0x263: {  	[sflag:s8] =	ssyncset.done $0x0  }
0x264: {  	s22 =	simm.s32 $0x0;
	[sflag:s8] =	ssyncadd.s32 $0xFFFFF000  }
0x265: {  	v1 =	vld [tilespmem:s22+$0x3800]  }
0x266: {  	v2 =	vld [tilespmem:s22+$0x3810]  }
0x267: {  	s23 =	simm.s32 $0x80;
	v3 =	vld [tilespmem:s22+$0x2800]  }
.LBB2_16:
0x268: {  	p0 =	sne.s32 s23, $0x3F80;
	v4 =	vld [tilespmem:s22+$0x2810]  }
0x269: {  	v5 =	vld [tilespmem:s22+$0x4800]  }
0x26a: {  	v6 =	vld [tilespmem:s22+$0x4810];
	_ =	sdelay $0x1  }
0x26b: {  	v1 =	vadd.bf16 v1, v3  }
.Ltmp7:
0x26c: {  	v2 =	vadd.bf16 v2, v4;
	(pc) =	sbr.rel @p0 .LBB2_16-.Ltmp7, $4  }
0x26d: {  	s24 =	sshra.s32 s23, $0x2;
	v3 =	vadd.bf16 v5, v1  }
0x26e: {  	v1 =	vld [tilespmem:s24+$0x3800];
	v4 =	vadd.bf16 v6, v2  }
0x26f: {  	v2 =	vld [tilespmem:s24+$0x3810];
	[tilespmem:s22+$0x2800] =	vst v3  }
0x270: {  	s23 =	sadd.s32 $0x80, s23;
	v3 =	vld [tilespmem:s24+$0x2800];
	[tilespmem:s22+$0x2810] =	vst v4;
	s22 =	smov.u32 s24  }
0x271: {  	v4 =	vld [tilespmem:s22+$0x2810]  }
0x272: {  	v5 =	vld [tilespmem:s22+$0x4800]  }
0x273: {  	v6 =	vld [tilespmem:s22+$0x4810];
	_ =	sdelay $0x1  }
0x274: {  	v1 =	vadd.bf16 v1, v3  }
0x275: {  	v2 =	vadd.bf16 v2, v4  }
0x276: {  	v1 =	vadd.bf16 v5, v1  }
0x277: {  	v2 =	vadd.bf16 v6, v2  }
0x278: {  	[tilespmem:s22+$0x2800] =	vst v1  }
0x279: {  	s24 =	simm.s32 $0x0;
	s23 =	rddreg [dreg:$0x11];
	[tilespmem:s22+$0x2810] =	vst v2  }
0x27a: {  	[hbm4b:s23+s24] =	stream.linear.scatter [tilespmem:s9], [sflag:$0x5], $0x1000, $0x38;
	[tilespmem:$0x15500] =	vst v63  }
0x27b: {  	_ =	swait.ge [sflag:s8], $0x1000  }
0x27c: {  	[sflag:s8] =	ssyncset.done $0x0  }
0x27d: {  	[sflag:s8] =	ssyncadd.s32 $0xFFFFF000  }
0x27e: {  	[tilespmem:s9], [sflag:$0x5] =	stream.linear.gather [spmem:s31], $0x1000, $0x38;
	[tilespmem:$0x15500] =	vst v63  }
0x27f: {  	_ =	swait.ge [sflag:s8], $0x1000  }
0x280: {  	[sflag:s8] =	ssyncset.done $0x0  }
0x281: {  	[sflag:s8] =	ssyncadd.s32 $0xFFFFF000  }
0x282: {  	[tilespmem:s12], [sflag:$0x5] =	stream.linear.gather [spmem:s2], $0x1000, $0x38;
	[tilespmem:$0x15500] =	vst v63  }
0x283: {  	_ =	swait.ge [sflag:s8], $0x1000  }
0x284: {  	[sflag:s8] =	ssyncset.done $0x0  }
0x285: {  	s24 =	rddreg [dreg:$0x1b];
	[sflag:s8] =	ssyncadd.s32 $0xFFFFF000  }
0x286: {  	[tilespmem:s14], [sflag:$0x5] =	stream.linear.gather [spmem:s24], $0x1000, $0x38;
	[tilespmem:$0x15500] =	vst v63  }
0x287: {  	_ =	swait.ge [sflag:s8], $0x1000  }
0x288: {  	[sflag:s8] =	ssyncset.done $0x0  }
0x289: {  	s22 =	simm.s32 $0x0;
	[sflag:s8] =	ssyncadd.s32 $0xFFFFF000  }
0x28a: {  	v1 =	vld [tilespmem:s22+$0x3800]  }
0x28b: {  	v2 =	vld [tilespmem:s22+$0x3810]  }
0x28c: {  	s23 =	simm.s32 $0x80;
	v3 =	vld [tilespmem:s22+$0x2800]  }
.LBB2_18:
0x28d: {  	p0 =	sne.s32 s23, $0x3F80;
	v4 =	vld [tilespmem:s22+$0x2810]  }
0x28e: {  	v5 =	vld [tilespmem:s22+$0x4800]  }
0x28f: {  	v6 =	vld [tilespmem:s22+$0x4810];
	_ =	sdelay $0x1  }
0x290: {  	v1 =	vadd.bf16 v1, v3  }
.Ltmp8:
0x291: {  	v2 =	vadd.bf16 v2, v4;
	(pc) =	sbr.rel @p0 .LBB2_18-.Ltmp8, $4  }
0x292: {  	s24 =	sshra.s32 s23, $0x2;
	v3 =	vadd.bf16 v5, v1  }
0x293: {  	v1 =	vld [tilespmem:s24+$0x3800];
	v4 =	vadd.bf16 v6, v2  }
0x294: {  	v2 =	vld [tilespmem:s24+$0x3810];
	[tilespmem:s22+$0x2800] =	vst v3  }
0x295: {  	s23 =	sadd.s32 $0x80, s23;
	v3 =	vld [tilespmem:s24+$0x2800];
	[tilespmem:s22+$0x2810] =	vst v4;
	s22 =	smov.u32 s24  }
0x296: {  	v4 =	vld [tilespmem:s22+$0x2810]  }
0x297: {  	v5 =	vld [tilespmem:s22+$0x4800]  }
0x298: {  	v6 =	vld [tilespmem:s22+$0x4810];
	_ =	sdelay $0x1  }
0x299: {  	v1 =	vadd.bf16 v1, v3  }
0x29a: {  	v2 =	vadd.bf16 v2, v4  }
0x29b: {  	v1 =	vadd.bf16 v5, v1  }
0x29c: {  	v2 =	vadd.bf16 v6, v2  }
0x29d: {  	[tilespmem:s22+$0x2800] =	vst v1  }
0x29e: {  	s24 =	simm.s32 $0x0;
	s23 =	rddreg [dreg:$0x12];
	[tilespmem:s22+$0x2810] =	vst v2  }
0x29f: {  	[hbm4b:s23+s24] =	stream.linear.scatter [tilespmem:s9], [sflag:$0x5], $0x1000, $0x38;
	[tilespmem:$0x15500] =	vst v63  }
0x2a0: {  	_ =	swait.ge [sflag:s8], $0x1000  }
0x2a1: {  	[sflag:s8] =	ssyncset.done $0x0  }
0x2a2: {  	[sflag:s8] =	ssyncadd.s32 $0xFFFFF000  }
0x2a3: {  	[tilespmem:s9], [sflag:$0x5] =	stream.linear.gather [spmem:s17], $0xF00, $0x38;
	[tilespmem:$0x15500] =	vst v63  }
0x2a4: {  	_ =	swait.ge [sflag:s8], $0xF00  }
0x2a5: {  	[sflag:s8] =	ssyncset.done $0x0  }
0x2a6: {  	[sflag:s8] =	ssyncadd.s32 $0xFFFFF100  }
0x2a7: {  	[tilespmem:s12], [sflag:$0x5] =	stream.linear.gather [spmem:s5], $0xF00, $0x38;
	[tilespmem:$0x15500] =	vst v63  }
0x2a8: {  	_ =	swait.ge [sflag:s8], $0xF00  }
0x2a9: {  	[sflag:s8] =	ssyncset.done $0x0  }
0x2aa: {  	s24 =	rddreg [dreg:$0x1c];
	[sflag:s8] =	ssyncadd.s32 $0xFFFFF100  }
0x2ab: {  	[tilespmem:s14], [sflag:$0x5] =	stream.linear.gather [spmem:s24], $0xF00, $0x38;
	[tilespmem:$0x15500] =	vst v63  }
0x2ac: {  	_ =	swait.ge [sflag:s8], $0xF00  }
0x2ad: {  	[sflag:s8] =	ssyncset.done $0x0  }
0x2ae: {  	s22 =	simm.s32 $0x0;
	[sflag:s8] =	ssyncadd.s32 $0xFFFFF100  }
0x2af: {  	v1 =	vld [tilespmem:s22+$0x3800]  }
0x2b0: {  	v2 =	vld [tilespmem:s22+$0x3810]  }
0x2b1: {  	s23 =	simm.s32 $0x80;
	v3 =	vld [tilespmem:s22+$0x2800]  }
.LBB2_20:
0x2b2: {  	p0 =	sne.s32 s23, $0x3B80;
	v4 =	vld [tilespmem:s22+$0x2810]  }
0x2b3: {  	v5 =	vld [tilespmem:s22+$0x4800]  }
0x2b4: {  	v6 =	vld [tilespmem:s22+$0x4810];
	_ =	sdelay $0x1  }
0x2b5: {  	v1 =	vadd.bf16 v1, v3  }
.Ltmp9:
0x2b6: {  	v2 =	vadd.bf16 v2, v4;
	(pc) =	sbr.rel @p0 .LBB2_20-.Ltmp9, $4  }
0x2b7: {  	s24 =	sshra.s32 s23, $0x2;
	v3 =	vadd.bf16 v5, v1  }
0x2b8: {  	v1 =	vld [tilespmem:s24+$0x3800];
	v4 =	vadd.bf16 v6, v2  }
0x2b9: {  	v2 =	vld [tilespmem:s24+$0x3810];
	[tilespmem:s22+$0x2800] =	vst v3  }
0x2ba: {  	s23 =	sadd.s32 $0x80, s23;
	v3 =	vld [tilespmem:s24+$0x2800];
	[tilespmem:s22+$0x2810] =	vst v4;
	s22 =	smov.u32 s24  }
0x2bb: {  	v4 =	vld [tilespmem:s22+$0x2810]  }
0x2bc: {  	v5 =	vld [tilespmem:s22+$0x4800]  }
0x2bd: {  	v6 =	vld [tilespmem:s22+$0x4810];
	_ =	sdelay $0x1  }
0x2be: {  	v1 =	vadd.bf16 v1, v3  }
0x2bf: {  	v2 =	vadd.bf16 v2, v4  }
0x2c0: {  	v1 =	vadd.bf16 v5, v1  }
0x2c1: {  	v2 =	vadd.bf16 v6, v2  }
0x2c2: {  	[tilespmem:s22+$0x2800] =	vst v1  }
0x2c3: {  	s24 =	simm.s32 $0x0;
	s23 =	rddreg [dreg:$0x13];
	[tilespmem:s22+$0x2810] =	vst v2  }
0x2c4: {  	[hbm4b:s23+s24] =	stream.linear.scatter [tilespmem:s9], [sflag:$0x5], $0xF00, $0x38;
	[tilespmem:$0x15500] =	vst v63  }
0x2c5: {  	_ =	swait.ge [sflag:s8], $0xF00  }
0x2c6: {  	s21 =	sadd.s32 $0x1, s21;
	s24 =	rddreg [dreg:$0x1d]  }
0x2c7: {  	p0 =	sne.s32 s21, s24  }
.Ltmp10:
0x2c8: {  	_ = 	snop;
	(pc) =	sbr.rel @p0 .LBB2_1-.Ltmp10, $3  }
0x2c9: {  	_ =	sdelay $0x1  }
0x2ca: {  	[sflag:s8] =	ssyncset.done $0x0  }
0x2cb: {  	[sflag:s8] =	ssyncadd.s32 $0xFFFFF100  }
0x2cc: {  	_ =	sfence.sel $0x180000  }
0x2cd: {  	[bflag:$0x0] =	sbarrier.arrive $0xFFFF  }
0x2ce: {  	_ =	strace $0x9000004A  }
0x2cf: {  	s0 =	stileid.u32;
	[bflag:$0x2] =	sbarrier.arrive $0xFFFF  }
0x2d0: {  	p0 =	sne.s32 s0, $0x0;
	s0 =	rddreg [dreg:$0x5]  }
0x2d1: {  	s0 =	sadd.s32 @!p0 $0x100000, s0  }
0x2d2: {  	[sflag:s0] =	ssyncadd.tile.s32 @!p0 $0x1;
	_ =	shalt  }
.Lfunc_end2:
_tile_overlayer_lowered:
.L_overlay_start_2:
0x2d3: {  	(tag) =	ssettag $0x2  }
0x2d4: {  	s0 =	rddreg [dreg:$0x0];
	s2 =	stileid.u32  }
0x2d5: {  	s1 =	rddreg [dreg:$0x1];
	p0 =	sne.s32 s2, $0x0  }
0x2d6: {  	s3 =	rddreg [dreg:$0x2];
	[bflag:$0x3] =	sbarrier.arrive $0xFFFF;
	s2 =	simm.s32 @!p0 $0x1C05  }
0x2d7: {  	[timem:s3], [sflag:s2] =	dma.local @!p0 [hbm:s0], s1  }
0x2d8: {  	s0 =	simm.s32 @!p0 $0x5  }
0x2d9: {  	_ =	swait.ge @!p0 [sflag:s0], s1  }
0x2da: {  	s1 =	ssub.s32 @!p0 $0x0, s1;
	[sflag:s0] =	ssyncset.done @!p0 $0x0  }
0x2db: {  	[sflag:s0] =	ssyncadd.s32 @!p0 s1  }
0x2dc: {  	[bflag:$0x3] =	sbarrier.arrive $0xFFFF  }
0x2dd: {  	_ =	shalt  }

</sc_bundles>
